<compile_context>
chip_gen: v7x
topology: tpu7x:2x2x1
jax: 0.10.2.dev20260603
libtpu: 0.0.44.dev20260713+nightly
codegen_flags: <defaults>
</compile_context>

<pallas_src>
import functools

import jax
import jax.numpy as jnp
from jax import lax
from jax.experimental import pallas as pl
from jax.experimental.pallas import tpu as pltpu
from jax.experimental.pallas import tpu_sc as plsc

N = 10000
E = 320000
HID = 128
HEADS = 4
NG = 16

NC = 2
NS = 16
NW = NC * NS
CH = 128
NB = E // CH
NBI = -(-NB // NW)
NP = 10112
RPT = NP // NS
L = 16
NSL = 2
CHUNKS = [(k * CH, CH) for k in range(RPT // CH)]
if RPT % CH:
    CHUNKS.append((RPT - RPT % CH, RPT % CH))


def _iota16():
    return lax.broadcasted_iota(jnp.int32, (L,), 0)


def _full16(v):
    return jnp.full((L,), v, dtype=jnp.int32)


BE = 4000


def _proj_body(ea_ref, w_ref, b_ref, v_ref):
    v_ref[...] = (
        jnp.dot(ea_ref[...], w_ref[...], preferred_element_type=jnp.float32)
        + b_ref[...]
    )


def _proj(edge_attr, W_projH, b_projH):
    return pl.pallas_call(
        _proj_body,
        grid=(E // BE,),
        in_specs=[
            pl.BlockSpec((BE, HID), lambda i: (i, 0)),
            pl.BlockSpec((HID, 2 * HEADS), lambda i: (0, 0)),
            pl.BlockSpec((1, 2 * HEADS), lambda i: (0, 0)),
        ],
        out_specs=pl.BlockSpec((BE, 2 * HEADS), lambda i: (i, 0)),
        out_shape=jax.ShapeDtypeStruct((E, 2 * HEADS), jnp.float32),
    )(edge_attr, W_projH, b_projH.reshape(1, 2 * HEADS))


def _mesh():
    return plsc.VectorSubcoreMesh(
        core_axis_name="c", subcore_axis_name="s",
        num_cores=NC, num_subcores=NS)


def _sc_m_body(ea, colt, m_part, acc_m, a_buf0, a_buf1, col_buf0, col_buf1,
               sem0, sem1):
    a_bufs = (a_buf0, a_buf1)
    col_bufs = (col_buf0, col_buf1)
    sems = (sem0, sem1)
    c = lax.axis_index("c")
    s = lax.axis_index("s")
    wid = c * NS + s
    zeros = jnp.zeros((L,), jnp.float32)

    def _za(r, _):
        for k in range(HID // L):
            a_buf0[r, pl.ds(k * L, L)] = zeros
        return _
    lax.fori_loop(0, CH, _za, 0)

    for off, sz in CHUNKS:
        pltpu.sync_copy(a_buf0.at[pl.ds(0, sz)],
                        acc_m.at[pl.ds(s * RPT + off, sz)])

    plsc.subcore_barrier()

    def _fill(rw, b):
        pltpu.async_copy(colt.at[rw], col_bufs[b], sems[b])
        pltpu.async_copy(ea.at[pl.ds(rw * CH, CH)], a_bufs[b], sems[b])

    def _wait_fill(rw, b):
        pltpu.make_async_copy(colt.at[rw], col_bufs[b], sems[b]).wait()
        pltpu.make_async_copy(
            ea.at[pl.ds(rw * CH, CH)], a_bufs[b], sems[b]).wait()

    for b in range(2):
        _fill(b * NW + wid, b)

    def _group(g, carry):
        for b in range(2):
            rw = (g * 2 + b) * NW + wid

            @pl.when(rw < NB)
            def _body(b=b, rw=rw):
                _wait_fill(rw, b)
                pltpu.sync_copy(a_bufs[b], acc_m.at[col_bufs[b]], add=True)

            rw2 = rw + 2 * NW

            @pl.when(rw2 < NB)
            def _refill(b=b, rw2=rw2):
                _fill(rw2, b)
        return carry
    lax.fori_loop(0, -(-NBI // 2), _group, 0)

    plsc.subcore_barrier()

    for off, sz in CHUNKS:
        r0 = s * RPT + off
        pltpu.sync_copy(acc_m.at[pl.ds(r0, sz)], a_buf0.at[pl.ds(0, sz)])
        pltpu.sync_copy(a_buf0.at[pl.ds(0, sz)], m_part.at[c, pl.ds(r0, sz)])


def _sc_m(edge_attr, colt):
    f = pl.kernel(
        _sc_m_body,
        out_type=jax.ShapeDtypeStruct((NC, NP, HID), jnp.float32),
        mesh=_mesh(),
        scratch_types=[
            pltpu.VMEM_SHARED((NP, HID), jnp.float32),
            pltpu.VMEM((CH, HID), jnp.float32),
            pltpu.VMEM((CH, HID), jnp.float32),
            pltpu.VMEM((CH,), jnp.int32),
            pltpu.VMEM((CH,), jnp.int32),
            pltpu.SemaphoreType.DMA,
            pltpu.SemaphoreType.DMA,
        ],
        compiler_params=pltpu.CompilerParams(needs_layout_passes=False),
    )
    return f(edge_attr, colt)


NVC = 2 * HEADS


def _sc_w_body(vv, rowt, colt, posx, posy, w_part, *refs):
    acc_w, posx_v, posy_v = refs[:3]
    nv = NSL * NVC
    v_bufs = [refs[3 + s * NVC:3 + (s + 1) * NVC] for s in range(NSL)]
    pay_bufs = refs[3 + nv:3 + nv + NSL]
    row_bufs = refs[3 + nv + NSL:3 + nv + 2 * NSL]
    col_bufs = refs[3 + nv + 2 * NSL:3 + nv + 3 * NSL]
    f_sems = refs[3 + nv + 3 * NSL:3 + nv + 4 * NSL]
    c = lax.axis_index("c")
    s = lax.axis_index("s")
    wid = c * NS + s
    zeros = jnp.zeros((L,), jnp.float32)
    pay0 = pay_bufs[0]

    def _zp(r, _):
        pay0[r, :] = zeros
        return _
    lax.fori_loop(0, CH, _zp, 0)

    for off, sz in CHUNKS:
        pltpu.sync_copy(pay0.at[pl.ds(0, sz)],
                        acc_w.at[pl.ds(s * RPT + off, sz)])

    pltpu.sync_copy(posx, posx_v)
    pltpu.sync_copy(posy, posy_v)

    unit = jnp.where(_iota16() == HEADS, 1.0, 0.0).astype(jnp.float32)

    def _zu(r, _):
        for pb in pay_bufs:
            pb[r, :] = unit
        return _
    lax.fori_loop(0, CH, _zu, 0)

    plsc.subcore_barrier()

    def _fill(rw, b):
        pltpu.async_copy(rowt.at[rw], row_bufs[b], f_sems[b])
        pltpu.async_copy(colt.at[rw], col_bufs[b], f_sems[b])
        for k in range(NVC):
            pltpu.async_copy(vv.at[k, pl.ds(rw * CH, CH)], v_bufs[b][k],
                             f_sems[b])

    def _wait_fill(rw, b):
        pltpu.make_async_copy(rowt.at[rw], row_bufs[b], f_sems[b]).wait()
        pltpu.make_async_copy(colt.at[rw], col_bufs[b], f_sems[b]).wait()
        for k in range(NVC):
            pltpu.make_async_copy(
                vv.at[k, pl.ds(rw * CH, CH)], v_bufs[b][k], f_sems[b]).wait()

    for b in range(NSL):
        _fill(b * NW + wid, b)

    def _group(g, carry):
        for b in range(NSL):
            rw = (g * NSL + b) * NW + wid

            @pl.when(rw < NB)
            def _body(b=b, rw=rw):
                _wait_fill(rw, b)
                for j in range(CH // L):
                    e16 = _iota16() + j * L
                    r16 = row_bufs[b][pl.ds(j * L, L)]
                    psx = plsc.load_gather(posx_v, [r16])
                    psy = plsc.load_gather(posy_v, [r16])
                    for h in range(HEADS):
                        vx = v_bufs[b][2 * h][pl.ds(j * L, L)]
                        vy = v_bufs[b][2 * h + 1][pl.ds(j * L, L)]
                        c1 = vx * psy - vy * psx
                        plsc.store_scatter(pay_bufs[b], [e16, _full16(h)], c1)
                pltpu.sync_copy(pay_bufs[b], acc_w.at[col_bufs[b]],
                                add=True)

            rw2 = rw + NSL * NW

            @pl.when(rw2 < NB)
            def _refill(b=b, rw2=rw2):
                _fill(rw2, b)
        return carry
    lax.fori_loop(0, -(-NBI // NSL), _group, 0)

    plsc.subcore_barrier()

    for off, sz in CHUNKS:
        r0 = s * RPT + off
        pltpu.sync_copy(acc_w.at[pl.ds(r0, sz)], pay0.at[pl.ds(0, sz)])
        pltpu.sync_copy(pay0.at[pl.ds(0, sz)], w_part.at[c, pl.ds(r0, sz)])


def _sc_w(V, rowt, colt, posx, posy):
    f = pl.kernel(
        _sc_w_body,
        out_type=jax.ShapeDtypeStruct((NC, NP, L), jnp.float32),
        mesh=_mesh(),
        scratch_types=(
            [
                pltpu.VMEM_SHARED((NP, L), jnp.float32),
                pltpu.VMEM((N,), jnp.float32),
                pltpu.VMEM((N,), jnp.float32),
            ]
            + [pltpu.VMEM((CH,), jnp.float32)] * (NSL * NVC)
            + [pltpu.VMEM((CH, L), jnp.float32)] * NSL
            + [pltpu.VMEM((CH,), jnp.int32)] * NSL
            + [pltpu.VMEM((CH,), jnp.int32)] * NSL
            + [pltpu.SemaphoreType.DMA] * NSL
        ),
        compiler_params=pltpu.CompilerParams(needs_layout_passes=False),
    )
    return f(V, rowt, colt, posx, posy)


BN = 1000


def _mlp_body(he_ref, mp_ref, wp_ref, px_ref, py_ref, bt_ref, u_ref,
              wpx_ref, wpy_ref, bxy_ref, w1a_ref, w1b_ref, w1c_ref, w1d_ref,
              b1_ref, lnw_ref, lnb_ref, w2_ref, b2_ref, out_ref):
    m = mp_ref[0] + mp_ref[1]
    w = wp_ref[0] + wp_ref[1]
    c1 = w[:, :HEADS]
    deg = w[:, HEADS:HEADS + 1]
    bx = bxy_ref[0:1, :]
    by = bxy_ref[1:2, :]
    svx = jnp.dot(m, wpx_ref[...], preferred_element_type=jnp.float32) + deg * bx
    svy = jnp.dot(m, wpy_ref[...], preferred_element_type=jnp.float32) + deg * by
    curl = c1 + px_ref[...] * svy - py_ref[...] * svx
    onehot = (bt_ref[...] == lax.broadcasted_iota(jnp.int32, (BN, NG), 1)
              ).astype(jnp.float32)
    uw = jnp.dot(u_ref[...], w1d_ref[...], preferred_element_type=jnp.float32)
    h = (jnp.dot(he_ref[...], w1a_ref[...], preferred_element_type=jnp.float32)
         + jnp.dot(m, w1b_ref[...], preferred_element_type=jnp.float32)
         + jnp.dot(curl, w1c_ref[...], preferred_element_type=jnp.float32)
         + jnp.dot(onehot, uw, preferred_element_type=jnp.float32)
         + b1_ref[...])
    mean = jnp.mean(h, axis=-1, keepdims=True)
    var = jnp.mean((h - mean) ** 2, axis=-1, keepdims=True)
    h = (h - mean) * jax.lax.rsqrt(var + 1e-5) * lnw_ref[...] + lnb_ref[...]
    h = h * jax.nn.sigmoid(h)
    out_ref[...] = (
        jnp.dot(h, w2_ref[...], preferred_element_type=jnp.float32) + b2_ref[...])


def _mlp(h_E, m_part, w_part, px, py, batch2, u, Wpx, Wpy, bxy,
         W1a, W1b, W1c, W1d, b1, ln_w, ln_b, W2, b2):
    full = lambda shape: pl.BlockSpec(shape, lambda i: tuple(0 for _ in shape))
    return pl.pallas_call(
        _mlp_body,
        grid=(N // BN,),
        in_specs=[
            pl.BlockSpec((BN, HID), lambda i: (i, 0)),
            pl.BlockSpec((NC, BN, HID), lambda i: (0, i, 0)),
            pl.BlockSpec((NC, BN, L), lambda i: (0, i, 0)),
            pl.BlockSpec((BN, 1), lambda i: (i, 0)),
            pl.BlockSpec((BN, 1), lambda i: (i, 0)),
            pl.BlockSpec((BN, 1), lambda i: (i, 0)),
            full((NG, HID)),
            full((HID, HEADS)),
            full((HID, HEADS)),
            full((2, HEADS)),
            full((HID, HID)),
            full((HID, HID)),
            full((HEADS, HID)),
            full((HID, HID)),
            full((1, HID)),
            full((1, HID)),
            full((1, HID)),
            full((HID, HID)),
            full((1, HID)),
        ],
        out_specs=pl.BlockSpec((BN, HID), lambda i: (i, 0)),
        out_shape=jax.ShapeDtypeStruct((N, HID), jnp.float32),
    )(h_E, m_part, w_part, px, py, batch2, u, Wpx, Wpy, bxy,
      W1a, W1b, W1c, W1d, b1, ln_w, ln_b, W2, b2)


def kernel(x, edge_index, edge_attr, u, batch, W_projH, b_projH, W1, b1,
           ln_w, ln_b, W2, b2):
    h_E = x[:, :HID]
    posx = x[:, HID]
    posy = x[:, HID + 1]

    rowt = edge_index[0].reshape(NB, CH)
    colt = edge_index[1].reshape(NB, CH)
    m_part = _sc_m(edge_attr, colt)
    V = _proj(edge_attr, W_projH, b_projH)
    w_part = _sc_w(V.T, rowt, colt, posx, posy)

    Wpx = W_projH[:, 0::2]
    Wpy = W_projH[:, 1::2]
    bxy = jnp.stack([b_projH[0::2], b_projH[1::2]])
    W1a = W1[:HID]
    W1b = W1[HID:2 * HID]
    W1c = W1[2 * HID:2 * HID + HEADS]
    W1d = W1[2 * HID + HEADS:]
    return _mlp(h_E, m_part, w_part, posx[:, None], posy[:, None],
                batch[:, None].astype(jnp.int32), u, Wpx, Wpy, bxy,
                W1a, W1b, W1c, W1d, b1.reshape(1, HID), ln_w.reshape(1, HID),
                ln_b.reshape(1, HID), W2, b2.reshape(1, HID))

# --- scband reference (transcript-rebuilt; emitter-appended) ---
"""Pipeline reference for scband-eh-node-model-multi-head-86088324481788 (READ-ONLY COPY).

The authoritative reference and input builder live on the scoring server;
editing this copy changes nothing except your own understanding.
"""

import jax, jax.numpy as jnp
import numpy as np

N = 10000
E = 320000
HID = 128
TEMB = 128
HEADS = 4
NG = 16


def setup_inputs(seed: int = 0) -> dict:
    key = jax.random.key(seed)
    ks = jax.random.split(key, 8)
    x = jax.random.normal(ks[0], (N, HID + 2), dtype=jnp.float32)
    edge_index = jax.random.randint(ks[1], (2, E), 0, N, dtype=jnp.int32)
    edge_attr = jax.random.normal(ks[2], (E, HID), dtype=jnp.float32)
    u = jax.random.normal(ks[3], (NG, TEMB), dtype=jnp.float32)
    batch = jnp.sort(jax.random.randint(ks[4], (N,), 0, NG, dtype=jnp.int32))
    IN = HID * 2 + HEADS + TEMB
    W_projH = jax.random.normal(ks[5], (HID, HEADS * 2), dtype=jnp.float32) * 0.05
    b_projH = jnp.zeros((HEADS * 2,), dtype=jnp.float32)
    W1 = jax.random.normal(ks[6], (IN, HID), dtype=jnp.float32) * 0.05
    b1 = jnp.zeros((HID,), dtype=jnp.float32)
    ln_w = jnp.ones((HID,), dtype=jnp.float32)
    ln_b = jnp.zeros((HID,), dtype=jnp.float32)
    W2 = jax.random.normal(ks[7], (HID, HID), dtype=jnp.float32) * 0.05
    b2 = jnp.zeros((HID,), dtype=jnp.float32)
    return {"x": x, "edge_index": edge_index, "edge_attr": edge_attr, "u": u, "batch": batch,
            "W_projH": W_projH, "b_projH": b_projH, "W1": W1, "b1": b1,
            "ln_w": ln_w, "ln_b": ln_b, "W2": W2, "b2": b2}


def reference(x, edge_index, edge_attr, u, batch, W_projH, b_projH, W1, b1, ln_w, ln_b, W2, b2):
    row = edge_index[0]
    col = edge_index[1]
    h_E = x[:, :-2]
    pos = x[:, -2:]
    h_H_new = edge_attr
    pos_src = pos[row]
    pos_dst = pos[col]
    delta_pos = pos_dst - pos_src
    dx = delta_pos[:, 0:1]
    dy = delta_pos[:, 1:2]
    H_vectors = h_H_new @ W_projH + b_projH
    H_vectors = H_vectors.reshape(-1, HEADS, 2)
    Hx = H_vectors[:, :, 0]
    Hy = H_vectors[:, :, 1]
    C_ij = Hx * (-dy) + Hy * dx
    phys_curl = jax.ops.segment_sum(C_ij, col, num_segments=x.shape[0])
    m_i = jax.ops.segment_sum(h_H_new, col, num_segments=x.shape[0])
    tau_nodes = u[batch]
    node_input = jnp.concatenate([h_E, m_i, phys_curl, tau_nodes], axis=-1)
    h = node_input @ W1 + b1
    mean = jnp.mean(h, axis=-1, keepdims=True)
    var = jnp.var(h, axis=-1, keepdims=True)
    h = (h - mean) / jnp.sqrt(var + 1e-5) * ln_w + ln_b
    h = h * jax.nn.sigmoid(h)
    out = h @ W2 + b2
    return out

if __name__ == "__main__":
    import jax
    _d = setup_inputs()
    print(jax.jit(kernel)(*tuple(_d.values())))

</pallas_src>

<mosaic_0001>
#map = affine_map<(d0, d1) -> (0, 0)>
#map1 = affine_map<(d0, d1) -> (0, 0, 0)>
module attributes {stable_mosaic.version = 14 : i64} {
  func.func @_sc_m_body(%arg0: i32, %arg1: i32, %arg2: memref<320000x128xf32, #tpu.memory_space<hbm>>, %arg3: memref<2500x128xi32, #tpu.memory_space<hbm>>, %arg4: memref<2x10112x128xf32, #tpu.memory_space<hbm>>, %arg5: memref<10112x128xf32, #tpu.memory_space<vmem_shared>>, %arg6: memref<128x128xf32, #tpu.memory_space<vmem>>, %arg7: memref<128x128xf32, #tpu.memory_space<vmem>>, %arg8: memref<128xi32, #tpu.memory_space<vmem>>, %arg9: memref<128xi32, #tpu.memory_space<vmem>>, %arg10: memref<!tpu.dma_semaphore, #tpu.memory_space<semaphore_mem>>, %arg11: memref<!tpu.dma_semaphore, #tpu.memory_space<semaphore_mem>>) attributes {dimension_semantics = [#tpu.dimension_semantics<core_parallel>, #tpu.dimension_semantics<subcore_parallel>], iteration_bounds = array<i64: 2, 16>, scalar_prefetch = 0 : i64, scratch_operands = 7 : i64, tpu.core_type = #tpu.core_type<sc_vector_subcore>, window_params = [{transform_indices = #map}, {transform_indices = #map}, {transform_indices = #map1}]} {
    %mul3A = arith.constant 16 : i32
    %mul3A_0 = arith.muli %arg0, %mul3A : i32
    %add3A = arith.addi %mul3A_0, %arg1 : i32
    %broadcast_in_dim3A = arith.constant 0.000000e+00 : f32
    %broadcast_in_dim3A_1 = vector.broadcast %broadcast_in_dim3A : f32 to vector<16xf32>
    %scan3A = arith.constant 0 : i32
    %scan3A_2 = arith.constant 0 : i32
    %scan3A_3 = arith.constant 128 : i32
    %scan3A_4 = arith.addi %scan3A_2, %scan3A_3 : i32
    %scan3A_5 = arith.constant 1 : i32
    scf.for %scan3A_81 = %scan3A_2 to %scan3A_4 step %scan3A_5  : i32 {
      %swap3A = arith.index_cast %scan3A_81 : i32 to index
      %swap3A_82 = arith.constant 0 : index
      %swap3A_83 = tpu.vector_load %arg6[%swap3A, %swap3A_82] {strides = array<i32>} : memref<128x128xf32, #tpu.memory_space<vmem>>, vector<16xf32>,
      tpu.vector_store %arg6[%swap3A, %swap3A_82], %broadcast_in_dim3A_1 {strides = array<i32>} : memref<128x128xf32, #tpu.memory_space<vmem>>, vector<16xf32>,
      %swap3A_84 = arith.index_cast %scan3A_81 : i32 to index
      %swap3A_85 = arith.constant 16 : index
      %swap3A_86 = tpu.vector_load %arg6[%swap3A_84, %swap3A_85] {strides = array<i32>} : memref<128x128xf32, #tpu.memory_space<vmem>>, vector<16xf32>,
      tpu.vector_store %arg6[%swap3A_84, %swap3A_85], %broadcast_in_dim3A_1 {strides = array<i32>} : memref<128x128xf32, #tpu.memory_space<vmem>>, vector<16xf32>,
      %swap3A_87 = arith.index_cast %scan3A_81 : i32 to index
      %swap3A_88 = arith.constant 32 : index
      %swap3A_89 = tpu.vector_load %arg6[%swap3A_87, %swap3A_88] {strides = array<i32>} : memref<128x128xf32, #tpu.memory_space<vmem>>, vector<16xf32>,
      tpu.vector_store %arg6[%swap3A_87, %swap3A_88], %broadcast_in_dim3A_1 {strides = array<i32>} : memref<128x128xf32, #tpu.memory_space<vmem>>, vector<16xf32>,
      %swap3A_90 = arith.index_cast %scan3A_81 : i32 to index
      %swap3A_91 = arith.constant 48 : index
      %swap3A_92 = tpu.vector_load %arg6[%swap3A_90, %swap3A_91] {strides = array<i32>} : memref<128x128xf32, #tpu.memory_space<vmem>>, vector<16xf32>,
      tpu.vector_store %arg6[%swap3A_90, %swap3A_91], %broadcast_in_dim3A_1 {strides = array<i32>} : memref<128x128xf32, #tpu.memory_space<vmem>>, vector<16xf32>,
      %swap3A_93 = arith.index_cast %scan3A_81 : i32 to index
      %swap3A_94 = arith.constant 64 : index
      %swap3A_95 = tpu.vector_load %arg6[%swap3A_93, %swap3A_94] {strides = array<i32>} : memref<128x128xf32, #tpu.memory_space<vmem>>, vector<16xf32>,
      tpu.vector_store %arg6[%swap3A_93, %swap3A_94], %broadcast_in_dim3A_1 {strides = array<i32>} : memref<128x128xf32, #tpu.memory_space<vmem>>, vector<16xf32>,
      %swap3A_96 = arith.index_cast %scan3A_81 : i32 to index
      %swap3A_97 = arith.constant 80 : index
      %swap3A_98 = tpu.vector_load %arg6[%swap3A_96, %swap3A_97] {strides = array<i32>} : memref<128x128xf32, #tpu.memory_space<vmem>>, vector<16xf32>,
      tpu.vector_store %arg6[%swap3A_96, %swap3A_97], %broadcast_in_dim3A_1 {strides = array<i32>} : memref<128x128xf32, #tpu.memory_space<vmem>>, vector<16xf32>,
      %swap3A_99 = arith.index_cast %scan3A_81 : i32 to index
      %swap3A_100 = arith.constant 96 : index
      %swap3A_101 = tpu.vector_load %arg6[%swap3A_99, %swap3A_100] {strides = array<i32>} : memref<128x128xf32, #tpu.memory_space<vmem>>, vector<16xf32>,
      tpu.vector_store %arg6[%swap3A_99, %swap3A_100], %broadcast_in_dim3A_1 {strides = array<i32>} : memref<128x128xf32, #tpu.memory_space<vmem>>, vector<16xf32>,
      %swap3A_102 = arith.index_cast %scan3A_81 : i32 to index
      %swap3A_103 = arith.constant 112 : index
      %swap3A_104 = tpu.vector_load %arg6[%swap3A_102, %swap3A_103] {strides = array<i32>} : memref<128x128xf32, #tpu.memory_space<vmem>>, vector<16xf32>,
      tpu.vector_store %arg6[%swap3A_102, %swap3A_103], %broadcast_in_dim3A_1 {strides = array<i32>} : memref<128x128xf32, #tpu.memory_space<vmem>>, vector<16xf32>,
    }
    %scan3A_6 = arith.constant 128 : i32
    %mul3A_7 = arith.constant 632 : i32
    %mul3A_8 = arith.muli %arg1, %mul3A_7 : i32
    %add3A_9 = arith.constant 0 : i32
    %add3A_10 = arith.addi %mul3A_8, %add3A_9 : i32
    "tpu.region"() ({
      %run_scoped3A = tpu.sem_alloc : memref<!tpu.dma_semaphore, #tpu.memory_space<semaphore_mem>>
      %dma_start3A_81 = arith.constant 0 : i32
      %dma_start3A_82 = arith.constant 0 : i32
      %dma_start3A_83 = tpu.memref_slice %arg6[%dma_start3A_81, %dma_start3A_82] : memref<128x128xf32, #tpu.memory_space<vmem>> -> memref<128x128xf32, #tpu.memory_space<vmem>>
      %dma_start3A_84 = arith.constant 0 : i32
      %dma_start3A_85 = tpu.memref_slice %arg5[%add3A_10, %dma_start3A_84] : memref<10112x128xf32, #tpu.memory_space<vmem_shared>> -> memref<128x128xf32, #tpu.memory_space<vmem_shared>>
      %dma_start3A_86 = arith.constant 0 : i32
      %dma_start3A_87 = tpu.memref_slice %arg5[%add3A_10, %dma_start3A_86] : memref<10112x128xf32, #tpu.memory_space<vmem_shared>> -> memref<128x128xf32, #tpu.memory_space<vmem_shared>>
      %dma_start3A_88 = arith.constant 0 : i32
      %dma_start3A_89 = arith.constant 0 : i32
      %dma_start3A_90 = tpu.memref_slice %arg6[%dma_start3A_88, %dma_start3A_89] : memref<128x128xf32, #tpu.memory_space<vmem>> -> memref<128x128xf32, #tpu.memory_space<vmem>>
      tpu.enqueue_dma source(%dma_start3A_90 : memref<128x128xf32, #tpu.memory_space<vmem>>) target(%dma_start3A_87 : memref<128x128xf32, #tpu.memory_space<vmem_shared>>) target_semaphore(%run_scoped3A : memref<!tpu.dma_semaphore, #tpu.memory_space<semaphore_mem>>)
      %dma_wait3A = arith.constant 0 : i32
      %dma_wait3A_91 = arith.constant 0 : i32
      %dma_wait3A_92 = tpu.memref_slice %arg6[%dma_wait3A, %dma_wait3A_91] : memref<128x128xf32, #tpu.memory_space<vmem>> -> memref<128x128xf32, #tpu.memory_space<vmem>>
      %dma_wait3A_93 = arith.constant 0 : i32
      %dma_wait3A_94 = tpu.memref_slice %arg5[%add3A_10, %dma_wait3A_93] : memref<10112x128xf32, #tpu.memory_space<vmem_shared>> -> memref<128x128xf32, #tpu.memory_space<vmem_shared>>
      %dma_wait3A_95 = arith.constant 0 : i32
      %dma_wait3A_96 = tpu.memref_slice %arg5[%add3A_10, %dma_wait3A_95] : memref<10112x128xf32, #tpu.memory_space<vmem_shared>> -> memref<128x128xf32, #tpu.memory_space<vmem_shared>>
      %dma_wait3A_97 = arith.constant 0 : i32
      %dma_wait3A_98 = arith.constant 0 : i32
      %dma_wait3A_99 = tpu.memref_slice %arg6[%dma_wait3A_97, %dma_wait3A_98] : memref<128x128xf32, #tpu.memory_space<vmem>> -> memref<128x128xf32, #tpu.memory_space<vmem>>
      tpu.wait_dma2 semaphore(%run_scoped3A : memref<!tpu.dma_semaphore, #tpu.memory_space<semaphore_mem>>) src(%dma_wait3A_99 : memref<128x128xf32, #tpu.memory_space<vmem>>) dst(%dma_wait3A_96 : memref<128x128xf32, #tpu.memory_space<vmem_shared>>)
      tpu.yield
    }) : () -> ()
    %mul3A_11 = arith.constant 632 : i32
    %mul3A_12 = arith.muli %arg1, %mul3A_11 : i32
    %add3A_13 = arith.constant 128 : i32
    %add3A_14 = arith.addi %mul3A_12, %add3A_13 : i32
    "tpu.region"() ({
      %run_scoped3A = tpu.sem_alloc : memref<!tpu.dma_semaphore, #tpu.memory_space<semaphore_mem>>
      %dma_start3A_81 = arith.constant 0 : i32
      %dma_start3A_82 = arith.constant 0 : i32
      %dma_start3A_83 = tpu.memref_slice %arg6[%dma_start3A_81, %dma_start3A_82] : memref<128x128xf32, #tpu.memory_space<vmem>> -> memref<128x128xf32, #tpu.memory_space<vmem>>
      %dma_start3A_84 = arith.constant 0 : i32
      %dma_start3A_85 = tpu.memref_slice %arg5[%add3A_14, %dma_start3A_84] : memref<10112x128xf32, #tpu.memory_space<vmem_shared>> -> memref<128x128xf32, #tpu.memory_space<vmem_shared>>
      %dma_start3A_86 = arith.constant 0 : i32
      %dma_start3A_87 = tpu.memref_slice %arg5[%add3A_14, %dma_start3A_86] : memref<10112x128xf32, #tpu.memory_space<vmem_shared>> -> memref<128x128xf32, #tpu.memory_space<vmem_shared>>
      %dma_start3A_88 = arith.constant 0 : i32
      %dma_start3A_89 = arith.constant 0 : i32
      %dma_start3A_90 = tpu.memref_slice %arg6[%dma_start3A_88, %dma_start3A_89] : memref<128x128xf32, #tpu.memory_space<vmem>> -> memref<128x128xf32, #tpu.memory_space<vmem>>
      tpu.enqueue_dma source(%dma_start3A_90 : memref<128x128xf32, #tpu.memory_space<vmem>>) target(%dma_start3A_87 : memref<128x128xf32, #tpu.memory_space<vmem_shared>>) target_semaphore(%run_scoped3A : memref<!tpu.dma_semaphore, #tpu.memory_space<semaphore_mem>>)
      %dma_wait3A = arith.constant 0 : i32
      %dma_wait3A_91 = arith.constant 0 : i32
      %dma_wait3A_92 = tpu.memref_slice %arg6[%dma_wait3A, %dma_wait3A_91] : memref<128x128xf32, #tpu.memory_space<vmem>> -> memref<128x128xf32, #tpu.memory_space<vmem>>
      %dma_wait3A_93 = arith.constant 0 : i32
      %dma_wait3A_94 = tpu.memref_slice %arg5[%add3A_14, %dma_wait3A_93] : memref<10112x128xf32, #tpu.memory_space<vmem_shared>> -> memref<128x128xf32, #tpu.memory_space<vmem_shared>>
      %dma_wait3A_95 = arith.constant 0 : i32
      %dma_wait3A_96 = tpu.memref_slice %arg5[%add3A_14, %dma_wait3A_95] : memref<10112x128xf32, #tpu.memory_space<vmem_shared>> -> memref<128x128xf32, #tpu.memory_space<vmem_shared>>
      %dma_wait3A_97 = arith.constant 0 : i32
      %dma_wait3A_98 = arith.constant 0 : i32
      %dma_wait3A_99 = tpu.memref_slice %arg6[%dma_wait3A_97, %dma_wait3A_98] : memref<128x128xf32, #tpu.memory_space<vmem>> -> memref<128x128xf32, #tpu.memory_space<vmem>>
      tpu.wait_dma2 semaphore(%run_scoped3A : memref<!tpu.dma_semaphore, #tpu.memory_space<semaphore_mem>>) src(%dma_wait3A_99 : memref<128x128xf32, #tpu.memory_space<vmem>>) dst(%dma_wait3A_96 : memref<128x128xf32, #tpu.memory_space<vmem_shared>>)
      tpu.yield
    }) : () -> ()
    %mul3A_15 = arith.constant 632 : i32
    %mul3A_16 = arith.muli %arg1, %mul3A_15 : i32
    %add3A_17 = arith.constant 256 : i32
    %add3A_18 = arith.addi %mul3A_16, %add3A_17 : i32
    "tpu.region"() ({
      %run_scoped3A = tpu.sem_alloc : memref<!tpu.dma_semaphore, #tpu.memory_space<semaphore_mem>>
      %dma_start3A_81 = arith.constant 0 : i32
      %dma_start3A_82 = arith.constant 0 : i32
      %dma_start3A_83 = tpu.memref_slice %arg6[%dma_start3A_81, %dma_start3A_82] : memref<128x128xf32, #tpu.memory_space<vmem>> -> memref<128x128xf32, #tpu.memory_space<vmem>>
      %dma_start3A_84 = arith.constant 0 : i32
      %dma_start3A_85 = tpu.memref_slice %arg5[%add3A_18, %dma_start3A_84] : memref<10112x128xf32, #tpu.memory_space<vmem_shared>> -> memref<128x128xf32, #tpu.memory_space<vmem_shared>>
      %dma_start3A_86 = arith.constant 0 : i32
      %dma_start3A_87 = tpu.memref_slice %arg5[%add3A_18, %dma_start3A_86] : memref<10112x128xf32, #tpu.memory_space<vmem_shared>> -> memref<128x128xf32, #tpu.memory_space<vmem_shared>>
      %dma_start3A_88 = arith.constant 0 : i32
      %dma_start3A_89 = arith.constant 0 : i32
      %dma_start3A_90 = tpu.memref_slice %arg6[%dma_start3A_88, %dma_start3A_89] : memref<128x128xf32, #tpu.memory_space<vmem>> -> memref<128x128xf32, #tpu.memory_space<vmem>>
      tpu.enqueue_dma source(%dma_start3A_90 : memref<128x128xf32, #tpu.memory_space<vmem>>) target(%dma_start3A_87 : memref<128x128xf32, #tpu.memory_space<vmem_shared>>) target_semaphore(%run_scoped3A : memref<!tpu.dma_semaphore, #tpu.memory_space<semaphore_mem>>)
      %dma_wait3A = arith.constant 0 : i32
      %dma_wait3A_91 = arith.constant 0 : i32
      %dma_wait3A_92 = tpu.memref_slice %arg6[%dma_wait3A, %dma_wait3A_91] : memref<128x128xf32, #tpu.memory_space<vmem>> -> memref<128x128xf32, #tpu.memory_space<vmem>>
      %dma_wait3A_93 = arith.constant 0 : i32
      %dma_wait3A_94 = tpu.memref_slice %arg5[%add3A_18, %dma_wait3A_93] : memref<10112x128xf32, #tpu.memory_space<vmem_shared>> -> memref<128x128xf32, #tpu.memory_space<vmem_shared>>
      %dma_wait3A_95 = arith.constant 0 : i32
      %dma_wait3A_96 = tpu.memref_slice %arg5[%add3A_18, %dma_wait3A_95] : memref<10112x128xf32, #tpu.memory_space<vmem_shared>> -> memref<128x128xf32, #tpu.memory_space<vmem_shared>>
      %dma_wait3A_97 = arith.constant 0 : i32
      %dma_wait3A_98 = arith.constant 0 : i32
      %dma_wait3A_99 = tpu.memref_slice %arg6[%dma_wait3A_97, %dma_wait3A_98] : memref<128x128xf32, #tpu.memory_space<vmem>> -> memref<128x128xf32, #tpu.memory_space<vmem>>
      tpu.wait_dma2 semaphore(%run_scoped3A : memref<!tpu.dma_semaphore, #tpu.memory_space<semaphore_mem>>) src(%dma_wait3A_99 : memref<128x128xf32, #tpu.memory_space<vmem>>) dst(%dma_wait3A_96 : memref<128x128xf32, #tpu.memory_space<vmem_shared>>)
      tpu.yield
    }) : () -> ()
    %mul3A_19 = arith.constant 632 : i32
    %mul3A_20 = arith.muli %arg1, %mul3A_19 : i32
    %add3A_21 = arith.constant 384 : i32
    %add3A_22 = arith.addi %mul3A_20, %add3A_21 : i32
    "tpu.region"() ({
      %run_scoped3A = tpu.sem_alloc : memref<!tpu.dma_semaphore, #tpu.memory_space<semaphore_mem>>
      %dma_start3A_81 = arith.constant 0 : i32
      %dma_start3A_82 = arith.constant 0 : i32
      %dma_start3A_83 = tpu.memref_slice %arg6[%dma_start3A_81, %dma_start3A_82] : memref<128x128xf32, #tpu.memory_space<vmem>> -> memref<128x128xf32, #tpu.memory_space<vmem>>
      %dma_start3A_84 = arith.constant 0 : i32
      %dma_start3A_85 = tpu.memref_slice %arg5[%add3A_22, %dma_start3A_84] : memref<10112x128xf32, #tpu.memory_space<vmem_shared>> -> memref<128x128xf32, #tpu.memory_space<vmem_shared>>
      %dma_start3A_86 = arith.constant 0 : i32
      %dma_start3A_87 = tpu.memref_slice %arg5[%add3A_22, %dma_start3A_86] : memref<10112x128xf32, #tpu.memory_space<vmem_shared>> -> memref<128x128xf32, #tpu.memory_space<vmem_shared>>
      %dma_start3A_88 = arith.constant 0 : i32
      %dma_start3A_89 = arith.constant 0 : i32
      %dma_start3A_90 = tpu.memref_slice %arg6[%dma_start3A_88, %dma_start3A_89] : memref<128x128xf32, #tpu.memory_space<vmem>> -> memref<128x128xf32, #tpu.memory_space<vmem>>
      tpu.enqueue_dma source(%dma_start3A_90 : memref<128x128xf32, #tpu.memory_space<vmem>>) target(%dma_start3A_87 : memref<128x128xf32, #tpu.memory_space<vmem_shared>>) target_semaphore(%run_scoped3A : memref<!tpu.dma_semaphore, #tpu.memory_space<semaphore_mem>>)
      %dma_wait3A = arith.constant 0 : i32
      %dma_wait3A_91 = arith.constant 0 : i32
      %dma_wait3A_92 = tpu.memref_slice %arg6[%dma_wait3A, %dma_wait3A_91] : memref<128x128xf32, #tpu.memory_space<vmem>> -> memref<128x128xf32, #tpu.memory_space<vmem>>
      %dma_wait3A_93 = arith.constant 0 : i32
      %dma_wait3A_94 = tpu.memref_slice %arg5[%add3A_22, %dma_wait3A_93] : memref<10112x128xf32, #tpu.memory_space<vmem_shared>> -> memref<128x128xf32, #tpu.memory_space<vmem_shared>>
      %dma_wait3A_95 = arith.constant 0 : i32
      %dma_wait3A_96 = tpu.memref_slice %arg5[%add3A_22, %dma_wait3A_95] : memref<10112x128xf32, #tpu.memory_space<vmem_shared>> -> memref<128x128xf32, #tpu.memory_space<vmem_shared>>
      %dma_wait3A_97 = arith.constant 0 : i32
      %dma_wait3A_98 = arith.constant 0 : i32
      %dma_wait3A_99 = tpu.memref_slice %arg6[%dma_wait3A_97, %dma_wait3A_98] : memref<128x128xf32, #tpu.memory_space<vmem>> -> memref<128x128xf32, #tpu.memory_space<vmem>>
      tpu.wait_dma2 semaphore(%run_scoped3A : memref<!tpu.dma_semaphore, #tpu.memory_space<semaphore_mem>>) src(%dma_wait3A_99 : memref<128x128xf32, #tpu.memory_space<vmem>>) dst(%dma_wait3A_96 : memref<128x128xf32, #tpu.memory_space<vmem_shared>>)
      tpu.yield
    }) : () -> ()
    %mul3A_23 = arith.constant 632 : i32
    %mul3A_24 = arith.muli %arg1, %mul3A_23 : i32
    %add3A_25 = arith.constant 512 : i32
    %add3A_26 = arith.addi %mul3A_24, %add3A_25 : i32
    "tpu.region"() ({
      %run_scoped3A = tpu.sem_alloc : memref<!tpu.dma_semaphore, #tpu.memory_space<semaphore_mem>>
      %dma_start3A_81 = arith.constant 0 : i32
      %dma_start3A_82 = arith.constant 0 : i32
      %dma_start3A_83 = tpu.memref_slice %arg6[%dma_start3A_81, %dma_start3A_82] : memref<128x128xf32, #tpu.memory_space<vmem>> -> memref<120x128xf32, #tpu.memory_space<vmem>>
      %dma_start3A_84 = arith.constant 0 : i32
      %dma_start3A_85 = tpu.memref_slice %arg5[%add3A_26, %dma_start3A_84] : memref<10112x128xf32, #tpu.memory_space<vmem_shared>> -> memref<120x128xf32, #tpu.memory_space<vmem_shared>>
      %dma_start3A_86 = arith.constant 0 : i32
      %dma_start3A_87 = tpu.memref_slice %arg5[%add3A_26, %dma_start3A_86] : memref<10112x128xf32, #tpu.memory_space<vmem_shared>> -> memref<120x128xf32, #tpu.memory_space<vmem_shared>>
      %dma_start3A_88 = arith.constant 0 : i32
      %dma_start3A_89 = arith.constant 0 : i32
      %dma_start3A_90 = tpu.memref_slice %arg6[%dma_start3A_88, %dma_start3A_89] : memref<128x128xf32, #tpu.memory_space<vmem>> -> memref<120x128xf32, #tpu.memory_space<vmem>>
      tpu.enqueue_dma source(%dma_start3A_90 : memref<120x128xf32, #tpu.memory_space<vmem>>) target(%dma_start3A_87 : memref<120x128xf32, #tpu.memory_space<vmem_shared>>) target_semaphore(%run_scoped3A : memref<!tpu.dma_semaphore, #tpu.memory_space<semaphore_mem>>)
      %dma_wait3A = arith.constant 0 : i32
      %dma_wait3A_91 = arith.constant 0 : i32
      %dma_wait3A_92 = tpu.memref_slice %arg6[%dma_wait3A, %dma_wait3A_91] : memref<128x128xf32, #tpu.memory_space<vmem>> -> memref<120x128xf32, #tpu.memory_space<vmem>>
      %dma_wait3A_93 = arith.constant 0 : i32
      %dma_wait3A_94 = tpu.memref_slice %arg5[%add3A_26, %dma_wait3A_93] : memref<10112x128xf32, #tpu.memory_space<vmem_shared>> -> memref<120x128xf32, #tpu.memory_space<vmem_shared>>
      %dma_wait3A_95 = arith.constant 0 : i32
      %dma_wait3A_96 = tpu.memref_slice %arg5[%add3A_26, %dma_wait3A_95] : memref<10112x128xf32, #tpu.memory_space<vmem_shared>> -> memref<120x128xf32, #tpu.memory_space<vmem_shared>>
      %dma_wait3A_97 = arith.constant 0 : i32
      %dma_wait3A_98 = arith.constant 0 : i32
      %dma_wait3A_99 = tpu.memref_slice %arg6[%dma_wait3A_97, %dma_wait3A_98] : memref<128x128xf32, #tpu.memory_space<vmem>> -> memref<120x128xf32, #tpu.memory_space<vmem>>
      tpu.wait_dma2 semaphore(%run_scoped3A : memref<!tpu.dma_semaphore, #tpu.memory_space<semaphore_mem>>) src(%dma_wait3A_99 : memref<120x128xf32, #tpu.memory_space<vmem>>) dst(%dma_wait3A_96 : memref<120x128xf32, #tpu.memory_space<vmem_shared>>)
      tpu.yield
    }) : () -> ()
    %barrier3A = arith.constant 0 : index
    tpu.barrier barrier_id(%barrier3A)
    %add3A_27 = arith.constant 0 : i32
    %add3A_28 = arith.addi %add3A_27, %add3A : i32
    %dma_start3A = arith.constant 0 : i32
    %dma_start3A_29 = tpu.memref_slice %arg3[%add3A_28, %dma_start3A] : memref<2500x128xi32, #tpu.memory_space<hbm>> -> memref<1x128xi32, #tpu.memory_space<hbm>>
    %dma_start3A_30 = tpu.memref_squeeze %dma_start3A_29 : memref<1x128xi32, #tpu.memory_space<hbm>> -> memref<128xi32, #tpu.memory_space<hbm>>
    %dma_start3A_31 = arith.constant 0 : i32
    %dma_start3A_32 = tpu.memref_slice %arg3[%add3A_28, %dma_start3A_31] : memref<2500x128xi32, #tpu.memory_space<hbm>> -> memref<1x128xi32, #tpu.memory_space<hbm>>
    %dma_start3A_33 = tpu.memref_squeeze %dma_start3A_32 : memref<1x128xi32, #tpu.memory_space<hbm>> -> memref<128xi32, #tpu.memory_space<hbm>>
    tpu.enqueue_dma source(%dma_start3A_33 : memref<128xi32, #tpu.memory_space<hbm>>) target(%arg8 : memref<128xi32, #tpu.memory_space<vmem>>) target_semaphore(%arg10 : memref<!tpu.dma_semaphore, #tpu.memory_space<semaphore_mem>>)
    %mul3A_34 = arith.constant 128 : i32
    %mul3A_35 = arith.muli %add3A_28, %mul3A_34 : i32
    %dma_start3A_36 = arith.constant 0 : i32
    %dma_start3A_37 = tpu.memref_slice %arg2[%mul3A_35, %dma_start3A_36] : memref<320000x128xf32, #tpu.memory_space<hbm>> -> memref<128x128xf32, #tpu.memory_space<hbm>>
    %dma_start3A_38 = arith.constant 0 : i32
    %dma_start3A_39 = tpu.memref_slice %arg2[%mul3A_35, %dma_start3A_38] : memref<320000x128xf32, #tpu.memory_space<hbm>> -> memref<128x128xf32, #tpu.memory_space<hbm>>
    tpu.enqueue_dma source(%dma_start3A_39 : memref<128x128xf32, #tpu.memory_space<hbm>>) target(%arg6 : memref<128x128xf32, #tpu.memory_space<vmem>>) target_semaphore(%arg10 : memref<!tpu.dma_semaphore, #tpu.memory_space<semaphore_mem>>)
    %add3A_40 = arith.constant 32 : i32
    %add3A_41 = arith.addi %add3A_40, %add3A : i32
    %dma_start3A_42 = arith.constant 0 : i32
    %dma_start3A_43 = tpu.memref_slice %arg3[%add3A_41, %dma_start3A_42] : memref<2500x128xi32, #tpu.memory_space<hbm>> -> memref<1x128xi32, #tpu.memory_space<hbm>>
    %dma_start3A_44 = tpu.memref_squeeze %dma_start3A_43 : memref<1x128xi32, #tpu.memory_space<hbm>> -> memref<128xi32, #tpu.memory_space<hbm>>
    %dma_start3A_45 = arith.constant 0 : i32
    %dma_start3A_46 = tpu.memref_slice %arg3[%add3A_41, %dma_start3A_45] : memref<2500x128xi32, #tpu.memory_space<hbm>> -> memref<1x128xi32, #tpu.memory_space<hbm>>
    %dma_start3A_47 = tpu.memref_squeeze %dma_start3A_46 : memref<1x128xi32, #tpu.memory_space<hbm>> -> memref<128xi32, #tpu.memory_space<hbm>>
    tpu.enqueue_dma source(%dma_start3A_47 : memref<128xi32, #tpu.memory_space<hbm>>) target(%arg9 : memref<128xi32, #tpu.memory_space<vmem>>) target_semaphore(%arg11 : memref<!tpu.dma_semaphore, #tpu.memory_space<semaphore_mem>>)
    %mul3A_48 = arith.constant 128 : i32
    %mul3A_49 = arith.muli %add3A_41, %mul3A_48 : i32
    %dma_start3A_50 = arith.constant 0 : i32
    %dma_start3A_51 = tpu.memref_slice %arg2[%mul3A_49, %dma_start3A_50] : memref<320000x128xf32, #tpu.memory_space<hbm>> -> memref<128x128xf32, #tpu.memory_space<hbm>>
    %dma_start3A_52 = arith.constant 0 : i32
    %dma_start3A_53 = tpu.memref_slice %arg2[%mul3A_49, %dma_start3A_52] : memref<320000x128xf32, #tpu.memory_space<hbm>> -> memref<128x128xf32, #tpu.memory_space<hbm>>
    tpu.enqueue_dma source(%dma_start3A_53 : memref<128x128xf32, #tpu.memory_space<hbm>>) target(%arg7 : memref<128x128xf32, #tpu.memory_space<vmem>>) target_semaphore(%arg11 : memref<!tpu.dma_semaphore, #tpu.memory_space<semaphore_mem>>)
    %scan3A_54 = arith.constant 0 : i32
    %scan3A_55 = arith.constant 0 : i32
    %scan3A_56 = arith.constant 40 : i32
    %scan3A_57 = arith.addi %scan3A_55, %scan3A_56 : i32
    %scan3A_58 = arith.constant 1 : i32
    scf.for %scan3A_81 = %scan3A_55 to %scan3A_57 step %scan3A_58  : i32 {
      %mul3A_82 = arith.constant 2 : i32
      %mul3A_83 = arith.muli %scan3A_81, %mul3A_82 : i32
      %add3A_84 = arith.constant 0 : i32
      %add3A_85 = arith.addi %mul3A_83, %add3A_84 : i32
      %mul3A_86 = arith.constant 32 : i32
      %mul3A_87 = arith.muli %add3A_85, %mul3A_86 : i32
      %add3A_88 = arith.addi %mul3A_87, %add3A : i32
      %lt3A = arith.constant 2500 : i32
      %lt3A_89 = arith.cmpi slt, %add3A_88, %lt3A : i32
      %convert_element_type3A = arith.extui %lt3A_89 : i1 to i32
      %cond3A = arith.constant 0 : i32
      %cond3A_90 = arith.cmpi ne, %convert_element_type3A, %cond3A : i32
      scf.if %cond3A_90 {
        %dma_wait3A = arith.constant 0 : i32
        %dma_wait3A_117 = tpu.memref_slice %arg3[%add3A_88, %dma_wait3A] : memref<2500x128xi32, #tpu.memory_space<hbm>> -> memref<1x128xi32, #tpu.memory_space<hbm>>
        %dma_wait3A_118 = tpu.memref_squeeze %dma_wait3A_117 : memref<1x128xi32, #tpu.memory_space<hbm>> -> memref<128xi32, #tpu.memory_space<hbm>>
        %dma_wait3A_119 = arith.constant 0 : i32
        %dma_wait3A_120 = tpu.memref_slice %arg3[%add3A_88, %dma_wait3A_119] : memref<2500x128xi32, #tpu.memory_space<hbm>> -> memref<1x128xi32, #tpu.memory_space<hbm>>
        %dma_wait3A_121 = tpu.memref_squeeze %dma_wait3A_120 : memref<1x128xi32, #tpu.memory_space<hbm>> -> memref<128xi32, #tpu.memory_space<hbm>>
        tpu.wait_dma2 semaphore(%arg10 : memref<!tpu.dma_semaphore, #tpu.memory_space<semaphore_mem>>) src(%dma_wait3A_121 : memref<128xi32, #tpu.memory_space<hbm>>) dst(%arg8 : memref<128xi32, #tpu.memory_space<vmem>>)
        %mul3A_122 = arith.constant 128 : i32
        %mul3A_123 = arith.muli %add3A_88, %mul3A_122 : i32
        %dma_wait3A_124 = arith.constant 0 : i32
        %dma_wait3A_125 = tpu.memref_slice %arg2[%mul3A_123, %dma_wait3A_124] : memref<320000x128xf32, #tpu.memory_space<hbm>> -> memref<128x128xf32, #tpu.memory_space<hbm>>
        %dma_wait3A_126 = arith.constant 0 : i32
        %dma_wait3A_127 = tpu.memref_slice %arg2[%mul3A_123, %dma_wait3A_126] : memref<320000x128xf32, #tpu.memory_space<hbm>> -> memref<128x128xf32, #tpu.memory_space<hbm>>
        tpu.wait_dma2 semaphore(%arg10 : memref<!tpu.dma_semaphore, #tpu.memory_space<semaphore_mem>>) src(%dma_wait3A_127 : memref<128x128xf32, #tpu.memory_space<hbm>>) dst(%arg6 : memref<128x128xf32, #tpu.memory_space<vmem>>)
        "tpu.region"() ({
          %run_scoped3A = tpu.sem_alloc : memref<!tpu.dma_semaphore, #tpu.memory_space<semaphore_mem>>
          %dma_start3A_128 = arith.constant 0 : i32
          %dma_start3A_129 = arith.constant 0 : i32
          %dma_start3A_130 = tpu.memref_slice %arg5[%dma_start3A_128, %dma_start3A_129] : memref<10112x128xf32, #tpu.memory_space<vmem_shared>> -> memref<10112x128xf32, #tpu.memory_space<vmem_shared>>
          tpu.enqueue_indirect_dma source(%arg6 : memref<128x128xf32, #tpu.memory_space<vmem>>) target(%dma_start3A_130 : memref<10112x128xf32, #tpu.memory_space<vmem_shared>>) offsets(%arg8 : memref<128xi32, #tpu.memory_space<vmem>>) semaphore(%run_scoped3A : memref<!tpu.dma_semaphore, #tpu.memory_space<semaphore_mem>>) {add = true}
          %dma_wait3A_131 = arith.constant 0 : i32
          %dma_wait3A_132 = arith.constant 0 : i32
          %dma_wait3A_133 = tpu.memref_slice %arg5[%dma_wait3A_131, %dma_wait3A_132] : memref<10112x128xf32, #tpu.memory_space<vmem_shared>> -> memref<10112x128xf32, #tpu.memory_space<vmem_shared>>
          tpu.wait_indirect_dma semaphore(%run_scoped3A : memref<!tpu.dma_semaphore, #tpu.memory_space<semaphore_mem>>) src(%arg6 : memref<128x128xf32, #tpu.memory_space<vmem>>) dst(%dma_wait3A_133 : memref<10112x128xf32, #tpu.memory_space<vmem_shared>>)
          tpu.yield
        }) : () -> ()
      } else {
      }
      %add3A_91 = arith.constant 64 : i32
      %add3A_92 = arith.addi %add3A_88, %add3A_91 : i32
      %lt3A_93 = arith.constant 2500 : i32
      %lt3A_94 = arith.cmpi slt, %add3A_92, %lt3A_93 : i32
      %convert_element_type3A_95 = arith.extui %lt3A_94 : i1 to i32
      %cond3A_96 = arith.constant 0 : i32
      %cond3A_97 = arith.cmpi ne, %convert_element_type3A_95, %cond3A_96 : i32
      scf.if %cond3A_97 {
        %dma_start3A_117 = arith.constant 0 : i32
        %dma_start3A_118 = tpu.memref_slice %arg3[%add3A_92, %dma_start3A_117] : memref<2500x128xi32, #tpu.memory_space<hbm>> -> memref<1x128xi32, #tpu.memory_space<hbm>>
        %dma_start3A_119 = tpu.memref_squeeze %dma_start3A_118 : memref<1x128xi32, #tpu.memory_space<hbm>> -> memref<128xi32, #tpu.memory_space<hbm>>
        %dma_start3A_120 = arith.constant 0 : i32
        %dma_start3A_121 = tpu.memref_slice %arg3[%add3A_92, %dma_start3A_120] : memref<2500x128xi32, #tpu.memory_space<hbm>> -> memref<1x128xi32, #tpu.memory_space<hbm>>
        %dma_start3A_122 = tpu.memref_squeeze %dma_start3A_121 : memref<1x128xi32, #tpu.memory_space<hbm>> -> memref<128xi32, #tpu.memory_space<hbm>>
        tpu.enqueue_dma source(%dma_start3A_122 : memref<128xi32, #tpu.memory_space<hbm>>) target(%arg8 : memref<128xi32, #tpu.memory_space<vmem>>) target_semaphore(%arg10 : memref<!tpu.dma_semaphore, #tpu.memory_space<semaphore_mem>>)
        %mul3A_123 = arith.constant 128 : i32
        %mul3A_124 = arith.muli %add3A_92, %mul3A_123 : i32
        %dma_start3A_125 = arith.constant 0 : i32
        %dma_start3A_126 = tpu.memref_slice %arg2[%mul3A_124, %dma_start3A_125] : memref<320000x128xf32, #tpu.memory_space<hbm>> -> memref<128x128xf32, #tpu.memory_space<hbm>>
        %dma_start3A_127 = arith.constant 0 : i32
        %dma_start3A_128 = tpu.memref_slice %arg2[%mul3A_124, %dma_start3A_127] : memref<320000x128xf32, #tpu.memory_space<hbm>> -> memref<128x128xf32, #tpu.memory_space<hbm>>
        tpu.enqueue_dma source(%dma_start3A_128 : memref<128x128xf32, #tpu.memory_space<hbm>>) target(%arg6 : memref<128x128xf32, #tpu.memory_space<vmem>>) target_semaphore(%arg10 : memref<!tpu.dma_semaphore, #tpu.memory_space<semaphore_mem>>)
      } else {
      }
      %mul3A_98 = arith.constant 2 : i32
      %mul3A_99 = arith.muli %scan3A_81, %mul3A_98 : i32
      %add3A_100 = arith.constant 1 : i32
      %add3A_101 = arith.addi %mul3A_99, %add3A_100 : i32
      %mul3A_102 = arith.constant 32 : i32
      %mul3A_103 = arith.muli %add3A_101, %mul3A_102 : i32
      %add3A_104 = arith.addi %mul3A_103, %add3A : i32
      %lt3A_105 = arith.constant 2500 : i32
      %lt3A_106 = arith.cmpi slt, %add3A_104, %lt3A_105 : i32
      %convert_element_type3A_107 = arith.extui %lt3A_106 : i1 to i32
      %cond3A_108 = arith.constant 0 : i32
      %cond3A_109 = arith.cmpi ne, %convert_element_type3A_107, %cond3A_108 : i32
      scf.if %cond3A_109 {
        %dma_wait3A = arith.constant 0 : i32
        %dma_wait3A_117 = tpu.memref_slice %arg3[%add3A_104, %dma_wait3A] : memref<2500x128xi32, #tpu.memory_space<hbm>> -> memref<1x128xi32, #tpu.memory_space<hbm>>
        %dma_wait3A_118 = tpu.memref_squeeze %dma_wait3A_117 : memref<1x128xi32, #tpu.memory_space<hbm>> -> memref<128xi32, #tpu.memory_space<hbm>>
        %dma_wait3A_119 = arith.constant 0 : i32
        %dma_wait3A_120 = tpu.memref_slice %arg3[%add3A_104, %dma_wait3A_119] : memref<2500x128xi32, #tpu.memory_space<hbm>> -> memref<1x128xi32, #tpu.memory_space<hbm>>
        %dma_wait3A_121 = tpu.memref_squeeze %dma_wait3A_120 : memref<1x128xi32, #tpu.memory_space<hbm>> -> memref<128xi32, #tpu.memory_space<hbm>>
        tpu.wait_dma2 semaphore(%arg11 : memref<!tpu.dma_semaphore, #tpu.memory_space<semaphore_mem>>) src(%dma_wait3A_121 : memref<128xi32, #tpu.memory_space<hbm>>) dst(%arg9 : memref<128xi32, #tpu.memory_space<vmem>>)
        %mul3A_122 = arith.constant 128 : i32
        %mul3A_123 = arith.muli %add3A_104, %mul3A_122 : i32
        %dma_wait3A_124 = arith.constant 0 : i32
        %dma_wait3A_125 = tpu.memref_slice %arg2[%mul3A_123, %dma_wait3A_124] : memref<320000x128xf32, #tpu.memory_space<hbm>> -> memref<128x128xf32, #tpu.memory_space<hbm>>
        %dma_wait3A_126 = arith.constant 0 : i32
        %dma_wait3A_127 = tpu.memref_slice %arg2[%mul3A_123, %dma_wait3A_126] : memref<320000x128xf32, #tpu.memory_space<hbm>> -> memref<128x128xf32, #tpu.memory_space<hbm>>
        tpu.wait_dma2 semaphore(%arg11 : memref<!tpu.dma_semaphore, #tpu.memory_space<semaphore_mem>>) src(%dma_wait3A_127 : memref<128x128xf32, #tpu.memory_space<hbm>>) dst(%arg7 : memref<128x128xf32, #tpu.memory_space<vmem>>)
        "tpu.region"() ({
          %run_scoped3A = tpu.sem_alloc : memref<!tpu.dma_semaphore, #tpu.memory_space<semaphore_mem>>
          %dma_start3A_128 = arith.constant 0 : i32
          %dma_start3A_129 = arith.constant 0 : i32
          %dma_start3A_130 = tpu.memref_slice %arg5[%dma_start3A_128, %dma_start3A_129] : memref<10112x128xf32, #tpu.memory_space<vmem_shared>> -> memref<10112x128xf32, #tpu.memory_space<vmem_shared>>
          tpu.enqueue_indirect_dma source(%arg7 : memref<128x128xf32, #tpu.memory_space<vmem>>) target(%dma_start3A_130 : memref<10112x128xf32, #tpu.memory_space<vmem_shared>>) offsets(%arg9 : memref<128xi32, #tpu.memory_space<vmem>>) semaphore(%run_scoped3A : memref<!tpu.dma_semaphore, #tpu.memory_space<semaphore_mem>>) {add = true}
          %dma_wait3A_131 = arith.constant 0 : i32
          %dma_wait3A_132 = arith.constant 0 : i32
          %dma_wait3A_133 = tpu.memref_slice %arg5[%dma_wait3A_131, %dma_wait3A_132] : memref<10112x128xf32, #tpu.memory_space<vmem_shared>> -> memref<10112x128xf32, #tpu.memory_space<vmem_shared>>
          tpu.wait_indirect_dma semaphore(%run_scoped3A : memref<!tpu.dma_semaphore, #tpu.memory_space<semaphore_mem>>) src(%arg7 : memref<128x128xf32, #tpu.memory_space<vmem>>) dst(%dma_wait3A_133 : memref<10112x128xf32, #tpu.memory_space<vmem_shared>>)
          tpu.yield
        }) : () -> ()
      } else {
      }
      %add3A_110 = arith.constant 64 : i32
      %add3A_111 = arith.addi %add3A_104, %add3A_110 : i32
      %lt3A_112 = arith.constant 2500 : i32
      %lt3A_113 = arith.cmpi slt, %add3A_111, %lt3A_112 : i32
      %convert_element_type3A_114 = arith.extui %lt3A_113 : i1 to i32
      %cond3A_115 = arith.constant 0 : i32
      %cond3A_116 = arith.cmpi ne, %convert_element_type3A_114, %cond3A_115 : i32
      scf.if %cond3A_116 {
        %dma_start3A_117 = arith.constant 0 : i32
        %dma_start3A_118 = tpu.memref_slice %arg3[%add3A_111, %dma_start3A_117] : memref<2500x128xi32, #tpu.memory_space<hbm>> -> memref<1x128xi32, #tpu.memory_space<hbm>>
        %dma_start3A_119 = tpu.memref_squeeze %dma_start3A_118 : memref<1x128xi32, #tpu.memory_space<hbm>> -> memref<128xi32, #tpu.memory_space<hbm>>
        %dma_start3A_120 = arith.constant 0 : i32
        %dma_start3A_121 = tpu.memref_slice %arg3[%add3A_111, %dma_start3A_120] : memref<2500x128xi32, #tpu.memory_space<hbm>> -> memref<1x128xi32, #tpu.memory_space<hbm>>
        %dma_start3A_122 = tpu.memref_squeeze %dma_start3A_121 : memref<1x128xi32, #tpu.memory_space<hbm>> -> memref<128xi32, #tpu.memory_space<hbm>>
        tpu.enqueue_dma source(%dma_start3A_122 : memref<128xi32, #tpu.memory_space<hbm>>) target(%arg9 : memref<128xi32, #tpu.memory_space<vmem>>) target_semaphore(%arg11 : memref<!tpu.dma_semaphore, #tpu.memory_space<semaphore_mem>>)
        %mul3A_123 = arith.constant 128 : i32
        %mul3A_124 = arith.muli %add3A_111, %mul3A_123 : i32
        %dma_start3A_125 = arith.constant 0 : i32
        %dma_start3A_126 = tpu.memref_slice %arg2[%mul3A_124, %dma_start3A_125] : memref<320000x128xf32, #tpu.memory_space<hbm>> -> memref<128x128xf32, #tpu.memory_space<hbm>>
        %dma_start3A_127 = arith.constant 0 : i32
        %dma_start3A_128 = tpu.memref_slice %arg2[%mul3A_124, %dma_start3A_127] : memref<320000x128xf32, #tpu.memory_space<hbm>> -> memref<128x128xf32, #tpu.memory_space<hbm>>
        tpu.enqueue_dma source(%dma_start3A_128 : memref<128x128xf32, #tpu.memory_space<hbm>>) target(%arg7 : memref<128x128xf32, #tpu.memory_space<vmem>>) target_semaphore(%arg11 : memref<!tpu.dma_semaphore, #tpu.memory_space<semaphore_mem>>)
      } else {
      }
    }
    %scan3A_59 = arith.constant 40 : i32
    %barrier3A_60 = arith.constant 0 : index
    tpu.barrier barrier_id(%barrier3A_60)
    %mul3A_61 = arith.constant 632 : i32
    %mul3A_62 = arith.muli %arg1, %mul3A_61 : i32
    %add3A_63 = arith.constant 0 : i32
    %add3A_64 = arith.addi %mul3A_62, %add3A_63 : i32
    "tpu.region"() ({
      %run_scoped3A = tpu.sem_alloc : memref<!tpu.dma_semaphore, #tpu.memory_space<semaphore_mem>>
      %dma_start3A_81 = arith.constant 0 : i32
      %dma_start3A_82 = arith.constant 0 : i32
      %dma_start3A_83 = tpu.memref_slice %arg6[%dma_start3A_81, %dma_start3A_82] : memref<128x128xf32, #tpu.memory_space<vmem>> -> memref<128x128xf32, #tpu.memory_space<vmem>>
      %dma_start3A_84 = arith.constant 0 : i32
      %dma_start3A_85 = tpu.memref_slice %arg5[%add3A_64, %dma_start3A_84] : memref<10112x128xf32, #tpu.memory_space<vmem_shared>> -> memref<128x128xf32, #tpu.memory_space<vmem_shared>>
      %dma_start3A_86 = arith.constant 0 : i32
      %dma_start3A_87 = arith.constant 0 : i32
      %dma_start3A_88 = tpu.memref_slice %arg6[%dma_start3A_86, %dma_start3A_87] : memref<128x128xf32, #tpu.memory_space<vmem>> -> memref<128x128xf32, #tpu.memory_space<vmem>>
      %dma_start3A_89 = arith.constant 0 : i32
      %dma_start3A_90 = tpu.memref_slice %arg5[%add3A_64, %dma_start3A_89] : memref<10112x128xf32, #tpu.memory_space<vmem_shared>> -> memref<128x128xf32, #tpu.memory_space<vmem_shared>>
      tpu.enqueue_dma source(%dma_start3A_90 : memref<128x128xf32, #tpu.memory_space<vmem_shared>>) target(%dma_start3A_88 : memref<128x128xf32, #tpu.memory_space<vmem>>) target_semaphore(%run_scoped3A : memref<!tpu.dma_semaphore, #tpu.memory_space<semaphore_mem>>)
      %dma_wait3A = arith.constant 0 : i32
      %dma_wait3A_91 = arith.constant 0 : i32
      %dma_wait3A_92 = tpu.memref_slice %arg6[%dma_wait3A, %dma_wait3A_91] : memref<128x128xf32, #tpu.memory_space<vmem>> -> memref<128x128xf32, #tpu.memory_space<vmem>>
      %dma_wait3A_93 = arith.constant 0 : i32
      %dma_wait3A_94 = tpu.memref_slice %arg5[%add3A_64, %dma_wait3A_93] : memref<10112x128xf32, #tpu.memory_space<vmem_shared>> -> memref<128x128xf32, #tpu.memory_space<vmem_shared>>
      %dma_wait3A_95 = arith.constant 0 : i32
      %dma_wait3A_96 = arith.constant 0 : i32
      %dma_wait3A_97 = tpu.memref_slice %arg6[%dma_wait3A_95, %dma_wait3A_96] : memref<128x128xf32, #tpu.memory_space<vmem>> -> memref<128x128xf32, #tpu.memory_space<vmem>>
      %dma_wait3A_98 = arith.constant 0 : i32
      %dma_wait3A_99 = tpu.memref_slice %arg5[%add3A_64, %dma_wait3A_98] : memref<10112x128xf32, #tpu.memory_space<vmem_shared>> -> memref<128x128xf32, #tpu.memory_space<vmem_shared>>
      tpu.wait_dma2 semaphore(%run_scoped3A : memref<!tpu.dma_semaphore, #tpu.memory_space<semaphore_mem>>) src(%dma_wait3A_99 : memref<128x128xf32, #tpu.memory_space<vmem_shared>>) dst(%dma_wait3A_97 : memref<128x128xf32, #tpu.memory_space<vmem>>)
      tpu.yield
    }) : () -> ()
    "tpu.region"() ({
      %run_scoped3A = tpu.sem_alloc : memref<!tpu.dma_semaphore, #tpu.memory_space<semaphore_mem>>
      %dma_start3A_81 = arith.constant 0 : i32
      %dma_start3A_82 = arith.constant 0 : i32
      %dma_start3A_83 = tpu.memref_slice %arg6[%dma_start3A_81, %dma_start3A_82] : memref<128x128xf32, #tpu.memory_space<vmem>> -> memref<128x128xf32, #tpu.memory_space<vmem>>
      %dma_start3A_84 = arith.constant 0 : i32
      %dma_start3A_85 = tpu.memref_slice %arg4[%arg0, %add3A_64, %dma_start3A_84] : memref<2x10112x128xf32, #tpu.memory_space<hbm>> -> memref<1x128x128xf32, #tpu.memory_space<hbm>>
      %dma_start3A_86 = tpu.memref_squeeze %dma_start3A_85 : memref<1x128x128xf32, #tpu.memory_space<hbm>> -> memref<128x128xf32, #tpu.memory_space<hbm>>
      %dma_start3A_87 = arith.constant 0 : i32
      %dma_start3A_88 = tpu.memref_slice %arg4[%arg0, %add3A_64, %dma_start3A_87] : memref<2x10112x128xf32, #tpu.memory_space<hbm>> -> memref<1x128x128xf32, #tpu.memory_space<hbm>>
      %dma_start3A_89 = tpu.memref_squeeze %dma_start3A_88 : memref<1x128x128xf32, #tpu.memory_space<hbm>> -> memref<128x128xf32, #tpu.memory_space<hbm>>
      %dma_start3A_90 = arith.constant 0 : i32
      %dma_start3A_91 = arith.constant 0 : i32
      %dma_start3A_92 = tpu.memref_slice %arg6[%dma_start3A_90, %dma_start3A_91] : memref<128x128xf32, #tpu.memory_space<vmem>> -> memref<128x128xf32, #tpu.memory_space<vmem>>
      tpu.enqueue_dma source(%dma_start3A_92 : memref<128x128xf32, #tpu.memory_space<vmem>>) target(%dma_start3A_89 : memref<128x128xf32, #tpu.memory_space<hbm>>) target_semaphore(%run_scoped3A : memref<!tpu.dma_semaphore, #tpu.memory_space<semaphore_mem>>)
      %dma_wait3A = arith.constant 0 : i32
      %dma_wait3A_93 = arith.constant 0 : i32
      %dma_wait3A_94 = tpu.memref_slice %arg6[%dma_wait3A, %dma_wait3A_93] : memref<128x128xf32, #tpu.memory_space<vmem>> -> memref<128x128xf32, #tpu.memory_space<vmem>>
      %dma_wait3A_95 = arith.constant 0 : i32
      %dma_wait3A_96 = tpu.memref_slice %arg4[%arg0, %add3A_64, %dma_wait3A_95] : memref<2x10112x128xf32, #tpu.memory_space<hbm>> -> memref<1x128x128xf32, #tpu.memory_space<hbm>>
      %dma_wait3A_97 = tpu.memref_squeeze %dma_wait3A_96 : memref<1x128x128xf32, #tpu.memory_space<hbm>> -> memref<128x128xf32, #tpu.memory_space<hbm>>
      %dma_wait3A_98 = arith.constant 0 : i32
      %dma_wait3A_99 = tpu.memref_slice %arg4[%arg0, %add3A_64, %dma_wait3A_98] : memref<2x10112x128xf32, #tpu.memory_space<hbm>> -> memref<1x128x128xf32, #tpu.memory_space<hbm>>
      %dma_wait3A_100 = tpu.memref_squeeze %dma_wait3A_99 : memref<1x128x128xf32, #tpu.memory_space<hbm>> -> memref<128x128xf32, #tpu.memory_space<hbm>>
      %dma_wait3A_101 = arith.constant 0 : i32
      %dma_wait3A_102 = arith.constant 0 : i32
      %dma_wait3A_103 = tpu.memref_slice %arg6[%dma_wait3A_101, %dma_wait3A_102] : memref<128x128xf32, #tpu.memory_space<vmem>> -> memref<128x128xf32, #tpu.memory_space<vmem>>
      tpu.wait_dma2 semaphore(%run_scoped3A : memref<!tpu.dma_semaphore, #tpu.memory_space<semaphore_mem>>) src(%dma_wait3A_103 : memref<128x128xf32, #tpu.memory_space<vmem>>) dst(%dma_wait3A_100 : memref<128x128xf32, #tpu.memory_space<hbm>>)
      tpu.yield
    }) : () -> ()
    %mul3A_65 = arith.constant 632 : i32
    %mul3A_66 = arith.muli %arg1, %mul3A_65 : i32
    %add3A_67 = arith.constant 128 : i32
    %add3A_68 = arith.addi %mul3A_66, %add3A_67 : i32
    "tpu.region"() ({
      %run_scoped3A = tpu.sem_alloc : memref<!tpu.dma_semaphore, #tpu.memory_space<semaphore_mem>>
      %dma_start3A_81 = arith.constant 0 : i32
      %dma_start3A_82 = arith.constant 0 : i32
      %dma_start3A_83 = tpu.memref_slice %arg6[%dma_start3A_81, %dma_start3A_82] : memref<128x128xf32, #tpu.memory_space<vmem>> -> memref<128x128xf32, #tpu.memory_space<vmem>>
      %dma_start3A_84 = arith.constant 0 : i32
      %dma_start3A_85 = tpu.memref_slice %arg5[%add3A_68, %dma_start3A_84] : memref<10112x128xf32, #tpu.memory_space<vmem_shared>> -> memref<128x128xf32, #tpu.memory_space<vmem_shared>>
      %dma_start3A_86 = arith.constant 0 : i32
      %dma_start3A_87 = arith.constant 0 : i32
      %dma_start3A_88 = tpu.memref_slice %arg6[%dma_start3A_86, %dma_start3A_87] : memref<128x128xf32, #tpu.memory_space<vmem>> -> memref<128x128xf32, #tpu.memory_space<vmem>>
      %dma_start3A_89 = arith.constant 0 : i32
      %dma_start3A_90 = tpu.memref_slice %arg5[%add3A_68, %dma_start3A_89] : memref<10112x128xf32, #tpu.memory_space<vmem_shared>> -> memref<128x128xf32, #tpu.memory_space<vmem_shared>>
      tpu.enqueue_dma source(%dma_start3A_90 : memref<128x128xf32, #tpu.memory_space<vmem_shared>>) target(%dma_start3A_88 : memref<128x128xf32, #tpu.memory_space<vmem>>) target_semaphore(%run_scoped3A : memref<!tpu.dma_semaphore, #tpu.memory_space<semaphore_mem>>)
      %dma_wait3A = arith.constant 0 : i32
      %dma_wait3A_91 = arith.constant 0 : i32
      %dma_wait3A_92 = tpu.memref_slice %arg6[%dma_wait3A, %dma_wait3A_91] : memref<128x128xf32, #tpu.memory_space<vmem>> -> memref<128x128xf32, #tpu.memory_space<vmem>>
      %dma_wait3A_93 = arith.constant 0 : i32
      %dma_wait3A_94 = tpu.memref_slice %arg5[%add3A_68, %dma_wait3A_93] : memref<10112x128xf32, #tpu.memory_space<vmem_shared>> -> memref<128x128xf32, #tpu.memory_space<vmem_shared>>
      %dma_wait3A_95 = arith.constant 0 : i32
      %dma_wait3A_96 = arith.constant 0 : i32
      %dma_wait3A_97 = tpu.memref_slice %arg6[%dma_wait3A_95, %dma_wait3A_96] : memref<128x128xf32, #tpu.memory_space<vmem>> -> memref<128x128xf32, #tpu.memory_space<vmem>>
      %dma_wait3A_98 = arith.constant 0 : i32
      %dma_wait3A_99 = tpu.memref_slice %arg5[%add3A_68, %dma_wait3A_98] : memref<10112x128xf32, #tpu.memory_space<vmem_shared>> -> memref<128x128xf32, #tpu.memory_space<vmem_shared>>
      tpu.wait_dma2 semaphore(%run_scoped3A : memref<!tpu.dma_semaphore, #tpu.memory_space<semaphore_mem>>) src(%dma_wait3A_99 : memref<128x128xf32, #tpu.memory_space<vmem_shared>>) dst(%dma_wait3A_97 : memref<128x128xf32, #tpu.memory_space<vmem>>)
      tpu.yield
    }) : () -> ()
    "tpu.region"() ({
      %run_scoped3A = tpu.sem_alloc : memref<!tpu.dma_semaphore, #tpu.memory_space<semaphore_mem>>
      %dma_start3A_81 = arith.constant 0 : i32
      %dma_start3A_82 = arith.constant 0 : i32
      %dma_start3A_83 = tpu.memref_slice %arg6[%dma_start3A_81, %dma_start3A_82] : memref<128x128xf32, #tpu.memory_space<vmem>> -> memref<128x128xf32, #tpu.memory_space<vmem>>
      %dma_start3A_84 = arith.constant 0 : i32
      %dma_start3A_85 = tpu.memref_slice %arg4[%arg0, %add3A_68, %dma_start3A_84] : memref<2x10112x128xf32, #tpu.memory_space<hbm>> -> memref<1x128x128xf32, #tpu.memory_space<hbm>>
      %dma_start3A_86 = tpu.memref_squeeze %dma_start3A_85 : memref<1x128x128xf32, #tpu.memory_space<hbm>> -> memref<128x128xf32, #tpu.memory_space<hbm>>
      %dma_start3A_87 = arith.constant 0 : i32
      %dma_start3A_88 = tpu.memref_slice %arg4[%arg0, %add3A_68, %dma_start3A_87] : memref<2x10112x128xf32, #tpu.memory_space<hbm>> -> memref<1x128x128xf32, #tpu.memory_space<hbm>>
      %dma_start3A_89 = tpu.memref_squeeze %dma_start3A_88 : memref<1x128x128xf32, #tpu.memory_space<hbm>> -> memref<128x128xf32, #tpu.memory_space<hbm>>
      %dma_start3A_90 = arith.constant 0 : i32
      %dma_start3A_91 = arith.constant 0 : i32
      %dma_start3A_92 = tpu.memref_slice %arg6[%dma_start3A_90, %dma_start3A_91] : memref<128x128xf32, #tpu.memory_space<vmem>> -> memref<128x128xf32, #tpu.memory_space<vmem>>
      tpu.enqueue_dma source(%dma_start3A_92 : memref<128x128xf32, #tpu.memory_space<vmem>>) target(%dma_start3A_89 : memref<128x128xf32, #tpu.memory_space<hbm>>) target_semaphore(%run_scoped3A : memref<!tpu.dma_semaphore, #tpu.memory_space<semaphore_mem>>)
      %dma_wait3A = arith.constant 0 : i32
      %dma_wait3A_93 = arith.constant 0 : i32
      %dma_wait3A_94 = tpu.memref_slice %arg6[%dma_wait3A, %dma_wait3A_93] : memref<128x128xf32, #tpu.memory_space<vmem>> -> memref<128x128xf32, #tpu.memory_space<vmem>>
      %dma_wait3A_95 = arith.constant 0 : i32
      %dma_wait3A_96 = tpu.memref_slice %arg4[%arg0, %add3A_68, %dma_wait3A_95] : memref<2x10112x128xf32, #tpu.memory_space<hbm>> -> memref<1x128x128xf32, #tpu.memory_space<hbm>>
      %dma_wait3A_97 = tpu.memref_squeeze %dma_wait3A_96 : memref<1x128x128xf32, #tpu.memory_space<hbm>> -> memref<128x128xf32, #tpu.memory_space<hbm>>
      %dma_wait3A_98 = arith.constant 0 : i32
      %dma_wait3A_99 = tpu.memref_slice %arg4[%arg0, %add3A_68, %dma_wait3A_98] : memref<2x10112x128xf32, #tpu.memory_space<hbm>> -> memref<1x128x128xf32, #tpu.memory_space<hbm>>
      %dma_wait3A_100 = tpu.memref_squeeze %dma_wait3A_99 : memref<1x128x128xf32, #tpu.memory_space<hbm>> -> memref<128x128xf32, #tpu.memory_space<hbm>>
      %dma_wait3A_101 = arith.constant 0 : i32
      %dma_wait3A_102 = arith.constant 0 : i32
      %dma_wait3A_103 = tpu.memref_slice %arg6[%dma_wait3A_101, %dma_wait3A_102] : memref<128x128xf32, #tpu.memory_space<vmem>> -> memref<128x128xf32, #tpu.memory_space<vmem>>
      tpu.wait_dma2 semaphore(%run_scoped3A : memref<!tpu.dma_semaphore, #tpu.memory_space<semaphore_mem>>) src(%dma_wait3A_103 : memref<128x128xf32, #tpu.memory_space<vmem>>) dst(%dma_wait3A_100 : memref<128x128xf32, #tpu.memory_space<hbm>>)
      tpu.yield
    }) : () -> ()
    %mul3A_69 = arith.constant 632 : i32
    %mul3A_70 = arith.muli %arg1, %mul3A_69 : i32
    %add3A_71 = arith.constant 256 : i32
    %add3A_72 = arith.addi %mul3A_70, %add3A_71 : i32
    "tpu.region"() ({
      %run_scoped3A = tpu.sem_alloc : memref<!tpu.dma_semaphore, #tpu.memory_space<semaphore_mem>>
      %dma_start3A_81 = arith.constant 0 : i32
      %dma_start3A_82 = arith.constant 0 : i32
      %dma_start3A_83 = tpu.memref_slice %arg6[%dma_start3A_81, %dma_start3A_82] : memref<128x128xf32, #tpu.memory_space<vmem>> -> memref<128x128xf32, #tpu.memory_space<vmem>>
      %dma_start3A_84 = arith.constant 0 : i32
      %dma_start3A_85 = tpu.memref_slice %arg5[%add3A_72, %dma_start3A_84] : memref<10112x128xf32, #tpu.memory_space<vmem_shared>> -> memref<128x128xf32, #tpu.memory_space<vmem_shared>>
      %dma_start3A_86 = arith.constant 0 : i32
      %dma_start3A_87 = arith.constant 0 : i32
      %dma_start3A_88 = tpu.memref_slice %arg6[%dma_start3A_86, %dma_start3A_87] : memref<128x128xf32, #tpu.memory_space<vmem>> -> memref<128x128xf32, #tpu.memory_space<vmem>>
      %dma_start3A_89 = arith.constant 0 : i32
      %dma_start3A_90 = tpu.memref_slice %arg5[%add3A_72, %dma_start3A_89] : memref<10112x128xf32, #tpu.memory_space<vmem_shared>> -> memref<128x128xf32, #tpu.memory_space<vmem_shared>>
      tpu.enqueue_dma source(%dma_start3A_90 : memref<128x128xf32, #tpu.memory_space<vmem_shared>>) target(%dma_start3A_88 : memref<128x128xf32, #tpu.memory_space<vmem>>) target_semaphore(%run_scoped3A : memref<!tpu.dma_semaphore, #tpu.memory_space<semaphore_mem>>)
      %dma_wait3A = arith.constant 0 : i32
      %dma_wait3A_91 = arith.constant 0 : i32
      %dma_wait3A_92 = tpu.memref_slice %arg6[%dma_wait3A, %dma_wait3A_91] : memref<128x128xf32, #tpu.memory_space<vmem>> -> memref<128x128xf32, #tpu.memory_space<vmem>>
      %dma_wait3A_93 = arith.constant 0 : i32
      %dma_wait3A_94 = tpu.memref_slice %arg5[%add3A_72, %dma_wait3A_93] : memref<10112x128xf32, #tpu.memory_space<vmem_shared>> -> memref<128x128xf32, #tpu.memory_space<vmem_shared>>
      %dma_wait3A_95 = arith.constant 0 : i32
      %dma_wait3A_96 = arith.constant 0 : i32
      %dma_wait3A_97 = tpu.memref_slice %arg6[%dma_wait3A_95, %dma_wait3A_96] : memref<128x128xf32, #tpu.memory_space<vmem>> -> memref<128x128xf32, #tpu.memory_space<vmem>>
      %dma_wait3A_98 = arith.constant 0 : i32
      %dma_wait3A_99 = tpu.memref_slice %arg5[%add3A_72, %dma_wait3A_98] : memref<10112x128xf32, #tpu.memory_space<vmem_shared>> -> memref<128x128xf32, #tpu.memory_space<vmem_shared>>
      tpu.wait_dma2 semaphore(%run_scoped3A : memref<!tpu.dma_semaphore, #tpu.memory_space<semaphore_mem>>) src(%dma_wait3A_99 : memref<128x128xf32, #tpu.memory_space<vmem_shared>>) dst(%dma_wait3A_97 : memref<128x128xf32, #tpu.memory_space<vmem>>)
      tpu.yield
    }) : () -> ()
    "tpu.region"() ({
      %run_scoped3A = tpu.sem_alloc : memref<!tpu.dma_semaphore, #tpu.memory_space<semaphore_mem>>
      %dma_start3A_81 = arith.constant 0 : i32
      %dma_start3A_82 = arith.constant 0 : i32
      %dma_start3A_83 = tpu.memref_slice %arg6[%dma_start3A_81, %dma_start3A_82] : memref<128x128xf32, #tpu.memory_space<vmem>> -> memref<128x128xf32, #tpu.memory_space<vmem>>
      %dma_start3A_84 = arith.constant 0 : i32
      %dma_start3A_85 = tpu.memref_slice %arg4[%arg0, %add3A_72, %dma_start3A_84] : memref<2x10112x128xf32, #tpu.memory_space<hbm>> -> memref<1x128x128xf32, #tpu.memory_space<hbm>>
      %dma_start3A_86 = tpu.memref_squeeze %dma_start3A_85 : memref<1x128x128xf32, #tpu.memory_space<hbm>> -> memref<128x128xf32, #tpu.memory_space<hbm>>
      %dma_start3A_87 = arith.constant 0 : i32
      %dma_start3A_88 = tpu.memref_slice %arg4[%arg0, %add3A_72, %dma_start3A_87] : memref<2x10112x128xf32, #tpu.memory_space<hbm>> -> memref<1x128x128xf32, #tpu.memory_space<hbm>>
      %dma_start3A_89 = tpu.memref_squeeze %dma_start3A_88 : memref<1x128x128xf32, #tpu.memory_space<hbm>> -> memref<128x128xf32, #tpu.memory_space<hbm>>
      %dma_start3A_90 = arith.constant 0 : i32
      %dma_start3A_91 = arith.constant 0 : i32
      %dma_start3A_92 = tpu.memref_slice %arg6[%dma_start3A_90, %dma_start3A_91] : memref<128x128xf32, #tpu.memory_space<vmem>> -> memref<128x128xf32, #tpu.memory_space<vmem>>
      tpu.enqueue_dma source(%dma_start3A_92 : memref<128x128xf32, #tpu.memory_space<vmem>>) target(%dma_start3A_89 : memref<128x128xf32, #tpu.memory_space<hbm>>) target_semaphore(%run_scoped3A : memref<!tpu.dma_semaphore, #tpu.memory_space<semaphore_mem>>)
      %dma_wait3A = arith.constant 0 : i32
      %dma_wait3A_93 = arith.constant 0 : i32
      %dma_wait3A_94 = tpu.memref_slice %arg6[%dma_wait3A, %dma_wait3A_93] : memref<128x128xf32, #tpu.memory_space<vmem>> -> memref<128x128xf32, #tpu.memory_space<vmem>>
      %dma_wait3A_95 = arith.constant 0 : i32
      %dma_wait3A_96 = tpu.memref_slice %arg4[%arg0, %add3A_72, %dma_wait3A_95] : memref<2x10112x128xf32, #tpu.memory_space<hbm>> -> memref<1x128x128xf32, #tpu.memory_space<hbm>>
      %dma_wait3A_97 = tpu.memref_squeeze %dma_wait3A_96 : memref<1x128x128xf32, #tpu.memory_space<hbm>> -> memref<128x128xf32, #tpu.memory_space<hbm>>
      %dma_wait3A_98 = arith.constant 0 : i32
      %dma_wait3A_99 = tpu.memref_slice %arg4[%arg0, %add3A_72, %dma_wait3A_98] : memref<2x10112x128xf32, #tpu.memory_space<hbm>> -> memref<1x128x128xf32, #tpu.memory_space<hbm>>
      %dma_wait3A_100 = tpu.memref_squeeze %dma_wait3A_99 : memref<1x128x128xf32, #tpu.memory_space<hbm>> -> memref<128x128xf32, #tpu.memory_space<hbm>>
      %dma_wait3A_101 = arith.constant 0 : i32
      %dma_wait3A_102 = arith.constant 0 : i32
      %dma_wait3A_103 = tpu.memref_slice %arg6[%dma_wait3A_101, %dma_wait3A_102] : memref<128x128xf32, #tpu.memory_space<vmem>> -> memref<128x128xf32, #tpu.memory_space<vmem>>
      tpu.wait_dma2 semaphore(%run_scoped3A : memref<!tpu.dma_semaphore, #tpu.memory_space<semaphore_mem>>) src(%dma_wait3A_103 : memref<128x128xf32, #tpu.memory_space<vmem>>) dst(%dma_wait3A_100 : memref<128x128xf32, #tpu.memory_space<hbm>>)
      tpu.yield
    }) : () -> ()
    %mul3A_73 = arith.constant 632 : i32
    %mul3A_74 = arith.muli %arg1, %mul3A_73 : i32
    %add3A_75 = arith.constant 384 : i32
    %add3A_76 = arith.addi %mul3A_74, %add3A_75 : i32
    "tpu.region"() ({
      %run_scoped3A = tpu.sem_alloc : memref<!tpu.dma_semaphore, #tpu.memory_space<semaphore_mem>>
      %dma_start3A_81 = arith.constant 0 : i32
      %dma_start3A_82 = arith.constant 0 : i32
      %dma_start3A_83 = tpu.memref_slice %arg6[%dma_start3A_81, %dma_start3A_82] : memref<128x128xf32, #tpu.memory_space<vmem>> -> memref<128x128xf32, #tpu.memory_space<vmem>>
      %dma_start3A_84 = arith.constant 0 : i32
      %dma_start3A_85 = tpu.memref_slice %arg5[%add3A_76, %dma_start3A_84] : memref<10112x128xf32, #tpu.memory_space<vmem_shared>> -> memref<128x128xf32, #tpu.memory_space<vmem_shared>>
      %dma_start3A_86 = arith.constant 0 : i32
      %dma_start3A_87 = arith.constant 0 : i32
      %dma_start3A_88 = tpu.memref_slice %arg6[%dma_start3A_86, %dma_start3A_87] : memref<128x128xf32, #tpu.memory_space<vmem>> -> memref<128x128xf32, #tpu.memory_space<vmem>>
      %dma_start3A_89 = arith.constant 0 : i32
      %dma_start3A_90 = tpu.memref_slice %arg5[%add3A_76, %dma_start3A_89] : memref<10112x128xf32, #tpu.memory_space<vmem_shared>> -> memref<128x128xf32, #tpu.memory_space<vmem_shared>>
      tpu.enqueue_dma source(%dma_start3A_90 : memref<128x128xf32, #tpu.memory_space<vmem_shared>>) target(%dma_start3A_88 : memref<128x128xf32, #tpu.memory_space<vmem>>) target_semaphore(%run_scoped3A : memref<!tpu.dma_semaphore, #tpu.memory_space<semaphore_mem>>)
      %dma_wait3A = arith.constant 0 : i32
      %dma_wait3A_91 = arith.constant 0 : i32
      %dma_wait3A_92 = tpu.memref_slice %arg6[%dma_wait3A, %dma_wait3A_91] : memref<128x128xf32, #tpu.memory_space<vmem>> -> memref<128x128xf32, #tpu.memory_space<vmem>>
      %dma_wait3A_93 = arith.constant 0 : i32
      %dma_wait3A_94 = tpu.memref_slice %arg5[%add3A_76, %dma_wait3A_93] : memref<10112x128xf32, #tpu.memory_space<vmem_shared>> -> memref<128x128xf32, #tpu.memory_space<vmem_shared>>
      %dma_wait3A_95 = arith.constant 0 : i32
      %dma_wait3A_96 = arith.constant 0 : i32
      %dma_wait3A_97 = tpu.memref_slice %arg6[%dma_wait3A_95, %dma_wait3A_96] : memref<128x128xf32, #tpu.memory_space<vmem>> -> memref<128x128xf32, #tpu.memory_space<vmem>>
      %dma_wait3A_98 = arith.constant 0 : i32
      %dma_wait3A_99 = tpu.memref_slice %arg5[%add3A_76, %dma_wait3A_98] : memref<10112x128xf32, #tpu.memory_space<vmem_shared>> -> memref<128x128xf32, #tpu.memory_space<vmem_shared>>
      tpu.wait_dma2 semaphore(%run_scoped3A : memref<!tpu.dma_semaphore, #tpu.memory_space<semaphore_mem>>) src(%dma_wait3A_99 : memref<128x128xf32, #tpu.memory_space<vmem_shared>>) dst(%dma_wait3A_97 : memref<128x128xf32, #tpu.memory_space<vmem>>)
      tpu.yield
    }) : () -> ()
    "tpu.region"() ({
      %run_scoped3A = tpu.sem_alloc : memref<!tpu.dma_semaphore, #tpu.memory_space<semaphore_mem>>
      %dma_start3A_81 = arith.constant 0 : i32
      %dma_start3A_82 = arith.constant 0 : i32
      %dma_start3A_83 = tpu.memref_slice %arg6[%dma_start3A_81, %dma_start3A_82] : memref<128x128xf32, #tpu.memory_space<vmem>> -> memref<128x128xf32, #tpu.memory_space<vmem>>
      %dma_start3A_84 = arith.constant 0 : i32
      %dma_start3A_85 = tpu.memref_slice %arg4[%arg0, %add3A_76, %dma_start3A_84] : memref<2x10112x128xf32, #tpu.memory_space<hbm>> -> memref<1x128x128xf32, #tpu.memory_space<hbm>>
      %dma_start3A_86 = tpu.memref_squeeze %dma_start3A_85 : memref<1x128x128xf32, #tpu.memory_space<hbm>> -> memref<128x128xf32, #tpu.memory_space<hbm>>
      %dma_start3A_87 = arith.constant 0 : i32
      %dma_start3A_88 = tpu.memref_slice %arg4[%arg0, %add3A_76, %dma_start3A_87] : memref<2x10112x128xf32, #tpu.memory_space<hbm>> -> memref<1x128x128xf32, #tpu.memory_space<hbm>>
      %dma_start3A_89 = tpu.memref_squeeze %dma_start3A_88 : memref<1x128x128xf32, #tpu.memory_space<hbm>> -> memref<128x128xf32, #tpu.memory_space<hbm>>
      %dma_start3A_90 = arith.constant 0 : i32
      %dma_start3A_91 = arith.constant 0 : i32
      %dma_start3A_92 = tpu.memref_slice %arg6[%dma_start3A_90, %dma_start3A_91] : memref<128x128xf32, #tpu.memory_space<vmem>> -> memref<128x128xf32, #tpu.memory_space<vmem>>
      tpu.enqueue_dma source(%dma_start3A_92 : memref<128x128xf32, #tpu.memory_space<vmem>>) target(%dma_start3A_89 : memref<128x128xf32, #tpu.memory_space<hbm>>) target_semaphore(%run_scoped3A : memref<!tpu.dma_semaphore, #tpu.memory_space<semaphore_mem>>)
      %dma_wait3A = arith.constant 0 : i32
      %dma_wait3A_93 = arith.constant 0 : i32
      %dma_wait3A_94 = tpu.memref_slice %arg6[%dma_wait3A, %dma_wait3A_93] : memref<128x128xf32, #tpu.memory_space<vmem>> -> memref<128x128xf32, #tpu.memory_space<vmem>>
      %dma_wait3A_95 = arith.constant 0 : i32
      %dma_wait3A_96 = tpu.memref_slice %arg4[%arg0, %add3A_76, %dma_wait3A_95] : memref<2x10112x128xf32, #tpu.memory_space<hbm>> -> memref<1x128x128xf32, #tpu.memory_space<hbm>>
      %dma_wait3A_97 = tpu.memref_squeeze %dma_wait3A_96 : memref<1x128x128xf32, #tpu.memory_space<hbm>> -> memref<128x128xf32, #tpu.memory_space<hbm>>
      %dma_wait3A_98 = arith.constant 0 : i32
      %dma_wait3A_99 = tpu.memref_slice %arg4[%arg0, %add3A_76, %dma_wait3A_98] : memref<2x10112x128xf32, #tpu.memory_space<hbm>> -> memref<1x128x128xf32, #tpu.memory_space<hbm>>
      %dma_wait3A_100 = tpu.memref_squeeze %dma_wait3A_99 : memref<1x128x128xf32, #tpu.memory_space<hbm>> -> memref<128x128xf32, #tpu.memory_space<hbm>>
      %dma_wait3A_101 = arith.constant 0 : i32
      %dma_wait3A_102 = arith.constant 0 : i32
      %dma_wait3A_103 = tpu.memref_slice %arg6[%dma_wait3A_101, %dma_wait3A_102] : memref<128x128xf32, #tpu.memory_space<vmem>> -> memref<128x128xf32, #tpu.memory_space<vmem>>
      tpu.wait_dma2 semaphore(%run_scoped3A : memref<!tpu.dma_semaphore, #tpu.memory_space<semaphore_mem>>) src(%dma_wait3A_103 : memref<128x128xf32, #tpu.memory_space<vmem>>) dst(%dma_wait3A_100 : memref<128x128xf32, #tpu.memory_space<hbm>>)
      tpu.yield
    }) : () -> ()
    %mul3A_77 = arith.constant 632 : i32
    %mul3A_78 = arith.muli %arg1, %mul3A_77 : i32
    %add3A_79 = arith.constant 512 : i32
    %add3A_80 = arith.addi %mul3A_78, %add3A_79 : i32
    "tpu.region"() ({
      %run_scoped3A = tpu.sem_alloc : memref<!tpu.dma_semaphore, #tpu.memory_space<semaphore_mem>>
      %dma_start3A_81 = arith.constant 0 : i32
      %dma_start3A_82 = arith.constant 0 : i32
      %dma_start3A_83 = tpu.memref_slice %arg6[%dma_start3A_81, %dma_start3A_82] : memref<128x128xf32, #tpu.memory_space<vmem>> -> memref<120x128xf32, #tpu.memory_space<vmem>>
      %dma_start3A_84 = arith.constant 0 : i32
      %dma_start3A_85 = tpu.memref_slice %arg5[%add3A_80, %dma_start3A_84] : memref<10112x128xf32, #tpu.memory_space<vmem_shared>> -> memref<120x128xf32, #tpu.memory_space<vmem_shared>>
      %dma_start3A_86 = arith.constant 0 : i32
      %dma_start3A_87 = arith.constant 0 : i32
      %dma_start3A_88 = tpu.memref_slice %arg6[%dma_start3A_86, %dma_start3A_87] : memref<128x128xf32, #tpu.memory_space<vmem>> -> memref<120x128xf32, #tpu.memory_space<vmem>>
      %dma_start3A_89 = arith.constant 0 : i32
      %dma_start3A_90 = tpu.memref_slice %arg5[%add3A_80, %dma_start3A_89] : memref<10112x128xf32, #tpu.memory_space<vmem_shared>> -> memref<120x128xf32, #tpu.memory_space<vmem_shared>>
      tpu.enqueue_dma source(%dma_start3A_90 : memref<120x128xf32, #tpu.memory_space<vmem_shared>>) target(%dma_start3A_88 : memref<120x128xf32, #tpu.memory_space<vmem>>) target_semaphore(%run_scoped3A : memref<!tpu.dma_semaphore, #tpu.memory_space<semaphore_mem>>)
      %dma_wait3A = arith.constant 0 : i32
      %dma_wait3A_91 = arith.constant 0 : i32
      %dma_wait3A_92 = tpu.memref_slice %arg6[%dma_wait3A, %dma_wait3A_91] : memref<128x128xf32, #tpu.memory_space<vmem>> -> memref<120x128xf32, #tpu.memory_space<vmem>>
      %dma_wait3A_93 = arith.constant 0 : i32
      %dma_wait3A_94 = tpu.memref_slice %arg5[%add3A_80, %dma_wait3A_93] : memref<10112x128xf32, #tpu.memory_space<vmem_shared>> -> memref<120x128xf32, #tpu.memory_space<vmem_shared>>
      %dma_wait3A_95 = arith.constant 0 : i32
      %dma_wait3A_96 = arith.constant 0 : i32
      %dma_wait3A_97 = tpu.memref_slice %arg6[%dma_wait3A_95, %dma_wait3A_96] : memref<128x128xf32, #tpu.memory_space<vmem>> -> memref<120x128xf32, #tpu.memory_space<vmem>>
      %dma_wait3A_98 = arith.constant 0 : i32
      %dma_wait3A_99 = tpu.memref_slice %arg5[%add3A_80, %dma_wait3A_98] : memref<10112x128xf32, #tpu.memory_space<vmem_shared>> -> memref<120x128xf32, #tpu.memory_space<vmem_shared>>
      tpu.wait_dma2 semaphore(%run_scoped3A : memref<!tpu.dma_semaphore, #tpu.memory_space<semaphore_mem>>) src(%dma_wait3A_99 : memref<120x128xf32, #tpu.memory_space<vmem_shared>>) dst(%dma_wait3A_97 : memref<120x128xf32, #tpu.memory_space<vmem>>)
      tpu.yield
    }) : () -> ()
    "tpu.region"() ({
      %run_scoped3A = tpu.sem_alloc : memref<!tpu.dma_semaphore, #tpu.memory_space<semaphore_mem>>
      %dma_start3A_81 = arith.constant 0 : i32
      %dma_start3A_82 = arith.constant 0 : i32
      %dma_start3A_83 = tpu.memref_slice %arg6[%dma_start3A_81, %dma_start3A_82] : memref<128x128xf32, #tpu.memory_space<vmem>> -> memref<120x128xf32, #tpu.memory_space<vmem>>
      %dma_start3A_84 = arith.constant 0 : i32
      %dma_start3A_85 = tpu.memref_slice %arg4[%arg0, %add3A_80, %dma_start3A_84] : memref<2x10112x128xf32, #tpu.memory_space<hbm>> -> memref<1x120x128xf32, #tpu.memory_space<hbm>>
      %dma_start3A_86 = tpu.memref_squeeze %dma_start3A_85 : memref<1x120x128xf32, #tpu.memory_space<hbm>> -> memref<120x128xf32, #tpu.memory_space<hbm>>
      %dma_start3A_87 = arith.constant 0 : i32
      %dma_start3A_88 = tpu.memref_slice %arg4[%arg0, %add3A_80, %dma_start3A_87] : memref<2x10112x128xf32, #tpu.memory_space<hbm>> -> memref<1x120x128xf32, #tpu.memory_space<hbm>>
      %dma_start3A_89 = tpu.memref_squeeze %dma_start3A_88 : memref<1x120x128xf32, #tpu.memory_space<hbm>> -> memref<120x128xf32, #tpu.memory_space<hbm>>
      %dma_start3A_90 = arith.constant 0 : i32
      %dma_start3A_91 = arith.constant 0 : i32
      %dma_start3A_92 = tpu.memref_slice %arg6[%dma_start3A_90, %dma_start3A_91] : memref<128x128xf32, #tpu.memory_space<vmem>> -> memref<120x128xf32, #tpu.memory_space<vmem>>
      tpu.enqueue_dma source(%dma_start3A_92 : memref<120x128xf32, #tpu.memory_space<vmem>>) target(%dma_start3A_89 : memref<120x128xf32, #tpu.memory_space<hbm>>) target_semaphore(%run_scoped3A : memref<!tpu.dma_semaphore, #tpu.memory_space<semaphore_mem>>)
      %dma_wait3A = arith.constant 0 : i32
      %dma_wait3A_93 = arith.constant 0 : i32
      %dma_wait3A_94 = tpu.memref_slice %arg6[%dma_wait3A, %dma_wait3A_93] : memref<128x128xf32, #tpu.memory_space<vmem>> -> memref<120x128xf32, #tpu.memory_space<vmem>>
      %dma_wait3A_95 = arith.constant 0 : i32
      %dma_wait3A_96 = tpu.memref_slice %arg4[%arg0, %add3A_80, %dma_wait3A_95] : memref<2x10112x128xf32, #tpu.memory_space<hbm>> -> memref<1x120x128xf32, #tpu.memory_space<hbm>>
      %dma_wait3A_97 = tpu.memref_squeeze %dma_wait3A_96 : memref<1x120x128xf32, #tpu.memory_space<hbm>> -> memref<120x128xf32, #tpu.memory_space<hbm>>
      %dma_wait3A_98 = arith.constant 0 : i32
      %dma_wait3A_99 = tpu.memref_slice %arg4[%arg0, %add3A_80, %dma_wait3A_98] : memref<2x10112x128xf32, #tpu.memory_space<hbm>> -> memref<1x120x128xf32, #tpu.memory_space<hbm>>
      %dma_wait3A_100 = tpu.memref_squeeze %dma_wait3A_99 : memref<1x120x128xf32, #tpu.memory_space<hbm>> -> memref<120x128xf32, #tpu.memory_space<hbm>>
      %dma_wait3A_101 = arith.constant 0 : i32
      %dma_wait3A_102 = arith.constant 0 : i32
      %dma_wait3A_103 = tpu.memref_slice %arg6[%dma_wait3A_101, %dma_wait3A_102] : memref<128x128xf32, #tpu.memory_space<vmem>> -> memref<120x128xf32, #tpu.memory_space<vmem>>
      tpu.wait_dma2 semaphore(%run_scoped3A : memref<!tpu.dma_semaphore, #tpu.memory_space<semaphore_mem>>) src(%dma_wait3A_103 : memref<120x128xf32, #tpu.memory_space<vmem>>) dst(%dma_wait3A_100 : memref<120x128xf32, #tpu.memory_space<hbm>>)
      tpu.yield
    }) : () -> ()
    return
  }
}

#map = affine_map<(d0, d1) -> (0, 0)>
#map1 = affine_map<(d0, d1) -> (0)>
#map2 = affine_map<(d0, d1) -> (0, 0, 0)>
module attributes {stable_mosaic.version = 14 : i64} {
  func.func @_sc_w_body(%arg0: i32, %arg1: i32, %arg2: memref<8x320000xf32, #tpu.memory_space<hbm>>, %arg3: memref<2500x128xi32, #tpu.memory_space<hbm>>, %arg4: memref<2500x128xi32, #tpu.memory_space<hbm>>, %arg5: memref<10000xf32, #tpu.memory_space<hbm>>, %arg6: memref<10000xf32, #tpu.memory_space<hbm>>, %arg7: memref<2x10112x16xf32, #tpu.memory_space<hbm>>, %arg8: memref<10112x16xf32, #tpu.memory_space<vmem_shared>>, %arg9: memref<10000xf32, #tpu.memory_space<vmem>>, %arg10: memref<10000xf32, #tpu.memory_space<vmem>>, %arg11: memref<128xf32, #tpu.memory_space<vmem>>, %arg12: memref<128xf32, #tpu.memory_space<vmem>>, %arg13: memref<128xf32, #tpu.memory_space<vmem>>, %arg14: memref<128xf32, #tpu.memory_space<vmem>>, %arg15: memref<128xf32, #tpu.memory_space<vmem>>, %arg16: memref<128xf32, #tpu.memory_space<vmem>>, %arg17: memref<128xf32, #tpu.memory_space<vmem>>, %arg18: memref<128xf32, #tpu.memory_space<vmem>>, %arg19: memref<128xf32, #tpu.memory_space<vmem>>, %arg20: memref<128xf32, #tpu.memory_space<vmem>>, %arg21: memref<128xf32, #tpu.memory_space<vmem>>, %arg22: memref<128xf32, #tpu.memory_space<vmem>>, %arg23: memref<128xf32, #tpu.memory_space<vmem>>, %arg24: memref<128xf32, #tpu.memory_space<vmem>>, %arg25: memref<128xf32, #tpu.memory_space<vmem>>, %arg26: memref<128xf32, #tpu.memory_space<vmem>>, %arg27: memref<128x16xf32, #tpu.memory_space<vmem>>, %arg28: memref<128x16xf32, #tpu.memory_space<vmem>>, %arg29: memref<128xi32, #tpu.memory_space<vmem>>, %arg30: memref<128xi32, #tpu.memory_space<vmem>>, %arg31: memref<128xi32, #tpu.memory_space<vmem>>, %arg32: memref<128xi32, #tpu.memory_space<vmem>>, %arg33: memref<!tpu.dma_semaphore, #tpu.memory_space<semaphore_mem>>, %arg34: memref<!tpu.dma_semaphore, #tpu.memory_space<semaphore_mem>>) attributes {dimension_semantics = [#tpu.dimension_semantics<core_parallel>, #tpu.dimension_semantics<subcore_parallel>], iteration_bounds = array<i64: 2, 16>, scalar_prefetch = 0 : i64, scratch_operands = 27 : i64, tpu.core_type = #tpu.core_type<sc_vector_subcore>, window_params = [{transform_indices = #map}, {transform_indices = #map}, {transform_indices = #map}, {transform_indices = #map1}, {transform_indices = #map1}, {transform_indices = #map2}]} {
    %mul3A = arith.constant 16 : i32
    %mul3A_0 = arith.muli %arg0, %mul3A : i32
    %add3A = arith.addi %mul3A_0, %arg1 : i32
    %broadcast_in_dim3A = arith.constant 0.000000e+00 : f32
    %broadcast_in_dim3A_1 = vector.broadcast %broadcast_in_dim3A : f32 to vector<16xf32>
    %scan3A = arith.constant 0 : i32
    %scan3A_2 = arith.constant 0 : i32
    %scan3A_3 = arith.constant 128 : i32
    %scan3A_4 = arith.addi %scan3A_2, %scan3A_3 : i32
    %scan3A_5 = arith.constant 1 : i32
    scf.for %scan3A_204 = %scan3A_2 to %scan3A_4 step %scan3A_5  : i32 {
      %swap3A = arith.index_cast %scan3A_204 : i32 to index
      %swap3A_205 = arith.constant 0 : index
      %swap3A_206 = tpu.vector_load %arg27[%swap3A, %swap3A_205] {strides = array<i32>} : memref<128x16xf32, #tpu.memory_space<vmem>>, vector<16xf32>,
      tpu.vector_store %arg27[%swap3A, %swap3A_205], %broadcast_in_dim3A_1 {strides = array<i32>} : memref<128x16xf32, #tpu.memory_space<vmem>>, vector<16xf32>,
    }
    %scan3A_6 = arith.constant 128 : i32
    %mul3A_7 = arith.constant 632 : i32
    %mul3A_8 = arith.muli %arg1, %mul3A_7 : i32
    %add3A_9 = arith.constant 0 : i32
    %add3A_10 = arith.addi %mul3A_8, %add3A_9 : i32
    "tpu.region"() ({
      %run_scoped3A = tpu.sem_alloc : memref<!tpu.dma_semaphore, #tpu.memory_space<semaphore_mem>>
      %dma_start3A_204 = arith.constant 0 : i32
      %dma_start3A_205 = arith.constant 0 : i32
      %dma_start3A_206 = tpu.memref_slice %arg27[%dma_start3A_204, %dma_start3A_205] : memref<128x16xf32, #tpu.memory_space<vmem>> -> memref<128x16xf32, #tpu.memory_space<vmem>>
      %dma_start3A_207 = arith.constant 0 : i32
      %dma_start3A_208 = tpu.memref_slice %arg8[%add3A_10, %dma_start3A_207] : memref<10112x16xf32, #tpu.memory_space<vmem_shared>> -> memref<128x16xf32, #tpu.memory_space<vmem_shared>>
      %dma_start3A_209 = arith.constant 0 : i32
      %dma_start3A_210 = tpu.memref_slice %arg8[%add3A_10, %dma_start3A_209] : memref<10112x16xf32, #tpu.memory_space<vmem_shared>> -> memref<128x16xf32, #tpu.memory_space<vmem_shared>>
      %dma_start3A_211 = arith.constant 0 : i32
      %dma_start3A_212 = arith.constant 0 : i32
      %dma_start3A_213 = tpu.memref_slice %arg27[%dma_start3A_211, %dma_start3A_212] : memref<128x16xf32, #tpu.memory_space<vmem>> -> memref<128x16xf32, #tpu.memory_space<vmem>>
      tpu.enqueue_dma source(%dma_start3A_213 : memref<128x16xf32, #tpu.memory_space<vmem>>) target(%dma_start3A_210 : memref<128x16xf32, #tpu.memory_space<vmem_shared>>) target_semaphore(%run_scoped3A : memref<!tpu.dma_semaphore, #tpu.memory_space<semaphore_mem>>)
      %dma_wait3A = arith.constant 0 : i32
      %dma_wait3A_214 = arith.constant 0 : i32
      %dma_wait3A_215 = tpu.memref_slice %arg27[%dma_wait3A, %dma_wait3A_214] : memref<128x16xf32, #tpu.memory_space<vmem>> -> memref<128x16xf32, #tpu.memory_space<vmem>>
      %dma_wait3A_216 = arith.constant 0 : i32
      %dma_wait3A_217 = tpu.memref_slice %arg8[%add3A_10, %dma_wait3A_216] : memref<10112x16xf32, #tpu.memory_space<vmem_shared>> -> memref<128x16xf32, #tpu.memory_space<vmem_shared>>
      %dma_wait3A_218 = arith.constant 0 : i32
      %dma_wait3A_219 = tpu.memref_slice %arg8[%add3A_10, %dma_wait3A_218] : memref<10112x16xf32, #tpu.memory_space<vmem_shared>> -> memref<128x16xf32, #tpu.memory_space<vmem_shared>>
      %dma_wait3A_220 = arith.constant 0 : i32
      %dma_wait3A_221 = arith.constant 0 : i32
      %dma_wait3A_222 = tpu.memref_slice %arg27[%dma_wait3A_220, %dma_wait3A_221] : memref<128x16xf32, #tpu.memory_space<vmem>> -> memref<128x16xf32, #tpu.memory_space<vmem>>
      tpu.wait_dma2 semaphore(%run_scoped3A : memref<!tpu.dma_semaphore, #tpu.memory_space<semaphore_mem>>) src(%dma_wait3A_222 : memref<128x16xf32, #tpu.memory_space<vmem>>) dst(%dma_wait3A_219 : memref<128x16xf32, #tpu.memory_space<vmem_shared>>)
      tpu.yield
    }) : () -> ()
    %mul3A_11 = arith.constant 632 : i32
    %mul3A_12 = arith.muli %arg1, %mul3A_11 : i32
    %add3A_13 = arith.constant 128 : i32
    %add3A_14 = arith.addi %mul3A_12, %add3A_13 : i32
    "tpu.region"() ({
      %run_scoped3A = tpu.sem_alloc : memref<!tpu.dma_semaphore, #tpu.memory_space<semaphore_mem>>
      %dma_start3A_204 = arith.constant 0 : i32
      %dma_start3A_205 = arith.constant 0 : i32
      %dma_start3A_206 = tpu.memref_slice %arg27[%dma_start3A_204, %dma_start3A_205] : memref<128x16xf32, #tpu.memory_space<vmem>> -> memref<128x16xf32, #tpu.memory_space<vmem>>
      %dma_start3A_207 = arith.constant 0 : i32
      %dma_start3A_208 = tpu.memref_slice %arg8[%add3A_14, %dma_start3A_207] : memref<10112x16xf32, #tpu.memory_space<vmem_shared>> -> memref<128x16xf32, #tpu.memory_space<vmem_shared>>
      %dma_start3A_209 = arith.constant 0 : i32
      %dma_start3A_210 = tpu.memref_slice %arg8[%add3A_14, %dma_start3A_209] : memref<10112x16xf32, #tpu.memory_space<vmem_shared>> -> memref<128x16xf32, #tpu.memory_space<vmem_shared>>
      %dma_start3A_211 = arith.constant 0 : i32
      %dma_start3A_212 = arith.constant 0 : i32
      %dma_start3A_213 = tpu.memref_slice %arg27[%dma_start3A_211, %dma_start3A_212] : memref<128x16xf32, #tpu.memory_space<vmem>> -> memref<128x16xf32, #tpu.memory_space<vmem>>
      tpu.enqueue_dma source(%dma_start3A_213 : memref<128x16xf32, #tpu.memory_space<vmem>>) target(%dma_start3A_210 : memref<128x16xf32, #tpu.memory_space<vmem_shared>>) target_semaphore(%run_scoped3A : memref<!tpu.dma_semaphore, #tpu.memory_space<semaphore_mem>>)
      %dma_wait3A = arith.constant 0 : i32
      %dma_wait3A_214 = arith.constant 0 : i32
      %dma_wait3A_215 = tpu.memref_slice %arg27[%dma_wait3A, %dma_wait3A_214] : memref<128x16xf32, #tpu.memory_space<vmem>> -> memref<128x16xf32, #tpu.memory_space<vmem>>
      %dma_wait3A_216 = arith.constant 0 : i32
      %dma_wait3A_217 = tpu.memref_slice %arg8[%add3A_14, %dma_wait3A_216] : memref<10112x16xf32, #tpu.memory_space<vmem_shared>> -> memref<128x16xf32, #tpu.memory_space<vmem_shared>>
      %dma_wait3A_218 = arith.constant 0 : i32
      %dma_wait3A_219 = tpu.memref_slice %arg8[%add3A_14, %dma_wait3A_218] : memref<10112x16xf32, #tpu.memory_space<vmem_shared>> -> memref<128x16xf32, #tpu.memory_space<vmem_shared>>
      %dma_wait3A_220 = arith.constant 0 : i32
      %dma_wait3A_221 = arith.constant 0 : i32
      %dma_wait3A_222 = tpu.memref_slice %arg27[%dma_wait3A_220, %dma_wait3A_221] : memref<128x16xf32, #tpu.memory_space<vmem>> -> memref<128x16xf32, #tpu.memory_space<vmem>>
      tpu.wait_dma2 semaphore(%run_scoped3A : memref<!tpu.dma_semaphore, #tpu.memory_space<semaphore_mem>>) src(%dma_wait3A_222 : memref<128x16xf32, #tpu.memory_space<vmem>>) dst(%dma_wait3A_219 : memref<128x16xf32, #tpu.memory_space<vmem_shared>>)
      tpu.yield
    }) : () -> ()
    %mul3A_15 = arith.constant 632 : i32
    %mul3A_16 = arith.muli %arg1, %mul3A_15 : i32
    %add3A_17 = arith.constant 256 : i32
    %add3A_18 = arith.addi %mul3A_16, %add3A_17 : i32
    "tpu.region"() ({
      %run_scoped3A = tpu.sem_alloc : memref<!tpu.dma_semaphore, #tpu.memory_space<semaphore_mem>>
      %dma_start3A_204 = arith.constant 0 : i32
      %dma_start3A_205 = arith.constant 0 : i32
      %dma_start3A_206 = tpu.memref_slice %arg27[%dma_start3A_204, %dma_start3A_205] : memref<128x16xf32, #tpu.memory_space<vmem>> -> memref<128x16xf32, #tpu.memory_space<vmem>>
      %dma_start3A_207 = arith.constant 0 : i32
      %dma_start3A_208 = tpu.memref_slice %arg8[%add3A_18, %dma_start3A_207] : memref<10112x16xf32, #tpu.memory_space<vmem_shared>> -> memref<128x16xf32, #tpu.memory_space<vmem_shared>>
      %dma_start3A_209 = arith.constant 0 : i32
      %dma_start3A_210 = tpu.memref_slice %arg8[%add3A_18, %dma_start3A_209] : memref<10112x16xf32, #tpu.memory_space<vmem_shared>> -> memref<128x16xf32, #tpu.memory_space<vmem_shared>>
      %dma_start3A_211 = arith.constant 0 : i32
      %dma_start3A_212 = arith.constant 0 : i32
      %dma_start3A_213 = tpu.memref_slice %arg27[%dma_start3A_211, %dma_start3A_212] : memref<128x16xf32, #tpu.memory_space<vmem>> -> memref<128x16xf32, #tpu.memory_space<vmem>>
      tpu.enqueue_dma source(%dma_start3A_213 : memref<128x16xf32, #tpu.memory_space<vmem>>) target(%dma_start3A_210 : memref<128x16xf32, #tpu.memory_space<vmem_shared>>) target_semaphore(%run_scoped3A : memref<!tpu.dma_semaphore, #tpu.memory_space<semaphore_mem>>)
      %dma_wait3A = arith.constant 0 : i32
      %dma_wait3A_214 = arith.constant 0 : i32
      %dma_wait3A_215 = tpu.memref_slice %arg27[%dma_wait3A, %dma_wait3A_214] : memref<128x16xf32, #tpu.memory_space<vmem>> -> memref<128x16xf32, #tpu.memory_space<vmem>>
      %dma_wait3A_216 = arith.constant 0 : i32
      %dma_wait3A_217 = tpu.memref_slice %arg8[%add3A_18, %dma_wait3A_216] : memref<10112x16xf32, #tpu.memory_space<vmem_shared>> -> memref<128x16xf32, #tpu.memory_space<vmem_shared>>
      %dma_wait3A_218 = arith.constant 0 : i32
      %dma_wait3A_219 = tpu.memref_slice %arg8[%add3A_18, %dma_wait3A_218] : memref<10112x16xf32, #tpu.memory_space<vmem_shared>> -> memref<128x16xf32, #tpu.memory_space<vmem_shared>>
      %dma_wait3A_220 = arith.constant 0 : i32
      %dma_wait3A_221 = arith.constant 0 : i32
      %dma_wait3A_222 = tpu.memref_slice %arg27[%dma_wait3A_220, %dma_wait3A_221] : memref<128x16xf32, #tpu.memory_space<vmem>> -> memref<128x16xf32, #tpu.memory_space<vmem>>
      tpu.wait_dma2 semaphore(%run_scoped3A : memref<!tpu.dma_semaphore, #tpu.memory_space<semaphore_mem>>) src(%dma_wait3A_222 : memref<128x16xf32, #tpu.memory_space<vmem>>) dst(%dma_wait3A_219 : memref<128x16xf32, #tpu.memory_space<vmem_shared>>)
      tpu.yield
    }) : () -> ()
    %mul3A_19 = arith.constant 632 : i32
    %mul3A_20 = arith.muli %arg1, %mul3A_19 : i32
    %add3A_21 = arith.constant 384 : i32
    %add3A_22 = arith.addi %mul3A_20, %add3A_21 : i32
    "tpu.region"() ({
      %run_scoped3A = tpu.sem_alloc : memref<!tpu.dma_semaphore, #tpu.memory_space<semaphore_mem>>
      %dma_start3A_204 = arith.constant 0 : i32
      %dma_start3A_205 = arith.constant 0 : i32
      %dma_start3A_206 = tpu.memref_slice %arg27[%dma_start3A_204, %dma_start3A_205] : memref<128x16xf32, #tpu.memory_space<vmem>> -> memref<128x16xf32, #tpu.memory_space<vmem>>
      %dma_start3A_207 = arith.constant 0 : i32
      %dma_start3A_208 = tpu.memref_slice %arg8[%add3A_22, %dma_start3A_207] : memref<10112x16xf32, #tpu.memory_space<vmem_shared>> -> memref<128x16xf32, #tpu.memory_space<vmem_shared>>
      %dma_start3A_209 = arith.constant 0 : i32
      %dma_start3A_210 = tpu.memref_slice %arg8[%add3A_22, %dma_start3A_209] : memref<10112x16xf32, #tpu.memory_space<vmem_shared>> -> memref<128x16xf32, #tpu.memory_space<vmem_shared>>
      %dma_start3A_211 = arith.constant 0 : i32
      %dma_start3A_212 = arith.constant 0 : i32
      %dma_start3A_213 = tpu.memref_slice %arg27[%dma_start3A_211, %dma_start3A_212] : memref<128x16xf32, #tpu.memory_space<vmem>> -> memref<128x16xf32, #tpu.memory_space<vmem>>
      tpu.enqueue_dma source(%dma_start3A_213 : memref<128x16xf32, #tpu.memory_space<vmem>>) target(%dma_start3A_210 : memref<128x16xf32, #tpu.memory_space<vmem_shared>>) target_semaphore(%run_scoped3A : memref<!tpu.dma_semaphore, #tpu.memory_space<semaphore_mem>>)
      %dma_wait3A = arith.constant 0 : i32
      %dma_wait3A_214 = arith.constant 0 : i32
      %dma_wait3A_215 = tpu.memref_slice %arg27[%dma_wait3A, %dma_wait3A_214] : memref<128x16xf32, #tpu.memory_space<vmem>> -> memref<128x16xf32, #tpu.memory_space<vmem>>
      %dma_wait3A_216 = arith.constant 0 : i32
      %dma_wait3A_217 = tpu.memref_slice %arg8[%add3A_22, %dma_wait3A_216] : memref<10112x16xf32, #tpu.memory_space<vmem_shared>> -> memref<128x16xf32, #tpu.memory_space<vmem_shared>>
      %dma_wait3A_218 = arith.constant 0 : i32
      %dma_wait3A_219 = tpu.memref_slice %arg8[%add3A_22, %dma_wait3A_218] : memref<10112x16xf32, #tpu.memory_space<vmem_shared>> -> memref<128x16xf32, #tpu.memory_space<vmem_shared>>
      %dma_wait3A_220 = arith.constant 0 : i32
      %dma_wait3A_221 = arith.constant 0 : i32
      %dma_wait3A_222 = tpu.memref_slice %arg27[%dma_wait3A_220, %dma_wait3A_221] : memref<128x16xf32, #tpu.memory_space<vmem>> -> memref<128x16xf32, #tpu.memory_space<vmem>>
      tpu.wait_dma2 semaphore(%run_scoped3A : memref<!tpu.dma_semaphore, #tpu.memory_space<semaphore_mem>>) src(%dma_wait3A_222 : memref<128x16xf32, #tpu.memory_space<vmem>>) dst(%dma_wait3A_219 : memref<128x16xf32, #tpu.memory_space<vmem_shared>>)
      tpu.yield
    }) : () -> ()
    %mul3A_23 = arith.constant 632 : i32
    %mul3A_24 = arith.muli %arg1, %mul3A_23 : i32
    %add3A_25 = arith.constant 512 : i32
    %add3A_26 = arith.addi %mul3A_24, %add3A_25 : i32
    "tpu.region"() ({
      %run_scoped3A = tpu.sem_alloc : memref<!tpu.dma_semaphore, #tpu.memory_space<semaphore_mem>>
      %dma_start3A_204 = arith.constant 0 : i32
      %dma_start3A_205 = arith.constant 0 : i32
      %dma_start3A_206 = tpu.memref_slice %arg27[%dma_start3A_204, %dma_start3A_205] : memref<128x16xf32, #tpu.memory_space<vmem>> -> memref<120x16xf32, #tpu.memory_space<vmem>>
      %dma_start3A_207 = arith.constant 0 : i32
      %dma_start3A_208 = tpu.memref_slice %arg8[%add3A_26, %dma_start3A_207] : memref<10112x16xf32, #tpu.memory_space<vmem_shared>> -> memref<120x16xf32, #tpu.memory_space<vmem_shared>>
      %dma_start3A_209 = arith.constant 0 : i32
      %dma_start3A_210 = tpu.memref_slice %arg8[%add3A_26, %dma_start3A_209] : memref<10112x16xf32, #tpu.memory_space<vmem_shared>> -> memref<120x16xf32, #tpu.memory_space<vmem_shared>>
      %dma_start3A_211 = arith.constant 0 : i32
      %dma_start3A_212 = arith.constant 0 : i32
      %dma_start3A_213 = tpu.memref_slice %arg27[%dma_start3A_211, %dma_start3A_212] : memref<128x16xf32, #tpu.memory_space<vmem>> -> memref<120x16xf32, #tpu.memory_space<vmem>>
      tpu.enqueue_dma source(%dma_start3A_213 : memref<120x16xf32, #tpu.memory_space<vmem>>) target(%dma_start3A_210 : memref<120x16xf32, #tpu.memory_space<vmem_shared>>) target_semaphore(%run_scoped3A : memref<!tpu.dma_semaphore, #tpu.memory_space<semaphore_mem>>)
      %dma_wait3A = arith.constant 0 : i32
      %dma_wait3A_214 = arith.constant 0 : i32
      %dma_wait3A_215 = tpu.memref_slice %arg27[%dma_wait3A, %dma_wait3A_214] : memref<128x16xf32, #tpu.memory_space<vmem>> -> memref<120x16xf32, #tpu.memory_space<vmem>>
      %dma_wait3A_216 = arith.constant 0 : i32
      %dma_wait3A_217 = tpu.memref_slice %arg8[%add3A_26, %dma_wait3A_216] : memref<10112x16xf32, #tpu.memory_space<vmem_shared>> -> memref<120x16xf32, #tpu.memory_space<vmem_shared>>
      %dma_wait3A_218 = arith.constant 0 : i32
      %dma_wait3A_219 = tpu.memref_slice %arg8[%add3A_26, %dma_wait3A_218] : memref<10112x16xf32, #tpu.memory_space<vmem_shared>> -> memref<120x16xf32, #tpu.memory_space<vmem_shared>>
      %dma_wait3A_220 = arith.constant 0 : i32
      %dma_wait3A_221 = arith.constant 0 : i32
      %dma_wait3A_222 = tpu.memref_slice %arg27[%dma_wait3A_220, %dma_wait3A_221] : memref<128x16xf32, #tpu.memory_space<vmem>> -> memref<120x16xf32, #tpu.memory_space<vmem>>
      tpu.wait_dma2 semaphore(%run_scoped3A : memref<!tpu.dma_semaphore, #tpu.memory_space<semaphore_mem>>) src(%dma_wait3A_222 : memref<120x16xf32, #tpu.memory_space<vmem>>) dst(%dma_wait3A_219 : memref<120x16xf32, #tpu.memory_space<vmem_shared>>)
      tpu.yield
    }) : () -> ()
    "tpu.region"() ({
      %run_scoped3A = tpu.sem_alloc : memref<!tpu.dma_semaphore, #tpu.memory_space<semaphore_mem>>
      tpu.enqueue_dma source(%arg5 : memref<10000xf32, #tpu.memory_space<hbm>>) target(%arg9 : memref<10000xf32, #tpu.memory_space<vmem>>) target_semaphore(%run_scoped3A : memref<!tpu.dma_semaphore, #tpu.memory_space<semaphore_mem>>)
      tpu.wait_dma2 semaphore(%run_scoped3A : memref<!tpu.dma_semaphore, #tpu.memory_space<semaphore_mem>>) src(%arg5 : memref<10000xf32, #tpu.memory_space<hbm>>) dst(%arg9 : memref<10000xf32, #tpu.memory_space<vmem>>)
      tpu.yield
    }) : () -> ()
    "tpu.region"() ({
      %run_scoped3A = tpu.sem_alloc : memref<!tpu.dma_semaphore, #tpu.memory_space<semaphore_mem>>
      tpu.enqueue_dma source(%arg6 : memref<10000xf32, #tpu.memory_space<hbm>>) target(%arg10 : memref<10000xf32, #tpu.memory_space<vmem>>) target_semaphore(%run_scoped3A : memref<!tpu.dma_semaphore, #tpu.memory_space<semaphore_mem>>)
      tpu.wait_dma2 semaphore(%run_scoped3A : memref<!tpu.dma_semaphore, #tpu.memory_space<semaphore_mem>>) src(%arg6 : memref<10000xf32, #tpu.memory_space<hbm>>) dst(%arg10 : memref<10000xf32, #tpu.memory_space<vmem>>)
      tpu.yield
    }) : () -> ()
    %iota3A = tpu.iota {dimensions = array<i32: 0>} : vector<16xi32>
    %eq3A = arith.constant 4 : i32
    %eq3A_27 = vector.broadcast %eq3A : i32 to vector<16xi32>
    %eq3A_28 = arith.cmpi eq, %iota3A, %eq3A_27 : vector<16xi32>
    %jit3A = arith.constant 1.000000e+00 : f32
    %jit3A_29 = arith.constant 0.000000e+00 : f32
    %broadcast_in_dim3A_30 = vector.broadcast %jit3A : f32 to vector<16xf32>
    %broadcast_in_dim3A_31 = vector.broadcast %jit3A_29 : f32 to vector<16xf32>
    %select_n3A = arith.select %eq3A_28, %broadcast_in_dim3A_30, %broadcast_in_dim3A_31 : vector<16xi1>, vector<16xf32>
    %scan3A_32 = arith.constant 0 : i32
    %scan3A_33 = arith.constant 0 : i32
    %scan3A_34 = arith.constant 128 : i32
    %scan3A_35 = arith.addi %scan3A_33, %scan3A_34 : i32
    %scan3A_36 = arith.constant 1 : i32
    scf.for %scan3A_204 = %scan3A_33 to %scan3A_35 step %scan3A_36  : i32 {
      %swap3A = arith.index_cast %scan3A_204 : i32 to index
      %swap3A_205 = arith.constant 0 : index
      %swap3A_206 = tpu.vector_load %arg27[%swap3A, %swap3A_205] {strides = array<i32>} : memref<128x16xf32, #tpu.memory_space<vmem>>, vector<16xf32>,
      tpu.vector_store %arg27[%swap3A, %swap3A_205], %select_n3A {strides = array<i32>} : memref<128x16xf32, #tpu.memory_space<vmem>>, vector<16xf32>,
      %swap3A_207 = arith.index_cast %scan3A_204 : i32 to index
      %swap3A_208 = arith.constant 0 : index
      %swap3A_209 = tpu.vector_load %arg28[%swap3A_207, %swap3A_208] {strides = array<i32>} : memref<128x16xf32, #tpu.memory_space<vmem>>, vector<16xf32>,
      tpu.vector_store %arg28[%swap3A_207, %swap3A_208], %select_n3A {strides = array<i32>} : memref<128x16xf32, #tpu.memory_space<vmem>>, vector<16xf32>,
    }
    %scan3A_37 = arith.constant 128 : i32
    %barrier3A = arith.constant 0 : index
    tpu.barrier barrier_id(%barrier3A)
    %add3A_38 = arith.constant 0 : i32
    %add3A_39 = arith.addi %add3A_38, %add3A : i32
    %dma_start3A = arith.constant 0 : i32
    %dma_start3A_40 = tpu.memref_slice %arg3[%add3A_39, %dma_start3A] : memref<2500x128xi32, #tpu.memory_space<hbm>> -> memref<1x128xi32, #tpu.memory_space<hbm>>
    %dma_start3A_41 = tpu.memref_squeeze %dma_start3A_40 : memref<1x128xi32, #tpu.memory_space<hbm>> -> memref<128xi32, #tpu.memory_space<hbm>>
    %dma_start3A_42 = arith.constant 0 : i32
    %dma_start3A_43 = tpu.memref_slice %arg3[%add3A_39, %dma_start3A_42] : memref<2500x128xi32, #tpu.memory_space<hbm>> -> memref<1x128xi32, #tpu.memory_space<hbm>>
    %dma_start3A_44 = tpu.memref_squeeze %dma_start3A_43 : memref<1x128xi32, #tpu.memory_space<hbm>> -> memref<128xi32, #tpu.memory_space<hbm>>
    tpu.enqueue_dma source(%dma_start3A_44 : memref<128xi32, #tpu.memory_space<hbm>>) target(%arg29 : memref<128xi32, #tpu.memory_space<vmem>>) target_semaphore(%arg33 : memref<!tpu.dma_semaphore, #tpu.memory_space<semaphore_mem>>)
    %dma_start3A_45 = arith.constant 0 : i32
    %dma_start3A_46 = tpu.memref_slice %arg4[%add3A_39, %dma_start3A_45] : memref<2500x128xi32, #tpu.memory_space<hbm>> -> memref<1x128xi32, #tpu.memory_space<hbm>>
    %dma_start3A_47 = tpu.memref_squeeze %dma_start3A_46 : memref<1x128xi32, #tpu.memory_space<hbm>> -> memref<128xi32, #tpu.memory_space<hbm>>
    %dma_start3A_48 = arith.constant 0 : i32
    %dma_start3A_49 = tpu.memref_slice %arg4[%add3A_39, %dma_start3A_48] : memref<2500x128xi32, #tpu.memory_space<hbm>> -> memref<1x128xi32, #tpu.memory_space<hbm>>
    %dma_start3A_50 = tpu.memref_squeeze %dma_start3A_49 : memref<1x128xi32, #tpu.memory_space<hbm>> -> memref<128xi32, #tpu.memory_space<hbm>>
    tpu.enqueue_dma source(%dma_start3A_50 : memref<128xi32, #tpu.memory_space<hbm>>) target(%arg31 : memref<128xi32, #tpu.memory_space<vmem>>) target_semaphore(%arg33 : memref<!tpu.dma_semaphore, #tpu.memory_space<semaphore_mem>>)
    %mul3A_51 = arith.constant 128 : i32
    %mul3A_52 = arith.muli %add3A_39, %mul3A_51 : i32
    %dma_start3A_53 = arith.constant 0 : i32
    %dma_start3A_54 = tpu.memref_slice %arg2[%dma_start3A_53, %mul3A_52] : memref<8x320000xf32, #tpu.memory_space<hbm>> -> memref<1x128xf32, #tpu.memory_space<hbm>>
    %dma_start3A_55 = tpu.memref_squeeze %dma_start3A_54 : memref<1x128xf32, #tpu.memory_space<hbm>> -> memref<128xf32, #tpu.memory_space<hbm>>
    %dma_start3A_56 = tpu.memref_slice %arg2[%dma_start3A_53, %mul3A_52] : memref<8x320000xf32, #tpu.memory_space<hbm>> -> memref<1x128xf32, #tpu.memory_space<hbm>>
    %dma_start3A_57 = tpu.memref_squeeze %dma_start3A_56 : memref<1x128xf32, #tpu.memory_space<hbm>> -> memref<128xf32, #tpu.memory_space<hbm>>
    tpu.enqueue_dma source(%dma_start3A_57 : memref<128xf32, #tpu.memory_space<hbm>>) target(%arg11 : memref<128xf32, #tpu.memory_space<vmem>>) target_semaphore(%arg33 : memref<!tpu.dma_semaphore, #tpu.memory_space<semaphore_mem>>)
    %mul3A_58 = arith.constant 128 : i32
    %mul3A_59 = arith.muli %add3A_39, %mul3A_58 : i32
    %dma_start3A_60 = arith.constant 1 : i32
    %dma_start3A_61 = tpu.memref_slice %arg2[%dma_start3A_60, %mul3A_59] : memref<8x320000xf32, #tpu.memory_space<hbm>> -> memref<1x128xf32, #tpu.memory_space<hbm>>
    %dma_start3A_62 = tpu.memref_squeeze %dma_start3A_61 : memref<1x128xf32, #tpu.memory_space<hbm>> -> memref<128xf32, #tpu.memory_space<hbm>>
    %dma_start3A_63 = tpu.memref_slice %arg2[%dma_start3A_60, %mul3A_59] : memref<8x320000xf32, #tpu.memory_space<hbm>> -> memref<1x128xf32, #tpu.memory_space<hbm>>
    %dma_start3A_64 = tpu.memref_squeeze %dma_start3A_63 : memref<1x128xf32, #tpu.memory_space<hbm>> -> memref<128xf32, #tpu.memory_space<hbm>>
    tpu.enqueue_dma source(%dma_start3A_64 : memref<128xf32, #tpu.memory_space<hbm>>) target(%arg12 : memref<128xf32, #tpu.memory_space<vmem>>) target_semaphore(%arg33 : memref<!tpu.dma_semaphore, #tpu.memory_space<semaphore_mem>>)
    %mul3A_65 = arith.constant 128 : i32
    %mul3A_66 = arith.muli %add3A_39, %mul3A_65 : i32
    %dma_start3A_67 = arith.constant 2 : i32
    %dma_start3A_68 = tpu.memref_slice %arg2[%dma_start3A_67, %mul3A_66] : memref<8x320000xf32, #tpu.memory_space<hbm>> -> memref<1x128xf32, #tpu.memory_space<hbm>>
    %dma_start3A_69 = tpu.memref_squeeze %dma_start3A_68 : memref<1x128xf32, #tpu.memory_space<hbm>> -> memref<128xf32, #tpu.memory_space<hbm>>
    %dma_start3A_70 = tpu.memref_slice %arg2[%dma_start3A_67, %mul3A_66] : memref<8x320000xf32, #tpu.memory_space<hbm>> -> memref<1x128xf32, #tpu.memory_space<hbm>>
    %dma_start3A_71 = tpu.memref_squeeze %dma_start3A_70 : memref<1x128xf32, #tpu.memory_space<hbm>> -> memref<128xf32, #tpu.memory_space<hbm>>
    tpu.enqueue_dma source(%dma_start3A_71 : memref<128xf32, #tpu.memory_space<hbm>>) target(%arg13 : memref<128xf32, #tpu.memory_space<vmem>>) target_semaphore(%arg33 : memref<!tpu.dma_semaphore, #tpu.memory_space<semaphore_mem>>)
    %mul3A_72 = arith.constant 128 : i32
    %mul3A_73 = arith.muli %add3A_39, %mul3A_72 : i32
    %dma_start3A_74 = arith.constant 3 : i32
    %dma_start3A_75 = tpu.memref_slice %arg2[%dma_start3A_74, %mul3A_73] : memref<8x320000xf32, #tpu.memory_space<hbm>> -> memref<1x128xf32, #tpu.memory_space<hbm>>
    %dma_start3A_76 = tpu.memref_squeeze %dma_start3A_75 : memref<1x128xf32, #tpu.memory_space<hbm>> -> memref<128xf32, #tpu.memory_space<hbm>>
    %dma_start3A_77 = tpu.memref_slice %arg2[%dma_start3A_74, %mul3A_73] : memref<8x320000xf32, #tpu.memory_space<hbm>> -> memref<1x128xf32, #tpu.memory_space<hbm>>
    %dma_start3A_78 = tpu.memref_squeeze %dma_start3A_77 : memref<1x128xf32, #tpu.memory_space<hbm>> -> memref<128xf32, #tpu.memory_space<hbm>>
    tpu.enqueue_dma source(%dma_start3A_78 : memref<128xf32, #tpu.memory_space<hbm>>) target(%arg14 : memref<128xf32, #tpu.memory_space<vmem>>) target_semaphore(%arg33 : memref<!tpu.dma_semaphore, #tpu.memory_space<semaphore_mem>>)
    %mul3A_79 = arith.constant 128 : i32
    %mul3A_80 = arith.muli %add3A_39, %mul3A_79 : i32
    %dma_start3A_81 = arith.constant 4 : i32
    %dma_start3A_82 = tpu.memref_slice %arg2[%dma_start3A_81, %mul3A_80] : memref<8x320000xf32, #tpu.memory_space<hbm>> -> memref<1x128xf32, #tpu.memory_space<hbm>>
    %dma_start3A_83 = tpu.memref_squeeze %dma_start3A_82 : memref<1x128xf32, #tpu.memory_space<hbm>> -> memref<128xf32, #tpu.memory_space<hbm>>
    %dma_start3A_84 = tpu.memref_slice %arg2[%dma_start3A_81, %mul3A_80] : memref<8x320000xf32, #tpu.memory_space<hbm>> -> memref<1x128xf32, #tpu.memory_space<hbm>>
    %dma_start3A_85 = tpu.memref_squeeze %dma_start3A_84 : memref<1x128xf32, #tpu.memory_space<hbm>> -> memref<128xf32, #tpu.memory_space<hbm>>
    tpu.enqueue_dma source(%dma_start3A_85 : memref<128xf32, #tpu.memory_space<hbm>>) target(%arg15 : memref<128xf32, #tpu.memory_space<vmem>>) target_semaphore(%arg33 : memref<!tpu.dma_semaphore, #tpu.memory_space<semaphore_mem>>)
    %mul3A_86 = arith.constant 128 : i32
    %mul3A_87 = arith.muli %add3A_39, %mul3A_86 : i32
    %dma_start3A_88 = arith.constant 5 : i32
    %dma_start3A_89 = tpu.memref_slice %arg2[%dma_start3A_88, %mul3A_87] : memref<8x320000xf32, #tpu.memory_space<hbm>> -> memref<1x128xf32, #tpu.memory_space<hbm>>
    %dma_start3A_90 = tpu.memref_squeeze %dma_start3A_89 : memref<1x128xf32, #tpu.memory_space<hbm>> -> memref<128xf32, #tpu.memory_space<hbm>>
    %dma_start3A_91 = tpu.memref_slice %arg2[%dma_start3A_88, %mul3A_87] : memref<8x320000xf32, #tpu.memory_space<hbm>> -> memref<1x128xf32, #tpu.memory_space<hbm>>
    %dma_start3A_92 = tpu.memref_squeeze %dma_start3A_91 : memref<1x128xf32, #tpu.memory_space<hbm>> -> memref<128xf32, #tpu.memory_space<hbm>>
    tpu.enqueue_dma source(%dma_start3A_92 : memref<128xf32, #tpu.memory_space<hbm>>) target(%arg16 : memref<128xf32, #tpu.memory_space<vmem>>) target_semaphore(%arg33 : memref<!tpu.dma_semaphore, #tpu.memory_space<semaphore_mem>>)
    %mul3A_93 = arith.constant 128 : i32
    %mul3A_94 = arith.muli %add3A_39, %mul3A_93 : i32
    %dma_start3A_95 = arith.constant 6 : i32
    %dma_start3A_96 = tpu.memref_slice %arg2[%dma_start3A_95, %mul3A_94] : memref<8x320000xf32, #tpu.memory_space<hbm>> -> memref<1x128xf32, #tpu.memory_space<hbm>>
    %dma_start3A_97 = tpu.memref_squeeze %dma_start3A_96 : memref<1x128xf32, #tpu.memory_space<hbm>> -> memref<128xf32, #tpu.memory_space<hbm>>
    %dma_start3A_98 = tpu.memref_slice %arg2[%dma_start3A_95, %mul3A_94] : memref<8x320000xf32, #tpu.memory_space<hbm>> -> memref<1x128xf32, #tpu.memory_space<hbm>>
    %dma_start3A_99 = tpu.memref_squeeze %dma_start3A_98 : memref<1x128xf32, #tpu.memory_space<hbm>> -> memref<128xf32, #tpu.memory_space<hbm>>
    tpu.enqueue_dma source(%dma_start3A_99 : memref<128xf32, #tpu.memory_space<hbm>>) target(%arg17 : memref<128xf32, #tpu.memory_space<vmem>>) target_semaphore(%arg33 : memref<!tpu.dma_semaphore, #tpu.memory_space<semaphore_mem>>)
    %mul3A_100 = arith.constant 128 : i32
    %mul3A_101 = arith.muli %add3A_39, %mul3A_100 : i32
    %dma_start3A_102 = arith.constant 7 : i32
    %dma_start3A_103 = tpu.memref_slice %arg2[%dma_start3A_102, %mul3A_101] : memref<8x320000xf32, #tpu.memory_space<hbm>> -> memref<1x128xf32, #tpu.memory_space<hbm>>
    %dma_start3A_104 = tpu.memref_squeeze %dma_start3A_103 : memref<1x128xf32, #tpu.memory_space<hbm>> -> memref<128xf32, #tpu.memory_space<hbm>>
    %dma_start3A_105 = tpu.memref_slice %arg2[%dma_start3A_102, %mul3A_101] : memref<8x320000xf32, #tpu.memory_space<hbm>> -> memref<1x128xf32, #tpu.memory_space<hbm>>
    %dma_start3A_106 = tpu.memref_squeeze %dma_start3A_105 : memref<1x128xf32, #tpu.memory_space<hbm>> -> memref<128xf32, #tpu.memory_space<hbm>>
    tpu.enqueue_dma source(%dma_start3A_106 : memref<128xf32, #tpu.memory_space<hbm>>) target(%arg18 : memref<128xf32, #tpu.memory_space<vmem>>) target_semaphore(%arg33 : memref<!tpu.dma_semaphore, #tpu.memory_space<semaphore_mem>>)
    %add3A_107 = arith.constant 32 : i32
    %add3A_108 = arith.addi %add3A_107, %add3A : i32
    %dma_start3A_109 = arith.constant 0 : i32
    %dma_start3A_110 = tpu.memref_slice %arg3[%add3A_108, %dma_start3A_109] : memref<2500x128xi32, #tpu.memory_space<hbm>> -> memref<1x128xi32, #tpu.memory_space<hbm>>
    %dma_start3A_111 = tpu.memref_squeeze %dma_start3A_110 : memref<1x128xi32, #tpu.memory_space<hbm>> -> memref<128xi32, #tpu.memory_space<hbm>>
    %dma_start3A_112 = arith.constant 0 : i32
    %dma_start3A_113 = tpu.memref_slice %arg3[%add3A_108, %dma_start3A_112] : memref<2500x128xi32, #tpu.memory_space<hbm>> -> memref<1x128xi32, #tpu.memory_space<hbm>>
    %dma_start3A_114 = tpu.memref_squeeze %dma_start3A_113 : memref<1x128xi32, #tpu.memory_space<hbm>> -> memref<128xi32, #tpu.memory_space<hbm>>
    tpu.enqueue_dma source(%dma_start3A_114 : memref<128xi32, #tpu.memory_space<hbm>>) target(%arg30 : memref<128xi32, #tpu.memory_space<vmem>>) target_semaphore(%arg34 : memref<!tpu.dma_semaphore, #tpu.memory_space<semaphore_mem>>)
    %dma_start3A_115 = arith.constant 0 : i32
    %dma_start3A_116 = tpu.memref_slice %arg4[%add3A_108, %dma_start3A_115] : memref<2500x128xi32, #tpu.memory_space<hbm>> -> memref<1x128xi32, #tpu.memory_space<hbm>>
    %dma_start3A_117 = tpu.memref_squeeze %dma_start3A_116 : memref<1x128xi32, #tpu.memory_space<hbm>> -> memref<128xi32, #tpu.memory_space<hbm>>
    %dma_start3A_118 = arith.constant 0 : i32
    %dma_start3A_119 = tpu.memref_slice %arg4[%add3A_108, %dma_start3A_118] : memref<2500x128xi32, #tpu.memory_space<hbm>> -> memref<1x128xi32, #tpu.memory_space<hbm>>
    %dma_start3A_120 = tpu.memref_squeeze %dma_start3A_119 : memref<1x128xi32, #tpu.memory_space<hbm>> -> memref<128xi32, #tpu.memory_space<hbm>>
    tpu.enqueue_dma source(%dma_start3A_120 : memref<128xi32, #tpu.memory_space<hbm>>) target(%arg32 : memref<128xi32, #tpu.memory_space<vmem>>) target_semaphore(%arg34 : memref<!tpu.dma_semaphore, #tpu.memory_space<semaphore_mem>>)
    %mul3A_121 = arith.constant 128 : i32
    %mul3A_122 = arith.muli %add3A_108, %mul3A_121 : i32
    %dma_start3A_123 = arith.constant 0 : i32
    %dma_start3A_124 = tpu.memref_slice %arg2[%dma_start3A_123, %mul3A_122] : memref<8x320000xf32, #tpu.memory_space<hbm>> -> memref<1x128xf32, #tpu.memory_space<hbm>>
    %dma_start3A_125 = tpu.memref_squeeze %dma_start3A_124 : memref<1x128xf32, #tpu.memory_space<hbm>> -> memref<128xf32, #tpu.memory_space<hbm>>
    %dma_start3A_126 = tpu.memref_slice %arg2[%dma_start3A_123, %mul3A_122] : memref<8x320000xf32, #tpu.memory_space<hbm>> -> memref<1x128xf32, #tpu.memory_space<hbm>>
    %dma_start3A_127 = tpu.memref_squeeze %dma_start3A_126 : memref<1x128xf32, #tpu.memory_space<hbm>> -> memref<128xf32, #tpu.memory_space<hbm>>
    tpu.enqueue_dma source(%dma_start3A_127 : memref<128xf32, #tpu.memory_space<hbm>>) target(%arg19 : memref<128xf32, #tpu.memory_space<vmem>>) target_semaphore(%arg34 : memref<!tpu.dma_semaphore, #tpu.memory_space<semaphore_mem>>)
    %mul3A_128 = arith.constant 128 : i32
    %mul3A_129 = arith.muli %add3A_108, %mul3A_128 : i32
    %dma_start3A_130 = arith.constant 1 : i32
    %dma_start3A_131 = tpu.memref_slice %arg2[%dma_start3A_130, %mul3A_129] : memref<8x320000xf32, #tpu.memory_space<hbm>> -> memref<1x128xf32, #tpu.memory_space<hbm>>
    %dma_start3A_132 = tpu.memref_squeeze %dma_start3A_131 : memref<1x128xf32, #tpu.memory_space<hbm>> -> memref<128xf32, #tpu.memory_space<hbm>>
    %dma_start3A_133 = tpu.memref_slice %arg2[%dma_start3A_130, %mul3A_129] : memref<8x320000xf32, #tpu.memory_space<hbm>> -> memref<1x128xf32, #tpu.memory_space<hbm>>
    %dma_start3A_134 = tpu.memref_squeeze %dma_start3A_133 : memref<1x128xf32, #tpu.memory_space<hbm>> -> memref<128xf32, #tpu.memory_space<hbm>>
    tpu.enqueue_dma source(%dma_start3A_134 : memref<128xf32, #tpu.memory_space<hbm>>) target(%arg20 : memref<128xf32, #tpu.memory_space<vmem>>) target_semaphore(%arg34 : memref<!tpu.dma_semaphore, #tpu.memory_space<semaphore_mem>>)
    %mul3A_135 = arith.constant 128 : i32
    %mul3A_136 = arith.muli %add3A_108, %mul3A_135 : i32
    %dma_start3A_137 = arith.constant 2 : i32
    %dma_start3A_138 = tpu.memref_slice %arg2[%dma_start3A_137, %mul3A_136] : memref<8x320000xf32, #tpu.memory_space<hbm>> -> memref<1x128xf32, #tpu.memory_space<hbm>>
    %dma_start3A_139 = tpu.memref_squeeze %dma_start3A_138 : memref<1x128xf32, #tpu.memory_space<hbm>> -> memref<128xf32, #tpu.memory_space<hbm>>
    %dma_start3A_140 = tpu.memref_slice %arg2[%dma_start3A_137, %mul3A_136] : memref<8x320000xf32, #tpu.memory_space<hbm>> -> memref<1x128xf32, #tpu.memory_space<hbm>>
    %dma_start3A_141 = tpu.memref_squeeze %dma_start3A_140 : memref<1x128xf32, #tpu.memory_space<hbm>> -> memref<128xf32, #tpu.memory_space<hbm>>
    tpu.enqueue_dma source(%dma_start3A_141 : memref<128xf32, #tpu.memory_space<hbm>>) target(%arg21 : memref<128xf32, #tpu.memory_space<vmem>>) target_semaphore(%arg34 : memref<!tpu.dma_semaphore, #tpu.memory_space<semaphore_mem>>)
    %mul3A_142 = arith.constant 128 : i32
    %mul3A_143 = arith.muli %add3A_108, %mul3A_142 : i32
    %dma_start3A_144 = arith.constant 3 : i32
    %dma_start3A_145 = tpu.memref_slice %arg2[%dma_start3A_144, %mul3A_143] : memref<8x320000xf32, #tpu.memory_space<hbm>> -> memref<1x128xf32, #tpu.memory_space<hbm>>
    %dma_start3A_146 = tpu.memref_squeeze %dma_start3A_145 : memref<1x128xf32, #tpu.memory_space<hbm>> -> memref<128xf32, #tpu.memory_space<hbm>>
    %dma_start3A_147 = tpu.memref_slice %arg2[%dma_start3A_144, %mul3A_143] : memref<8x320000xf32, #tpu.memory_space<hbm>> -> memref<1x128xf32, #tpu.memory_space<hbm>>
    %dma_start3A_148 = tpu.memref_squeeze %dma_start3A_147 : memref<1x128xf32, #tpu.memory_space<hbm>> -> memref<128xf32, #tpu.memory_space<hbm>>
    tpu.enqueue_dma source(%dma_start3A_148 : memref<128xf32, #tpu.memory_space<hbm>>) target(%arg22 : memref<128xf32, #tpu.memory_space<vmem>>) target_semaphore(%arg34 : memref<!tpu.dma_semaphore, #tpu.memory_space<semaphore_mem>>)
    %mul3A_149 = arith.constant 128 : i32
    %mul3A_150 = arith.muli %add3A_108, %mul3A_149 : i32
    %dma_start3A_151 = arith.constant 4 : i32
    %dma_start3A_152 = tpu.memref_slice %arg2[%dma_start3A_151, %mul3A_150] : memref<8x320000xf32, #tpu.memory_space<hbm>> -> memref<1x128xf32, #tpu.memory_space<hbm>>
    %dma_start3A_153 = tpu.memref_squeeze %dma_start3A_152 : memref<1x128xf32, #tpu.memory_space<hbm>> -> memref<128xf32, #tpu.memory_space<hbm>>
    %dma_start3A_154 = tpu.memref_slice %arg2[%dma_start3A_151, %mul3A_150] : memref<8x320000xf32, #tpu.memory_space<hbm>> -> memref<1x128xf32, #tpu.memory_space<hbm>>
    %dma_start3A_155 = tpu.memref_squeeze %dma_start3A_154 : memref<1x128xf32, #tpu.memory_space<hbm>> -> memref<128xf32, #tpu.memory_space<hbm>>
    tpu.enqueue_dma source(%dma_start3A_155 : memref<128xf32, #tpu.memory_space<hbm>>) target(%arg23 : memref<128xf32, #tpu.memory_space<vmem>>) target_semaphore(%arg34 : memref<!tpu.dma_semaphore, #tpu.memory_space<semaphore_mem>>)
    %mul3A_156 = arith.constant 128 : i32
    %mul3A_157 = arith.muli %add3A_108, %mul3A_156 : i32
    %dma_start3A_158 = arith.constant 5 : i32
    %dma_start3A_159 = tpu.memref_slice %arg2[%dma_start3A_158, %mul3A_157] : memref<8x320000xf32, #tpu.memory_space<hbm>> -> memref<1x128xf32, #tpu.memory_space<hbm>>
    %dma_start3A_160 = tpu.memref_squeeze %dma_start3A_159 : memref<1x128xf32, #tpu.memory_space<hbm>> -> memref<128xf32, #tpu.memory_space<hbm>>
    %dma_start3A_161 = tpu.memref_slice %arg2[%dma_start3A_158, %mul3A_157] : memref<8x320000xf32, #tpu.memory_space<hbm>> -> memref<1x128xf32, #tpu.memory_space<hbm>>
    %dma_start3A_162 = tpu.memref_squeeze %dma_start3A_161 : memref<1x128xf32, #tpu.memory_space<hbm>> -> memref<128xf32, #tpu.memory_space<hbm>>
    tpu.enqueue_dma source(%dma_start3A_162 : memref<128xf32, #tpu.memory_space<hbm>>) target(%arg24 : memref<128xf32, #tpu.memory_space<vmem>>) target_semaphore(%arg34 : memref<!tpu.dma_semaphore, #tpu.memory_space<semaphore_mem>>)
    %mul3A_163 = arith.constant 128 : i32
    %mul3A_164 = arith.muli %add3A_108, %mul3A_163 : i32
    %dma_start3A_165 = arith.constant 6 : i32
    %dma_start3A_166 = tpu.memref_slice %arg2[%dma_start3A_165, %mul3A_164] : memref<8x320000xf32, #tpu.memory_space<hbm>> -> memref<1x128xf32, #tpu.memory_space<hbm>>
    %dma_start3A_167 = tpu.memref_squeeze %dma_start3A_166 : memref<1x128xf32, #tpu.memory_space<hbm>> -> memref<128xf32, #tpu.memory_space<hbm>>
    %dma_start3A_168 = tpu.memref_slice %arg2[%dma_start3A_165, %mul3A_164] : memref<8x320000xf32, #tpu.memory_space<hbm>> -> memref<1x128xf32, #tpu.memory_space<hbm>>
    %dma_start3A_169 = tpu.memref_squeeze %dma_start3A_168 : memref<1x128xf32, #tpu.memory_space<hbm>> -> memref<128xf32, #tpu.memory_space<hbm>>
    tpu.enqueue_dma source(%dma_start3A_169 : memref<128xf32, #tpu.memory_space<hbm>>) target(%arg25 : memref<128xf32, #tpu.memory_space<vmem>>) target_semaphore(%arg34 : memref<!tpu.dma_semaphore, #tpu.memory_space<semaphore_mem>>)
    %mul3A_170 = arith.constant 128 : i32
    %mul3A_171 = arith.muli %add3A_108, %mul3A_170 : i32
    %dma_start3A_172 = arith.constant 7 : i32
    %dma_start3A_173 = tpu.memref_slice %arg2[%dma_start3A_172, %mul3A_171] : memref<8x320000xf32, #tpu.memory_space<hbm>> -> memref<1x128xf32, #tpu.memory_space<hbm>>
    %dma_start3A_174 = tpu.memref_squeeze %dma_start3A_173 : memref<1x128xf32, #tpu.memory_space<hbm>> -> memref<128xf32, #tpu.memory_space<hbm>>
    %dma_start3A_175 = tpu.memref_slice %arg2[%dma_start3A_172, %mul3A_171] : memref<8x320000xf32, #tpu.memory_space<hbm>> -> memref<1x128xf32, #tpu.memory_space<hbm>>
    %dma_start3A_176 = tpu.memref_squeeze %dma_start3A_175 : memref<1x128xf32, #tpu.memory_space<hbm>> -> memref<128xf32, #tpu.memory_space<hbm>>
    tpu.enqueue_dma source(%dma_start3A_176 : memref<128xf32, #tpu.memory_space<hbm>>) target(%arg26 : memref<128xf32, #tpu.memory_space<vmem>>) target_semaphore(%arg34 : memref<!tpu.dma_semaphore, #tpu.memory_space<semaphore_mem>>)
    %scan3A_177 = arith.constant 0 : i32
    %scan3A_178 = arith.constant 0 : i32
    %scan3A_179 = arith.constant 40 : i32
    %scan3A_180 = arith.addi %scan3A_178, %scan3A_179 : i32
    %scan3A_181 = arith.constant 1 : i32
    scf.for %scan3A_204 = %scan3A_178 to %scan3A_180 step %scan3A_181  : i32 {
      %mul3A_205 = arith.constant 2 : i32
      %mul3A_206 = arith.muli %scan3A_204, %mul3A_205 : i32
      %add3A_207 = arith.constant 0 : i32
      %add3A_208 = arith.addi %mul3A_206, %add3A_207 : i32
      %mul3A_209 = arith.constant 32 : i32
      %mul3A_210 = arith.muli %add3A_208, %mul3A_209 : i32
      %add3A_211 = arith.addi %mul3A_210, %add3A : i32
      %lt3A = arith.constant 2500 : i32
      %lt3A_212 = arith.cmpi slt, %add3A_211, %lt3A : i32
      %convert_element_type3A = arith.extui %lt3A_212 : i1 to i32
      %cond3A = arith.constant 0 : i32
      %cond3A_213 = arith.cmpi ne, %convert_element_type3A, %cond3A : i32
      scf.if %cond3A_213 {
        %dma_wait3A = arith.constant 0 : i32
        %dma_wait3A_240 = tpu.memref_slice %arg3[%add3A_211, %dma_wait3A] : memref<2500x128xi32, #tpu.memory_space<hbm>> -> memref<1x128xi32, #tpu.memory_space<hbm>>
        %dma_wait3A_241 = tpu.memref_squeeze %dma_wait3A_240 : memref<1x128xi32, #tpu.memory_space<hbm>> -> memref<128xi32, #tpu.memory_space<hbm>>
        %dma_wait3A_242 = arith.constant 0 : i32
        %dma_wait3A_243 = tpu.memref_slice %arg3[%add3A_211, %dma_wait3A_242] : memref<2500x128xi32, #tpu.memory_space<hbm>> -> memref<1x128xi32, #tpu.memory_space<hbm>>
        %dma_wait3A_244 = tpu.memref_squeeze %dma_wait3A_243 : memref<1x128xi32, #tpu.memory_space<hbm>> -> memref<128xi32, #tpu.memory_space<hbm>>
        tpu.wait_dma2 semaphore(%arg33 : memref<!tpu.dma_semaphore, #tpu.memory_space<semaphore_mem>>) src(%dma_wait3A_244 : memref<128xi32, #tpu.memory_space<hbm>>) dst(%arg29 : memref<128xi32, #tpu.memory_space<vmem>>)
        %dma_wait3A_245 = arith.constant 0 : i32
        %dma_wait3A_246 = tpu.memref_slice %arg4[%add3A_211, %dma_wait3A_245] : memref<2500x128xi32, #tpu.memory_space<hbm>> -> memref<1x128xi32, #tpu.memory_space<hbm>>
        %dma_wait3A_247 = tpu.memref_squeeze %dma_wait3A_246 : memref<1x128xi32, #tpu.memory_space<hbm>> -> memref<128xi32, #tpu.memory_space<hbm>>
        %dma_wait3A_248 = arith.constant 0 : i32
        %dma_wait3A_249 = tpu.memref_slice %arg4[%add3A_211, %dma_wait3A_248] : memref<2500x128xi32, #tpu.memory_space<hbm>> -> memref<1x128xi32, #tpu.memory_space<hbm>>
        %dma_wait3A_250 = tpu.memref_squeeze %dma_wait3A_249 : memref<1x128xi32, #tpu.memory_space<hbm>> -> memref<128xi32, #tpu.memory_space<hbm>>
        tpu.wait_dma2 semaphore(%arg33 : memref<!tpu.dma_semaphore, #tpu.memory_space<semaphore_mem>>) src(%dma_wait3A_250 : memref<128xi32, #tpu.memory_space<hbm>>) dst(%arg31 : memref<128xi32, #tpu.memory_space<vmem>>)
        %mul3A_251 = arith.constant 128 : i32
        %mul3A_252 = arith.muli %add3A_211, %mul3A_251 : i32
        %dma_wait3A_253 = arith.constant 0 : i32
        %dma_wait3A_254 = tpu.memref_slice %arg2[%dma_wait3A_253, %mul3A_252] : memref<8x320000xf32, #tpu.memory_space<hbm>> -> memref<1x128xf32, #tpu.memory_space<hbm>>
        %dma_wait3A_255 = tpu.memref_squeeze %dma_wait3A_254 : memref<1x128xf32, #tpu.memory_space<hbm>> -> memref<128xf32, #tpu.memory_space<hbm>>
        %dma_wait3A_256 = tpu.memref_slice %arg2[%dma_wait3A_253, %mul3A_252] : memref<8x320000xf32, #tpu.memory_space<hbm>> -> memref<1x128xf32, #tpu.memory_space<hbm>>
        %dma_wait3A_257 = tpu.memref_squeeze %dma_wait3A_256 : memref<1x128xf32, #tpu.memory_space<hbm>> -> memref<128xf32, #tpu.memory_space<hbm>>
        tpu.wait_dma2 semaphore(%arg33 : memref<!tpu.dma_semaphore, #tpu.memory_space<semaphore_mem>>) src(%dma_wait3A_257 : memref<128xf32, #tpu.memory_space<hbm>>) dst(%arg11 : memref<128xf32, #tpu.memory_space<vmem>>)
        %mul3A_258 = arith.constant 128 : i32
        %mul3A_259 = arith.muli %add3A_211, %mul3A_258 : i32
        %dma_wait3A_260 = arith.constant 1 : i32
        %dma_wait3A_261 = tpu.memref_slice %arg2[%dma_wait3A_260, %mul3A_259] : memref<8x320000xf32, #tpu.memory_space<hbm>> -> memref<1x128xf32, #tpu.memory_space<hbm>>
        %dma_wait3A_262 = tpu.memref_squeeze %dma_wait3A_261 : memref<1x128xf32, #tpu.memory_space<hbm>> -> memref<128xf32, #tpu.memory_space<hbm>>
        %dma_wait3A_263 = tpu.memref_slice %arg2[%dma_wait3A_260, %mul3A_259] : memref<8x320000xf32, #tpu.memory_space<hbm>> -> memref<1x128xf32, #tpu.memory_space<hbm>>
        %dma_wait3A_264 = tpu.memref_squeeze %dma_wait3A_263 : memref<1x128xf32, #tpu.memory_space<hbm>> -> memref<128xf32, #tpu.memory_space<hbm>>
        tpu.wait_dma2 semaphore(%arg33 : memref<!tpu.dma_semaphore, #tpu.memory_space<semaphore_mem>>) src(%dma_wait3A_264 : memref<128xf32, #tpu.memory_space<hbm>>) dst(%arg12 : memref<128xf32, #tpu.memory_space<vmem>>)
        %mul3A_265 = arith.constant 128 : i32
        %mul3A_266 = arith.muli %add3A_211, %mul3A_265 : i32
        %dma_wait3A_267 = arith.constant 2 : i32
        %dma_wait3A_268 = tpu.memref_slice %arg2[%dma_wait3A_267, %mul3A_266] : memref<8x320000xf32, #tpu.memory_space<hbm>> -> memref<1x128xf32, #tpu.memory_space<hbm>>
        %dma_wait3A_269 = tpu.memref_squeeze %dma_wait3A_268 : memref<1x128xf32, #tpu.memory_space<hbm>> -> memref<128xf32, #tpu.memory_space<hbm>>
        %dma_wait3A_270 = tpu.memref_slice %arg2[%dma_wait3A_267, %mul3A_266] : memref<8x320000xf32, #tpu.memory_space<hbm>> -> memref<1x128xf32, #tpu.memory_space<hbm>>
        %dma_wait3A_271 = tpu.memref_squeeze %dma_wait3A_270 : memref<1x128xf32, #tpu.memory_space<hbm>> -> memref<128xf32, #tpu.memory_space<hbm>>
        tpu.wait_dma2 semaphore(%arg33 : memref<!tpu.dma_semaphore, #tpu.memory_space<semaphore_mem>>) src(%dma_wait3A_271 : memref<128xf32, #tpu.memory_space<hbm>>) dst(%arg13 : memref<128xf32, #tpu.memory_space<vmem>>)
        %mul3A_272 = arith.constant 128 : i32
        %mul3A_273 = arith.muli %add3A_211, %mul3A_272 : i32
        %dma_wait3A_274 = arith.constant 3 : i32
        %dma_wait3A_275 = tpu.memref_slice %arg2[%dma_wait3A_274, %mul3A_273] : memref<8x320000xf32, #tpu.memory_space<hbm>> -> memref<1x128xf32, #tpu.memory_space<hbm>>
        %dma_wait3A_276 = tpu.memref_squeeze %dma_wait3A_275 : memref<1x128xf32, #tpu.memory_space<hbm>> -> memref<128xf32, #tpu.memory_space<hbm>>
        %dma_wait3A_277 = tpu.memref_slice %arg2[%dma_wait3A_274, %mul3A_273] : memref<8x320000xf32, #tpu.memory_space<hbm>> -> memref<1x128xf32, #tpu.memory_space<hbm>>
        %dma_wait3A_278 = tpu.memref_squeeze %dma_wait3A_277 : memref<1x128xf32, #tpu.memory_space<hbm>> -> memref<128xf32, #tpu.memory_space<hbm>>
        tpu.wait_dma2 semaphore(%arg33 : memref<!tpu.dma_semaphore, #tpu.memory_space<semaphore_mem>>) src(%dma_wait3A_278 : memref<128xf32, #tpu.memory_space<hbm>>) dst(%arg14 : memref<128xf32, #tpu.memory_space<vmem>>)
        %mul3A_279 = arith.constant 128 : i32
        %mul3A_280 = arith.muli %add3A_211, %mul3A_279 : i32
        %dma_wait3A_281 = arith.constant 4 : i32
        %dma_wait3A_282 = tpu.memref_slice %arg2[%dma_wait3A_281, %mul3A_280] : memref<8x320000xf32, #tpu.memory_space<hbm>> -> memref<1x128xf32, #tpu.memory_space<hbm>>
        %dma_wait3A_283 = tpu.memref_squeeze %dma_wait3A_282 : memref<1x128xf32, #tpu.memory_space<hbm>> -> memref<128xf32, #tpu.memory_space<hbm>>
        %dma_wait3A_284 = tpu.memref_slice %arg2[%dma_wait3A_281, %mul3A_280] : memref<8x320000xf32, #tpu.memory_space<hbm>> -> memref<1x128xf32, #tpu.memory_space<hbm>>
        %dma_wait3A_285 = tpu.memref_squeeze %dma_wait3A_284 : memref<1x128xf32, #tpu.memory_space<hbm>> -> memref<128xf32, #tpu.memory_space<hbm>>
        tpu.wait_dma2 semaphore(%arg33 : memref<!tpu.dma_semaphore, #tpu.memory_space<semaphore_mem>>) src(%dma_wait3A_285 : memref<128xf32, #tpu.memory_space<hbm>>) dst(%arg15 : memref<128xf32, #tpu.memory_space<vmem>>)
        %mul3A_286 = arith.constant 128 : i32
        %mul3A_287 = arith.muli %add3A_211, %mul3A_286 : i32
        %dma_wait3A_288 = arith.constant 5 : i32
        %dma_wait3A_289 = tpu.memref_slice %arg2[%dma_wait3A_288, %mul3A_287] : memref<8x320000xf32, #tpu.memory_space<hbm>> -> memref<1x128xf32, #tpu.memory_space<hbm>>
        %dma_wait3A_290 = tpu.memref_squeeze %dma_wait3A_289 : memref<1x128xf32, #tpu.memory_space<hbm>> -> memref<128xf32, #tpu.memory_space<hbm>>
        %dma_wait3A_291 = tpu.memref_slice %arg2[%dma_wait3A_288, %mul3A_287] : memref<8x320000xf32, #tpu.memory_space<hbm>> -> memref<1x128xf32, #tpu.memory_space<hbm>>
        %dma_wait3A_292 = tpu.memref_squeeze %dma_wait3A_291 : memref<1x128xf32, #tpu.memory_space<hbm>> -> memref<128xf32, #tpu.memory_space<hbm>>
        tpu.wait_dma2 semaphore(%arg33 : memref<!tpu.dma_semaphore, #tpu.memory_space<semaphore_mem>>) src(%dma_wait3A_292 : memref<128xf32, #tpu.memory_space<hbm>>) dst(%arg16 : memref<128xf32, #tpu.memory_space<vmem>>)
        %mul3A_293 = arith.constant 128 : i32
        %mul3A_294 = arith.muli %add3A_211, %mul3A_293 : i32
        %dma_wait3A_295 = arith.constant 6 : i32
        %dma_wait3A_296 = tpu.memref_slice %arg2[%dma_wait3A_295, %mul3A_294] : memref<8x320000xf32, #tpu.memory_space<hbm>> -> memref<1x128xf32, #tpu.memory_space<hbm>>
        %dma_wait3A_297 = tpu.memref_squeeze %dma_wait3A_296 : memref<1x128xf32, #tpu.memory_space<hbm>> -> memref<128xf32, #tpu.memory_space<hbm>>
        %dma_wait3A_298 = tpu.memref_slice %arg2[%dma_wait3A_295, %mul3A_294] : memref<8x320000xf32, #tpu.memory_space<hbm>> -> memref<1x128xf32, #tpu.memory_space<hbm>>
        %dma_wait3A_299 = tpu.memref_squeeze %dma_wait3A_298 : memref<1x128xf32, #tpu.memory_space<hbm>> -> memref<128xf32, #tpu.memory_space<hbm>>
        tpu.wait_dma2 semaphore(%arg33 : memref<!tpu.dma_semaphore, #tpu.memory_space<semaphore_mem>>) src(%dma_wait3A_299 : memref<128xf32, #tpu.memory_space<hbm>>) dst(%arg17 : memref<128xf32, #tpu.memory_space<vmem>>)
        %mul3A_300 = arith.constant 128 : i32
        %mul3A_301 = arith.muli %add3A_211, %mul3A_300 : i32
        %dma_wait3A_302 = arith.constant 7 : i32
        %dma_wait3A_303 = tpu.memref_slice %arg2[%dma_wait3A_302, %mul3A_301] : memref<8x320000xf32, #tpu.memory_space<hbm>> -> memref<1x128xf32, #tpu.memory_space<hbm>>
        %dma_wait3A_304 = tpu.memref_squeeze %dma_wait3A_303 : memref<1x128xf32, #tpu.memory_space<hbm>> -> memref<128xf32, #tpu.memory_space<hbm>>
        %dma_wait3A_305 = tpu.memref_slice %arg2[%dma_wait3A_302, %mul3A_301] : memref<8x320000xf32, #tpu.memory_space<hbm>> -> memref<1x128xf32, #tpu.memory_space<hbm>>
        %dma_wait3A_306 = tpu.memref_squeeze %dma_wait3A_305 : memref<1x128xf32, #tpu.memory_space<hbm>> -> memref<128xf32, #tpu.memory_space<hbm>>
        tpu.wait_dma2 semaphore(%arg33 : memref<!tpu.dma_semaphore, #tpu.memory_space<semaphore_mem>>) src(%dma_wait3A_306 : memref<128xf32, #tpu.memory_space<hbm>>) dst(%arg18 : memref<128xf32, #tpu.memory_space<vmem>>)
        %iota3A_307 = tpu.iota {dimensions = array<i32: 0>} : vector<16xi32>
        %add3A_308 = arith.constant 0 : i32
        %add3A_309 = vector.broadcast %add3A_308 : i32 to vector<16xi32>
        %add3A_310 = arith.addi %iota3A_307, %add3A_309 : vector<16xi32>
        %get3A = arith.constant 0 : index
        %get3A_311 = tpu.vector_load %arg29[%get3A] {strides = array<i32>} : memref<128xi32, #tpu.memory_space<vmem>>, vector<16xi32>,
        %gather3A = tpu.vector_load_idx %arg9[%get3A_311] : memref<10000xf32, #tpu.memory_space<vmem>>[vector<16xi32>], vector<16xf32>,
        %gather3A_312 = tpu.vector_load_idx %arg10[%get3A_311] : memref<10000xf32, #tpu.memory_space<vmem>>[vector<16xi32>], vector<16xf32>,
        %get3A_313 = arith.constant 0 : index
        %get3A_314 = tpu.vector_load %arg11[%get3A_313] {strides = array<i32>} : memref<128xf32, #tpu.memory_space<vmem>>, vector<16xf32>,
        %get3A_315 = arith.constant 0 : index
        %get3A_316 = tpu.vector_load %arg12[%get3A_315] {strides = array<i32>} : memref<128xf32, #tpu.memory_space<vmem>>, vector<16xf32>,
        %mul3A_317 = arith.mulf %get3A_314, %gather3A_312 : vector<16xf32>
        %mul3A_318 = arith.mulf %get3A_316, %gather3A : vector<16xf32>
        %sub3A = arith.subf %mul3A_317, %mul3A_318 : vector<16xf32>
        %broadcast_in_dim3A_319 = arith.constant 0 : i32
        %broadcast_in_dim3A_320 = vector.broadcast %broadcast_in_dim3A_319 : i32 to vector<16xi32>
        tpu.vector_store_idx %arg27[%add3A_310, %broadcast_in_dim3A_320], %sub3A : memref<128x16xf32, #tpu.memory_space<vmem>>[vector<16xi32>, vector<16xi32>], vector<16xf32>,
        %get3A_321 = arith.constant 0 : index
        %get3A_322 = tpu.vector_load %arg13[%get3A_321] {strides = array<i32>} : memref<128xf32, #tpu.memory_space<vmem>>, vector<16xf32>,
        %get3A_323 = arith.constant 0 : index
        %get3A_324 = tpu.vector_load %arg14[%get3A_323] {strides = array<i32>} : memref<128xf32, #tpu.memory_space<vmem>>, vector<16xf32>,
        %mul3A_325 = arith.mulf %get3A_322, %gather3A_312 : vector<16xf32>
        %mul3A_326 = arith.mulf %get3A_324, %gather3A : vector<16xf32>
        %sub3A_327 = arith.subf %mul3A_325, %mul3A_326 : vector<16xf32>
        %broadcast_in_dim3A_328 = arith.constant 1 : i32
        %broadcast_in_dim3A_329 = vector.broadcast %broadcast_in_dim3A_328 : i32 to vector<16xi32>
        tpu.vector_store_idx %arg27[%add3A_310, %broadcast_in_dim3A_329], %sub3A_327 : memref<128x16xf32, #tpu.memory_space<vmem>>[vector<16xi32>, vector<16xi32>], vector<16xf32>,
        %get3A_330 = arith.constant 0 : index
        %get3A_331 = tpu.vector_load %arg15[%get3A_330] {strides = array<i32>} : memref<128xf32, #tpu.memory_space<vmem>>, vector<16xf32>,
        %get3A_332 = arith.constant 0 : index
        %get3A_333 = tpu.vector_load %arg16[%get3A_332] {strides = array<i32>} : memref<128xf32, #tpu.memory_space<vmem>>, vector<16xf32>,
        %mul3A_334 = arith.mulf %get3A_331, %gather3A_312 : vector<16xf32>
        %mul3A_335 = arith.mulf %get3A_333, %gather3A : vector<16xf32>
        %sub3A_336 = arith.subf %mul3A_334, %mul3A_335 : vector<16xf32>
        %broadcast_in_dim3A_337 = arith.constant 2 : i32
        %broadcast_in_dim3A_338 = vector.broadcast %broadcast_in_dim3A_337 : i32 to vector<16xi32>
        tpu.vector_store_idx %arg27[%add3A_310, %broadcast_in_dim3A_338], %sub3A_336 : memref<128x16xf32, #tpu.memory_space<vmem>>[vector<16xi32>, vector<16xi32>], vector<16xf32>,
        %get3A_339 = arith.constant 0 : index
        %get3A_340 = tpu.vector_load %arg17[%get3A_339] {strides = array<i32>} : memref<128xf32, #tpu.memory_space<vmem>>, vector<16xf32>,
        %get3A_341 = arith.constant 0 : index
        %get3A_342 = tpu.vector_load %arg18[%get3A_341] {strides = array<i32>} : memref<128xf32, #tpu.memory_space<vmem>>, vector<16xf32>,
        %mul3A_343 = arith.mulf %get3A_340, %gather3A_312 : vector<16xf32>
        %mul3A_344 = arith.mulf %get3A_342, %gather3A : vector<16xf32>
        %sub3A_345 = arith.subf %mul3A_343, %mul3A_344 : vector<16xf32>
        %broadcast_in_dim3A_346 = arith.constant 3 : i32
        %broadcast_in_dim3A_347 = vector.broadcast %broadcast_in_dim3A_346 : i32 to vector<16xi32>
        tpu.vector_store_idx %arg27[%add3A_310, %broadcast_in_dim3A_347], %sub3A_345 : memref<128x16xf32, #tpu.memory_space<vmem>>[vector<16xi32>, vector<16xi32>], vector<16xf32>,
        %iota3A_348 = tpu.iota {dimensions = array<i32: 0>} : vector<16xi32>
        %add3A_349 = arith.constant 16 : i32
        %add3A_350 = vector.broadcast %add3A_349 : i32 to vector<16xi32>
        %add3A_351 = arith.addi %iota3A_348, %add3A_350 : vector<16xi32>
        %get3A_352 = arith.constant 16 : index
        %get3A_353 = tpu.vector_load %arg29[%get3A_352] {strides = array<i32>} : memref<128xi32, #tpu.memory_space<vmem>>, vector<16xi32>,
        %gather3A_354 = tpu.vector_load_idx %arg9[%get3A_353] : memref<10000xf32, #tpu.memory_space<vmem>>[vector<16xi32>], vector<16xf32>,
        %gather3A_355 = tpu.vector_load_idx %arg10[%get3A_353] : memref<10000xf32, #tpu.memory_space<vmem>>[vector<16xi32>], vector<16xf32>,
        %get3A_356 = arith.constant 16 : index
        %get3A_357 = tpu.vector_load %arg11[%get3A_356] {strides = array<i32>} : memref<128xf32, #tpu.memory_space<vmem>>, vector<16xf32>,
        %get3A_358 = arith.constant 16 : index
        %get3A_359 = tpu.vector_load %arg12[%get3A_358] {strides = array<i32>} : memref<128xf32, #tpu.memory_space<vmem>>, vector<16xf32>,
        %mul3A_360 = arith.mulf %get3A_357, %gather3A_355 : vector<16xf32>
        %mul3A_361 = arith.mulf %get3A_359, %gather3A_354 : vector<16xf32>
        %sub3A_362 = arith.subf %mul3A_360, %mul3A_361 : vector<16xf32>
        %broadcast_in_dim3A_363 = arith.constant 0 : i32
        %broadcast_in_dim3A_364 = vector.broadcast %broadcast_in_dim3A_363 : i32 to vector<16xi32>
        tpu.vector_store_idx %arg27[%add3A_351, %broadcast_in_dim3A_364], %sub3A_362 : memref<128x16xf32, #tpu.memory_space<vmem>>[vector<16xi32>, vector<16xi32>], vector<16xf32>,
        %get3A_365 = arith.constant 16 : index
        %get3A_366 = tpu.vector_load %arg13[%get3A_365] {strides = array<i32>} : memref<128xf32, #tpu.memory_space<vmem>>, vector<16xf32>,
        %get3A_367 = arith.constant 16 : index
        %get3A_368 = tpu.vector_load %arg14[%get3A_367] {strides = array<i32>} : memref<128xf32, #tpu.memory_space<vmem>>, vector<16xf32>,
        %mul3A_369 = arith.mulf %get3A_366, %gather3A_355 : vector<16xf32>
        %mul3A_370 = arith.mulf %get3A_368, %gather3A_354 : vector<16xf32>
        %sub3A_371 = arith.subf %mul3A_369, %mul3A_370 : vector<16xf32>
        %broadcast_in_dim3A_372 = arith.constant 1 : i32
        %broadcast_in_dim3A_373 = vector.broadcast %broadcast_in_dim3A_372 : i32 to vector<16xi32>
        tpu.vector_store_idx %arg27[%add3A_351, %broadcast_in_dim3A_373], %sub3A_371 : memref<128x16xf32, #tpu.memory_space<vmem>>[vector<16xi32>, vector<16xi32>], vector<16xf32>,
        %get3A_374 = arith.constant 16 : index
        %get3A_375 = tpu.vector_load %arg15[%get3A_374] {strides = array<i32>} : memref<128xf32, #tpu.memory_space<vmem>>, vector<16xf32>,
        %get3A_376 = arith.constant 16 : index
        %get3A_377 = tpu.vector_load %arg16[%get3A_376] {strides = array<i32>} : memref<128xf32, #tpu.memory_space<vmem>>, vector<16xf32>,
        %mul3A_378 = arith.mulf %get3A_375, %gather3A_355 : vector<16xf32>
        %mul3A_379 = arith.mulf %get3A_377, %gather3A_354 : vector<16xf32>
        %sub3A_380 = arith.subf %mul3A_378, %mul3A_379 : vector<16xf32>
        %broadcast_in_dim3A_381 = arith.constant 2 : i32
        %broadcast_in_dim3A_382 = vector.broadcast %broadcast_in_dim3A_381 : i32 to vector<16xi32>
        tpu.vector_store_idx %arg27[%add3A_351, %broadcast_in_dim3A_382], %sub3A_380 : memref<128x16xf32, #tpu.memory_space<vmem>>[vector<16xi32>, vector<16xi32>], vector<16xf32>,
        %get3A_383 = arith.constant 16 : index
        %get3A_384 = tpu.vector_load %arg17[%get3A_383] {strides = array<i32>} : memref<128xf32, #tpu.memory_space<vmem>>, vector<16xf32>,
        %get3A_385 = arith.constant 16 : index
        %get3A_386 = tpu.vector_load %arg18[%get3A_385] {strides = array<i32>} : memref<128xf32, #tpu.memory_space<vmem>>, vector<16xf32>,
        %mul3A_387 = arith.mulf %get3A_384, %gather3A_355 : vector<16xf32>
        %mul3A_388 = arith.mulf %get3A_386, %gather3A_354 : vector<16xf32>
        %sub3A_389 = arith.subf %mul3A_387, %mul3A_388 : vector<16xf32>
        %broadcast_in_dim3A_390 = arith.constant 3 : i32
        %broadcast_in_dim3A_391 = vector.broadcast %broadcast_in_dim3A_390 : i32 to vector<16xi32>
        tpu.vector_store_idx %arg27[%add3A_351, %broadcast_in_dim3A_391], %sub3A_389 : memref<128x16xf32, #tpu.memory_space<vmem>>[vector<16xi32>, vector<16xi32>], vector<16xf32>,
        %iota3A_392 = tpu.iota {dimensions = array<i32: 0>} : vector<16xi32>
        %add3A_393 = arith.constant 32 : i32
        %add3A_394 = vector.broadcast %add3A_393 : i32 to vector<16xi32>
        %add3A_395 = arith.addi %iota3A_392, %add3A_394 : vector<16xi32>
        %get3A_396 = arith.constant 32 : index
        %get3A_397 = tpu.vector_load %arg29[%get3A_396] {strides = array<i32>} : memref<128xi32, #tpu.memory_space<vmem>>, vector<16xi32>,
        %gather3A_398 = tpu.vector_load_idx %arg9[%get3A_397] : memref<10000xf32, #tpu.memory_space<vmem>>[vector<16xi32>], vector<16xf32>,
        %gather3A_399 = tpu.vector_load_idx %arg10[%get3A_397] : memref<10000xf32, #tpu.memory_space<vmem>>[vector<16xi32>], vector<16xf32>,
        %get3A_400 = arith.constant 32 : index
        %get3A_401 = tpu.vector_load %arg11[%get3A_400] {strides = array<i32>} : memref<128xf32, #tpu.memory_space<vmem>>, vector<16xf32>,
        %get3A_402 = arith.constant 32 : index
        %get3A_403 = tpu.vector_load %arg12[%get3A_402] {strides = array<i32>} : memref<128xf32, #tpu.memory_space<vmem>>, vector<16xf32>,
        %mul3A_404 = arith.mulf %get3A_401, %gather3A_399 : vector<16xf32>
        %mul3A_405 = arith.mulf %get3A_403, %gather3A_398 : vector<16xf32>
        %sub3A_406 = arith.subf %mul3A_404, %mul3A_405 : vector<16xf32>
        %broadcast_in_dim3A_407 = arith.constant 0 : i32
        %broadcast_in_dim3A_408 = vector.broadcast %broadcast_in_dim3A_407 : i32 to vector<16xi32>
        tpu.vector_store_idx %arg27[%add3A_395, %broadcast_in_dim3A_408], %sub3A_406 : memref<128x16xf32, #tpu.memory_space<vmem>>[vector<16xi32>, vector<16xi32>], vector<16xf32>,
        %get3A_409 = arith.constant 32 : index
        %get3A_410 = tpu.vector_load %arg13[%get3A_409] {strides = array<i32>} : memref<128xf32, #tpu.memory_space<vmem>>, vector<16xf32>,
        %get3A_411 = arith.constant 32 : index
        %get3A_412 = tpu.vector_load %arg14[%get3A_411] {strides = array<i32>} : memref<128xf32, #tpu.memory_space<vmem>>, vector<16xf32>,
        %mul3A_413 = arith.mulf %get3A_410, %gather3A_399 : vector<16xf32>
        %mul3A_414 = arith.mulf %get3A_412, %gather3A_398 : vector<16xf32>
        %sub3A_415 = arith.subf %mul3A_413, %mul3A_414 : vector<16xf32>
        %broadcast_in_dim3A_416 = arith.constant 1 : i32
        %broadcast_in_dim3A_417 = vector.broadcast %broadcast_in_dim3A_416 : i32 to vector<16xi32>
        tpu.vector_store_idx %arg27[%add3A_395, %broadcast_in_dim3A_417], %sub3A_415 : memref<128x16xf32, #tpu.memory_space<vmem>>[vector<16xi32>, vector<16xi32>], vector<16xf32>,
        %get3A_418 = arith.constant 32 : index
        %get3A_419 = tpu.vector_load %arg15[%get3A_418] {strides = array<i32>} : memref<128xf32, #tpu.memory_space<vmem>>, vector<16xf32>,
        %get3A_420 = arith.constant 32 : index
        %get3A_421 = tpu.vector_load %arg16[%get3A_420] {strides = array<i32>} : memref<128xf32, #tpu.memory_space<vmem>>, vector<16xf32>,
        %mul3A_422 = arith.mulf %get3A_419, %gather3A_399 : vector<16xf32>
        %mul3A_423 = arith.mulf %get3A_421, %gather3A_398 : vector<16xf32>
        %sub3A_424 = arith.subf %mul3A_422, %mul3A_423 : vector<16xf32>
        %broadcast_in_dim3A_425 = arith.constant 2 : i32
        %broadcast_in_dim3A_426 = vector.broadcast %broadcast_in_dim3A_425 : i32 to vector<16xi32>
        tpu.vector_store_idx %arg27[%add3A_395, %broadcast_in_dim3A_426], %sub3A_424 : memref<128x16xf32, #tpu.memory_space<vmem>>[vector<16xi32>, vector<16xi32>], vector<16xf32>,
        %get3A_427 = arith.constant 32 : index
        %get3A_428 = tpu.vector_load %arg17[%get3A_427] {strides = array<i32>} : memref<128xf32, #tpu.memory_space<vmem>>, vector<16xf32>,
        %get3A_429 = arith.constant 32 : index
        %get3A_430 = tpu.vector_load %arg18[%get3A_429] {strides = array<i32>} : memref<128xf32, #tpu.memory_space<vmem>>, vector<16xf32>,
        %mul3A_431 = arith.mulf %get3A_428, %gather3A_399 : vector<16xf32>
        %mul3A_432 = arith.mulf %get3A_430, %gather3A_398 : vector<16xf32>
        %sub3A_433 = arith.subf %mul3A_431, %mul3A_432 : vector<16xf32>
        %broadcast_in_dim3A_434 = arith.constant 3 : i32
        %broadcast_in_dim3A_435 = vector.broadcast %broadcast_in_dim3A_434 : i32 to vector<16xi32>
        tpu.vector_store_idx %arg27[%add3A_395, %broadcast_in_dim3A_435], %sub3A_433 : memref<128x16xf32, #tpu.memory_space<vmem>>[vector<16xi32>, vector<16xi32>], vector<16xf32>,
        %iota3A_436 = tpu.iota {dimensions = array<i32: 0>} : vector<16xi32>
        %add3A_437 = arith.constant 48 : i32
        %add3A_438 = vector.broadcast %add3A_437 : i32 to vector<16xi32>
        %add3A_439 = arith.addi %iota3A_436, %add3A_438 : vector<16xi32>
        %get3A_440 = arith.constant 48 : index
        %get3A_441 = tpu.vector_load %arg29[%get3A_440] {strides = array<i32>} : memref<128xi32, #tpu.memory_space<vmem>>, vector<16xi32>,
        %gather3A_442 = tpu.vector_load_idx %arg9[%get3A_441] : memref<10000xf32, #tpu.memory_space<vmem>>[vector<16xi32>], vector<16xf32>,
        %gather3A_443 = tpu.vector_load_idx %arg10[%get3A_441] : memref<10000xf32, #tpu.memory_space<vmem>>[vector<16xi32>], vector<16xf32>,
        %get3A_444 = arith.constant 48 : index
        %get3A_445 = tpu.vector_load %arg11[%get3A_444] {strides = array<i32>} : memref<128xf32, #tpu.memory_space<vmem>>, vector<16xf32>,
        %get3A_446 = arith.constant 48 : index
        %get3A_447 = tpu.vector_load %arg12[%get3A_446] {strides = array<i32>} : memref<128xf32, #tpu.memory_space<vmem>>, vector<16xf32>,
        %mul3A_448 = arith.mulf %get3A_445, %gather3A_443 : vector<16xf32>
        %mul3A_449 = arith.mulf %get3A_447, %gather3A_442 : vector<16xf32>
        %sub3A_450 = arith.subf %mul3A_448, %mul3A_449 : vector<16xf32>
        %broadcast_in_dim3A_451 = arith.constant 0 : i32
        %broadcast_in_dim3A_452 = vector.broadcast %broadcast_in_dim3A_451 : i32 to vector<16xi32>
        tpu.vector_store_idx %arg27[%add3A_439, %broadcast_in_dim3A_452], %sub3A_450 : memref<128x16xf32, #tpu.memory_space<vmem>>[vector<16xi32>, vector<16xi32>], vector<16xf32>,
        %get3A_453 = arith.constant 48 : index
        %get3A_454 = tpu.vector_load %arg13[%get3A_453] {strides = array<i32>} : memref<128xf32, #tpu.memory_space<vmem>>, vector<16xf32>,
        %get3A_455 = arith.constant 48 : index
        %get3A_456 = tpu.vector_load %arg14[%get3A_455] {strides = array<i32>} : memref<128xf32, #tpu.memory_space<vmem>>, vector<16xf32>,
        %mul3A_457 = arith.mulf %get3A_454, %gather3A_443 : vector<16xf32>
        %mul3A_458 = arith.mulf %get3A_456, %gather3A_442 : vector<16xf32>
        %sub3A_459 = arith.subf %mul3A_457, %mul3A_458 : vector<16xf32>
        %broadcast_in_dim3A_460 = arith.constant 1 : i32
        %broadcast_in_dim3A_461 = vector.broadcast %broadcast_in_dim3A_460 : i32 to vector<16xi32>
        tpu.vector_store_idx %arg27[%add3A_439, %broadcast_in_dim3A_461], %sub3A_459 : memref<128x16xf32, #tpu.memory_space<vmem>>[vector<16xi32>, vector<16xi32>], vector<16xf32>,
        %get3A_462 = arith.constant 48 : index
        %get3A_463 = tpu.vector_load %arg15[%get3A_462] {strides = array<i32>} : memref<128xf32, #tpu.memory_space<vmem>>, vector<16xf32>,
        %get3A_464 = arith.constant 48 : index
        %get3A_465 = tpu.vector_load %arg16[%get3A_464] {strides = array<i32>} : memref<128xf32, #tpu.memory_space<vmem>>, vector<16xf32>,
        %mul3A_466 = arith.mulf %get3A_463, %gather3A_443 : vector<16xf32>
        %mul3A_467 = arith.mulf %get3A_465, %gather3A_442 : vector<16xf32>
        %sub3A_468 = arith.subf %mul3A_466, %mul3A_467 : vector<16xf32>
        %broadcast_in_dim3A_469 = arith.constant 2 : i32
        %broadcast_in_dim3A_470 = vector.broadcast %broadcast_in_dim3A_469 : i32 to vector<16xi32>
        tpu.vector_store_idx %arg27[%add3A_439, %broadcast_in_dim3A_470], %sub3A_468 : memref<128x16xf32, #tpu.memory_space<vmem>>[vector<16xi32>, vector<16xi32>], vector<16xf32>,
        %get3A_471 = arith.constant 48 : index
        %get3A_472 = tpu.vector_load %arg17[%get3A_471] {strides = array<i32>} : memref<128xf32, #tpu.memory_space<vmem>>, vector<16xf32>,
        %get3A_473 = arith.constant 48 : index
        %get3A_474 = tpu.vector_load %arg18[%get3A_473] {strides = array<i32>} : memref<128xf32, #tpu.memory_space<vmem>>, vector<16xf32>,
        %mul3A_475 = arith.mulf %get3A_472, %gather3A_443 : vector<16xf32>
        %mul3A_476 = arith.mulf %get3A_474, %gather3A_442 : vector<16xf32>
        %sub3A_477 = arith.subf %mul3A_475, %mul3A_476 : vector<16xf32>
        %broadcast_in_dim3A_478 = arith.constant 3 : i32
        %broadcast_in_dim3A_479 = vector.broadcast %broadcast_in_dim3A_478 : i32 to vector<16xi32>
        tpu.vector_store_idx %arg27[%add3A_439, %broadcast_in_dim3A_479], %sub3A_477 : memref<128x16xf32, #tpu.memory_space<vmem>>[vector<16xi32>, vector<16xi32>], vector<16xf32>,
        %iota3A_480 = tpu.iota {dimensions = array<i32: 0>} : vector<16xi32>
        %add3A_481 = arith.constant 64 : i32
        %add3A_482 = vector.broadcast %add3A_481 : i32 to vector<16xi32>
        %add3A_483 = arith.addi %iota3A_480, %add3A_482 : vector<16xi32>
        %get3A_484 = arith.constant 64 : index
        %get3A_485 = tpu.vector_load %arg29[%get3A_484] {strides = array<i32>} : memref<128xi32, #tpu.memory_space<vmem>>, vector<16xi32>,
        %gather3A_486 = tpu.vector_load_idx %arg9[%get3A_485] : memref<10000xf32, #tpu.memory_space<vmem>>[vector<16xi32>], vector<16xf32>,
        %gather3A_487 = tpu.vector_load_idx %arg10[%get3A_485] : memref<10000xf32, #tpu.memory_space<vmem>>[vector<16xi32>], vector<16xf32>,
        %get3A_488 = arith.constant 64 : index
        %get3A_489 = tpu.vector_load %arg11[%get3A_488] {strides = array<i32>} : memref<128xf32, #tpu.memory_space<vmem>>, vector<16xf32>,
        %get3A_490 = arith.constant 64 : index
        %get3A_491 = tpu.vector_load %arg12[%get3A_490] {strides = array<i32>} : memref<128xf32, #tpu.memory_space<vmem>>, vector<16xf32>,
        %mul3A_492 = arith.mulf %get3A_489, %gather3A_487 : vector<16xf32>
        %mul3A_493 = arith.mulf %get3A_491, %gather3A_486 : vector<16xf32>
        %sub3A_494 = arith.subf %mul3A_492, %mul3A_493 : vector<16xf32>
        %broadcast_in_dim3A_495 = arith.constant 0 : i32
        %broadcast_in_dim3A_496 = vector.broadcast %broadcast_in_dim3A_495 : i32 to vector<16xi32>
        tpu.vector_store_idx %arg27[%add3A_483, %broadcast_in_dim3A_496], %sub3A_494 : memref<128x16xf32, #tpu.memory_space<vmem>>[vector<16xi32>, vector<16xi32>], vector<16xf32>,
        %get3A_497 = arith.constant 64 : index
        %get3A_498 = tpu.vector_load %arg13[%get3A_497] {strides = array<i32>} : memref<128xf32, #tpu.memory_space<vmem>>, vector<16xf32>,
        %get3A_499 = arith.constant 64 : index
        %get3A_500 = tpu.vector_load %arg14[%get3A_499] {strides = array<i32>} : memref<128xf32, #tpu.memory_space<vmem>>, vector<16xf32>,
        %mul3A_501 = arith.mulf %get3A_498, %gather3A_487 : vector<16xf32>
        %mul3A_502 = arith.mulf %get3A_500, %gather3A_486 : vector<16xf32>
        %sub3A_503 = arith.subf %mul3A_501, %mul3A_502 : vector<16xf32>
        %broadcast_in_dim3A_504 = arith.constant 1 : i32
        %broadcast_in_dim3A_505 = vector.broadcast %broadcast_in_dim3A_504 : i32 to vector<16xi32>
        tpu.vector_store_idx %arg27[%add3A_483, %broadcast_in_dim3A_505], %sub3A_503 : memref<128x16xf32, #tpu.memory_space<vmem>>[vector<16xi32>, vector<16xi32>], vector<16xf32>,
        %get3A_506 = arith.constant 64 : index
        %get3A_507 = tpu.vector_load %arg15[%get3A_506] {strides = array<i32>} : memref<128xf32, #tpu.memory_space<vmem>>, vector<16xf32>,
        %get3A_508 = arith.constant 64 : index
        %get3A_509 = tpu.vector_load %arg16[%get3A_508] {strides = array<i32>} : memref<128xf32, #tpu.memory_space<vmem>>, vector<16xf32>,
        %mul3A_510 = arith.mulf %get3A_507, %gather3A_487 : vector<16xf32>
        %mul3A_511 = arith.mulf %get3A_509, %gather3A_486 : vector<16xf32>
        %sub3A_512 = arith.subf %mul3A_510, %mul3A_511 : vector<16xf32>
        %broadcast_in_dim3A_513 = arith.constant 2 : i32
        %broadcast_in_dim3A_514 = vector.broadcast %broadcast_in_dim3A_513 : i32 to vector<16xi32>
        tpu.vector_store_idx %arg27[%add3A_483, %broadcast_in_dim3A_514], %sub3A_512 : memref<128x16xf32, #tpu.memory_space<vmem>>[vector<16xi32>, vector<16xi32>], vector<16xf32>,
        %get3A_515 = arith.constant 64 : index
        %get3A_516 = tpu.vector_load %arg17[%get3A_515] {strides = array<i32>} : memref<128xf32, #tpu.memory_space<vmem>>, vector<16xf32>,
        %get3A_517 = arith.constant 64 : index
        %get3A_518 = tpu.vector_load %arg18[%get3A_517] {strides = array<i32>} : memref<128xf32, #tpu.memory_space<vmem>>, vector<16xf32>,
        %mul3A_519 = arith.mulf %get3A_516, %gather3A_487 : vector<16xf32>
        %mul3A_520 = arith.mulf %get3A_518, %gather3A_486 : vector<16xf32>
        %sub3A_521 = arith.subf %mul3A_519, %mul3A_520 : vector<16xf32>
        %broadcast_in_dim3A_522 = arith.constant 3 : i32
        %broadcast_in_dim3A_523 = vector.broadcast %broadcast_in_dim3A_522 : i32 to vector<16xi32>
        tpu.vector_store_idx %arg27[%add3A_483, %broadcast_in_dim3A_523], %sub3A_521 : memref<128x16xf32, #tpu.memory_space<vmem>>[vector<16xi32>, vector<16xi32>], vector<16xf32>,
        %iota3A_524 = tpu.iota {dimensions = array<i32: 0>} : vector<16xi32>
        %add3A_525 = arith.constant 80 : i32
        %add3A_526 = vector.broadcast %add3A_525 : i32 to vector<16xi32>
        %add3A_527 = arith.addi %iota3A_524, %add3A_526 : vector<16xi32>
        %get3A_528 = arith.constant 80 : index
        %get3A_529 = tpu.vector_load %arg29[%get3A_528] {strides = array<i32>} : memref<128xi32, #tpu.memory_space<vmem>>, vector<16xi32>,
        %gather3A_530 = tpu.vector_load_idx %arg9[%get3A_529] : memref<10000xf32, #tpu.memory_space<vmem>>[vector<16xi32>], vector<16xf32>,
        %gather3A_531 = tpu.vector_load_idx %arg10[%get3A_529] : memref<10000xf32, #tpu.memory_space<vmem>>[vector<16xi32>], vector<16xf32>,
        %get3A_532 = arith.constant 80 : index
        %get3A_533 = tpu.vector_load %arg11[%get3A_532] {strides = array<i32>} : memref<128xf32, #tpu.memory_space<vmem>>, vector<16xf32>,
        %get3A_534 = arith.constant 80 : index
        %get3A_535 = tpu.vector_load %arg12[%get3A_534] {strides = array<i32>} : memref<128xf32, #tpu.memory_space<vmem>>, vector<16xf32>,
        %mul3A_536 = arith.mulf %get3A_533, %gather3A_531 : vector<16xf32>
        %mul3A_537 = arith.mulf %get3A_535, %gather3A_530 : vector<16xf32>
        %sub3A_538 = arith.subf %mul3A_536, %mul3A_537 : vector<16xf32>
        %broadcast_in_dim3A_539 = arith.constant 0 : i32
        %broadcast_in_dim3A_540 = vector.broadcast %broadcast_in_dim3A_539 : i32 to vector<16xi32>
        tpu.vector_store_idx %arg27[%add3A_527, %broadcast_in_dim3A_540], %sub3A_538 : memref<128x16xf32, #tpu.memory_space<vmem>>[vector<16xi32>, vector<16xi32>], vector<16xf32>,
        %get3A_541 = arith.constant 80 : index
        %get3A_542 = tpu.vector_load %arg13[%get3A_541] {strides = array<i32>} : memref<128xf32, #tpu.memory_space<vmem>>, vector<16xf32>,
        %get3A_543 = arith.constant 80 : index
        %get3A_544 = tpu.vector_load %arg14[%get3A_543] {strides = array<i32>} : memref<128xf32, #tpu.memory_space<vmem>>, vector<16xf32>,
        %mul3A_545 = arith.mulf %get3A_542, %gather3A_531 : vector<16xf32>
        %mul3A_546 = arith.mulf %get3A_544, %gather3A_530 : vector<16xf32>
        %sub3A_547 = arith.subf %mul3A_545, %mul3A_546 : vector<16xf32>
        %broadcast_in_dim3A_548 = arith.constant 1 : i32
        %broadcast_in_dim3A_549 = vector.broadcast %broadcast_in_dim3A_548 : i32 to vector<16xi32>
        tpu.vector_store_idx %arg27[%add3A_527, %broadcast_in_dim3A_549], %sub3A_547 : memref<128x16xf32, #tpu.memory_space<vmem>>[vector<16xi32>, vector<16xi32>], vector<16xf32>,
        %get3A_550 = arith.constant 80 : index
        %get3A_551 = tpu.vector_load %arg15[%get3A_550] {strides = array<i32>} : memref<128xf32, #tpu.memory_space<vmem>>, vector<16xf32>,
        %get3A_552 = arith.constant 80 : index
        %get3A_553 = tpu.vector_load %arg16[%get3A_552] {strides = array<i32>} : memref<128xf32, #tpu.memory_space<vmem>>, vector<16xf32>,
        %mul3A_554 = arith.mulf %get3A_551, %gather3A_531 : vector<16xf32>
        %mul3A_555 = arith.mulf %get3A_553, %gather3A_530 : vector<16xf32>
        %sub3A_556 = arith.subf %mul3A_554, %mul3A_555 : vector<16xf32>
        %broadcast_in_dim3A_557 = arith.constant 2 : i32
        %broadcast_in_dim3A_558 = vector.broadcast %broadcast_in_dim3A_557 : i32 to vector<16xi32>
        tpu.vector_store_idx %arg27[%add3A_527, %broadcast_in_dim3A_558], %sub3A_556 : memref<128x16xf32, #tpu.memory_space<vmem>>[vector<16xi32>, vector<16xi32>], vector<16xf32>,
        %get3A_559 = arith.constant 80 : index
        %get3A_560 = tpu.vector_load %arg17[%get3A_559] {strides = array<i32>} : memref<128xf32, #tpu.memory_space<vmem>>, vector<16xf32>,
        %get3A_561 = arith.constant 80 : index
        %get3A_562 = tpu.vector_load %arg18[%get3A_561] {strides = array<i32>} : memref<128xf32, #tpu.memory_space<vmem>>, vector<16xf32>,
        %mul3A_563 = arith.mulf %get3A_560, %gather3A_531 : vector<16xf32>
        %mul3A_564 = arith.mulf %get3A_562, %gather3A_530 : vector<16xf32>
        %sub3A_565 = arith.subf %mul3A_563, %mul3A_564 : vector<16xf32>
        %broadcast_in_dim3A_566 = arith.constant 3 : i32
        %broadcast_in_dim3A_567 = vector.broadcast %broadcast_in_dim3A_566 : i32 to vector<16xi32>
        tpu.vector_store_idx %arg27[%add3A_527, %broadcast_in_dim3A_567], %sub3A_565 : memref<128x16xf32, #tpu.memory_space<vmem>>[vector<16xi32>, vector<16xi32>], vector<16xf32>,
        %iota3A_568 = tpu.iota {dimensions = array<i32: 0>} : vector<16xi32>
        %add3A_569 = arith.constant 96 : i32
        %add3A_570 = vector.broadcast %add3A_569 : i32 to vector<16xi32>
        %add3A_571 = arith.addi %iota3A_568, %add3A_570 : vector<16xi32>
        %get3A_572 = arith.constant 96 : index
        %get3A_573 = tpu.vector_load %arg29[%get3A_572] {strides = array<i32>} : memref<128xi32, #tpu.memory_space<vmem>>, vector<16xi32>,
        %gather3A_574 = tpu.vector_load_idx %arg9[%get3A_573] : memref<10000xf32, #tpu.memory_space<vmem>>[vector<16xi32>], vector<16xf32>,
        %gather3A_575 = tpu.vector_load_idx %arg10[%get3A_573] : memref<10000xf32, #tpu.memory_space<vmem>>[vector<16xi32>], vector<16xf32>,
        %get3A_576 = arith.constant 96 : index
        %get3A_577 = tpu.vector_load %arg11[%get3A_576] {strides = array<i32>} : memref<128xf32, #tpu.memory_space<vmem>>, vector<16xf32>,
        %get3A_578 = arith.constant 96 : index
        %get3A_579 = tpu.vector_load %arg12[%get3A_578] {strides = array<i32>} : memref<128xf32, #tpu.memory_space<vmem>>, vector<16xf32>,
        %mul3A_580 = arith.mulf %get3A_577, %gather3A_575 : vector<16xf32>
        %mul3A_581 = arith.mulf %get3A_579, %gather3A_574 : vector<16xf32>
        %sub3A_582 = arith.subf %mul3A_580, %mul3A_581 : vector<16xf32>
        %broadcast_in_dim3A_583 = arith.constant 0 : i32
        %broadcast_in_dim3A_584 = vector.broadcast %broadcast_in_dim3A_583 : i32 to vector<16xi32>
        tpu.vector_store_idx %arg27[%add3A_571, %broadcast_in_dim3A_584], %sub3A_582 : memref<128x16xf32, #tpu.memory_space<vmem>>[vector<16xi32>, vector<16xi32>], vector<16xf32>,
        %get3A_585 = arith.constant 96 : index
        %get3A_586 = tpu.vector_load %arg13[%get3A_585] {strides = array<i32>} : memref<128xf32, #tpu.memory_space<vmem>>, vector<16xf32>,
        %get3A_587 = arith.constant 96 : index
        %get3A_588 = tpu.vector_load %arg14[%get3A_587] {strides = array<i32>} : memref<128xf32, #tpu.memory_space<vmem>>, vector<16xf32>,
        %mul3A_589 = arith.mulf %get3A_586, %gather3A_575 : vector<16xf32>
        %mul3A_590 = arith.mulf %get3A_588, %gather3A_574 : vector<16xf32>
        %sub3A_591 = arith.subf %mul3A_589, %mul3A_590 : vector<16xf32>
        %broadcast_in_dim3A_592 = arith.constant 1 : i32
        %broadcast_in_dim3A_593 = vector.broadcast %broadcast_in_dim3A_592 : i32 to vector<16xi32>
        tpu.vector_store_idx %arg27[%add3A_571, %broadcast_in_dim3A_593], %sub3A_591 : memref<128x16xf32, #tpu.memory_space<vmem>>[vector<16xi32>, vector<16xi32>], vector<16xf32>,
        %get3A_594 = arith.constant 96 : index
        %get3A_595 = tpu.vector_load %arg15[%get3A_594] {strides = array<i32>} : memref<128xf32, #tpu.memory_space<vmem>>, vector<16xf32>,
        %get3A_596 = arith.constant 96 : index
        %get3A_597 = tpu.vector_load %arg16[%get3A_596] {strides = array<i32>} : memref<128xf32, #tpu.memory_space<vmem>>, vector<16xf32>,
        %mul3A_598 = arith.mulf %get3A_595, %gather3A_575 : vector<16xf32>
        %mul3A_599 = arith.mulf %get3A_597, %gather3A_574 : vector<16xf32>
        %sub3A_600 = arith.subf %mul3A_598, %mul3A_599 : vector<16xf32>
        %broadcast_in_dim3A_601 = arith.constant 2 : i32
        %broadcast_in_dim3A_602 = vector.broadcast %broadcast_in_dim3A_601 : i32 to vector<16xi32>
        tpu.vector_store_idx %arg27[%add3A_571, %broadcast_in_dim3A_602], %sub3A_600 : memref<128x16xf32, #tpu.memory_space<vmem>>[vector<16xi32>, vector<16xi32>], vector<16xf32>,
        %get3A_603 = arith.constant 96 : index
        %get3A_604 = tpu.vector_load %arg17[%get3A_603] {strides = array<i32>} : memref<128xf32, #tpu.memory_space<vmem>>, vector<16xf32>,
        %get3A_605 = arith.constant 96 : index
        %get3A_606 = tpu.vector_load %arg18[%get3A_605] {strides = array<i32>} : memref<128xf32, #tpu.memory_space<vmem>>, vector<16xf32>,
        %mul3A_607 = arith.mulf %get3A_604, %gather3A_575 : vector<16xf32>
        %mul3A_608 = arith.mulf %get3A_606, %gather3A_574 : vector<16xf32>
        %sub3A_609 = arith.subf %mul3A_607, %mul3A_608 : vector<16xf32>
        %broadcast_in_dim3A_610 = arith.constant 3 : i32
        %broadcast_in_dim3A_611 = vector.broadcast %broadcast_in_dim3A_610 : i32 to vector<16xi32>
        tpu.vector_store_idx %arg27[%add3A_571, %broadcast_in_dim3A_611], %sub3A_609 : memref<128x16xf32, #tpu.memory_space<vmem>>[vector<16xi32>, vector<16xi32>], vector<16xf32>,
        %iota3A_612 = tpu.iota {dimensions = array<i32: 0>} : vector<16xi32>
        %add3A_613 = arith.constant 112 : i32
        %add3A_614 = vector.broadcast %add3A_613 : i32 to vector<16xi32>
        %add3A_615 = arith.addi %iota3A_612, %add3A_614 : vector<16xi32>
        %get3A_616 = arith.constant 112 : index
        %get3A_617 = tpu.vector_load %arg29[%get3A_616] {strides = array<i32>} : memref<128xi32, #tpu.memory_space<vmem>>, vector<16xi32>,
        %gather3A_618 = tpu.vector_load_idx %arg9[%get3A_617] : memref<10000xf32, #tpu.memory_space<vmem>>[vector<16xi32>], vector<16xf32>,
        %gather3A_619 = tpu.vector_load_idx %arg10[%get3A_617] : memref<10000xf32, #tpu.memory_space<vmem>>[vector<16xi32>], vector<16xf32>,
        %get3A_620 = arith.constant 112 : index
        %get3A_621 = tpu.vector_load %arg11[%get3A_620] {strides = array<i32>} : memref<128xf32, #tpu.memory_space<vmem>>, vector<16xf32>,
        %get3A_622 = arith.constant 112 : index
        %get3A_623 = tpu.vector_load %arg12[%get3A_622] {strides = array<i32>} : memref<128xf32, #tpu.memory_space<vmem>>, vector<16xf32>,
        %mul3A_624 = arith.mulf %get3A_621, %gather3A_619 : vector<16xf32>
        %mul3A_625 = arith.mulf %get3A_623, %gather3A_618 : vector<16xf32>
        %sub3A_626 = arith.subf %mul3A_624, %mul3A_625 : vector<16xf32>
        %broadcast_in_dim3A_627 = arith.constant 0 : i32
        %broadcast_in_dim3A_628 = vector.broadcast %broadcast_in_dim3A_627 : i32 to vector<16xi32>
        tpu.vector_store_idx %arg27[%add3A_615, %broadcast_in_dim3A_628], %sub3A_626 : memref<128x16xf32, #tpu.memory_space<vmem>>[vector<16xi32>, vector<16xi32>], vector<16xf32>,
        %get3A_629 = arith.constant 112 : index
        %get3A_630 = tpu.vector_load %arg13[%get3A_629] {strides = array<i32>} : memref<128xf32, #tpu.memory_space<vmem>>, vector<16xf32>,
        %get3A_631 = arith.constant 112 : index
        %get3A_632 = tpu.vector_load %arg14[%get3A_631] {strides = array<i32>} : memref<128xf32, #tpu.memory_space<vmem>>, vector<16xf32>,
        %mul3A_633 = arith.mulf %get3A_630, %gather3A_619 : vector<16xf32>
        %mul3A_634 = arith.mulf %get3A_632, %gather3A_618 : vector<16xf32>
        %sub3A_635 = arith.subf %mul3A_633, %mul3A_634 : vector<16xf32>
        %broadcast_in_dim3A_636 = arith.constant 1 : i32
        %broadcast_in_dim3A_637 = vector.broadcast %broadcast_in_dim3A_636 : i32 to vector<16xi32>
        tpu.vector_store_idx %arg27[%add3A_615, %broadcast_in_dim3A_637], %sub3A_635 : memref<128x16xf32, #tpu.memory_space<vmem>>[vector<16xi32>, vector<16xi32>], vector<16xf32>,
        %get3A_638 = arith.constant 112 : index
        %get3A_639 = tpu.vector_load %arg15[%get3A_638] {strides = array<i32>} : memref<128xf32, #tpu.memory_space<vmem>>, vector<16xf32>,
        %get3A_640 = arith.constant 112 : index
        %get3A_641 = tpu.vector_load %arg16[%get3A_640] {strides = array<i32>} : memref<128xf32, #tpu.memory_space<vmem>>, vector<16xf32>,
        %mul3A_642 = arith.mulf %get3A_639, %gather3A_619 : vector<16xf32>
        %mul3A_643 = arith.mulf %get3A_641, %gather3A_618 : vector<16xf32>
        %sub3A_644 = arith.subf %mul3A_642, %mul3A_643 : vector<16xf32>
        %broadcast_in_dim3A_645 = arith.constant 2 : i32
        %broadcast_in_dim3A_646 = vector.broadcast %broadcast_in_dim3A_645 : i32 to vector<16xi32>
        tpu.vector_store_idx %arg27[%add3A_615, %broadcast_in_dim3A_646], %sub3A_644 : memref<128x16xf32, #tpu.memory_space<vmem>>[vector<16xi32>, vector<16xi32>], vector<16xf32>,
        %get3A_647 = arith.constant 112 : index
        %get3A_648 = tpu.vector_load %arg17[%get3A_647] {strides = array<i32>} : memref<128xf32, #tpu.memory_space<vmem>>, vector<16xf32>,
        %get3A_649 = arith.constant 112 : index
        %get3A_650 = tpu.vector_load %arg18[%get3A_649] {strides = array<i32>} : memref<128xf32, #tpu.memory_space<vmem>>, vector<16xf32>,
        %mul3A_651 = arith.mulf %get3A_648, %gather3A_619 : vector<16xf32>
        %mul3A_652 = arith.mulf %get3A_650, %gather3A_618 : vector<16xf32>
        %sub3A_653 = arith.subf %mul3A_651, %mul3A_652 : vector<16xf32>
        %broadcast_in_dim3A_654 = arith.constant 3 : i32
        %broadcast_in_dim3A_655 = vector.broadcast %broadcast_in_dim3A_654 : i32 to vector<16xi32>
        tpu.vector_store_idx %arg27[%add3A_615, %broadcast_in_dim3A_655], %sub3A_653 : memref<128x16xf32, #tpu.memory_space<vmem>>[vector<16xi32>, vector<16xi32>], vector<16xf32>,
        "tpu.region"() ({
          %run_scoped3A = tpu.sem_alloc : memref<!tpu.dma_semaphore, #tpu.memory_space<semaphore_mem>>
          %dma_start3A_656 = arith.constant 0 : i32
          %dma_start3A_657 = arith.constant 0 : i32
          %dma_start3A_658 = tpu.memref_slice %arg8[%dma_start3A_656, %dma_start3A_657] : memref<10112x16xf32, #tpu.memory_space<vmem_shared>> -> memref<10112x16xf32, #tpu.memory_space<vmem_shared>>
          tpu.enqueue_indirect_dma source(%arg27 : memref<128x16xf32, #tpu.memory_space<vmem>>) target(%dma_start3A_658 : memref<10112x16xf32, #tpu.memory_space<vmem_shared>>) offsets(%arg31 : memref<128xi32, #tpu.memory_space<vmem>>) semaphore(%run_scoped3A : memref<!tpu.dma_semaphore, #tpu.memory_space<semaphore_mem>>) {add = true}
          %dma_wait3A_659 = arith.constant 0 : i32
          %dma_wait3A_660 = arith.constant 0 : i32
          %dma_wait3A_661 = tpu.memref_slice %arg8[%dma_wait3A_659, %dma_wait3A_660] : memref<10112x16xf32, #tpu.memory_space<vmem_shared>> -> memref<10112x16xf32, #tpu.memory_space<vmem_shared>>
          tpu.wait_indirect_dma semaphore(%run_scoped3A : memref<!tpu.dma_semaphore, #tpu.memory_space<semaphore_mem>>) src(%arg27 : memref<128x16xf32, #tpu.memory_space<vmem>>) dst(%dma_wait3A_661 : memref<10112x16xf32, #tpu.memory_space<vmem_shared>>)
          tpu.yield
        }) : () -> ()
      } else {
      }
      %add3A_214 = arith.constant 64 : i32
      %add3A_215 = arith.addi %add3A_211, %add3A_214 : i32
      %lt3A_216 = arith.constant 2500 : i32
      %lt3A_217 = arith.cmpi slt, %add3A_215, %lt3A_216 : i32
      %convert_element_type3A_218 = arith.extui %lt3A_217 : i1 to i32
      %cond3A_219 = arith.constant 0 : i32
      %cond3A_220 = arith.cmpi ne, %convert_element_type3A_218, %cond3A_219 : i32
      scf.if %cond3A_220 {
        %dma_start3A_240 = arith.constant 0 : i32
        %dma_start3A_241 = tpu.memref_slice %arg3[%add3A_215, %dma_start3A_240] : memref<2500x128xi32, #tpu.memory_space<hbm>> -> memref<1x128xi32, #tpu.memory_space<hbm>>
        %dma_start3A_242 = tpu.memref_squeeze %dma_start3A_241 : memref<1x128xi32, #tpu.memory_space<hbm>> -> memref<128xi32, #tpu.memory_space<hbm>>
        %dma_start3A_243 = arith.constant 0 : i32
        %dma_start3A_244 = tpu.memref_slice %arg3[%add3A_215, %dma_start3A_243] : memref<2500x128xi32, #tpu.memory_space<hbm>> -> memref<1x128xi32, #tpu.memory_space<hbm>>
        %dma_start3A_245 = tpu.memref_squeeze %dma_start3A_244 : memref<1x128xi32, #tpu.memory_space<hbm>> -> memref<128xi32, #tpu.memory_space<hbm>>
        tpu.enqueue_dma source(%dma_start3A_245 : memref<128xi32, #tpu.memory_space<hbm>>) target(%arg29 : memref<128xi32, #tpu.memory_space<vmem>>) target_semaphore(%arg33 : memref<!tpu.dma_semaphore, #tpu.memory_space<semaphore_mem>>)
        %dma_start3A_246 = arith.constant 0 : i32
        %dma_start3A_247 = tpu.memref_slice %arg4[%add3A_215, %dma_start3A_246] : memref<2500x128xi32, #tpu.memory_space<hbm>> -> memref<1x128xi32, #tpu.memory_space<hbm>>
        %dma_start3A_248 = tpu.memref_squeeze %dma_start3A_247 : memref<1x128xi32, #tpu.memory_space<hbm>> -> memref<128xi32, #tpu.memory_space<hbm>>
        %dma_start3A_249 = arith.constant 0 : i32
        %dma_start3A_250 = tpu.memref_slice %arg4[%add3A_215, %dma_start3A_249] : memref<2500x128xi32, #tpu.memory_space<hbm>> -> memref<1x128xi32, #tpu.memory_space<hbm>>
        %dma_start3A_251 = tpu.memref_squeeze %dma_start3A_250 : memref<1x128xi32, #tpu.memory_space<hbm>> -> memref<128xi32, #tpu.memory_space<hbm>>
        tpu.enqueue_dma source(%dma_start3A_251 : memref<128xi32, #tpu.memory_space<hbm>>) target(%arg31 : memref<128xi32, #tpu.memory_space<vmem>>) target_semaphore(%arg33 : memref<!tpu.dma_semaphore, #tpu.memory_space<semaphore_mem>>)
        %mul3A_252 = arith.constant 128 : i32
        %mul3A_253 = arith.muli %add3A_215, %mul3A_252 : i32
        %dma_start3A_254 = arith.constant 0 : i32
        %dma_start3A_255 = tpu.memref_slice %arg2[%dma_start3A_254, %mul3A_253] : memref<8x320000xf32, #tpu.memory_space<hbm>> -> memref<1x128xf32, #tpu.memory_space<hbm>>
        %dma_start3A_256 = tpu.memref_squeeze %dma_start3A_255 : memref<1x128xf32, #tpu.memory_space<hbm>> -> memref<128xf32, #tpu.memory_space<hbm>>
        %dma_start3A_257 = tpu.memref_slice %arg2[%dma_start3A_254, %mul3A_253] : memref<8x320000xf32, #tpu.memory_space<hbm>> -> memref<1x128xf32, #tpu.memory_space<hbm>>
        %dma_start3A_258 = tpu.memref_squeeze %dma_start3A_257 : memref<1x128xf32, #tpu.memory_space<hbm>> -> memref<128xf32, #tpu.memory_space<hbm>>
        tpu.enqueue_dma source(%dma_start3A_258 : memref<128xf32, #tpu.memory_space<hbm>>) target(%arg11 : memref<128xf32, #tpu.memory_space<vmem>>) target_semaphore(%arg33 : memref<!tpu.dma_semaphore, #tpu.memory_space<semaphore_mem>>)
        %mul3A_259 = arith.constant 128 : i32
        %mul3A_260 = arith.muli %add3A_215, %mul3A_259 : i32
        %dma_start3A_261 = arith.constant 1 : i32
        %dma_start3A_262 = tpu.memref_slice %arg2[%dma_start3A_261, %mul3A_260] : memref<8x320000xf32, #tpu.memory_space<hbm>> -> memref<1x128xf32, #tpu.memory_space<hbm>>
        %dma_start3A_263 = tpu.memref_squeeze %dma_start3A_262 : memref<1x128xf32, #tpu.memory_space<hbm>> -> memref<128xf32, #tpu.memory_space<hbm>>
        %dma_start3A_264 = tpu.memref_slice %arg2[%dma_start3A_261, %mul3A_260] : memref<8x320000xf32, #tpu.memory_space<hbm>> -> memref<1x128xf32, #tpu.memory_space<hbm>>
        %dma_start3A_265 = tpu.memref_squeeze %dma_start3A_264 : memref<1x128xf32, #tpu.memory_space<hbm>> -> memref<128xf32, #tpu.memory_space<hbm>>
        tpu.enqueue_dma source(%dma_start3A_265 : memref<128xf32, #tpu.memory_space<hbm>>) target(%arg12 : memref<128xf32, #tpu.memory_space<vmem>>) target_semaphore(%arg33 : memref<!tpu.dma_semaphore, #tpu.memory_space<semaphore_mem>>)
        %mul3A_266 = arith.constant 128 : i32
        %mul3A_267 = arith.muli %add3A_215, %mul3A_266 : i32
        %dma_start3A_268 = arith.constant 2 : i32
        %dma_start3A_269 = tpu.memref_slice %arg2[%dma_start3A_268, %mul3A_267] : memref<8x320000xf32, #tpu.memory_space<hbm>> -> memref<1x128xf32, #tpu.memory_space<hbm>>
        %dma_start3A_270 = tpu.memref_squeeze %dma_start3A_269 : memref<1x128xf32, #tpu.memory_space<hbm>> -> memref<128xf32, #tpu.memory_space<hbm>>
        %dma_start3A_271 = tpu.memref_slice %arg2[%dma_start3A_268, %mul3A_267] : memref<8x320000xf32, #tpu.memory_space<hbm>> -> memref<1x128xf32, #tpu.memory_space<hbm>>
        %dma_start3A_272 = tpu.memref_squeeze %dma_start3A_271 : memref<1x128xf32, #tpu.memory_space<hbm>> -> memref<128xf32, #tpu.memory_space<hbm>>
        tpu.enqueue_dma source(%dma_start3A_272 : memref<128xf32, #tpu.memory_space<hbm>>) target(%arg13 : memref<128xf32, #tpu.memory_space<vmem>>) target_semaphore(%arg33 : memref<!tpu.dma_semaphore, #tpu.memory_space<semaphore_mem>>)
        %mul3A_273 = arith.constant 128 : i32
        %mul3A_274 = arith.muli %add3A_215, %mul3A_273 : i32
        %dma_start3A_275 = arith.constant 3 : i32
        %dma_start3A_276 = tpu.memref_slice %arg2[%dma_start3A_275, %mul3A_274] : memref<8x320000xf32, #tpu.memory_space<hbm>> -> memref<1x128xf32, #tpu.memory_space<hbm>>
        %dma_start3A_277 = tpu.memref_squeeze %dma_start3A_276 : memref<1x128xf32, #tpu.memory_space<hbm>> -> memref<128xf32, #tpu.memory_space<hbm>>
        %dma_start3A_278 = tpu.memref_slice %arg2[%dma_start3A_275, %mul3A_274] : memref<8x320000xf32, #tpu.memory_space<hbm>> -> memref<1x128xf32, #tpu.memory_space<hbm>>
        %dma_start3A_279 = tpu.memref_squeeze %dma_start3A_278 : memref<1x128xf32, #tpu.memory_space<hbm>> -> memref<128xf32, #tpu.memory_space<hbm>>
        tpu.enqueue_dma source(%dma_start3A_279 : memref<128xf32, #tpu.memory_space<hbm>>) target(%arg14 : memref<128xf32, #tpu.memory_space<vmem>>) target_semaphore(%arg33 : memref<!tpu.dma_semaphore, #tpu.memory_space<semaphore_mem>>)
        %mul3A_280 = arith.constant 128 : i32
        %mul3A_281 = arith.muli %add3A_215, %mul3A_280 : i32
        %dma_start3A_282 = arith.constant 4 : i32
        %dma_start3A_283 = tpu.memref_slice %arg2[%dma_start3A_282, %mul3A_281] : memref<8x320000xf32, #tpu.memory_space<hbm>> -> memref<1x128xf32, #tpu.memory_space<hbm>>
        %dma_start3A_284 = tpu.memref_squeeze %dma_start3A_283 : memref<1x128xf32, #tpu.memory_space<hbm>> -> memref<128xf32, #tpu.memory_space<hbm>>
        %dma_start3A_285 = tpu.memref_slice %arg2[%dma_start3A_282, %mul3A_281] : memref<8x320000xf32, #tpu.memory_space<hbm>> -> memref<1x128xf32, #tpu.memory_space<hbm>>
        %dma_start3A_286 = tpu.memref_squeeze %dma_start3A_285 : memref<1x128xf32, #tpu.memory_space<hbm>> -> memref<128xf32, #tpu.memory_space<hbm>>
        tpu.enqueue_dma source(%dma_start3A_286 : memref<128xf32, #tpu.memory_space<hbm>>) target(%arg15 : memref<128xf32, #tpu.memory_space<vmem>>) target_semaphore(%arg33 : memref<!tpu.dma_semaphore, #tpu.memory_space<semaphore_mem>>)
        %mul3A_287 = arith.constant 128 : i32
        %mul3A_288 = arith.muli %add3A_215, %mul3A_287 : i32
        %dma_start3A_289 = arith.constant 5 : i32
        %dma_start3A_290 = tpu.memref_slice %arg2[%dma_start3A_289, %mul3A_288] : memref<8x320000xf32, #tpu.memory_space<hbm>> -> memref<1x128xf32, #tpu.memory_space<hbm>>
        %dma_start3A_291 = tpu.memref_squeeze %dma_start3A_290 : memref<1x128xf32, #tpu.memory_space<hbm>> -> memref<128xf32, #tpu.memory_space<hbm>>
        %dma_start3A_292 = tpu.memref_slice %arg2[%dma_start3A_289, %mul3A_288] : memref<8x320000xf32, #tpu.memory_space<hbm>> -> memref<1x128xf32, #tpu.memory_space<hbm>>
        %dma_start3A_293 = tpu.memref_squeeze %dma_start3A_292 : memref<1x128xf32, #tpu.memory_space<hbm>> -> memref<128xf32, #tpu.memory_space<hbm>>
        tpu.enqueue_dma source(%dma_start3A_293 : memref<128xf32, #tpu.memory_space<hbm>>) target(%arg16 : memref<128xf32, #tpu.memory_space<vmem>>) target_semaphore(%arg33 : memref<!tpu.dma_semaphore, #tpu.memory_space<semaphore_mem>>)
        %mul3A_294 = arith.constant 128 : i32
        %mul3A_295 = arith.muli %add3A_215, %mul3A_294 : i32
        %dma_start3A_296 = arith.constant 6 : i32
        %dma_start3A_297 = tpu.memref_slice %arg2[%dma_start3A_296, %mul3A_295] : memref<8x320000xf32, #tpu.memory_space<hbm>> -> memref<1x128xf32, #tpu.memory_space<hbm>>
        %dma_start3A_298 = tpu.memref_squeeze %dma_start3A_297 : memref<1x128xf32, #tpu.memory_space<hbm>> -> memref<128xf32, #tpu.memory_space<hbm>>
        %dma_start3A_299 = tpu.memref_slice %arg2[%dma_start3A_296, %mul3A_295] : memref<8x320000xf32, #tpu.memory_space<hbm>> -> memref<1x128xf32, #tpu.memory_space<hbm>>
        %dma_start3A_300 = tpu.memref_squeeze %dma_start3A_299 : memref<1x128xf32, #tpu.memory_space<hbm>> -> memref<128xf32, #tpu.memory_space<hbm>>
        tpu.enqueue_dma source(%dma_start3A_300 : memref<128xf32, #tpu.memory_space<hbm>>) target(%arg17 : memref<128xf32, #tpu.memory_space<vmem>>) target_semaphore(%arg33 : memref<!tpu.dma_semaphore, #tpu.memory_space<semaphore_mem>>)
        %mul3A_301 = arith.constant 128 : i32
        %mul3A_302 = arith.muli %add3A_215, %mul3A_301 : i32
        %dma_start3A_303 = arith.constant 7 : i32
        %dma_start3A_304 = tpu.memref_slice %arg2[%dma_start3A_303, %mul3A_302] : memref<8x320000xf32, #tpu.memory_space<hbm>> -> memref<1x128xf32, #tpu.memory_space<hbm>>
        %dma_start3A_305 = tpu.memref_squeeze %dma_start3A_304 : memref<1x128xf32, #tpu.memory_space<hbm>> -> memref<128xf32, #tpu.memory_space<hbm>>
        %dma_start3A_306 = tpu.memref_slice %arg2[%dma_start3A_303, %mul3A_302] : memref<8x320000xf32, #tpu.memory_space<hbm>> -> memref<1x128xf32, #tpu.memory_space<hbm>>
        %dma_start3A_307 = tpu.memref_squeeze %dma_start3A_306 : memref<1x128xf32, #tpu.memory_space<hbm>> -> memref<128xf32, #tpu.memory_space<hbm>>
        tpu.enqueue_dma source(%dma_start3A_307 : memref<128xf32, #tpu.memory_space<hbm>>) target(%arg18 : memref<128xf32, #tpu.memory_space<vmem>>) target_semaphore(%arg33 : memref<!tpu.dma_semaphore, #tpu.memory_space<semaphore_mem>>)
      } else {
      }
      %mul3A_221 = arith.constant 2 : i32
      %mul3A_222 = arith.muli %scan3A_204, %mul3A_221 : i32
      %add3A_223 = arith.constant 1 : i32
      %add3A_224 = arith.addi %mul3A_222, %add3A_223 : i32
      %mul3A_225 = arith.constant 32 : i32
      %mul3A_226 = arith.muli %add3A_224, %mul3A_225 : i32
      %add3A_227 = arith.addi %mul3A_226, %add3A : i32
      %lt3A_228 = arith.constant 2500 : i32
      %lt3A_229 = arith.cmpi slt, %add3A_227, %lt3A_228 : i32
      %convert_element_type3A_230 = arith.extui %lt3A_229 : i1 to i32
      %cond3A_231 = arith.constant 0 : i32
      %cond3A_232 = arith.cmpi ne, %convert_element_type3A_230, %cond3A_231 : i32
      scf.if %cond3A_232 {
        %dma_wait3A = arith.constant 0 : i32
        %dma_wait3A_240 = tpu.memref_slice %arg3[%add3A_227, %dma_wait3A] : memref<2500x128xi32, #tpu.memory_space<hbm>> -> memref<1x128xi32, #tpu.memory_space<hbm>>
        %dma_wait3A_241 = tpu.memref_squeeze %dma_wait3A_240 : memref<1x128xi32, #tpu.memory_space<hbm>> -> memref<128xi32, #tpu.memory_space<hbm>>
        %dma_wait3A_242 = arith.constant 0 : i32
        %dma_wait3A_243 = tpu.memref_slice %arg3[%add3A_227, %dma_wait3A_242] : memref<2500x128xi32, #tpu.memory_space<hbm>> -> memref<1x128xi32, #tpu.memory_space<hbm>>
        %dma_wait3A_244 = tpu.memref_squeeze %dma_wait3A_243 : memref<1x128xi32, #tpu.memory_space<hbm>> -> memref<128xi32, #tpu.memory_space<hbm>>
        tpu.wait_dma2 semaphore(%arg34 : memref<!tpu.dma_semaphore, #tpu.memory_space<semaphore_mem>>) src(%dma_wait3A_244 : memref<128xi32, #tpu.memory_space<hbm>>) dst(%arg30 : memref<128xi32, #tpu.memory_space<vmem>>)
        %dma_wait3A_245 = arith.constant 0 : i32
        %dma_wait3A_246 = tpu.memref_slice %arg4[%add3A_227, %dma_wait3A_245] : memref<2500x128xi32, #tpu.memory_space<hbm>> -> memref<1x128xi32, #tpu.memory_space<hbm>>
        %dma_wait3A_247 = tpu.memref_squeeze %dma_wait3A_246 : memref<1x128xi32, #tpu.memory_space<hbm>> -> memref<128xi32, #tpu.memory_space<hbm>>
        %dma_wait3A_248 = arith.constant 0 : i32
        %dma_wait3A_249 = tpu.memref_slice %arg4[%add3A_227, %dma_wait3A_248] : memref<2500x128xi32, #tpu.memory_space<hbm>> -> memref<1x128xi32, #tpu.memory_space<hbm>>
        %dma_wait3A_250 = tpu.memref_squeeze %dma_wait3A_249 : memref<1x128xi32, #tpu.memory_space<hbm>> -> memref<128xi32, #tpu.memory_space<hbm>>
        tpu.wait_dma2 semaphore(%arg34 : memref<!tpu.dma_semaphore, #tpu.memory_space<semaphore_mem>>) src(%dma_wait3A_250 : memref<128xi32, #tpu.memory_space<hbm>>) dst(%arg32 : memref<128xi32, #tpu.memory_space<vmem>>)
        %mul3A_251 = arith.constant 128 : i32
        %mul3A_252 = arith.muli %add3A_227, %mul3A_251 : i32
        %dma_wait3A_253 = arith.constant 0 : i32
        %dma_wait3A_254 = tpu.memref_slice %arg2[%dma_wait3A_253, %mul3A_252] : memref<8x320000xf32, #tpu.memory_space<hbm>> -> memref<1x128xf32, #tpu.memory_space<hbm>>
        %dma_wait3A_255 = tpu.memref_squeeze %dma_wait3A_254 : memref<1x128xf32, #tpu.memory_space<hbm>> -> memref<128xf32, #tpu.memory_space<hbm>>
        %dma_wait3A_256 = tpu.memref_slice %arg2[%dma_wait3A_253, %mul3A_252] : memref<8x320000xf32, #tpu.memory_space<hbm>> -> memref<1x128xf32, #tpu.memory_space<hbm>>
        %dma_wait3A_257 = tpu.memref_squeeze %dma_wait3A_256 : memref<1x128xf32, #tpu.memory_space<hbm>> -> memref<128xf32, #tpu.memory_space<hbm>>
        tpu.wait_dma2 semaphore(%arg34 : memref<!tpu.dma_semaphore, #tpu.memory_space<semaphore_mem>>) src(%dma_wait3A_257 : memref<128xf32, #tpu.memory_space<hbm>>) dst(%arg19 : memref<128xf32, #tpu.memory_space<vmem>>)
        %mul3A_258 = arith.constant 128 : i32
        %mul3A_259 = arith.muli %add3A_227, %mul3A_258 : i32
        %dma_wait3A_260 = arith.constant 1 : i32
        %dma_wait3A_261 = tpu.memref_slice %arg2[%dma_wait3A_260, %mul3A_259] : memref<8x320000xf32, #tpu.memory_space<hbm>> -> memref<1x128xf32, #tpu.memory_space<hbm>>
        %dma_wait3A_262 = tpu.memref_squeeze %dma_wait3A_261 : memref<1x128xf32, #tpu.memory_space<hbm>> -> memref<128xf32, #tpu.memory_space<hbm>>
        %dma_wait3A_263 = tpu.memref_slice %arg2[%dma_wait3A_260, %mul3A_259] : memref<8x320000xf32, #tpu.memory_space<hbm>> -> memref<1x128xf32, #tpu.memory_space<hbm>>
        %dma_wait3A_264 = tpu.memref_squeeze %dma_wait3A_263 : memref<1x128xf32, #tpu.memory_space<hbm>> -> memref<128xf32, #tpu.memory_space<hbm>>
        tpu.wait_dma2 semaphore(%arg34 : memref<!tpu.dma_semaphore, #tpu.memory_space<semaphore_mem>>) src(%dma_wait3A_264 : memref<128xf32, #tpu.memory_space<hbm>>) dst(%arg20 : memref<128xf32, #tpu.memory_space<vmem>>)
        %mul3A_265 = arith.constant 128 : i32
        %mul3A_266 = arith.muli %add3A_227, %mul3A_265 : i32
        %dma_wait3A_267 = arith.constant 2 : i32
        %dma_wait3A_268 = tpu.memref_slice %arg2[%dma_wait3A_267, %mul3A_266] : memref<8x320000xf32, #tpu.memory_space<hbm>> -> memref<1x128xf32, #tpu.memory_space<hbm>>
        %dma_wait3A_269 = tpu.memref_squeeze %dma_wait3A_268 : memref<1x128xf32, #tpu.memory_space<hbm>> -> memref<128xf32, #tpu.memory_space<hbm>>
        %dma_wait3A_270 = tpu.memref_slice %arg2[%dma_wait3A_267, %mul3A_266] : memref<8x320000xf32, #tpu.memory_space<hbm>> -> memref<1x128xf32, #tpu.memory_space<hbm>>
        %dma_wait3A_271 = tpu.memref_squeeze %dma_wait3A_270 : memref<1x128xf32, #tpu.memory_space<hbm>> -> memref<128xf32, #tpu.memory_space<hbm>>
        tpu.wait_dma2 semaphore(%arg34 : memref<!tpu.dma_semaphore, #tpu.memory_space<semaphore_mem>>) src(%dma_wait3A_271 : memref<128xf32, #tpu.memory_space<hbm>>) dst(%arg21 : memref<128xf32, #tpu.memory_space<vmem>>)
        %mul3A_272 = arith.constant 128 : i32
        %mul3A_273 = arith.muli %add3A_227, %mul3A_272 : i32
        %dma_wait3A_274 = arith.constant 3 : i32
        %dma_wait3A_275 = tpu.memref_slice %arg2[%dma_wait3A_274, %mul3A_273] : memref<8x320000xf32, #tpu.memory_space<hbm>> -> memref<1x128xf32, #tpu.memory_space<hbm>>
        %dma_wait3A_276 = tpu.memref_squeeze %dma_wait3A_275 : memref<1x128xf32, #tpu.memory_space<hbm>> -> memref<128xf32, #tpu.memory_space<hbm>>
        %dma_wait3A_277 = tpu.memref_slice %arg2[%dma_wait3A_274, %mul3A_273] : memref<8x320000xf32, #tpu.memory_space<hbm>> -> memref<1x128xf32, #tpu.memory_space<hbm>>
        %dma_wait3A_278 = tpu.memref_squeeze %dma_wait3A_277 : memref<1x128xf32, #tpu.memory_space<hbm>> -> memref<128xf32, #tpu.memory_space<hbm>>
        tpu.wait_dma2 semaphore(%arg34 : memref<!tpu.dma_semaphore, #tpu.memory_space<semaphore_mem>>) src(%dma_wait3A_278 : memref<128xf32, #tpu.memory_space<hbm>>) dst(%arg22 : memref<128xf32, #tpu.memory_space<vmem>>)
        %mul3A_279 = arith.constant 128 : i32
        %mul3A_280 = arith.muli %add3A_227, %mul3A_279 : i32
        %dma_wait3A_281 = arith.constant 4 : i32
        %dma_wait3A_282 = tpu.memref_slice %arg2[%dma_wait3A_281, %mul3A_280] : memref<8x320000xf32, #tpu.memory_space<hbm>> -> memref<1x128xf32, #tpu.memory_space<hbm>>
        %dma_wait3A_283 = tpu.memref_squeeze %dma_wait3A_282 : memref<1x128xf32, #tpu.memory_space<hbm>> -> memref<128xf32, #tpu.memory_space<hbm>>
        %dma_wait3A_284 = tpu.memref_slice %arg2[%dma_wait3A_281, %mul3A_280] : memref<8x320000xf32, #tpu.memory_space<hbm>> -> memref<1x128xf32, #tpu.memory_space<hbm>>
        %dma_wait3A_285 = tpu.memref_squeeze %dma_wait3A_284 : memref<1x128xf32, #tpu.memory_space<hbm>> -> memref<128xf32, #tpu.memory_space<hbm>>
        tpu.wait_dma2 semaphore(%arg34 : memref<!tpu.dma_semaphore, #tpu.memory_space<semaphore_mem>>) src(%dma_wait3A_285 : memref<128xf32, #tpu.memory_space<hbm>>) dst(%arg23 : memref<128xf32, #tpu.memory_space<vmem>>)
        %mul3A_286 = arith.constant 128 : i32
        %mul3A_287 = arith.muli %add3A_227, %mul3A_286 : i32
        %dma_wait3A_288 = arith.constant 5 : i32
        %dma_wait3A_289 = tpu.memref_slice %arg2[%dma_wait3A_288, %mul3A_287] : memref<8x320000xf32, #tpu.memory_space<hbm>> -> memref<1x128xf32, #tpu.memory_space<hbm>>
        %dma_wait3A_290 = tpu.memref_squeeze %dma_wait3A_289 : memref<1x128xf32, #tpu.memory_space<hbm>> -> memref<128xf32, #tpu.memory_space<hbm>>
        %dma_wait3A_291 = tpu.memref_slice %arg2[%dma_wait3A_288, %mul3A_287] : memref<8x320000xf32, #tpu.memory_space<hbm>> -> memref<1x128xf32, #tpu.memory_space<hbm>>
        %dma_wait3A_292 = tpu.memref_squeeze %dma_wait3A_291 : memref<1x128xf32, #tpu.memory_space<hbm>> -> memref<128xf32, #tpu.memory_space<hbm>>
        tpu.wait_dma2 semaphore(%arg34 : memref<!tpu.dma_semaphore, #tpu.memory_space<semaphore_mem>>) src(%dma_wait3A_292 : memref<128xf32, #tpu.memory_space<hbm>>) dst(%arg24 : memref<128xf32, #tpu.memory_space<vmem>>)
        %mul3A_293 = arith.constant 128 : i32
        %mul3A_294 = arith.muli %add3A_227, %mul3A_293 : i32
        %dma_wait3A_295 = arith.constant 6 : i32
        %dma_wait3A_296 = tpu.memref_slice %arg2[%dma_wait3A_295, %mul3A_294] : memref<8x320000xf32, #tpu.memory_space<hbm>> -> memref<1x128xf32, #tpu.memory_space<hbm>>
        %dma_wait3A_297 = tpu.memref_squeeze %dma_wait3A_296 : memref<1x128xf32, #tpu.memory_space<hbm>> -> memref<128xf32, #tpu.memory_space<hbm>>
        %dma_wait3A_298 = tpu.memref_slice %arg2[%dma_wait3A_295, %mul3A_294] : memref<8x320000xf32, #tpu.memory_space<hbm>> -> memref<1x128xf32, #tpu.memory_space<hbm>>
        %dma_wait3A_299 = tpu.memref_squeeze %dma_wait3A_298 : memref<1x128xf32, #tpu.memory_space<hbm>> -> memref<128xf32, #tpu.memory_space<hbm>>
        tpu.wait_dma2 semaphore(%arg34 : memref<!tpu.dma_semaphore, #tpu.memory_space<semaphore_mem>>) src(%dma_wait3A_299 : memref<128xf32, #tpu.memory_space<hbm>>) dst(%arg25 : memref<128xf32, #tpu.memory_space<vmem>>)
        %mul3A_300 = arith.constant 128 : i32
        %mul3A_301 = arith.muli %add3A_227, %mul3A_300 : i32
        %dma_wait3A_302 = arith.constant 7 : i32
        %dma_wait3A_303 = tpu.memref_slice %arg2[%dma_wait3A_302, %mul3A_301] : memref<8x320000xf32, #tpu.memory_space<hbm>> -> memref<1x128xf32, #tpu.memory_space<hbm>>
        %dma_wait3A_304 = tpu.memref_squeeze %dma_wait3A_303 : memref<1x128xf32, #tpu.memory_space<hbm>> -> memref<128xf32, #tpu.memory_space<hbm>>
        %dma_wait3A_305 = tpu.memref_slice %arg2[%dma_wait3A_302, %mul3A_301] : memref<8x320000xf32, #tpu.memory_space<hbm>> -> memref<1x128xf32, #tpu.memory_space<hbm>>
        %dma_wait3A_306 = tpu.memref_squeeze %dma_wait3A_305 : memref<1x128xf32, #tpu.memory_space<hbm>> -> memref<128xf32, #tpu.memory_space<hbm>>
        tpu.wait_dma2 semaphore(%arg34 : memref<!tpu.dma_semaphore, #tpu.memory_space<semaphore_mem>>) src(%dma_wait3A_306 : memref<128xf32, #tpu.memory_space<hbm>>) dst(%arg26 : memref<128xf32, #tpu.memory_space<vmem>>)
        %iota3A_307 = tpu.iota {dimensions = array<i32: 0>} : vector<16xi32>
        %add3A_308 = arith.constant 0 : i32
        %add3A_309 = vector.broadcast %add3A_308 : i32 to vector<16xi32>
        %add3A_310 = arith.addi %iota3A_307, %add3A_309 : vector<16xi32>
        %get3A = arith.constant 0 : index
        %get3A_311 = tpu.vector_load %arg30[%get3A] {strides = array<i32>} : memref<128xi32, #tpu.memory_space<vmem>>, vector<16xi32>,
        %gather3A = tpu.vector_load_idx %arg9[%get3A_311] : memref<10000xf32, #tpu.memory_space<vmem>>[vector<16xi32>], vector<16xf32>,
        %gather3A_312 = tpu.vector_load_idx %arg10[%get3A_311] : memref<10000xf32, #tpu.memory_space<vmem>>[vector<16xi32>], vector<16xf32>,
        %get3A_313 = arith.constant 0 : index
        %get3A_314 = tpu.vector_load %arg19[%get3A_313] {strides = array<i32>} : memref<128xf32, #tpu.memory_space<vmem>>, vector<16xf32>,
        %get3A_315 = arith.constant 0 : index
        %get3A_316 = tpu.vector_load %arg20[%get3A_315] {strides = array<i32>} : memref<128xf32, #tpu.memory_space<vmem>>, vector<16xf32>,
        %mul3A_317 = arith.mulf %get3A_314, %gather3A_312 : vector<16xf32>
        %mul3A_318 = arith.mulf %get3A_316, %gather3A : vector<16xf32>
        %sub3A = arith.subf %mul3A_317, %mul3A_318 : vector<16xf32>
        %broadcast_in_dim3A_319 = arith.constant 0 : i32
        %broadcast_in_dim3A_320 = vector.broadcast %broadcast_in_dim3A_319 : i32 to vector<16xi32>
        tpu.vector_store_idx %arg28[%add3A_310, %broadcast_in_dim3A_320], %sub3A : memref<128x16xf32, #tpu.memory_space<vmem>>[vector<16xi32>, vector<16xi32>], vector<16xf32>,
        %get3A_321 = arith.constant 0 : index
        %get3A_322 = tpu.vector_load %arg21[%get3A_321] {strides = array<i32>} : memref<128xf32, #tpu.memory_space<vmem>>, vector<16xf32>,
        %get3A_323 = arith.constant 0 : index
        %get3A_324 = tpu.vector_load %arg22[%get3A_323] {strides = array<i32>} : memref<128xf32, #tpu.memory_space<vmem>>, vector<16xf32>,
        %mul3A_325 = arith.mulf %get3A_322, %gather3A_312 : vector<16xf32>
        %mul3A_326 = arith.mulf %get3A_324, %gather3A : vector<16xf32>
        %sub3A_327 = arith.subf %mul3A_325, %mul3A_326 : vector<16xf32>
        %broadcast_in_dim3A_328 = arith.constant 1 : i32
        %broadcast_in_dim3A_329 = vector.broadcast %broadcast_in_dim3A_328 : i32 to vector<16xi32>
        tpu.vector_store_idx %arg28[%add3A_310, %broadcast_in_dim3A_329], %sub3A_327 : memref<128x16xf32, #tpu.memory_space<vmem>>[vector<16xi32>, vector<16xi32>], vector<16xf32>,
        %get3A_330 = arith.constant 0 : index
        %get3A_331 = tpu.vector_load %arg23[%get3A_330] {strides = array<i32>} : memref<128xf32, #tpu.memory_space<vmem>>, vector<16xf32>,
        %get3A_332 = arith.constant 0 : index
        %get3A_333 = tpu.vector_load %arg24[%get3A_332] {strides = array<i32>} : memref<128xf32, #tpu.memory_space<vmem>>, vector<16xf32>,
        %mul3A_334 = arith.mulf %get3A_331, %gather3A_312 : vector<16xf32>
        %mul3A_335 = arith.mulf %get3A_333, %gather3A : vector<16xf32>
        %sub3A_336 = arith.subf %mul3A_334, %mul3A_335 : vector<16xf32>
        %broadcast_in_dim3A_337 = arith.constant 2 : i32
        %broadcast_in_dim3A_338 = vector.broadcast %broadcast_in_dim3A_337 : i32 to vector<16xi32>
        tpu.vector_store_idx %arg28[%add3A_310, %broadcast_in_dim3A_338], %sub3A_336 : memref<128x16xf32, #tpu.memory_space<vmem>>[vector<16xi32>, vector<16xi32>], vector<16xf32>,
        %get3A_339 = arith.constant 0 : index
        %get3A_340 = tpu.vector_load %arg25[%get3A_339] {strides = array<i32>} : memref<128xf32, #tpu.memory_space<vmem>>, vector<16xf32>,
        %get3A_341 = arith.constant 0 : index
        %get3A_342 = tpu.vector_load %arg26[%get3A_341] {strides = array<i32>} : memref<128xf32, #tpu.memory_space<vmem>>, vector<16xf32>,
        %mul3A_343 = arith.mulf %get3A_340, %gather3A_312 : vector<16xf32>
        %mul3A_344 = arith.mulf %get3A_342, %gather3A : vector<16xf32>
        %sub3A_345 = arith.subf %mul3A_343, %mul3A_344 : vector<16xf32>
        %broadcast_in_dim3A_346 = arith.constant 3 : i32
        %broadcast_in_dim3A_347 = vector.broadcast %broadcast_in_dim3A_346 : i32 to vector<16xi32>
        tpu.vector_store_idx %arg28[%add3A_310, %broadcast_in_dim3A_347], %sub3A_345 : memref<128x16xf32, #tpu.memory_space<vmem>>[vector<16xi32>, vector<16xi32>], vector<16xf32>,
        %iota3A_348 = tpu.iota {dimensions = array<i32: 0>} : vector<16xi32>
        %add3A_349 = arith.constant 16 : i32
        %add3A_350 = vector.broadcast %add3A_349 : i32 to vector<16xi32>
        %add3A_351 = arith.addi %iota3A_348, %add3A_350 : vector<16xi32>
        %get3A_352 = arith.constant 16 : index
        %get3A_353 = tpu.vector_load %arg30[%get3A_352] {strides = array<i32>} : memref<128xi32, #tpu.memory_space<vmem>>, vector<16xi32>,
        %gather3A_354 = tpu.vector_load_idx %arg9[%get3A_353] : memref<10000xf32, #tpu.memory_space<vmem>>[vector<16xi32>], vector<16xf32>,
        %gather3A_355 = tpu.vector_load_idx %arg10[%get3A_353] : memref<10000xf32, #tpu.memory_space<vmem>>[vector<16xi32>], vector<16xf32>,
        %get3A_356 = arith.constant 16 : index
        %get3A_357 = tpu.vector_load %arg19[%get3A_356] {strides = array<i32>} : memref<128xf32, #tpu.memory_space<vmem>>, vector<16xf32>,
        %get3A_358 = arith.constant 16 : index
        %get3A_359 = tpu.vector_load %arg20[%get3A_358] {strides = array<i32>} : memref<128xf32, #tpu.memory_space<vmem>>, vector<16xf32>,
        %mul3A_360 = arith.mulf %get3A_357, %gather3A_355 : vector<16xf32>
        %mul3A_361 = arith.mulf %get3A_359, %gather3A_354 : vector<16xf32>
        %sub3A_362 = arith.subf %mul3A_360, %mul3A_361 : vector<16xf32>
        %broadcast_in_dim3A_363 = arith.constant 0 : i32
        %broadcast_in_dim3A_364 = vector.broadcast %broadcast_in_dim3A_363 : i32 to vector<16xi32>
        tpu.vector_store_idx %arg28[%add3A_351, %broadcast_in_dim3A_364], %sub3A_362 : memref<128x16xf32, #tpu.memory_space<vmem>>[vector<16xi32>, vector<16xi32>], vector<16xf32>,
        %get3A_365 = arith.constant 16 : index
        %get3A_366 = tpu.vector_load %arg21[%get3A_365] {strides = array<i32>} : memref<128xf32, #tpu.memory_space<vmem>>, vector<16xf32>,
        %get3A_367 = arith.constant 16 : index
        %get3A_368 = tpu.vector_load %arg22[%get3A_367] {strides = array<i32>} : memref<128xf32, #tpu.memory_space<vmem>>, vector<16xf32>,
        %mul3A_369 = arith.mulf %get3A_366, %gather3A_355 : vector<16xf32>
        %mul3A_370 = arith.mulf %get3A_368, %gather3A_354 : vector<16xf32>
        %sub3A_371 = arith.subf %mul3A_369, %mul3A_370 : vector<16xf32>
        %broadcast_in_dim3A_372 = arith.constant 1 : i32
        %broadcast_in_dim3A_373 = vector.broadcast %broadcast_in_dim3A_372 : i32 to vector<16xi32>
        tpu.vector_store_idx %arg28[%add3A_351, %broadcast_in_dim3A_373], %sub3A_371 : memref<128x16xf32, #tpu.memory_space<vmem>>[vector<16xi32>, vector<16xi32>], vector<16xf32>,
        %get3A_374 = arith.constant 16 : index
        %get3A_375 = tpu.vector_load %arg23[%get3A_374] {strides = array<i32>} : memref<128xf32, #tpu.memory_space<vmem>>, vector<16xf32>,
        %get3A_376 = arith.constant 16 : index
        %get3A_377 = tpu.vector_load %arg24[%get3A_376] {strides = array<i32>} : memref<128xf32, #tpu.memory_space<vmem>>, vector<16xf32>,
        %mul3A_378 = arith.mulf %get3A_375, %gather3A_355 : vector<16xf32>
        %mul3A_379 = arith.mulf %get3A_377, %gather3A_354 : vector<16xf32>
        %sub3A_380 = arith.subf %mul3A_378, %mul3A_379 : vector<16xf32>
        %broadcast_in_dim3A_381 = arith.constant 2 : i32
        %broadcast_in_dim3A_382 = vector.broadcast %broadcast_in_dim3A_381 : i32 to vector<16xi32>
        tpu.vector_store_idx %arg28[%add3A_351, %broadcast_in_dim3A_382], %sub3A_380 : memref<128x16xf32, #tpu.memory_space<vmem>>[vector<16xi32>, vector<16xi32>], vector<16xf32>,
        %get3A_383 = arith.constant 16 : index
        %get3A_384 = tpu.vector_load %arg25[%get3A_383] {strides = array<i32>} : memref<128xf32, #tpu.memory_space<vmem>>, vector<16xf32>,
        %get3A_385 = arith.constant 16 : index
        %get3A_386 = tpu.vector_load %arg26[%get3A_385] {strides = array<i32>} : memref<128xf32, #tpu.memory_space<vmem>>, vector<16xf32>,
        %mul3A_387 = arith.mulf %get3A_384, %gather3A_355 : vector<16xf32>
        %mul3A_388 = arith.mulf %get3A_386, %gather3A_354 : vector<16xf32>
        %sub3A_389 = arith.subf %mul3A_387, %mul3A_388 : vector<16xf32>
        %broadcast_in_dim3A_390 = arith.constant 3 : i32
        %broadcast_in_dim3A_391 = vector.broadcast %broadcast_in_dim3A_390 : i32 to vector<16xi32>
        tpu.vector_store_idx %arg28[%add3A_351, %broadcast_in_dim3A_391], %sub3A_389 : memref<128x16xf32, #tpu.memory_space<vmem>>[vector<16xi32>, vector<16xi32>], vector<16xf32>,
        %iota3A_392 = tpu.iota {dimensions = array<i32: 0>} : vector<16xi32>
        %add3A_393 = arith.constant 32 : i32
        %add3A_394 = vector.broadcast %add3A_393 : i32 to vector<16xi32>
        %add3A_395 = arith.addi %iota3A_392, %add3A_394 : vector<16xi32>
        %get3A_396 = arith.constant 32 : index
        %get3A_397 = tpu.vector_load %arg30[%get3A_396] {strides = array<i32>} : memref<128xi32, #tpu.memory_space<vmem>>, vector<16xi32>,
        %gather3A_398 = tpu.vector_load_idx %arg9[%get3A_397] : memref<10000xf32, #tpu.memory_space<vmem>>[vector<16xi32>], vector<16xf32>,
        %gather3A_399 = tpu.vector_load_idx %arg10[%get3A_397] : memref<10000xf32, #tpu.memory_space<vmem>>[vector<16xi32>], vector<16xf32>,
        %get3A_400 = arith.constant 32 : index
        %get3A_401 = tpu.vector_load %arg19[%get3A_400] {strides = array<i32>} : memref<128xf32, #tpu.memory_space<vmem>>, vector<16xf32>,
        %get3A_402 = arith.constant 32 : index
        %get3A_403 = tpu.vector_load %arg20[%get3A_402] {strides = array<i32>} : memref<128xf32, #tpu.memory_space<vmem>>, vector<16xf32>,
        %mul3A_404 = arith.mulf %get3A_401, %gather3A_399 : vector<16xf32>
        %mul3A_405 = arith.mulf %get3A_403, %gather3A_398 : vector<16xf32>
        %sub3A_406 = arith.subf %mul3A_404, %mul3A_405 : vector<16xf32>
        %broadcast_in_dim3A_407 = arith.constant 0 : i32
        %broadcast_in_dim3A_408 = vector.broadcast %broadcast_in_dim3A_407 : i32 to vector<16xi32>
        tpu.vector_store_idx %arg28[%add3A_395, %broadcast_in_dim3A_408], %sub3A_406 : memref<128x16xf32, #tpu.memory_space<vmem>>[vector<16xi32>, vector<16xi32>], vector<16xf32>,
        %get3A_409 = arith.constant 32 : index
        %get3A_410 = tpu.vector_load %arg21[%get3A_409] {strides = array<i32>} : memref<128xf32, #tpu.memory_space<vmem>>, vector<16xf32>,
        %get3A_411 = arith.constant 32 : index
        %get3A_412 = tpu.vector_load %arg22[%get3A_411] {strides = array<i32>} : memref<128xf32, #tpu.memory_space<vmem>>, vector<16xf32>,
        %mul3A_413 = arith.mulf %get3A_410, %gather3A_399 : vector<16xf32>
        %mul3A_414 = arith.mulf %get3A_412, %gather3A_398 : vector<16xf32>
        %sub3A_415 = arith.subf %mul3A_413, %mul3A_414 : vector<16xf32>
        %broadcast_in_dim3A_416 = arith.constant 1 : i32
        %broadcast_in_dim3A_417 = vector.broadcast %broadcast_in_dim3A_416 : i32 to vector<16xi32>
        tpu.vector_store_idx %arg28[%add3A_395, %broadcast_in_dim3A_417], %sub3A_415 : memref<128x16xf32, #tpu.memory_space<vmem>>[vector<16xi32>, vector<16xi32>], vector<16xf32>,
        %get3A_418 = arith.constant 32 : index
        %get3A_419 = tpu.vector_load %arg23[%get3A_418] {strides = array<i32>} : memref<128xf32, #tpu.memory_space<vmem>>, vector<16xf32>,
        %get3A_420 = arith.constant 32 : index
        %get3A_421 = tpu.vector_load %arg24[%get3A_420] {strides = array<i32>} : memref<128xf32, #tpu.memory_space<vmem>>, vector<16xf32>,
        %mul3A_422 = arith.mulf %get3A_419, %gather3A_399 : vector<16xf32>
        %mul3A_423 = arith.mulf %get3A_421, %gather3A_398 : vector<16xf32>
        %sub3A_424 = arith.subf %mul3A_422, %mul3A_423 : vector<16xf32>
        %broadcast_in_dim3A_425 = arith.constant 2 : i32
        %broadcast_in_dim3A_426 = vector.broadcast %broadcast_in_dim3A_425 : i32 to vector<16xi32>
        tpu.vector_store_idx %arg28[%add3A_395, %broadcast_in_dim3A_426], %sub3A_424 : memref<128x16xf32, #tpu.memory_space<vmem>>[vector<16xi32>, vector<16xi32>], vector<16xf32>,
        %get3A_427 = arith.constant 32 : index
        %get3A_428 = tpu.vector_load %arg25[%get3A_427] {strides = array<i32>} : memref<128xf32, #tpu.memory_space<vmem>>, vector<16xf32>,
        %get3A_429 = arith.constant 32 : index
        %get3A_430 = tpu.vector_load %arg26[%get3A_429] {strides = array<i32>} : memref<128xf32, #tpu.memory_space<vmem>>, vector<16xf32>,
        %mul3A_431 = arith.mulf %get3A_428, %gather3A_399 : vector<16xf32>
        %mul3A_432 = arith.mulf %get3A_430, %gather3A_398 : vector<16xf32>
        %sub3A_433 = arith.subf %mul3A_431, %mul3A_432 : vector<16xf32>
        %broadcast_in_dim3A_434 = arith.constant 3 : i32
        %broadcast_in_dim3A_435 = vector.broadcast %broadcast_in_dim3A_434 : i32 to vector<16xi32>
        tpu.vector_store_idx %arg28[%add3A_395, %broadcast_in_dim3A_435], %sub3A_433 : memref<128x16xf32, #tpu.memory_space<vmem>>[vector<16xi32>, vector<16xi32>], vector<16xf32>,
        %iota3A_436 = tpu.iota {dimensions = array<i32: 0>} : vector<16xi32>
        %add3A_437 = arith.constant 48 : i32
        %add3A_438 = vector.broadcast %add3A_437 : i32 to vector<16xi32>
        %add3A_439 = arith.addi %iota3A_436, %add3A_438 : vector<16xi32>
        %get3A_440 = arith.constant 48 : index
        %get3A_441 = tpu.vector_load %arg30[%get3A_440] {strides = array<i32>} : memref<128xi32, #tpu.memory_space<vmem>>, vector<16xi32>,
        %gather3A_442 = tpu.vector_load_idx %arg9[%get3A_441] : memref<10000xf32, #tpu.memory_space<vmem>>[vector<16xi32>], vector<16xf32>,
        %gather3A_443 = tpu.vector_load_idx %arg10[%get3A_441] : memref<10000xf32, #tpu.memory_space<vmem>>[vector<16xi32>], vector<16xf32>,
        %get3A_444 = arith.constant 48 : index
        %get3A_445 = tpu.vector_load %arg19[%get3A_444] {strides = array<i32>} : memref<128xf32, #tpu.memory_space<vmem>>, vector<16xf32>,
        %get3A_446 = arith.constant 48 : index
        %get3A_447 = tpu.vector_load %arg20[%get3A_446] {strides = array<i32>} : memref<128xf32, #tpu.memory_space<vmem>>, vector<16xf32>,
        %mul3A_448 = arith.mulf %get3A_445, %gather3A_443 : vector<16xf32>
        %mul3A_449 = arith.mulf %get3A_447, %gather3A_442 : vector<16xf32>
        %sub3A_450 = arith.subf %mul3A_448, %mul3A_449 : vector<16xf32>
        %broadcast_in_dim3A_451 = arith.constant 0 : i32
        %broadcast_in_dim3A_452 = vector.broadcast %broadcast_in_dim3A_451 : i32 to vector<16xi32>
        tpu.vector_store_idx %arg28[%add3A_439, %broadcast_in_dim3A_452], %sub3A_450 : memref<128x16xf32, #tpu.memory_space<vmem>>[vector<16xi32>, vector<16xi32>], vector<16xf32>,
        %get3A_453 = arith.constant 48 : index
        %get3A_454 = tpu.vector_load %arg21[%get3A_453] {strides = array<i32>} : memref<128xf32, #tpu.memory_space<vmem>>, vector<16xf32>,
        %get3A_455 = arith.constant 48 : index
        %get3A_456 = tpu.vector_load %arg22[%get3A_455] {strides = array<i32>} : memref<128xf32, #tpu.memory_space<vmem>>, vector<16xf32>,
        %mul3A_457 = arith.mulf %get3A_454, %gather3A_443 : vector<16xf32>
        %mul3A_458 = arith.mulf %get3A_456, %gather3A_442 : vector<16xf32>
        %sub3A_459 = arith.subf %mul3A_457, %mul3A_458 : vector<16xf32>
        %broadcast_in_dim3A_460 = arith.constant 1 : i32
        %broadcast_in_dim3A_461 = vector.broadcast %broadcast_in_dim3A_460 : i32 to vector<16xi32>
        tpu.vector_store_idx %arg28[%add3A_439, %broadcast_in_dim3A_461], %sub3A_459 : memref<128x16xf32, #tpu.memory_space<vmem>>[vector<16xi32>, vector<16xi32>], vector<16xf32>,
        %get3A_462 = arith.constant 48 : index
        %get3A_463 = tpu.vector_load %arg23[%get3A_462] {strides = array<i32>} : memref<128xf32, #tpu.memory_space<vmem>>, vector<16xf32>,
        %get3A_464 = arith.constant 48 : index
        %get3A_465 = tpu.vector_load %arg24[%get3A_464] {strides = array<i32>} : memref<128xf32, #tpu.memory_space<vmem>>, vector<16xf32>,
        %mul3A_466 = arith.mulf %get3A_463, %gather3A_443 : vector<16xf32>
        %mul3A_467 = arith.mulf %get3A_465, %gather3A_442 : vector<16xf32>
        %sub3A_468 = arith.subf %mul3A_466, %mul3A_467 : vector<16xf32>
        %broadcast_in_dim3A_469 = arith.constant 2 : i32
        %broadcast_in_dim3A_470 = vector.broadcast %broadcast_in_dim3A_469 : i32 to vector<16xi32>
        tpu.vector_store_idx %arg28[%add3A_439, %broadcast_in_dim3A_470], %sub3A_468 : memref<128x16xf32, #tpu.memory_space<vmem>>[vector<16xi32>, vector<16xi32>], vector<16xf32>,
        %get3A_471 = arith.constant 48 : index
        %get3A_472 = tpu.vector_load %arg25[%get3A_471] {strides = array<i32>} : memref<128xf32, #tpu.memory_space<vmem>>, vector<16xf32>,
        %get3A_473 = arith.constant 48 : index
        %get3A_474 = tpu.vector_load %arg26[%get3A_473] {strides = array<i32>} : memref<128xf32, #tpu.memory_space<vmem>>, vector<16xf32>,
        %mul3A_475 = arith.mulf %get3A_472, %gather3A_443 : vector<16xf32>
        %mul3A_476 = arith.mulf %get3A_474, %gather3A_442 : vector<16xf32>
        %sub3A_477 = arith.subf %mul3A_475, %mul3A_476 : vector<16xf32>
        %broadcast_in_dim3A_478 = arith.constant 3 : i32
        %broadcast_in_dim3A_479 = vector.broadcast %broadcast_in_dim3A_478 : i32 to vector<16xi32>
        tpu.vector_store_idx %arg28[%add3A_439, %broadcast_in_dim3A_479], %sub3A_477 : memref<128x16xf32, #tpu.memory_space<vmem>>[vector<16xi32>, vector<16xi32>], vector<16xf32>,
        %iota3A_480 = tpu.iota {dimensions = array<i32: 0>} : vector<16xi32>
        %add3A_481 = arith.constant 64 : i32
        %add3A_482 = vector.broadcast %add3A_481 : i32 to vector<16xi32>
        %add3A_483 = arith.addi %iota3A_480, %add3A_482 : vector<16xi32>
        %get3A_484 = arith.constant 64 : index
        %get3A_485 = tpu.vector_load %arg30[%get3A_484] {strides = array<i32>} : memref<128xi32, #tpu.memory_space<vmem>>, vector<16xi32>,
        %gather3A_486 = tpu.vector_load_idx %arg9[%get3A_485] : memref<10000xf32, #tpu.memory_space<vmem>>[vector<16xi32>], vector<16xf32>,
        %gather3A_487 = tpu.vector_load_idx %arg10[%get3A_485] : memref<10000xf32, #tpu.memory_space<vmem>>[vector<16xi32>], vector<16xf32>,
        %get3A_488 = arith.constant 64 : index
        %get3A_489 = tpu.vector_load %arg19[%get3A_488] {strides = array<i32>} : memref<128xf32, #tpu.memory_space<vmem>>, vector<16xf32>,
        %get3A_490 = arith.constant 64 : index
        %get3A_491 = tpu.vector_load %arg20[%get3A_490] {strides = array<i32>} : memref<128xf32, #tpu.memory_space<vmem>>, vector<16xf32>,
        %mul3A_492 = arith.mulf %get3A_489, %gather3A_487 : vector<16xf32>
        %mul3A_493 = arith.mulf %get3A_491, %gather3A_486 : vector<16xf32>
        %sub3A_494 = arith.subf %mul3A_492, %mul3A_493 : vector<16xf32>
        %broadcast_in_dim3A_495 = arith.constant 0 : i32
        %broadcast_in_dim3A_496 = vector.broadcast %broadcast_in_dim3A_495 : i32 to vector<16xi32>
        tpu.vector_store_idx %arg28[%add3A_483, %broadcast_in_dim3A_496], %sub3A_494 : memref<128x16xf32, #tpu.memory_space<vmem>>[vector<16xi32>, vector<16xi32>], vector<16xf32>,
        %get3A_497 = arith.constant 64 : index
        %get3A_498 = tpu.vector_load %arg21[%get3A_497] {strides = array<i32>} : memref<128xf32, #tpu.memory_space<vmem>>, vector<16xf32>,
        %get3A_499 = arith.constant 64 : index
        %get3A_500 = tpu.vector_load %arg22[%get3A_499] {strides = array<i32>} : memref<128xf32, #tpu.memory_space<vmem>>, vector<16xf32>,
        %mul3A_501 = arith.mulf %get3A_498, %gather3A_487 : vector<16xf32>
        %mul3A_502 = arith.mulf %get3A_500, %gather3A_486 : vector<16xf32>
        %sub3A_503 = arith.subf %mul3A_501, %mul3A_502 : vector<16xf32>
        %broadcast_in_dim3A_504 = arith.constant 1 : i32
        %broadcast_in_dim3A_505 = vector.broadcast %broadcast_in_dim3A_504 : i32 to vector<16xi32>
        tpu.vector_store_idx %arg28[%add3A_483, %broadcast_in_dim3A_505], %sub3A_503 : memref<128x16xf32, #tpu.memory_space<vmem>>[vector<16xi32>, vector<16xi32>], vector<16xf32>,
        %get3A_506 = arith.constant 64 : index
        %get3A_507 = tpu.vector_load %arg23[%get3A_506] {strides = array<i32>} : memref<128xf32, #tpu.memory_space<vmem>>, vector<16xf32>,
        %get3A_508 = arith.constant 64 : index
        %get3A_509 = tpu.vector_load %arg24[%get3A_508] {strides = array<i32>} : memref<128xf32, #tpu.memory_space<vmem>>, vector<16xf32>,
        %mul3A_510 = arith.mulf %get3A_507, %gather3A_487 : vector<16xf32>
        %mul3A_511 = arith.mulf %get3A_509, %gather3A_486 : vector<16xf32>
        %sub3A_512 = arith.subf %mul3A_510, %mul3A_511 : vector<16xf32>
        %broadcast_in_dim3A_513 = arith.constant 2 : i32
        %broadcast_in_dim3A_514 = vector.broadcast %broadcast_in_dim3A_513 : i32 to vector<16xi32>
        tpu.vector_store_idx %arg28[%add3A_483, %broadcast_in_dim3A_514], %sub3A_512 : memref<128x16xf32, #tpu.memory_space<vmem>>[vector<16xi32>, vector<16xi32>], vector<16xf32>,
        %get3A_515 = arith.constant 64 : index
        %get3A_516 = tpu.vector_load %arg25[%get3A_515] {strides = array<i32>} : memref<128xf32, #tpu.memory_space<vmem>>, vector<16xf32>,
        %get3A_517 = arith.constant 64 : index
        %get3A_518 = tpu.vector_load %arg26[%get3A_517] {strides = array<i32>} : memref<128xf32, #tpu.memory_space<vmem>>, vector<16xf32>,
        %mul3A_519 = arith.mulf %get3A_516, %gather3A_487 : vector<16xf32>
        %mul3A_520 = arith.mulf %get3A_518, %gather3A_486 : vector<16xf32>
        %sub3A_521 = arith.subf %mul3A_519, %mul3A_520 : vector<16xf32>
        %broadcast_in_dim3A_522 = arith.constant 3 : i32
        %broadcast_in_dim3A_523 = vector.broadcast %broadcast_in_dim3A_522 : i32 to vector<16xi32>
        tpu.vector_store_idx %arg28[%add3A_483, %broadcast_in_dim3A_523], %sub3A_521 : memref<128x16xf32, #tpu.memory_space<vmem>>[vector<16xi32>, vector<16xi32>], vector<16xf32>,
        %iota3A_524 = tpu.iota {dimensions = array<i32: 0>} : vector<16xi32>
        %add3A_525 = arith.constant 80 : i32
        %add3A_526 = vector.broadcast %add3A_525 : i32 to vector<16xi32>
        %add3A_527 = arith.addi %iota3A_524, %add3A_526 : vector<16xi32>
        %get3A_528 = arith.constant 80 : index
        %get3A_529 = tpu.vector_load %arg30[%get3A_528] {strides = array<i32>} : memref<128xi32, #tpu.memory_space<vmem>>, vector<16xi32>,
        %gather3A_530 = tpu.vector_load_idx %arg9[%get3A_529] : memref<10000xf32, #tpu.memory_space<vmem>>[vector<16xi32>], vector<16xf32>,
        %gather3A_531 = tpu.vector_load_idx %arg10[%get3A_529] : memref<10000xf32, #tpu.memory_space<vmem>>[vector<16xi32>], vector<16xf32>,
        %get3A_532 = arith.constant 80 : index
        %get3A_533 = tpu.vector_load %arg19[%get3A_532] {strides = array<i32>} : memref<128xf32, #tpu.memory_space<vmem>>, vector<16xf32>,
        %get3A_534 = arith.constant 80 : index
        %get3A_535 = tpu.vector_load %arg20[%get3A_534] {strides = array<i32>} : memref<128xf32, #tpu.memory_space<vmem>>, vector<16xf32>,
        %mul3A_536 = arith.mulf %get3A_533, %gather3A_531 : vector<16xf32>
        %mul3A_537 = arith.mulf %get3A_535, %gather3A_530 : vector<16xf32>
        %sub3A_538 = arith.subf %mul3A_536, %mul3A_537 : vector<16xf32>
        %broadcast_in_dim3A_539 = arith.constant 0 : i32
        %broadcast_in_dim3A_540 = vector.broadcast %broadcast_in_dim3A_539 : i32 to vector<16xi32>
        tpu.vector_store_idx %arg28[%add3A_527, %broadcast_in_dim3A_540], %sub3A_538 : memref<128x16xf32, #tpu.memory_space<vmem>>[vector<16xi32>, vector<16xi32>], vector<16xf32>,
        %get3A_541 = arith.constant 80 : index
        %get3A_542 = tpu.vector_load %arg21[%get3A_541] {strides = array<i32>} : memref<128xf32, #tpu.memory_space<vmem>>, vector<16xf32>,
        %get3A_543 = arith.constant 80 : index
        %get3A_544 = tpu.vector_load %arg22[%get3A_543] {strides = array<i32>} : memref<128xf32, #tpu.memory_space<vmem>>, vector<16xf32>,
        %mul3A_545 = arith.mulf %get3A_542, %gather3A_531 : vector<16xf32>
        %mul3A_546 = arith.mulf %get3A_544, %gather3A_530 : vector<16xf32>
        %sub3A_547 = arith.subf %mul3A_545, %mul3A_546 : vector<16xf32>
        %broadcast_in_dim3A_548 = arith.constant 1 : i32
        %broadcast_in_dim3A_549 = vector.broadcast %broadcast_in_dim3A_548 : i32 to vector<16xi32>
        tpu.vector_store_idx %arg28[%add3A_527, %broadcast_in_dim3A_549], %sub3A_547 : memref<128x16xf32, #tpu.memory_space<vmem>>[vector<16xi32>, vector<16xi32>], vector<16xf32>,
        %get3A_550 = arith.constant 80 : index
        %get3A_551 = tpu.vector_load %arg23[%get3A_550] {strides = array<i32>} : memref<128xf32, #tpu.memory_space<vmem>>, vector<16xf32>,
        %get3A_552 = arith.constant 80 : index
        %get3A_553 = tpu.vector_load %arg24[%get3A_552] {strides = array<i32>} : memref<128xf32, #tpu.memory_space<vmem>>, vector<16xf32>,
        %mul3A_554 = arith.mulf %get3A_551, %gather3A_531 : vector<16xf32>
        %mul3A_555 = arith.mulf %get3A_553, %gather3A_530 : vector<16xf32>
        %sub3A_556 = arith.subf %mul3A_554, %mul3A_555 : vector<16xf32>
        %broadcast_in_dim3A_557 = arith.constant 2 : i32
        %broadcast_in_dim3A_558 = vector.broadcast %broadcast_in_dim3A_557 : i32 to vector<16xi32>
        tpu.vector_store_idx %arg28[%add3A_527, %broadcast_in_dim3A_558], %sub3A_556 : memref<128x16xf32, #tpu.memory_space<vmem>>[vector<16xi32>, vector<16xi32>], vector<16xf32>,
        %get3A_559 = arith.constant 80 : index
        %get3A_560 = tpu.vector_load %arg25[%get3A_559] {strides = array<i32>} : memref<128xf32, #tpu.memory_space<vmem>>, vector<16xf32>,
        %get3A_561 = arith.constant 80 : index
        %get3A_562 = tpu.vector_load %arg26[%get3A_561] {strides = array<i32>} : memref<128xf32, #tpu.memory_space<vmem>>, vector<16xf32>,
        %mul3A_563 = arith.mulf %get3A_560, %gather3A_531 : vector<16xf32>
        %mul3A_564 = arith.mulf %get3A_562, %gather3A_530 : vector<16xf32>
        %sub3A_565 = arith.subf %mul3A_563, %mul3A_564 : vector<16xf32>
        %broadcast_in_dim3A_566 = arith.constant 3 : i32
        %broadcast_in_dim3A_567 = vector.broadcast %broadcast_in_dim3A_566 : i32 to vector<16xi32>
        tpu.vector_store_idx %arg28[%add3A_527, %broadcast_in_dim3A_567], %sub3A_565 : memref<128x16xf32, #tpu.memory_space<vmem>>[vector<16xi32>, vector<16xi32>], vector<16xf32>,
        %iota3A_568 = tpu.iota {dimensions = array<i32: 0>} : vector<16xi32>
        %add3A_569 = arith.constant 96 : i32
        %add3A_570 = vector.broadcast %add3A_569 : i32 to vector<16xi32>
        %add3A_571 = arith.addi %iota3A_568, %add3A_570 : vector<16xi32>
        %get3A_572 = arith.constant 96 : index
        %get3A_573 = tpu.vector_load %arg30[%get3A_572] {strides = array<i32>} : memref<128xi32, #tpu.memory_space<vmem>>, vector<16xi32>,
        %gather3A_574 = tpu.vector_load_idx %arg9[%get3A_573] : memref<10000xf32, #tpu.memory_space<vmem>>[vector<16xi32>], vector<16xf32>,
        %gather3A_575 = tpu.vector_load_idx %arg10[%get3A_573] : memref<10000xf32, #tpu.memory_space<vmem>>[vector<16xi32>], vector<16xf32>,
        %get3A_576 = arith.constant 96 : index
        %get3A_577 = tpu.vector_load %arg19[%get3A_576] {strides = array<i32>} : memref<128xf32, #tpu.memory_space<vmem>>, vector<16xf32>,
        %get3A_578 = arith.constant 96 : index
        %get3A_579 = tpu.vector_load %arg20[%get3A_578] {strides = array<i32>} : memref<128xf32, #tpu.memory_space<vmem>>, vector<16xf32>,
        %mul3A_580 = arith.mulf %get3A_577, %gather3A_575 : vector<16xf32>
        %mul3A_581 = arith.mulf %get3A_579, %gather3A_574 : vector<16xf32>
        %sub3A_582 = arith.subf %mul3A_580, %mul3A_581 : vector<16xf32>
        %broadcast_in_dim3A_583 = arith.constant 0 : i32
        %broadcast_in_dim3A_584 = vector.broadcast %broadcast_in_dim3A_583 : i32 to vector<16xi32>
        tpu.vector_store_idx %arg28[%add3A_571, %broadcast_in_dim3A_584], %sub3A_582 : memref<128x16xf32, #tpu.memory_space<vmem>>[vector<16xi32>, vector<16xi32>], vector<16xf32>,
        %get3A_585 = arith.constant 96 : index
        %get3A_586 = tpu.vector_load %arg21[%get3A_585] {strides = array<i32>} : memref<128xf32, #tpu.memory_space<vmem>>, vector<16xf32>,
        %get3A_587 = arith.constant 96 : index
        %get3A_588 = tpu.vector_load %arg22[%get3A_587] {strides = array<i32>} : memref<128xf32, #tpu.memory_space<vmem>>, vector<16xf32>,
        %mul3A_589 = arith.mulf %get3A_586, %gather3A_575 : vector<16xf32>
        %mul3A_590 = arith.mulf %get3A_588, %gather3A_574 : vector<16xf32>
        %sub3A_591 = arith.subf %mul3A_589, %mul3A_590 : vector<16xf32>
        %broadcast_in_dim3A_592 = arith.constant 1 : i32
        %broadcast_in_dim3A_593 = vector.broadcast %broadcast_in_dim3A_592 : i32 to vector<16xi32>
        tpu.vector_store_idx %arg28[%add3A_571, %broadcast_in_dim3A_593], %sub3A_591 : memref<128x16xf32, #tpu.memory_space<vmem>>[vector<16xi32>, vector<16xi32>], vector<16xf32>,
        %get3A_594 = arith.constant 96 : index
        %get3A_595 = tpu.vector_load %arg23[%get3A_594] {strides = array<i32>} : memref<128xf32, #tpu.memory_space<vmem>>, vector<16xf32>,
        %get3A_596 = arith.constant 96 : index
        %get3A_597 = tpu.vector_load %arg24[%get3A_596] {strides = array<i32>} : memref<128xf32, #tpu.memory_space<vmem>>, vector<16xf32>,
        %mul3A_598 = arith.mulf %get3A_595, %gather3A_575 : vector<16xf32>
        %mul3A_599 = arith.mulf %get3A_597, %gather3A_574 : vector<16xf32>
        %sub3A_600 = arith.subf %mul3A_598, %mul3A_599 : vector<16xf32>
        %broadcast_in_dim3A_601 = arith.constant 2 : i32
        %broadcast_in_dim3A_602 = vector.broadcast %broadcast_in_dim3A_601 : i32 to vector<16xi32>
        tpu.vector_store_idx %arg28[%add3A_571, %broadcast_in_dim3A_602], %sub3A_600 : memref<128x16xf32, #tpu.memory_space<vmem>>[vector<16xi32>, vector<16xi32>], vector<16xf32>,
        %get3A_603 = arith.constant 96 : index
        %get3A_604 = tpu.vector_load %arg25[%get3A_603] {strides = array<i32>} : memref<128xf32, #tpu.memory_space<vmem>>, vector<16xf32>,
        %get3A_605 = arith.constant 96 : index
        %get3A_606 = tpu.vector_load %arg26[%get3A_605] {strides = array<i32>} : memref<128xf32, #tpu.memory_space<vmem>>, vector<16xf32>,
        %mul3A_607 = arith.mulf %get3A_604, %gather3A_575 : vector<16xf32>
        %mul3A_608 = arith.mulf %get3A_606, %gather3A_574 : vector<16xf32>
        %sub3A_609 = arith.subf %mul3A_607, %mul3A_608 : vector<16xf32>
        %broadcast_in_dim3A_610 = arith.constant 3 : i32
        %broadcast_in_dim3A_611 = vector.broadcast %broadcast_in_dim3A_610 : i32 to vector<16xi32>
        tpu.vector_store_idx %arg28[%add3A_571, %broadcast_in_dim3A_611], %sub3A_609 : memref<128x16xf32, #tpu.memory_space<vmem>>[vector<16xi32>, vector<16xi32>], vector<16xf32>,
        %iota3A_612 = tpu.iota {dimensions = array<i32: 0>} : vector<16xi32>
        %add3A_613 = arith.constant 112 : i32
        %add3A_614 = vector.broadcast %add3A_613 : i32 to vector<16xi32>
        %add3A_615 = arith.addi %iota3A_612, %add3A_614 : vector<16xi32>
        %get3A_616 = arith.constant 112 : index
        %get3A_617 = tpu.vector_load %arg30[%get3A_616] {strides = array<i32>} : memref<128xi32, #tpu.memory_space<vmem>>, vector<16xi32>,
        %gather3A_618 = tpu.vector_load_idx %arg9[%get3A_617] : memref<10000xf32, #tpu.memory_space<vmem>>[vector<16xi32>], vector<16xf32>,
        %gather3A_619 = tpu.vector_load_idx %arg10[%get3A_617] : memref<10000xf32, #tpu.memory_space<vmem>>[vector<16xi32>], vector<16xf32>,
        %get3A_620 = arith.constant 112 : index
        %get3A_621 = tpu.vector_load %arg19[%get3A_620] {strides = array<i32>} : memref<128xf32, #tpu.memory_space<vmem>>, vector<16xf32>,
        %get3A_622 = arith.constant 112 : index
        %get3A_623 = tpu.vector_load %arg20[%get3A_622] {strides = array<i32>} : memref<128xf32, #tpu.memory_space<vmem>>, vector<16xf32>,
        %mul3A_624 = arith.mulf %get3A_621, %gather3A_619 : vector<16xf32>
        %mul3A_625 = arith.mulf %get3A_623, %gather3A_618 : vector<16xf32>
        %sub3A_626 = arith.subf %mul3A_624, %mul3A_625 : vector<16xf32>
        %broadcast_in_dim3A_627 = arith.constant 0 : i32
        %broadcast_in_dim3A_628 = vector.broadcast %broadcast_in_dim3A_627 : i32 to vector<16xi32>
        tpu.vector_store_idx %arg28[%add3A_615, %broadcast_in_dim3A_628], %sub3A_626 : memref<128x16xf32, #tpu.memory_space<vmem>>[vector<16xi32>, vector<16xi32>], vector<16xf32>,
        %get3A_629 = arith.constant 112 : index
        %get3A_630 = tpu.vector_load %arg21[%get3A_629] {strides = array<i32>} : memref<128xf32, #tpu.memory_space<vmem>>, vector<16xf32>,
        %get3A_631 = arith.constant 112 : index
        %get3A_632 = tpu.vector_load %arg22[%get3A_631] {strides = array<i32>} : memref<128xf32, #tpu.memory_space<vmem>>, vector<16xf32>,
        %mul3A_633 = arith.mulf %get3A_630, %gather3A_619 : vector<16xf32>
        %mul3A_634 = arith.mulf %get3A_632, %gather3A_618 : vector<16xf32>
        %sub3A_635 = arith.subf %mul3A_633, %mul3A_634 : vector<16xf32>
        %broadcast_in_dim3A_636 = arith.constant 1 : i32
        %broadcast_in_dim3A_637 = vector.broadcast %broadcast_in_dim3A_636 : i32 to vector<16xi32>
        tpu.vector_store_idx %arg28[%add3A_615, %broadcast_in_dim3A_637], %sub3A_635 : memref<128x16xf32, #tpu.memory_space<vmem>>[vector<16xi32>, vector<16xi32>], vector<16xf32>,
        %get3A_638 = arith.constant 112 : index
        %get3A_639 = tpu.vector_load %arg23[%get3A_638] {strides = array<i32>} : memref<128xf32, #tpu.memory_space<vmem>>, vector<16xf32>,
        %get3A_640 = arith.constant 112 : index
        %get3A_641 = tpu.vector_load %arg24[%get3A_640] {strides = array<i32>} : memref<128xf32, #tpu.memory_space<vmem>>, vector<16xf32>,
        %mul3A_642 = arith.mulf %get3A_639, %gather3A_619 : vector<16xf32>
        %mul3A_643 = arith.mulf %get3A_641, %gather3A_618 : vector<16xf32>
        %sub3A_644 = arith.subf %mul3A_642, %mul3A_643 : vector<16xf32>
        %broadcast_in_dim3A_645 = arith.constant 2 : i32
        %broadcast_in_dim3A_646 = vector.broadcast %broadcast_in_dim3A_645 : i32 to vector<16xi32>
        tpu.vector_store_idx %arg28[%add3A_615, %broadcast_in_dim3A_646], %sub3A_644 : memref<128x16xf32, #tpu.memory_space<vmem>>[vector<16xi32>, vector<16xi32>], vector<16xf32>,
        %get3A_647 = arith.constant 112 : index
        %get3A_648 = tpu.vector_load %arg25[%get3A_647] {strides = array<i32>} : memref<128xf32, #tpu.memory_space<vmem>>, vector<16xf32>,
        %get3A_649 = arith.constant 112 : index
        %get3A_650 = tpu.vector_load %arg26[%get3A_649] {strides = array<i32>} : memref<128xf32, #tpu.memory_space<vmem>>, vector<16xf32>,
        %mul3A_651 = arith.mulf %get3A_648, %gather3A_619 : vector<16xf32>
        %mul3A_652 = arith.mulf %get3A_650, %gather3A_618 : vector<16xf32>
        %sub3A_653 = arith.subf %mul3A_651, %mul3A_652 : vector<16xf32>
        %broadcast_in_dim3A_654 = arith.constant 3 : i32
        %broadcast_in_dim3A_655 = vector.broadcast %broadcast_in_dim3A_654 : i32 to vector<16xi32>
        tpu.vector_store_idx %arg28[%add3A_615, %broadcast_in_dim3A_655], %sub3A_653 : memref<128x16xf32, #tpu.memory_space<vmem>>[vector<16xi32>, vector<16xi32>], vector<16xf32>,
        "tpu.region"() ({
          %run_scoped3A = tpu.sem_alloc : memref<!tpu.dma_semaphore, #tpu.memory_space<semaphore_mem>>
          %dma_start3A_656 = arith.constant 0 : i32
          %dma_start3A_657 = arith.constant 0 : i32
          %dma_start3A_658 = tpu.memref_slice %arg8[%dma_start3A_656, %dma_start3A_657] : memref<10112x16xf32, #tpu.memory_space<vmem_shared>> -> memref<10112x16xf32, #tpu.memory_space<vmem_shared>>
          tpu.enqueue_indirect_dma source(%arg28 : memref<128x16xf32, #tpu.memory_space<vmem>>) target(%dma_start3A_658 : memref<10112x16xf32, #tpu.memory_space<vmem_shared>>) offsets(%arg32 : memref<128xi32, #tpu.memory_space<vmem>>) semaphore(%run_scoped3A : memref<!tpu.dma_semaphore, #tpu.memory_space<semaphore_mem>>) {add = true}
          %dma_wait3A_659 = arith.constant 0 : i32
          %dma_wait3A_660 = arith.constant 0 : i32
          %dma_wait3A_661 = tpu.memref_slice %arg8[%dma_wait3A_659, %dma_wait3A_660] : memref<10112x16xf32, #tpu.memory_space<vmem_shared>> -> memref<10112x16xf32, #tpu.memory_space<vmem_shared>>
          tpu.wait_indirect_dma semaphore(%run_scoped3A : memref<!tpu.dma_semaphore, #tpu.memory_space<semaphore_mem>>) src(%arg28 : memref<128x16xf32, #tpu.memory_space<vmem>>) dst(%dma_wait3A_661 : memref<10112x16xf32, #tpu.memory_space<vmem_shared>>)
          tpu.yield
        }) : () -> ()
      } else {
      }
      %add3A_233 = arith.constant 64 : i32
      %add3A_234 = arith.addi %add3A_227, %add3A_233 : i32
      %lt3A_235 = arith.constant 2500 : i32
      %lt3A_236 = arith.cmpi slt, %add3A_234, %lt3A_235 : i32
      %convert_element_type3A_237 = arith.extui %lt3A_236 : i1 to i32
      %cond3A_238 = arith.constant 0 : i32
      %cond3A_239 = arith.cmpi ne, %convert_element_type3A_237, %cond3A_238 : i32
      scf.if %cond3A_239 {
        %dma_start3A_240 = arith.constant 0 : i32
        %dma_start3A_241 = tpu.memref_slice %arg3[%add3A_234, %dma_start3A_240] : memref<2500x128xi32, #tpu.memory_space<hbm>> -> memref<1x128xi32, #tpu.memory_space<hbm>>
        %dma_start3A_242 = tpu.memref_squeeze %dma_start3A_241 : memref<1x128xi32, #tpu.memory_space<hbm>> -> memref<128xi32, #tpu.memory_space<hbm>>
        %dma_start3A_243 = arith.constant 0 : i32
        %dma_start3A_244 = tpu.memref_slice %arg3[%add3A_234, %dma_start3A_243] : memref<2500x128xi32, #tpu.memory_space<hbm>> -> memref<1x128xi32, #tpu.memory_space<hbm>>
        %dma_start3A_245 = tpu.memref_squeeze %dma_start3A_244 : memref<1x128xi32, #tpu.memory_space<hbm>> -> memref<128xi32, #tpu.memory_space<hbm>>
        tpu.enqueue_dma source(%dma_start3A_245 : memref<128xi32, #tpu.memory_space<hbm>>) target(%arg30 : memref<128xi32, #tpu.memory_space<vmem>>) target_semaphore(%arg34 : memref<!tpu.dma_semaphore, #tpu.memory_space<semaphore_mem>>)
        %dma_start3A_246 = arith.constant 0 : i32
        %dma_start3A_247 = tpu.memref_slice %arg4[%add3A_234, %dma_start3A_246] : memref<2500x128xi32, #tpu.memory_space<hbm>> -> memref<1x128xi32, #tpu.memory_space<hbm>>
        %dma_start3A_248 = tpu.memref_squeeze %dma_start3A_247 : memref<1x128xi32, #tpu.memory_space<hbm>> -> memref<128xi32, #tpu.memory_space<hbm>>
        %dma_start3A_249 = arith.constant 0 : i32
        %dma_start3A_250 = tpu.memref_slice %arg4[%add3A_234, %dma_start3A_249] : memref<2500x128xi32, #tpu.memory_space<hbm>> -> memref<1x128xi32, #tpu.memory_space<hbm>>
        %dma_start3A_251 = tpu.memref_squeeze %dma_start3A_250 : memref<1x128xi32, #tpu.memory_space<hbm>> -> memref<128xi32, #tpu.memory_space<hbm>>
        tpu.enqueue_dma source(%dma_start3A_251 : memref<128xi32, #tpu.memory_space<hbm>>) target(%arg32 : memref<128xi32, #tpu.memory_space<vmem>>) target_semaphore(%arg34 : memref<!tpu.dma_semaphore, #tpu.memory_space<semaphore_mem>>)
        %mul3A_252 = arith.constant 128 : i32
        %mul3A_253 = arith.muli %add3A_234, %mul3A_252 : i32
        %dma_start3A_254 = arith.constant 0 : i32
        %dma_start3A_255 = tpu.memref_slice %arg2[%dma_start3A_254, %mul3A_253] : memref<8x320000xf32, #tpu.memory_space<hbm>> -> memref<1x128xf32, #tpu.memory_space<hbm>>
        %dma_start3A_256 = tpu.memref_squeeze %dma_start3A_255 : memref<1x128xf32, #tpu.memory_space<hbm>> -> memref<128xf32, #tpu.memory_space<hbm>>
        %dma_start3A_257 = tpu.memref_slice %arg2[%dma_start3A_254, %mul3A_253] : memref<8x320000xf32, #tpu.memory_space<hbm>> -> memref<1x128xf32, #tpu.memory_space<hbm>>
        %dma_start3A_258 = tpu.memref_squeeze %dma_start3A_257 : memref<1x128xf32, #tpu.memory_space<hbm>> -> memref<128xf32, #tpu.memory_space<hbm>>
        tpu.enqueue_dma source(%dma_start3A_258 : memref<128xf32, #tpu.memory_space<hbm>>) target(%arg19 : memref<128xf32, #tpu.memory_space<vmem>>) target_semaphore(%arg34 : memref<!tpu.dma_semaphore, #tpu.memory_space<semaphore_mem>>)
        %mul3A_259 = arith.constant 128 : i32
        %mul3A_260 = arith.muli %add3A_234, %mul3A_259 : i32
        %dma_start3A_261 = arith.constant 1 : i32
        %dma_start3A_262 = tpu.memref_slice %arg2[%dma_start3A_261, %mul3A_260] : memref<8x320000xf32, #tpu.memory_space<hbm>> -> memref<1x128xf32, #tpu.memory_space<hbm>>
        %dma_start3A_263 = tpu.memref_squeeze %dma_start3A_262 : memref<1x128xf32, #tpu.memory_space<hbm>> -> memref<128xf32, #tpu.memory_space<hbm>>
        %dma_start3A_264 = tpu.memref_slice %arg2[%dma_start3A_261, %mul3A_260] : memref<8x320000xf32, #tpu.memory_space<hbm>> -> memref<1x128xf32, #tpu.memory_space<hbm>>
        %dma_start3A_265 = tpu.memref_squeeze %dma_start3A_264 : memref<1x128xf32, #tpu.memory_space<hbm>> -> memref<128xf32, #tpu.memory_space<hbm>>
        tpu.enqueue_dma source(%dma_start3A_265 : memref<128xf32, #tpu.memory_space<hbm>>) target(%arg20 : memref<128xf32, #tpu.memory_space<vmem>>) target_semaphore(%arg34 : memref<!tpu.dma_semaphore, #tpu.memory_space<semaphore_mem>>)
        %mul3A_266 = arith.constant 128 : i32
        %mul3A_267 = arith.muli %add3A_234, %mul3A_266 : i32
        %dma_start3A_268 = arith.constant 2 : i32
        %dma_start3A_269 = tpu.memref_slice %arg2[%dma_start3A_268, %mul3A_267] : memref<8x320000xf32, #tpu.memory_space<hbm>> -> memref<1x128xf32, #tpu.memory_space<hbm>>
        %dma_start3A_270 = tpu.memref_squeeze %dma_start3A_269 : memref<1x128xf32, #tpu.memory_space<hbm>> -> memref<128xf32, #tpu.memory_space<hbm>>
        %dma_start3A_271 = tpu.memref_slice %arg2[%dma_start3A_268, %mul3A_267] : memref<8x320000xf32, #tpu.memory_space<hbm>> -> memref<1x128xf32, #tpu.memory_space<hbm>>
        %dma_start3A_272 = tpu.memref_squeeze %dma_start3A_271 : memref<1x128xf32, #tpu.memory_space<hbm>> -> memref<128xf32, #tpu.memory_space<hbm>>
        tpu.enqueue_dma source(%dma_start3A_272 : memref<128xf32, #tpu.memory_space<hbm>>) target(%arg21 : memref<128xf32, #tpu.memory_space<vmem>>) target_semaphore(%arg34 : memref<!tpu.dma_semaphore, #tpu.memory_space<semaphore_mem>>)
        %mul3A_273 = arith.constant 128 : i32
        %mul3A_274 = arith.muli %add3A_234, %mul3A_273 : i32
        %dma_start3A_275 = arith.constant 3 : i32
        %dma_start3A_276 = tpu.memref_slice %arg2[%dma_start3A_275, %mul3A_274] : memref<8x320000xf32, #tpu.memory_space<hbm>> -> memref<1x128xf32, #tpu.memory_space<hbm>>
        %dma_start3A_277 = tpu.memref_squeeze %dma_start3A_276 : memref<1x128xf32, #tpu.memory_space<hbm>> -> memref<128xf32, #tpu.memory_space<hbm>>
        %dma_start3A_278 = tpu.memref_slice %arg2[%dma_start3A_275, %mul3A_274] : memref<8x320000xf32, #tpu.memory_space<hbm>> -> memref<1x128xf32, #tpu.memory_space<hbm>>
        %dma_start3A_279 = tpu.memref_squeeze %dma_start3A_278 : memref<1x128xf32, #tpu.memory_space<hbm>> -> memref<128xf32, #tpu.memory_space<hbm>>
        tpu.enqueue_dma source(%dma_start3A_279 : memref<128xf32, #tpu.memory_space<hbm>>) target(%arg22 : memref<128xf32, #tpu.memory_space<vmem>>) target_semaphore(%arg34 : memref<!tpu.dma_semaphore, #tpu.memory_space<semaphore_mem>>)
        %mul3A_280 = arith.constant 128 : i32
        %mul3A_281 = arith.muli %add3A_234, %mul3A_280 : i32
        %dma_start3A_282 = arith.constant 4 : i32
        %dma_start3A_283 = tpu.memref_slice %arg2[%dma_start3A_282, %mul3A_281] : memref<8x320000xf32, #tpu.memory_space<hbm>> -> memref<1x128xf32, #tpu.memory_space<hbm>>
        %dma_start3A_284 = tpu.memref_squeeze %dma_start3A_283 : memref<1x128xf32, #tpu.memory_space<hbm>> -> memref<128xf32, #tpu.memory_space<hbm>>
        %dma_start3A_285 = tpu.memref_slice %arg2[%dma_start3A_282, %mul3A_281] : memref<8x320000xf32, #tpu.memory_space<hbm>> -> memref<1x128xf32, #tpu.memory_space<hbm>>
        %dma_start3A_286 = tpu.memref_squeeze %dma_start3A_285 : memref<1x128xf32, #tpu.memory_space<hbm>> -> memref<128xf32, #tpu.memory_space<hbm>>
        tpu.enqueue_dma source(%dma_start3A_286 : memref<128xf32, #tpu.memory_space<hbm>>) target(%arg23 : memref<128xf32, #tpu.memory_space<vmem>>) target_semaphore(%arg34 : memref<!tpu.dma_semaphore, #tpu.memory_space<semaphore_mem>>)
        %mul3A_287 = arith.constant 128 : i32
        %mul3A_288 = arith.muli %add3A_234, %mul3A_287 : i32
        %dma_start3A_289 = arith.constant 5 : i32
        %dma_start3A_290 = tpu.memref_slice %arg2[%dma_start3A_289, %mul3A_288] : memref<8x320000xf32, #tpu.memory_space<hbm>> -> memref<1x128xf32, #tpu.memory_space<hbm>>
        %dma_start3A_291 = tpu.memref_squeeze %dma_start3A_290 : memref<1x128xf32, #tpu.memory_space<hbm>> -> memref<128xf32, #tpu.memory_space<hbm>>
        %dma_start3A_292 = tpu.memref_slice %arg2[%dma_start3A_289, %mul3A_288] : memref<8x320000xf32, #tpu.memory_space<hbm>> -> memref<1x128xf32, #tpu.memory_space<hbm>>
        %dma_start3A_293 = tpu.memref_squeeze %dma_start3A_292 : memref<1x128xf32, #tpu.memory_space<hbm>> -> memref<128xf32, #tpu.memory_space<hbm>>
        tpu.enqueue_dma source(%dma_start3A_293 : memref<128xf32, #tpu.memory_space<hbm>>) target(%arg24 : memref<128xf32, #tpu.memory_space<vmem>>) target_semaphore(%arg34 : memref<!tpu.dma_semaphore, #tpu.memory_space<semaphore_mem>>)
        %mul3A_294 = arith.constant 128 : i32
        %mul3A_295 = arith.muli %add3A_234, %mul3A_294 : i32
        %dma_start3A_296 = arith.constant 6 : i32
        %dma_start3A_297 = tpu.memref_slice %arg2[%dma_start3A_296, %mul3A_295] : memref<8x320000xf32, #tpu.memory_space<hbm>> -> memref<1x128xf32, #tpu.memory_space<hbm>>
        %dma_start3A_298 = tpu.memref_squeeze %dma_start3A_297 : memref<1x128xf32, #tpu.memory_space<hbm>> -> memref<128xf32, #tpu.memory_space<hbm>>
        %dma_start3A_299 = tpu.memref_slice %arg2[%dma_start3A_296, %mul3A_295] : memref<8x320000xf32, #tpu.memory_space<hbm>> -> memref<1x128xf32, #tpu.memory_space<hbm>>
        %dma_start3A_300 = tpu.memref_squeeze %dma_start3A_299 : memref<1x128xf32, #tpu.memory_space<hbm>> -> memref<128xf32, #tpu.memory_space<hbm>>
        tpu.enqueue_dma source(%dma_start3A_300 : memref<128xf32, #tpu.memory_space<hbm>>) target(%arg25 : memref<128xf32, #tpu.memory_space<vmem>>) target_semaphore(%arg34 : memref<!tpu.dma_semaphore, #tpu.memory_space<semaphore_mem>>)
        %mul3A_301 = arith.constant 128 : i32
        %mul3A_302 = arith.muli %add3A_234, %mul3A_301 : i32
        %dma_start3A_303 = arith.constant 7 : i32
        %dma_start3A_304 = tpu.memref_slice %arg2[%dma_start3A_303, %mul3A_302] : memref<8x320000xf32, #tpu.memory_space<hbm>> -> memref<1x128xf32, #tpu.memory_space<hbm>>
        %dma_start3A_305 = tpu.memref_squeeze %dma_start3A_304 : memref<1x128xf32, #tpu.memory_space<hbm>> -> memref<128xf32, #tpu.memory_space<hbm>>
        %dma_start3A_306 = tpu.memref_slice %arg2[%dma_start3A_303, %mul3A_302] : memref<8x320000xf32, #tpu.memory_space<hbm>> -> memref<1x128xf32, #tpu.memory_space<hbm>>
        %dma_start3A_307 = tpu.memref_squeeze %dma_start3A_306 : memref<1x128xf32, #tpu.memory_space<hbm>> -> memref<128xf32, #tpu.memory_space<hbm>>
        tpu.enqueue_dma source(%dma_start3A_307 : memref<128xf32, #tpu.memory_space<hbm>>) target(%arg26 : memref<128xf32, #tpu.memory_space<vmem>>) target_semaphore(%arg34 : memref<!tpu.dma_semaphore, #tpu.memory_space<semaphore_mem>>)
      } else {
      }
    }
    %scan3A_182 = arith.constant 40 : i32
    %barrier3A_183 = arith.constant 0 : index
    tpu.barrier barrier_id(%barrier3A_183)
    %mul3A_184 = arith.constant 632 : i32
    %mul3A_185 = arith.muli %arg1, %mul3A_184 : i32
    %add3A_186 = arith.constant 0 : i32
    %add3A_187 = arith.addi %mul3A_185, %add3A_186 : i32
    "tpu.region"() ({
      %run_scoped3A = tpu.sem_alloc : memref<!tpu.dma_semaphore, #tpu.memory_space<semaphore_mem>>
      %dma_start3A_204 = arith.constant 0 : i32
      %dma_start3A_205 = arith.constant 0 : i32
      %dma_start3A_206 = tpu.memref_slice %arg27[%dma_start3A_204, %dma_start3A_205] : memref<128x16xf32, #tpu.memory_space<vmem>> -> memref<128x16xf32, #tpu.memory_space<vmem>>
      %dma_start3A_207 = arith.constant 0 : i32
      %dma_start3A_208 = tpu.memref_slice %arg8[%add3A_187, %dma_start3A_207] : memref<10112x16xf32, #tpu.memory_space<vmem_shared>> -> memref<128x16xf32, #tpu.memory_space<vmem_shared>>
      %dma_start3A_209 = arith.constant 0 : i32
      %dma_start3A_210 = arith.constant 0 : i32
      %dma_start3A_211 = tpu.memref_slice %arg27[%dma_start3A_209, %dma_start3A_210] : memref<128x16xf32, #tpu.memory_space<vmem>> -> memref<128x16xf32, #tpu.memory_space<vmem>>
      %dma_start3A_212 = arith.constant 0 : i32
      %dma_start3A_213 = tpu.memref_slice %arg8[%add3A_187, %dma_start3A_212] : memref<10112x16xf32, #tpu.memory_space<vmem_shared>> -> memref<128x16xf32, #tpu.memory_space<vmem_shared>>
      tpu.enqueue_dma source(%dma_start3A_213 : memref<128x16xf32, #tpu.memory_space<vmem_shared>>) target(%dma_start3A_211 : memref<128x16xf32, #tpu.memory_space<vmem>>) target_semaphore(%run_scoped3A : memref<!tpu.dma_semaphore, #tpu.memory_space<semaphore_mem>>)
      %dma_wait3A = arith.constant 0 : i32
      %dma_wait3A_214 = arith.constant 0 : i32
      %dma_wait3A_215 = tpu.memref_slice %arg27[%dma_wait3A, %dma_wait3A_214] : memref<128x16xf32, #tpu.memory_space<vmem>> -> memref<128x16xf32, #tpu.memory_space<vmem>>
      %dma_wait3A_216 = arith.constant 0 : i32
      %dma_wait3A_217 = tpu.memref_slice %arg8[%add3A_187, %dma_wait3A_216] : memref<10112x16xf32, #tpu.memory_space<vmem_shared>> -> memref<128x16xf32, #tpu.memory_space<vmem_shared>>
      %dma_wait3A_218 = arith.constant 0 : i32
      %dma_wait3A_219 = arith.constant 0 : i32
      %dma_wait3A_220 = tpu.memref_slice %arg27[%dma_wait3A_218, %dma_wait3A_219] : memref<128x16xf32, #tpu.memory_space<vmem>> -> memref<128x16xf32, #tpu.memory_space<vmem>>
      %dma_wait3A_221 = arith.constant 0 : i32
      %dma_wait3A_222 = tpu.memref_slice %arg8[%add3A_187, %dma_wait3A_221] : memref<10112x16xf32, #tpu.memory_space<vmem_shared>> -> memref<128x16xf32, #tpu.memory_space<vmem_shared>>
      tpu.wait_dma2 semaphore(%run_scoped3A : memref<!tpu.dma_semaphore, #tpu.memory_space<semaphore_mem>>) src(%dma_wait3A_222 : memref<128x16xf32, #tpu.memory_space<vmem_shared>>) dst(%dma_wait3A_220 : memref<128x16xf32, #tpu.memory_space<vmem>>)
      tpu.yield
    }) : () -> ()
    "tpu.region"() ({
      %run_scoped3A = tpu.sem_alloc : memref<!tpu.dma_semaphore, #tpu.memory_space<semaphore_mem>>
      %dma_start3A_204 = arith.constant 0 : i32
      %dma_start3A_205 = arith.constant 0 : i32
      %dma_start3A_206 = tpu.memref_slice %arg27[%dma_start3A_204, %dma_start3A_205] : memref<128x16xf32, #tpu.memory_space<vmem>> -> memref<128x16xf32, #tpu.memory_space<vmem>>
      %dma_start3A_207 = arith.constant 0 : i32
      %dma_start3A_208 = tpu.memref_slice %arg7[%arg0, %add3A_187, %dma_start3A_207] : memref<2x10112x16xf32, #tpu.memory_space<hbm>> -> memref<1x128x16xf32, #tpu.memory_space<hbm>>
      %dma_start3A_209 = tpu.memref_squeeze %dma_start3A_208 : memref<1x128x16xf32, #tpu.memory_space<hbm>> -> memref<128x16xf32, #tpu.memory_space<hbm>>
      %dma_start3A_210 = arith.constant 0 : i32
      %dma_start3A_211 = tpu.memref_slice %arg7[%arg0, %add3A_187, %dma_start3A_210] : memref<2x10112x16xf32, #tpu.memory_space<hbm>> -> memref<1x128x16xf32, #tpu.memory_space<hbm>>
      %dma_start3A_212 = tpu.memref_squeeze %dma_start3A_211 : memref<1x128x16xf32, #tpu.memory_space<hbm>> -> memref<128x16xf32, #tpu.memory_space<hbm>>
      %dma_start3A_213 = arith.constant 0 : i32
      %dma_start3A_214 = arith.constant 0 : i32
      %dma_start3A_215 = tpu.memref_slice %arg27[%dma_start3A_213, %dma_start3A_214] : memref<128x16xf32, #tpu.memory_space<vmem>> -> memref<128x16xf32, #tpu.memory_space<vmem>>
      tpu.enqueue_dma source(%dma_start3A_215 : memref<128x16xf32, #tpu.memory_space<vmem>>) target(%dma_start3A_212 : memref<128x16xf32, #tpu.memory_space<hbm>>) target_semaphore(%run_scoped3A : memref<!tpu.dma_semaphore, #tpu.memory_space<semaphore_mem>>)
      %dma_wait3A = arith.constant 0 : i32
      %dma_wait3A_216 = arith.constant 0 : i32
      %dma_wait3A_217 = tpu.memref_slice %arg27[%dma_wait3A, %dma_wait3A_216] : memref<128x16xf32, #tpu.memory_space<vmem>> -> memref<128x16xf32, #tpu.memory_space<vmem>>
      %dma_wait3A_218 = arith.constant 0 : i32
      %dma_wait3A_219 = tpu.memref_slice %arg7[%arg0, %add3A_187, %dma_wait3A_218] : memref<2x10112x16xf32, #tpu.memory_space<hbm>> -> memref<1x128x16xf32, #tpu.memory_space<hbm>>
      %dma_wait3A_220 = tpu.memref_squeeze %dma_wait3A_219 : memref<1x128x16xf32, #tpu.memory_space<hbm>> -> memref<128x16xf32, #tpu.memory_space<hbm>>
      %dma_wait3A_221 = arith.constant 0 : i32
      %dma_wait3A_222 = tpu.memref_slice %arg7[%arg0, %add3A_187, %dma_wait3A_221] : memref<2x10112x16xf32, #tpu.memory_space<hbm>> -> memref<1x128x16xf32, #tpu.memory_space<hbm>>
      %dma_wait3A_223 = tpu.memref_squeeze %dma_wait3A_222 : memref<1x128x16xf32, #tpu.memory_space<hbm>> -> memref<128x16xf32, #tpu.memory_space<hbm>>
      %dma_wait3A_224 = arith.constant 0 : i32
      %dma_wait3A_225 = arith.constant 0 : i32
      %dma_wait3A_226 = tpu.memref_slice %arg27[%dma_wait3A_224, %dma_wait3A_225] : memref<128x16xf32, #tpu.memory_space<vmem>> -> memref<128x16xf32, #tpu.memory_space<vmem>>
      tpu.wait_dma2 semaphore(%run_scoped3A : memref<!tpu.dma_semaphore, #tpu.memory_space<semaphore_mem>>) src(%dma_wait3A_226 : memref<128x16xf32, #tpu.memory_space<vmem>>) dst(%dma_wait3A_223 : memref<128x16xf32, #tpu.memory_space<hbm>>)
      tpu.yield
    }) : () -> ()
    %mul3A_188 = arith.constant 632 : i32
    %mul3A_189 = arith.muli %arg1, %mul3A_188 : i32
    %add3A_190 = arith.constant 128 : i32
    %add3A_191 = arith.addi %mul3A_189, %add3A_190 : i32
    "tpu.region"() ({
      %run_scoped3A = tpu.sem_alloc : memref<!tpu.dma_semaphore, #tpu.memory_space<semaphore_mem>>
      %dma_start3A_204 = arith.constant 0 : i32
      %dma_start3A_205 = arith.constant 0 : i32
      %dma_start3A_206 = tpu.memref_slice %arg27[%dma_start3A_204, %dma_start3A_205] : memref<128x16xf32, #tpu.memory_space<vmem>> -> memref<128x16xf32, #tpu.memory_space<vmem>>
      %dma_start3A_207 = arith.constant 0 : i32
      %dma_start3A_208 = tpu.memref_slice %arg8[%add3A_191, %dma_start3A_207] : memref<10112x16xf32, #tpu.memory_space<vmem_shared>> -> memref<128x16xf32, #tpu.memory_space<vmem_shared>>
      %dma_start3A_209 = arith.constant 0 : i32
      %dma_start3A_210 = arith.constant 0 : i32
      %dma_start3A_211 = tpu.memref_slice %arg27[%dma_start3A_209, %dma_start3A_210] : memref<128x16xf32, #tpu.memory_space<vmem>> -> memref<128x16xf32, #tpu.memory_space<vmem>>
      %dma_start3A_212 = arith.constant 0 : i32
      %dma_start3A_213 = tpu.memref_slice %arg8[%add3A_191, %dma_start3A_212] : memref<10112x16xf32, #tpu.memory_space<vmem_shared>> -> memref<128x16xf32, #tpu.memory_space<vmem_shared>>
      tpu.enqueue_dma source(%dma_start3A_213 : memref<128x16xf32, #tpu.memory_space<vmem_shared>>) target(%dma_start3A_211 : memref<128x16xf32, #tpu.memory_space<vmem>>) target_semaphore(%run_scoped3A : memref<!tpu.dma_semaphore, #tpu.memory_space<semaphore_mem>>)
      %dma_wait3A = arith.constant 0 : i32
      %dma_wait3A_214 = arith.constant 0 : i32
      %dma_wait3A_215 = tpu.memref_slice %arg27[%dma_wait3A, %dma_wait3A_214] : memref<128x16xf32, #tpu.memory_space<vmem>> -> memref<128x16xf32, #tpu.memory_space<vmem>>
      %dma_wait3A_216 = arith.constant 0 : i32
      %dma_wait3A_217 = tpu.memref_slice %arg8[%add3A_191, %dma_wait3A_216] : memref<10112x16xf32, #tpu.memory_space<vmem_shared>> -> memref<128x16xf32, #tpu.memory_space<vmem_shared>>
      %dma_wait3A_218 = arith.constant 0 : i32
      %dma_wait3A_219 = arith.constant 0 : i32
      %dma_wait3A_220 = tpu.memref_slice %arg27[%dma_wait3A_218, %dma_wait3A_219] : memref<128x16xf32, #tpu.memory_space<vmem>> -> memref<128x16xf32, #tpu.memory_space<vmem>>
      %dma_wait3A_221 = arith.constant 0 : i32
      %dma_wait3A_222 = tpu.memref_slice %arg8[%add3A_191, %dma_wait3A_221] : memref<10112x16xf32, #tpu.memory_space<vmem_shared>> -> memref<128x16xf32, #tpu.memory_space<vmem_shared>>
      tpu.wait_dma2 semaphore(%run_scoped3A : memref<!tpu.dma_semaphore, #tpu.memory_space<semaphore_mem>>) src(%dma_wait3A_222 : memref<128x16xf32, #tpu.memory_space<vmem_shared>>) dst(%dma_wait3A_220 : memref<128x16xf32, #tpu.memory_space<vmem>>)
      tpu.yield
    }) : () -> ()
    "tpu.region"() ({
      %run_scoped3A = tpu.sem_alloc : memref<!tpu.dma_semaphore, #tpu.memory_space<semaphore_mem>>
      %dma_start3A_204 = arith.constant 0 : i32
      %dma_start3A_205 = arith.constant 0 : i32
      %dma_start3A_206 = tpu.memref_slice %arg27[%dma_start3A_204, %dma_start3A_205] : memref<128x16xf32, #tpu.memory_space<vmem>> -> memref<128x16xf32, #tpu.memory_space<vmem>>
      %dma_start3A_207 = arith.constant 0 : i32
      %dma_start3A_208 = tpu.memref_slice %arg7[%arg0, %add3A_191, %dma_start3A_207] : memref<2x10112x16xf32, #tpu.memory_space<hbm>> -> memref<1x128x16xf32, #tpu.memory_space<hbm>>
      %dma_start3A_209 = tpu.memref_squeeze %dma_start3A_208 : memref<1x128x16xf32, #tpu.memory_space<hbm>> -> memref<128x16xf32, #tpu.memory_space<hbm>>
      %dma_start3A_210 = arith.constant 0 : i32
      %dma_start3A_211 = tpu.memref_slice %arg7[%arg0, %add3A_191, %dma_start3A_210] : memref<2x10112x16xf32, #tpu.memory_space<hbm>> -> memref<1x128x16xf32, #tpu.memory_space<hbm>>
      %dma_start3A_212 = tpu.memref_squeeze %dma_start3A_211 : memref<1x128x16xf32, #tpu.memory_space<hbm>> -> memref<128x16xf32, #tpu.memory_space<hbm>>
      %dma_start3A_213 = arith.constant 0 : i32
      %dma_start3A_214 = arith.constant 0 : i32
      %dma_start3A_215 = tpu.memref_slice %arg27[%dma_start3A_213, %dma_start3A_214] : memref<128x16xf32, #tpu.memory_space<vmem>> -> memref<128x16xf32, #tpu.memory_space<vmem>>
      tpu.enqueue_dma source(%dma_start3A_215 : memref<128x16xf32, #tpu.memory_space<vmem>>) target(%dma_start3A_212 : memref<128x16xf32, #tpu.memory_space<hbm>>) target_semaphore(%run_scoped3A : memref<!tpu.dma_semaphore, #tpu.memory_space<semaphore_mem>>)
      %dma_wait3A = arith.constant 0 : i32
      %dma_wait3A_216 = arith.constant 0 : i32
      %dma_wait3A_217 = tpu.memref_slice %arg27[%dma_wait3A, %dma_wait3A_216] : memref<128x16xf32, #tpu.memory_space<vmem>> -> memref<128x16xf32, #tpu.memory_space<vmem>>
      %dma_wait3A_218 = arith.constant 0 : i32
      %dma_wait3A_219 = tpu.memref_slice %arg7[%arg0, %add3A_191, %dma_wait3A_218] : memref<2x10112x16xf32, #tpu.memory_space<hbm>> -> memref<1x128x16xf32, #tpu.memory_space<hbm>>
      %dma_wait3A_220 = tpu.memref_squeeze %dma_wait3A_219 : memref<1x128x16xf32, #tpu.memory_space<hbm>> -> memref<128x16xf32, #tpu.memory_space<hbm>>
      %dma_wait3A_221 = arith.constant 0 : i32
      %dma_wait3A_222 = tpu.memref_slice %arg7[%arg0, %add3A_191, %dma_wait3A_221] : memref<2x10112x16xf32, #tpu.memory_space<hbm>> -> memref<1x128x16xf32, #tpu.memory_space<hbm>>
      %dma_wait3A_223 = tpu.memref_squeeze %dma_wait3A_222 : memref<1x128x16xf32, #tpu.memory_space<hbm>> -> memref<128x16xf32, #tpu.memory_space<hbm>>
      %dma_wait3A_224 = arith.constant 0 : i32
      %dma_wait3A_225 = arith.constant 0 : i32
      %dma_wait3A_226 = tpu.memref_slice %arg27[%dma_wait3A_224, %dma_wait3A_225] : memref<128x16xf32, #tpu.memory_space<vmem>> -> memref<128x16xf32, #tpu.memory_space<vmem>>
      tpu.wait_dma2 semaphore(%run_scoped3A : memref<!tpu.dma_semaphore, #tpu.memory_space<semaphore_mem>>) src(%dma_wait3A_226 : memref<128x16xf32, #tpu.memory_space<vmem>>) dst(%dma_wait3A_223 : memref<128x16xf32, #tpu.memory_space<hbm>>)
      tpu.yield
    }) : () -> ()
    %mul3A_192 = arith.constant 632 : i32
    %mul3A_193 = arith.muli %arg1, %mul3A_192 : i32
    %add3A_194 = arith.constant 256 : i32
    %add3A_195 = arith.addi %mul3A_193, %add3A_194 : i32
    "tpu.region"() ({
      %run_scoped3A = tpu.sem_alloc : memref<!tpu.dma_semaphore, #tpu.memory_space<semaphore_mem>>
      %dma_start3A_204 = arith.constant 0 : i32
      %dma_start3A_205 = arith.constant 0 : i32
      %dma_start3A_206 = tpu.memref_slice %arg27[%dma_start3A_204, %dma_start3A_205] : memref<128x16xf32, #tpu.memory_space<vmem>> -> memref<128x16xf32, #tpu.memory_space<vmem>>
      %dma_start3A_207 = arith.constant 0 : i32
      %dma_start3A_208 = tpu.memref_slice %arg8[%add3A_195, %dma_start3A_207] : memref<10112x16xf32, #tpu.memory_space<vmem_shared>> -> memref<128x16xf32, #tpu.memory_space<vmem_shared>>
      %dma_start3A_209 = arith.constant 0 : i32
      %dma_start3A_210 = arith.constant 0 : i32
      %dma_start3A_211 = tpu.memref_slice %arg27[%dma_start3A_209, %dma_start3A_210] : memref<128x16xf32, #tpu.memory_space<vmem>> -> memref<128x16xf32, #tpu.memory_space<vmem>>
      %dma_start3A_212 = arith.constant 0 : i32
      %dma_start3A_213 = tpu.memref_slice %arg8[%add3A_195, %dma_start3A_212] : memref<10112x16xf32, #tpu.memory_space<vmem_shared>> -> memref<128x16xf32, #tpu.memory_space<vmem_shared>>
      tpu.enqueue_dma source(%dma_start3A_213 : memref<128x16xf32, #tpu.memory_space<vmem_shared>>) target(%dma_start3A_211 : memref<128x16xf32, #tpu.memory_space<vmem>>) target_semaphore(%run_scoped3A : memref<!tpu.dma_semaphore, #tpu.memory_space<semaphore_mem>>)
      %dma_wait3A = arith.constant 0 : i32
      %dma_wait3A_214 = arith.constant 0 : i32
      %dma_wait3A_215 = tpu.memref_slice %arg27[%dma_wait3A, %dma_wait3A_214] : memref<128x16xf32, #tpu.memory_space<vmem>> -> memref<128x16xf32, #tpu.memory_space<vmem>>
      %dma_wait3A_216 = arith.constant 0 : i32
      %dma_wait3A_217 = tpu.memref_slice %arg8[%add3A_195, %dma_wait3A_216] : memref<10112x16xf32, #tpu.memory_space<vmem_shared>> -> memref<128x16xf32, #tpu.memory_space<vmem_shared>>
      %dma_wait3A_218 = arith.constant 0 : i32
      %dma_wait3A_219 = arith.constant 0 : i32
      %dma_wait3A_220 = tpu.memref_slice %arg27[%dma_wait3A_218, %dma_wait3A_219] : memref<128x16xf32, #tpu.memory_space<vmem>> -> memref<128x16xf32, #tpu.memory_space<vmem>>
      %dma_wait3A_221 = arith.constant 0 : i32
      %dma_wait3A_222 = tpu.memref_slice %arg8[%add3A_195, %dma_wait3A_221] : memref<10112x16xf32, #tpu.memory_space<vmem_shared>> -> memref<128x16xf32, #tpu.memory_space<vmem_shared>>
      tpu.wait_dma2 semaphore(%run_scoped3A : memref<!tpu.dma_semaphore, #tpu.memory_space<semaphore_mem>>) src(%dma_wait3A_222 : memref<128x16xf32, #tpu.memory_space<vmem_shared>>) dst(%dma_wait3A_220 : memref<128x16xf32, #tpu.memory_space<vmem>>)
      tpu.yield
    }) : () -> ()
    "tpu.region"() ({
      %run_scoped3A = tpu.sem_alloc : memref<!tpu.dma_semaphore, #tpu.memory_space<semaphore_mem>>
      %dma_start3A_204 = arith.constant 0 : i32
      %dma_start3A_205 = arith.constant 0 : i32
      %dma_start3A_206 = tpu.memref_slice %arg27[%dma_start3A_204, %dma_start3A_205] : memref<128x16xf32, #tpu.memory_space<vmem>> -> memref<128x16xf32, #tpu.memory_space<vmem>>
      %dma_start3A_207 = arith.constant 0 : i32
      %dma_start3A_208 = tpu.memref_slice %arg7[%arg0, %add3A_195, %dma_start3A_207] : memref<2x10112x16xf32, #tpu.memory_space<hbm>> -> memref<1x128x16xf32, #tpu.memory_space<hbm>>
      %dma_start3A_209 = tpu.memref_squeeze %dma_start3A_208 : memref<1x128x16xf32, #tpu.memory_space<hbm>> -> memref<128x16xf32, #tpu.memory_space<hbm>>
      %dma_start3A_210 = arith.constant 0 : i32
      %dma_start3A_211 = tpu.memref_slice %arg7[%arg0, %add3A_195, %dma_start3A_210] : memref<2x10112x16xf32, #tpu.memory_space<hbm>> -> memref<1x128x16xf32, #tpu.memory_space<hbm>>
      %dma_start3A_212 = tpu.memref_squeeze %dma_start3A_211 : memref<1x128x16xf32, #tpu.memory_space<hbm>> -> memref<128x16xf32, #tpu.memory_space<hbm>>
      %dma_start3A_213 = arith.constant 0 : i32
      %dma_start3A_214 = arith.constant 0 : i32
      %dma_start3A_215 = tpu.memref_slice %arg27[%dma_start3A_213, %dma_start3A_214] : memref<128x16xf32, #tpu.memory_space<vmem>> -> memref<128x16xf32, #tpu.memory_space<vmem>>
      tpu.enqueue_dma source(%dma_start3A_215 : memref<128x16xf32, #tpu.memory_space<vmem>>) target(%dma_start3A_212 : memref<128x16xf32, #tpu.memory_space<hbm>>) target_semaphore(%run_scoped3A : memref<!tpu.dma_semaphore, #tpu.memory_space<semaphore_mem>>)
      %dma_wait3A = arith.constant 0 : i32
      %dma_wait3A_216 = arith.constant 0 : i32
      %dma_wait3A_217 = tpu.memref_slice %arg27[%dma_wait3A, %dma_wait3A_216] : memref<128x16xf32, #tpu.memory_space<vmem>> -> memref<128x16xf32, #tpu.memory_space<vmem>>
      %dma_wait3A_218 = arith.constant 0 : i32
      %dma_wait3A_219 = tpu.memref_slice %arg7[%arg0, %add3A_195, %dma_wait3A_218] : memref<2x10112x16xf32, #tpu.memory_space<hbm>> -> memref<1x128x16xf32, #tpu.memory_space<hbm>>
      %dma_wait3A_220 = tpu.memref_squeeze %dma_wait3A_219 : memref<1x128x16xf32, #tpu.memory_space<hbm>> -> memref<128x16xf32, #tpu.memory_space<hbm>>
      %dma_wait3A_221 = arith.constant 0 : i32
      %dma_wait3A_222 = tpu.memref_slice %arg7[%arg0, %add3A_195, %dma_wait3A_221] : memref<2x10112x16xf32, #tpu.memory_space<hbm>> -> memref<1x128x16xf32, #tpu.memory_space<hbm>>
      %dma_wait3A_223 = tpu.memref_squeeze %dma_wait3A_222 : memref<1x128x16xf32, #tpu.memory_space<hbm>> -> memref<128x16xf32, #tpu.memory_space<hbm>>
      %dma_wait3A_224 = arith.constant 0 : i32
      %dma_wait3A_225 = arith.constant 0 : i32
      %dma_wait3A_226 = tpu.memref_slice %arg27[%dma_wait3A_224, %dma_wait3A_225] : memref<128x16xf32, #tpu.memory_space<vmem>> -> memref<128x16xf32, #tpu.memory_space<vmem>>
      tpu.wait_dma2 semaphore(%run_scoped3A : memref<!tpu.dma_semaphore, #tpu.memory_space<semaphore_mem>>) src(%dma_wait3A_226 : memref<128x16xf32, #tpu.memory_space<vmem>>) dst(%dma_wait3A_223 : memref<128x16xf32, #tpu.memory_space<hbm>>)
      tpu.yield
    }) : () -> ()
    %mul3A_196 = arith.constant 632 : i32
    %mul3A_197 = arith.muli %arg1, %mul3A_196 : i32
    %add3A_198 = arith.constant 384 : i32
    %add3A_199 = arith.addi %mul3A_197, %add3A_198 : i32
    "tpu.region"() ({
      %run_scoped3A = tpu.sem_alloc : memref<!tpu.dma_semaphore, #tpu.memory_space<semaphore_mem>>
      %dma_start3A_204 = arith.constant 0 : i32
      %dma_start3A_205 = arith.constant 0 : i32
      %dma_start3A_206 = tpu.memref_slice %arg27[%dma_start3A_204, %dma_start3A_205] : memref<128x16xf32, #tpu.memory_space<vmem>> -> memref<128x16xf32, #tpu.memory_space<vmem>>
      %dma_start3A_207 = arith.constant 0 : i32
      %dma_start3A_208 = tpu.memref_slice %arg8[%add3A_199, %dma_start3A_207] : memref<10112x16xf32, #tpu.memory_space<vmem_shared>> -> memref<128x16xf32, #tpu.memory_space<vmem_shared>>
      %dma_start3A_209 = arith.constant 0 : i32
      %dma_start3A_210 = arith.constant 0 : i32
      %dma_start3A_211 = tpu.memref_slice %arg27[%dma_start3A_209, %dma_start3A_210] : memref<128x16xf32, #tpu.memory_space<vmem>> -> memref<128x16xf32, #tpu.memory_space<vmem>>
      %dma_start3A_212 = arith.constant 0 : i32
      %dma_start3A_213 = tpu.memref_slice %arg8[%add3A_199, %dma_start3A_212] : memref<10112x16xf32, #tpu.memory_space<vmem_shared>> -> memref<128x16xf32, #tpu.memory_space<vmem_shared>>
      tpu.enqueue_dma source(%dma_start3A_213 : memref<128x16xf32, #tpu.memory_space<vmem_shared>>) target(%dma_start3A_211 : memref<128x16xf32, #tpu.memory_space<vmem>>) target_semaphore(%run_scoped3A : memref<!tpu.dma_semaphore, #tpu.memory_space<semaphore_mem>>)
      %dma_wait3A = arith.constant 0 : i32
      %dma_wait3A_214 = arith.constant 0 : i32
      %dma_wait3A_215 = tpu.memref_slice %arg27[%dma_wait3A, %dma_wait3A_214] : memref<128x16xf32, #tpu.memory_space<vmem>> -> memref<128x16xf32, #tpu.memory_space<vmem>>
      %dma_wait3A_216 = arith.constant 0 : i32
      %dma_wait3A_217 = tpu.memref_slice %arg8[%add3A_199, %dma_wait3A_216] : memref<10112x16xf32, #tpu.memory_space<vmem_shared>> -> memref<128x16xf32, #tpu.memory_space<vmem_shared>>
      %dma_wait3A_218 = arith.constant 0 : i32
      %dma_wait3A_219 = arith.constant 0 : i32
      %dma_wait3A_220 = tpu.memref_slice %arg27[%dma_wait3A_218, %dma_wait3A_219] : memref<128x16xf32, #tpu.memory_space<vmem>> -> memref<128x16xf32, #tpu.memory_space<vmem>>
      %dma_wait3A_221 = arith.constant 0 : i32
      %dma_wait3A_222 = tpu.memref_slice %arg8[%add3A_199, %dma_wait3A_221] : memref<10112x16xf32, #tpu.memory_space<vmem_shared>> -> memref<128x16xf32, #tpu.memory_space<vmem_shared>>
      tpu.wait_dma2 semaphore(%run_scoped3A : memref<!tpu.dma_semaphore, #tpu.memory_space<semaphore_mem>>) src(%dma_wait3A_222 : memref<128x16xf32, #tpu.memory_space<vmem_shared>>) dst(%dma_wait3A_220 : memref<128x16xf32, #tpu.memory_space<vmem>>)
      tpu.yield
    }) : () -> ()
    "tpu.region"() ({
      %run_scoped3A = tpu.sem_alloc : memref<!tpu.dma_semaphore, #tpu.memory_space<semaphore_mem>>
      %dma_start3A_204 = arith.constant 0 : i32
      %dma_start3A_205 = arith.constant 0 : i32
      %dma_start3A_206 = tpu.memref_slice %arg27[%dma_start3A_204, %dma_start3A_205] : memref<128x16xf32, #tpu.memory_space<vmem>> -> memref<128x16xf32, #tpu.memory_space<vmem>>
      %dma_start3A_207 = arith.constant 0 : i32
      %dma_start3A_208 = tpu.memref_slice %arg7[%arg0, %add3A_199, %dma_start3A_207] : memref<2x10112x16xf32, #tpu.memory_space<hbm>> -> memref<1x128x16xf32, #tpu.memory_space<hbm>>
      %dma_start3A_209 = tpu.memref_squeeze %dma_start3A_208 : memref<1x128x16xf32, #tpu.memory_space<hbm>> -> memref<128x16xf32, #tpu.memory_space<hbm>>
      %dma_start3A_210 = arith.constant 0 : i32
      %dma_start3A_211 = tpu.memref_slice %arg7[%arg0, %add3A_199, %dma_start3A_210] : memref<2x10112x16xf32, #tpu.memory_space<hbm>> -> memref<1x128x16xf32, #tpu.memory_space<hbm>>
      %dma_start3A_212 = tpu.memref_squeeze %dma_start3A_211 : memref<1x128x16xf32, #tpu.memory_space<hbm>> -> memref<128x16xf32, #tpu.memory_space<hbm>>
      %dma_start3A_213 = arith.constant 0 : i32
      %dma_start3A_214 = arith.constant 0 : i32
      %dma_start3A_215 = tpu.memref_slice %arg27[%dma_start3A_213, %dma_start3A_214] : memref<128x16xf32, #tpu.memory_space<vmem>> -> memref<128x16xf32, #tpu.memory_space<vmem>>
      tpu.enqueue_dma source(%dma_start3A_215 : memref<128x16xf32, #tpu.memory_space<vmem>>) target(%dma_start3A_212 : memref<128x16xf32, #tpu.memory_space<hbm>>) target_semaphore(%run_scoped3A : memref<!tpu.dma_semaphore, #tpu.memory_space<semaphore_mem>>)
      %dma_wait3A = arith.constant 0 : i32
      %dma_wait3A_216 = arith.constant 0 : i32
      %dma_wait3A_217 = tpu.memref_slice %arg27[%dma_wait3A, %dma_wait3A_216] : memref<128x16xf32, #tpu.memory_space<vmem>> -> memref<128x16xf32, #tpu.memory_space<vmem>>
      %dma_wait3A_218 = arith.constant 0 : i32
      %dma_wait3A_219 = tpu.memref_slice %arg7[%arg0, %add3A_199, %dma_wait3A_218] : memref<2x10112x16xf32, #tpu.memory_space<hbm>> -> memref<1x128x16xf32, #tpu.memory_space<hbm>>
      %dma_wait3A_220 = tpu.memref_squeeze %dma_wait3A_219 : memref<1x128x16xf32, #tpu.memory_space<hbm>> -> memref<128x16xf32, #tpu.memory_space<hbm>>
      %dma_wait3A_221 = arith.constant 0 : i32
      %dma_wait3A_222 = tpu.memref_slice %arg7[%arg0, %add3A_199, %dma_wait3A_221] : memref<2x10112x16xf32, #tpu.memory_space<hbm>> -> memref<1x128x16xf32, #tpu.memory_space<hbm>>
      %dma_wait3A_223 = tpu.memref_squeeze %dma_wait3A_222 : memref<1x128x16xf32, #tpu.memory_space<hbm>> -> memref<128x16xf32, #tpu.memory_space<hbm>>
      %dma_wait3A_224 = arith.constant 0 : i32
      %dma_wait3A_225 = arith.constant 0 : i32
      %dma_wait3A_226 = tpu.memref_slice %arg27[%dma_wait3A_224, %dma_wait3A_225] : memref<128x16xf32, #tpu.memory_space<vmem>> -> memref<128x16xf32, #tpu.memory_space<vmem>>
      tpu.wait_dma2 semaphore(%run_scoped3A : memref<!tpu.dma_semaphore, #tpu.memory_space<semaphore_mem>>) src(%dma_wait3A_226 : memref<128x16xf32, #tpu.memory_space<vmem>>) dst(%dma_wait3A_223 : memref<128x16xf32, #tpu.memory_space<hbm>>)
      tpu.yield
    }) : () -> ()
    %mul3A_200 = arith.constant 632 : i32
    %mul3A_201 = arith.muli %arg1, %mul3A_200 : i32
    %add3A_202 = arith.constant 512 : i32
    %add3A_203 = arith.addi %mul3A_201, %add3A_202 : i32
    "tpu.region"() ({
      %run_scoped3A = tpu.sem_alloc : memref<!tpu.dma_semaphore, #tpu.memory_space<semaphore_mem>>
      %dma_start3A_204 = arith.constant 0 : i32
      %dma_start3A_205 = arith.constant 0 : i32
      %dma_start3A_206 = tpu.memref_slice %arg27[%dma_start3A_204, %dma_start3A_205] : memref<128x16xf32, #tpu.memory_space<vmem>> -> memref<120x16xf32, #tpu.memory_space<vmem>>
      %dma_start3A_207 = arith.constant 0 : i32
      %dma_start3A_208 = tpu.memref_slice %arg8[%add3A_203, %dma_start3A_207] : memref<10112x16xf32, #tpu.memory_space<vmem_shared>> -> memref<120x16xf32, #tpu.memory_space<vmem_shared>>
      %dma_start3A_209 = arith.constant 0 : i32
      %dma_start3A_210 = arith.constant 0 : i32
      %dma_start3A_211 = tpu.memref_slice %arg27[%dma_start3A_209, %dma_start3A_210] : memref<128x16xf32, #tpu.memory_space<vmem>> -> memref<120x16xf32, #tpu.memory_space<vmem>>
      %dma_start3A_212 = arith.constant 0 : i32
      %dma_start3A_213 = tpu.memref_slice %arg8[%add3A_203, %dma_start3A_212] : memref<10112x16xf32, #tpu.memory_space<vmem_shared>> -> memref<120x16xf32, #tpu.memory_space<vmem_shared>>
      tpu.enqueue_dma source(%dma_start3A_213 : memref<120x16xf32, #tpu.memory_space<vmem_shared>>) target(%dma_start3A_211 : memref<120x16xf32, #tpu.memory_space<vmem>>) target_semaphore(%run_scoped3A : memref<!tpu.dma_semaphore, #tpu.memory_space<semaphore_mem>>)
      %dma_wait3A = arith.constant 0 : i32
      %dma_wait3A_214 = arith.constant 0 : i32
      %dma_wait3A_215 = tpu.memref_slice %arg27[%dma_wait3A, %dma_wait3A_214] : memref<128x16xf32, #tpu.memory_space<vmem>> -> memref<120x16xf32, #tpu.memory_space<vmem>>
      %dma_wait3A_216 = arith.constant 0 : i32
      %dma_wait3A_217 = tpu.memref_slice %arg8[%add3A_203, %dma_wait3A_216] : memref<10112x16xf32, #tpu.memory_space<vmem_shared>> -> memref<120x16xf32, #tpu.memory_space<vmem_shared>>
      %dma_wait3A_218 = arith.constant 0 : i32
      %dma_wait3A_219 = arith.constant 0 : i32
      %dma_wait3A_220 = tpu.memref_slice %arg27[%dma_wait3A_218, %dma_wait3A_219] : memref<128x16xf32, #tpu.memory_space<vmem>> -> memref<120x16xf32, #tpu.memory_space<vmem>>
      %dma_wait3A_221 = arith.constant 0 : i32
      %dma_wait3A_222 = tpu.memref_slice %arg8[%add3A_203, %dma_wait3A_221] : memref<10112x16xf32, #tpu.memory_space<vmem_shared>> -> memref<120x16xf32, #tpu.memory_space<vmem_shared>>
      tpu.wait_dma2 semaphore(%run_scoped3A : memref<!tpu.dma_semaphore, #tpu.memory_space<semaphore_mem>>) src(%dma_wait3A_222 : memref<120x16xf32, #tpu.memory_space<vmem_shared>>) dst(%dma_wait3A_220 : memref<120x16xf32, #tpu.memory_space<vmem>>)
      tpu.yield
    }) : () -> ()
    "tpu.region"() ({
      %run_scoped3A = tpu.sem_alloc : memref<!tpu.dma_semaphore, #tpu.memory_space<semaphore_mem>>
      %dma_start3A_204 = arith.constant 0 : i32
      %dma_start3A_205 = arith.constant 0 : i32
      %dma_start3A_206 = tpu.memref_slice %arg27[%dma_start3A_204, %dma_start3A_205] : memref<128x16xf32, #tpu.memory_space<vmem>> -> memref<120x16xf32, #tpu.memory_space<vmem>>
      %dma_start3A_207 = arith.constant 0 : i32
      %dma_start3A_208 = tpu.memref_slice %arg7[%arg0, %add3A_203, %dma_start3A_207] : memref<2x10112x16xf32, #tpu.memory_space<hbm>> -> memref<1x120x16xf32, #tpu.memory_space<hbm>>
      %dma_start3A_209 = tpu.memref_squeeze %dma_start3A_208 : memref<1x120x16xf32, #tpu.memory_space<hbm>> -> memref<120x16xf32, #tpu.memory_space<hbm>>
      %dma_start3A_210 = arith.constant 0 : i32
      %dma_start3A_211 = tpu.memref_slice %arg7[%arg0, %add3A_203, %dma_start3A_210] : memref<2x10112x16xf32, #tpu.memory_space<hbm>> -> memref<1x120x16xf32, #tpu.memory_space<hbm>>
      %dma_start3A_212 = tpu.memref_squeeze %dma_start3A_211 : memref<1x120x16xf32, #tpu.memory_space<hbm>> -> memref<120x16xf32, #tpu.memory_space<hbm>>
      %dma_start3A_213 = arith.constant 0 : i32
      %dma_start3A_214 = arith.constant 0 : i32
      %dma_start3A_215 = tpu.memref_slice %arg27[%dma_start3A_213, %dma_start3A_214] : memref<128x16xf32, #tpu.memory_space<vmem>> -> memref<120x16xf32, #tpu.memory_space<vmem>>
      tpu.enqueue_dma source(%dma_start3A_215 : memref<120x16xf32, #tpu.memory_space<vmem>>) target(%dma_start3A_212 : memref<120x16xf32, #tpu.memory_space<hbm>>) target_semaphore(%run_scoped3A : memref<!tpu.dma_semaphore, #tpu.memory_space<semaphore_mem>>)
      %dma_wait3A = arith.constant 0 : i32
      %dma_wait3A_216 = arith.constant 0 : i32
      %dma_wait3A_217 = tpu.memref_slice %arg27[%dma_wait3A, %dma_wait3A_216] : memref<128x16xf32, #tpu.memory_space<vmem>> -> memref<120x16xf32, #tpu.memory_space<vmem>>
      %dma_wait3A_218 = arith.constant 0 : i32
      %dma_wait3A_219 = tpu.memref_slice %arg7[%arg0, %add3A_203, %dma_wait3A_218] : memref<2x10112x16xf32, #tpu.memory_space<hbm>> -> memref<1x120x16xf32, #tpu.memory_space<hbm>>
      %dma_wait3A_220 = tpu.memref_squeeze %dma_wait3A_219 : memref<1x120x16xf32, #tpu.memory_space<hbm>> -> memref<120x16xf32, #tpu.memory_space<hbm>>
      %dma_wait3A_221 = arith.constant 0 : i32
      %dma_wait3A_222 = tpu.memref_slice %arg7[%arg0, %add3A_203, %dma_wait3A_221] : memref<2x10112x16xf32, #tpu.memory_space<hbm>> -> memref<1x120x16xf32, #tpu.memory_space<hbm>>
      %dma_wait3A_223 = tpu.memref_squeeze %dma_wait3A_222 : memref<1x120x16xf32, #tpu.memory_space<hbm>> -> memref<120x16xf32, #tpu.memory_space<hbm>>
      %dma_wait3A_224 = arith.constant 0 : i32
      %dma_wait3A_225 = arith.constant 0 : i32
      %dma_wait3A_226 = tpu.memref_slice %arg27[%dma_wait3A_224, %dma_wait3A_225] : memref<128x16xf32, #tpu.memory_space<vmem>> -> memref<120x16xf32, #tpu.memory_space<vmem>>
      tpu.wait_dma2 semaphore(%run_scoped3A : memref<!tpu.dma_semaphore, #tpu.memory_space<semaphore_mem>>) src(%dma_wait3A_226 : memref<120x16xf32, #tpu.memory_space<vmem>>) dst(%dma_wait3A_223 : memref<120x16xf32, #tpu.memory_space<hbm>>)
      tpu.yield
    }) : () -> ()
    return
  }
}

module attributes {stable_mosaic.version = 14 : i64} {
  func.func @_proj_body(%arg0: i32, %arg1: memref<4000x128xf32, #tpu.memory_space<vmem>>, %arg2: memref<128x8xf32, #tpu.memory_space<vmem>>, %arg3: memref<1x8xf32, #tpu.memory_space<vmem>>, %arg4: memref<4000x8xf32, #tpu.memory_space<vmem>>) attributes {dimension_semantics = [#tpu.dimension_semantics<arbitrary>], iteration_bounds = array<i64: 80>, scalar_prefetch = 0 : i64, scratch_operands = 0 : i64, tpu.core_type = #tpu.core_type<tc>, window_params = [{transform_indices = @transform_0, window_bounds = array<i64: 4000, 128>}, {pipeline_mode = #tpu.pipeline_mode<synchronous>, transform_indices = @transform_1, window_bounds = array<i64: 128, 8>}, {pipeline_mode = #tpu.pipeline_mode<synchronous>, transform_indices = @transform_2, window_bounds = array<i64: 1, 8>}, {transform_indices = @transform_3, window_bounds = array<i64: 4000, 8>}]} {
    %get3A = arith.constant 0 : index
    %get3A_0 = arith.constant 0 : index
    %get3A_1 = vector.load %arg1[%get3A, %get3A_0] : memref<4000x128xf32, #tpu.memory_space<vmem>>, vector<4000x128xf32>
    %get3A_2 = arith.constant 0 : index
    %get3A_3 = arith.constant 0 : index
    %get3A_4 = vector.load %arg2[%get3A_2, %get3A_3] : memref<128x8xf32, #tpu.memory_space<vmem>>, vector<128x8xf32>
    %dot_general3A = arith.constant dense<0.000000e+00> : vector<4000x8xf32>
    %dot_general3A_5 = tpu.matmul %get3A_1, %get3A_4, %dot_general3A {dimension_numbers = #tpu.dot_dimension_numbers<[1], [0], [0], [1], [0, 0, 1, 1], [], []>, transpose_lhs_hint = false} : vector<4000x128xf32>, vector<128x8xf32>, vector<4000x8xf32> -> vector<4000x8xf32>
    %get3A_6 = arith.constant 0 : index
    %get3A_7 = arith.constant 0 : index
    %get3A_8 = vector.load %arg3[%get3A_6, %get3A_7] : memref<1x8xf32, #tpu.memory_space<vmem>>, vector<1x8xf32>
    %add3A = vector.broadcast %get3A_8 : vector<1x8xf32> to vector<4000x8xf32>
    %add3A_9 = arith.addf %dot_general3A_5, %add3A : vector<4000x8xf32>
    %swap3A = arith.constant 0 : index
    %swap3A_10 = arith.constant 0 : index
    %swap3A_11 = vector.load %arg4[%swap3A, %swap3A_10] : memref<4000x8xf32, #tpu.memory_space<vmem>>, vector<4000x8xf32>
    tpu.vector_store %arg4[%swap3A, %swap3A_10], %add3A_9 {strides = array<i32>} : memref<4000x8xf32, #tpu.memory_space<vmem>>, vector<4000x8xf32>,
    return
  }
  func.func @transform_0(%arg0: i32) -> (i32, i32) {
    %c0_i32 = arith.constant 0 : i32
    %c0_i32_0 = arith.constant 0 : i32
    return %arg0, %c0_i32 : i32, i32
  }
  func.func @transform_1(%arg0: i32) -> (i32, i32) {
    %c0_i32 = arith.constant 0 : i32
    %c0_i32_0 = arith.constant 0 : i32
    %c0_i32_1 = arith.constant 0 : i32
    return %c0_i32, %c0_i32_0 : i32, i32
  }
  func.func @transform_2(%arg0: i32) -> (i32, i32) {
    %c0_i32 = arith.constant 0 : i32
    %c0_i32_0 = arith.constant 0 : i32
    %c0_i32_1 = arith.constant 0 : i32
    return %c0_i32, %c0_i32_0 : i32, i32
  }
  func.func @transform_3(%arg0: i32) -> (i32, i32) {
    %c0_i32 = arith.constant 0 : i32
    %c0_i32_0 = arith.constant 0 : i32
    return %arg0, %c0_i32 : i32, i32
  }
}

module attributes {stable_mosaic.version = 14 : i64} {
  func.func @_mlp_body(%arg0: i32, %arg1: memref<1000x128xf32, #tpu.memory_space<vmem>>, %arg2: memref<2x1000x128xf32, #tpu.memory_space<vmem>>, %arg3: memref<2x1000x16xf32, #tpu.memory_space<vmem>>, %arg4: memref<1000x1xf32, #tpu.memory_space<vmem>>, %arg5: memref<1000x1xf32, #tpu.memory_space<vmem>>, %arg6: memref<1000x1xi32, #tpu.memory_space<vmem>>, %arg7: memref<16x128xf32, #tpu.memory_space<vmem>>, %arg8: memref<128x4xf32, #tpu.memory_space<vmem>>, %arg9: memref<128x4xf32, #tpu.memory_space<vmem>>, %arg10: memref<2x4xf32, #tpu.memory_space<vmem>>, %arg11: memref<128x128xf32, #tpu.memory_space<vmem>>, %arg12: memref<128x128xf32, #tpu.memory_space<vmem>>, %arg13: memref<4x128xf32, #tpu.memory_space<vmem>>, %arg14: memref<128x128xf32, #tpu.memory_space<vmem>>, %arg15: memref<1x128xf32, #tpu.memory_space<vmem>>, %arg16: memref<1x128xf32, #tpu.memory_space<vmem>>, %arg17: memref<1x128xf32, #tpu.memory_space<vmem>>, %arg18: memref<128x128xf32, #tpu.memory_space<vmem>>, %arg19: memref<1x128xf32, #tpu.memory_space<vmem>>, %arg20: memref<1000x128xf32, #tpu.memory_space<vmem>>) attributes {dimension_semantics = [#tpu.dimension_semantics<arbitrary>], iteration_bounds = array<i64: 10>, scalar_prefetch = 0 : i64, scratch_operands = 0 : i64, tpu.core_type = #tpu.core_type<tc>, window_params = [{transform_indices = @transform_0, window_bounds = array<i64: 1000, 128>}, {transform_indices = @transform_1, window_bounds = array<i64: 2, 1000, 128>}, {transform_indices = @transform_2, window_bounds = array<i64: 2, 1000, 16>}, {transform_indices = @transform_3, window_bounds = array<i64: 1000, 1>}, {transform_indices = @transform_4, window_bounds = array<i64: 1000, 1>}, {transform_indices = @transform_5, window_bounds = array<i64: 1000, 1>}, {pipeline_mode = #tpu.pipeline_mode<synchronous>, transform_indices = @transform_6, window_bounds = array<i64: 16, 128>}, {pipeline_mode = #tpu.pipeline_mode<synchronous>, transform_indices = @transform_7, window_bounds = array<i64: 128, 4>}, {pipeline_mode = #tpu.pipeline_mode<synchronous>, transform_indices = @transform_8, window_bounds = array<i64: 128, 4>}, {pipeline_mode = #tpu.pipeline_mode<synchronous>, transform_indices = @transform_9, window_bounds = array<i64: 2, 4>}, {pipeline_mode = #tpu.pipeline_mode<synchronous>, transform_indices = @transform_10, window_bounds = array<i64: 128, 128>}, {pipeline_mode = #tpu.pipeline_mode<synchronous>, transform_indices = @transform_11, window_bounds = array<i64: 128, 128>}, {pipeline_mode = #tpu.pipeline_mode<synchronous>, transform_indices = @transform_12, window_bounds = array<i64: 4, 128>}, {pipeline_mode = #tpu.pipeline_mode<synchronous>, transform_indices = @transform_13, window_bounds = array<i64: 128, 128>}, {pipeline_mode = #tpu.pipeline_mode<synchronous>, transform_indices = @transform_14, window_bounds = array<i64: 1, 128>}, {pipeline_mode = #tpu.pipeline_mode<synchronous>, transform_indices = @transform_15, window_bounds = array<i64: 1, 128>}, {pipeline_mode = #tpu.pipeline_mode<synchronous>, transform_indices = @transform_16, window_bounds = array<i64: 1, 128>}, {pipeline_mode = #tpu.pipeline_mode<synchronous>, transform_indices = @transform_17, window_bounds = array<i64: 128, 128>}, {pipeline_mode = #tpu.pipeline_mode<synchronous>, transform_indices = @transform_18, window_bounds = array<i64: 1, 128>}, {transform_indices = @transform_19, window_bounds = array<i64: 1000, 128>}]} {
    %get3A = arith.constant 0 : index
    %get3A_0 = arith.constant 0 : index
    %get3A_1 = arith.constant 0 : index
    %get3A_2 = vector.load %arg2[%get3A, %get3A_0, %get3A_1] : memref<2x1000x128xf32, #tpu.memory_space<vmem>>, vector<1x1000x128xf32>
    %get3A_3 = vector.shape_cast %get3A_2 : vector<1x1000x128xf32> to vector<1000x128xf32>
    %get3A_4 = arith.constant 1 : index
    %get3A_5 = arith.constant 0 : index
    %get3A_6 = arith.constant 0 : index
    %get3A_7 = vector.load %arg2[%get3A_4, %get3A_5, %get3A_6] : memref<2x1000x128xf32, #tpu.memory_space<vmem>>, vector<1x1000x128xf32>
    %get3A_8 = vector.shape_cast %get3A_7 : vector<1x1000x128xf32> to vector<1000x128xf32>
    %add3A = arith.addf %get3A_3, %get3A_8 : vector<1000x128xf32>
    %get3A_9 = arith.constant 0 : index
    %get3A_10 = arith.constant 0 : index
    %get3A_11 = arith.constant 0 : index
    %get3A_12 = vector.load %arg3[%get3A_9, %get3A_10, %get3A_11] : memref<2x1000x16xf32, #tpu.memory_space<vmem>>, vector<1x1000x16xf32>
    %get3A_13 = vector.shape_cast %get3A_12 : vector<1x1000x16xf32> to vector<1000x16xf32>
    %get3A_14 = arith.constant 1 : index
    %get3A_15 = arith.constant 0 : index
    %get3A_16 = arith.constant 0 : index
    %get3A_17 = vector.load %arg3[%get3A_14, %get3A_15, %get3A_16] : memref<2x1000x16xf32, #tpu.memory_space<vmem>>, vector<1x1000x16xf32>
    %get3A_18 = vector.shape_cast %get3A_17 : vector<1x1000x16xf32> to vector<1000x16xf32>
    %add3A_19 = arith.addf %get3A_13, %get3A_18 : vector<1000x16xf32>
    %slice3A = vector.extract_strided_slice %add3A_19 {offsets = [0, 0], sizes = [1000, 4], strides = [1, 1]} : vector<1000x16xf32> to vector<1000x4xf32>
    %slice3A_20 = vector.extract_strided_slice %add3A_19 {offsets = [0, 4], sizes = [1000, 1], strides = [1, 1]} : vector<1000x16xf32> to vector<1000x1xf32>
    %get3A_21 = arith.constant 0 : index
    %get3A_22 = arith.constant 0 : index
    %get3A_23 = vector.load %arg10[%get3A_21, %get3A_22] : memref<2x4xf32, #tpu.memory_space<vmem>>, vector<1x4xf32>
    %get3A_24 = arith.constant 1 : index
    %get3A_25 = arith.constant 0 : index
    %get3A_26 = vector.load %arg10[%get3A_24, %get3A_25] : memref<2x4xf32, #tpu.memory_space<vmem>>, vector<1x4xf32>
    %get3A_27 = arith.constant 0 : index
    %get3A_28 = arith.constant 0 : index
    %get3A_29 = vector.load %arg8[%get3A_27, %get3A_28] : memref<128x4xf32, #tpu.memory_space<vmem>>, vector<128x4xf32>
    %dot_general3A = arith.constant dense<0.000000e+00> : vector<1000x4xf32>
    %dot_general3A_30 = tpu.matmul %add3A, %get3A_29, %dot_general3A {dimension_numbers = #tpu.dot_dimension_numbers<[1], [0], [0], [1], [0, 0, 1, 1], [], []>, transpose_lhs_hint = false} : vector<1000x128xf32>, vector<128x4xf32>, vector<1000x4xf32> -> vector<1000x4xf32>
    %mul3A = vector.broadcast %slice3A_20 : vector<1000x1xf32> to vector<1000x4xf32>
    %mul3A_31 = vector.broadcast %get3A_23 : vector<1x4xf32> to vector<1000x4xf32>
    %mul3A_32 = arith.mulf %mul3A, %mul3A_31 : vector<1000x4xf32>
    %add3A_33 = arith.addf %dot_general3A_30, %mul3A_32 : vector<1000x4xf32>
    %get3A_34 = arith.constant 0 : index
    %get3A_35 = arith.constant 0 : index
    %get3A_36 = vector.load %arg9[%get3A_34, %get3A_35] : memref<128x4xf32, #tpu.memory_space<vmem>>, vector<128x4xf32>
    %dot_general3A_37 = arith.constant dense<0.000000e+00> : vector<1000x4xf32>
    %dot_general3A_38 = tpu.matmul %add3A, %get3A_36, %dot_general3A_37 {dimension_numbers = #tpu.dot_dimension_numbers<[1], [0], [0], [1], [0, 0, 1, 1], [], []>, transpose_lhs_hint = false} : vector<1000x128xf32>, vector<128x4xf32>, vector<1000x4xf32> -> vector<1000x4xf32>
    %mul3A_39 = vector.broadcast %slice3A_20 : vector<1000x1xf32> to vector<1000x4xf32>
    %mul3A_40 = vector.broadcast %get3A_26 : vector<1x4xf32> to vector<1000x4xf32>
    %mul3A_41 = arith.mulf %mul3A_39, %mul3A_40 : vector<1000x4xf32>
    %add3A_42 = arith.addf %dot_general3A_38, %mul3A_41 : vector<1000x4xf32>
    %get3A_43 = arith.constant 0 : index
    %get3A_44 = arith.constant 0 : index
    %get3A_45 = vector.load %arg4[%get3A_43, %get3A_44] : memref<1000x1xf32, #tpu.memory_space<vmem>>, vector<1000x1xf32>
    %mul3A_46 = vector.broadcast %get3A_45 : vector<1000x1xf32> to vector<1000x4xf32>
    %mul3A_47 = arith.mulf %mul3A_46, %add3A_42 : vector<1000x4xf32>
    %add3A_48 = arith.addf %slice3A, %mul3A_47 : vector<1000x4xf32>
    %get3A_49 = arith.constant 0 : index
    %get3A_50 = arith.constant 0 : index
    %get3A_51 = vector.load %arg5[%get3A_49, %get3A_50] : memref<1000x1xf32, #tpu.memory_space<vmem>>, vector<1000x1xf32>
    %mul3A_52 = vector.broadcast %get3A_51 : vector<1000x1xf32> to vector<1000x4xf32>
    %mul3A_53 = arith.mulf %mul3A_52, %add3A_33 : vector<1000x4xf32>
    %sub3A = arith.subf %add3A_48, %mul3A_53 : vector<1000x4xf32>
    %get3A_54 = arith.constant 0 : index
    %get3A_55 = arith.constant 0 : index
    %get3A_56 = vector.load %arg6[%get3A_54, %get3A_55] : memref<1000x1xi32, #tpu.memory_space<vmem>>, vector<1000x1xi32>
    %iota3A = tpu.iota {dimensions = array<i32: 1>} : vector<1000x16xi32>
    %eq3A = vector.broadcast %get3A_56 : vector<1000x1xi32> to vector<1000x16xi32>
    %eq3A_57 = arith.cmpi eq, %eq3A, %iota3A : vector<1000x16xi32>
    %convert_element_type3A = arith.extui %eq3A_57 : vector<1000x16xi1> to vector<1000x16xi32>
    %convert_element_type3A_58 = arith.sitofp %convert_element_type3A : vector<1000x16xi32> to vector<1000x16xf32>
    %get3A_59 = arith.constant 0 : index
    %get3A_60 = arith.constant 0 : index
    %get3A_61 = vector.load %arg7[%get3A_59, %get3A_60] : memref<16x128xf32, #tpu.memory_space<vmem>>, vector<16x128xf32>
    %get3A_62 = arith.constant 0 : index
    %get3A_63 = arith.constant 0 : index
    %get3A_64 = vector.load %arg14[%get3A_62, %get3A_63] : memref<128x128xf32, #tpu.memory_space<vmem>>, vector<128x128xf32>
    %dot_general3A_65 = arith.constant dense<0.000000e+00> : vector<16x128xf32>
    %dot_general3A_66 = tpu.matmul %get3A_61, %get3A_64, %dot_general3A_65 {dimension_numbers = #tpu.dot_dimension_numbers<[1], [0], [0], [1], [0, 0, 1, 1], [], []>, transpose_lhs_hint = false} : vector<16x128xf32>, vector<128x128xf32>, vector<16x128xf32> -> vector<16x128xf32>
    %get3A_67 = arith.constant 0 : index
    %get3A_68 = arith.constant 0 : index
    %get3A_69 = vector.load %arg1[%get3A_67, %get3A_68] : memref<1000x128xf32, #tpu.memory_space<vmem>>, vector<1000x128xf32>
    %get3A_70 = arith.constant 0 : index
    %get3A_71 = arith.constant 0 : index
    %get3A_72 = vector.load %arg11[%get3A_70, %get3A_71] : memref<128x128xf32, #tpu.memory_space<vmem>>, vector<128x128xf32>
    %dot_general3A_73 = arith.constant dense<0.000000e+00> : vector<1000x128xf32>
    %dot_general3A_74 = tpu.matmul %get3A_69, %get3A_72, %dot_general3A_73 {dimension_numbers = #tpu.dot_dimension_numbers<[1], [0], [0], [1], [0, 0, 1, 1], [], []>, transpose_lhs_hint = false} : vector<1000x128xf32>, vector<128x128xf32>, vector<1000x128xf32> -> vector<1000x128xf32>
    %get3A_75 = arith.constant 0 : index
    %get3A_76 = arith.constant 0 : index
    %get3A_77 = vector.load %arg12[%get3A_75, %get3A_76] : memref<128x128xf32, #tpu.memory_space<vmem>>, vector<128x128xf32>
    %dot_general3A_78 = arith.constant dense<0.000000e+00> : vector<1000x128xf32>
    %dot_general3A_79 = tpu.matmul %add3A, %get3A_77, %dot_general3A_78 {dimension_numbers = #tpu.dot_dimension_numbers<[1], [0], [0], [1], [0, 0, 1, 1], [], []>, transpose_lhs_hint = false} : vector<1000x128xf32>, vector<128x128xf32>, vector<1000x128xf32> -> vector<1000x128xf32>
    %add3A_80 = arith.addf %dot_general3A_74, %dot_general3A_79 : vector<1000x128xf32>
    %get3A_81 = arith.constant 0 : index
    %get3A_82 = arith.constant 0 : index
    %get3A_83 = vector.load %arg13[%get3A_81, %get3A_82] : memref<4x128xf32, #tpu.memory_space<vmem>>, vector<4x128xf32>
    %dot_general3A_84 = arith.constant dense<0.000000e+00> : vector<1000x128xf32>
    %dot_general3A_85 = tpu.matmul %sub3A, %get3A_83, %dot_general3A_84 {dimension_numbers = #tpu.dot_dimension_numbers<[1], [0], [0], [1], [0, 0, 1, 1], [], []>, transpose_lhs_hint = false} : vector<1000x4xf32>, vector<4x128xf32>, vector<1000x128xf32> -> vector<1000x128xf32>
    %add3A_86 = arith.addf %add3A_80, %dot_general3A_85 : vector<1000x128xf32>
    %dot_general3A_87 = arith.constant dense<0.000000e+00> : vector<1000x128xf32>
    %dot_general3A_88 = tpu.matmul %convert_element_type3A_58, %dot_general3A_66, %dot_general3A_87 {dimension_numbers = #tpu.dot_dimension_numbers<[1], [0], [0], [1], [0, 0, 1, 1], [], []>, transpose_lhs_hint = false} : vector<1000x16xf32>, vector<16x128xf32>, vector<1000x128xf32> -> vector<1000x128xf32>
    %add3A_89 = arith.addf %add3A_86, %dot_general3A_88 : vector<1000x128xf32>
    %get3A_90 = arith.constant 0 : index
    %get3A_91 = arith.constant 0 : index
    %get3A_92 = vector.load %arg15[%get3A_90, %get3A_91] : memref<1x128xf32, #tpu.memory_space<vmem>>, vector<1x128xf32>
    %add3A_93 = vector.broadcast %get3A_92 : vector<1x128xf32> to vector<1000x128xf32>
    %add3A_94 = arith.addf %add3A_89, %add3A_93 : vector<1000x128xf32>
    %reduce_sum3A = arith.constant dense<0.000000e+00> : vector<1000xf32>
    %reduce_sum3A_95 = vector.multi_reduction <add>, %add3A_94, %reduce_sum3A [1] : vector<1000x128xf32> to vector<1000xf32>
    %broadcast_in_dim3A = vector.shape_cast %reduce_sum3A_95 : vector<1000xf32> to vector<1000x1xf32>
    %div3A = arith.constant 1.280000e+02 : f32
    %div3A_96 = vector.broadcast %div3A : f32 to vector<1000x1xf32>
    %div3A_97 = arith.divf %broadcast_in_dim3A, %div3A_96 : vector<1000x1xf32>
    %sub3A_98 = vector.broadcast %div3A_97 : vector<1000x1xf32> to vector<1000x128xf32>
    %sub3A_99 = arith.subf %add3A_94, %sub3A_98 : vector<1000x128xf32>
    %integer_pow3A = arith.mulf %sub3A_99, %sub3A_99 : vector<1000x128xf32>
    %reduce_sum3A_100 = arith.constant dense<0.000000e+00> : vector<1000xf32>
    %reduce_sum3A_101 = vector.multi_reduction <add>, %integer_pow3A, %reduce_sum3A_100 [1] : vector<1000x128xf32> to vector<1000xf32>
    %broadcast_in_dim3A_102 = vector.shape_cast %reduce_sum3A_101 : vector<1000xf32> to vector<1000x1xf32>
    %div3A_103 = arith.constant 1.280000e+02 : f32
    %div3A_104 = vector.broadcast %div3A_103 : f32 to vector<1000x1xf32>
    %div3A_105 = arith.divf %broadcast_in_dim3A_102, %div3A_104 : vector<1000x1xf32>
    %sub3A_106 = vector.broadcast %div3A_97 : vector<1000x1xf32> to vector<1000x128xf32>
    %sub3A_107 = arith.subf %add3A_94, %sub3A_106 : vector<1000x128xf32>
    %add3A_108 = arith.constant 9.99999974E-6 : f32
    %add3A_109 = vector.broadcast %add3A_108 : f32 to vector<1000x1xf32>
    %add3A_110 = arith.addf %div3A_105, %add3A_109 : vector<1000x1xf32>
    %rsqrt3A = math.rsqrt %add3A_110 : vector<1000x1xf32>
    %mul3A_111 = vector.broadcast %rsqrt3A : vector<1000x1xf32> to vector<1000x128xf32>
    %mul3A_112 = arith.mulf %sub3A_107, %mul3A_111 : vector<1000x128xf32>
    %get3A_113 = arith.constant 0 : index
    %get3A_114 = arith.constant 0 : index
    %get3A_115 = vector.load %arg16[%get3A_113, %get3A_114] : memref<1x128xf32, #tpu.memory_space<vmem>>, vector<1x128xf32>
    %mul3A_116 = vector.broadcast %get3A_115 : vector<1x128xf32> to vector<1000x128xf32>
    %mul3A_117 = arith.mulf %mul3A_112, %mul3A_116 : vector<1000x128xf32>
    %get3A_118 = arith.constant 0 : index
    %get3A_119 = arith.constant 0 : index
    %get3A_120 = vector.load %arg17[%get3A_118, %get3A_119] : memref<1x128xf32, #tpu.memory_space<vmem>>, vector<1x128xf32>
    %add3A_121 = vector.broadcast %get3A_120 : vector<1x128xf32> to vector<1000x128xf32>
    %add3A_122 = arith.addf %mul3A_117, %add3A_121 : vector<1000x128xf32>
    %logistic3A = arith.negf %add3A_122 : vector<1000x128xf32>
    %logistic3A_123 = math.exp %logistic3A : vector<1000x128xf32>
    %logistic3A_124 = arith.constant 1.000000e+00 : f32
    %logistic3A_125 = vector.broadcast %logistic3A_124 : f32 to vector<1000x128xf32>
    %logistic3A_126 = arith.addf %logistic3A_125, %logistic3A_123 : vector<1000x128xf32>
    %logistic3A_127 = arith.divf %logistic3A_125, %logistic3A_126 : vector<1000x128xf32>
    %mul3A_128 = arith.mulf %add3A_122, %logistic3A_127 : vector<1000x128xf32>
    %get3A_129 = arith.constant 0 : index
    %get3A_130 = arith.constant 0 : index
    %get3A_131 = vector.load %arg18[%get3A_129, %get3A_130] : memref<128x128xf32, #tpu.memory_space<vmem>>, vector<128x128xf32>
    %dot_general3A_132 = arith.constant dense<0.000000e+00> : vector<1000x128xf32>
    %dot_general3A_133 = tpu.matmul %mul3A_128, %get3A_131, %dot_general3A_132 {dimension_numbers = #tpu.dot_dimension_numbers<[1], [0], [0], [1], [0, 0, 1, 1], [], []>, transpose_lhs_hint = false} : vector<1000x128xf32>, vector<128x128xf32>, vector<1000x128xf32> -> vector<1000x128xf32>
    %get3A_134 = arith.constant 0 : index
    %get3A_135 = arith.constant 0 : index
    %get3A_136 = vector.load %arg19[%get3A_134, %get3A_135] : memref<1x128xf32, #tpu.memory_space<vmem>>, vector<1x128xf32>
    %add3A_137 = vector.broadcast %get3A_136 : vector<1x128xf32> to vector<1000x128xf32>
    %add3A_138 = arith.addf %dot_general3A_133, %add3A_137 : vector<1000x128xf32>
    %swap3A = arith.constant 0 : index
    %swap3A_139 = arith.constant 0 : index
    %swap3A_140 = vector.load %arg20[%swap3A, %swap3A_139] : memref<1000x128xf32, #tpu.memory_space<vmem>>, vector<1000x128xf32>
    tpu.vector_store %arg20[%swap3A, %swap3A_139], %add3A_138 {strides = array<i32>} : memref<1000x128xf32, #tpu.memory_space<vmem>>, vector<1000x128xf32>,
    return
  }
  func.func @transform_0(%arg0: i32) -> (i32, i32) {
    %c0_i32 = arith.constant 0 : i32
    %c0_i32_0 = arith.constant 0 : i32
    return %arg0, %c0_i32 : i32, i32
  }
  func.func @transform_1(%arg0: i32) -> (i32, i32, i32) {
    %c0_i32 = arith.constant 0 : i32
    %c0_i32_0 = arith.constant 0 : i32
    %c0_i32_1 = arith.constant 0 : i32
    return %c0_i32, %arg0, %c0_i32_0 : i32, i32, i32
  }
  func.func @transform_2(%arg0: i32) -> (i32, i32, i32) {
    %c0_i32 = arith.constant 0 : i32
    %c0_i32_0 = arith.constant 0 : i32
    %c0_i32_1 = arith.constant 0 : i32
    return %c0_i32, %arg0, %c0_i32_0 : i32, i32, i32
  }
  func.func @transform_3(%arg0: i32) -> (i32, i32) {
    %c0_i32 = arith.constant 0 : i32
    %c0_i32_0 = arith.constant 0 : i32
    return %arg0, %c0_i32 : i32, i32
  }
  func.func @transform_4(%arg0: i32) -> (i32, i32) {
    %c0_i32 = arith.constant 0 : i32
    %c0_i32_0 = arith.constant 0 : i32
    return %arg0, %c0_i32 : i32, i32
  }
  func.func @transform_5(%arg0: i32) -> (i32, i32) {
    %c0_i32 = arith.constant 0 : i32
    %c0_i32_0 = arith.constant 0 : i32
    return %arg0, %c0_i32 : i32, i32
  }
  func.func @transform_6(%arg0: i32) -> (i32, i32) {
    %c0_i32 = arith.constant 0 : i32
    %c0_i32_0 = arith.constant 0 : i32
    %c0_i32_1 = arith.constant 0 : i32
    return %c0_i32, %c0_i32_0 : i32, i32
  }
  func.func @transform_7(%arg0: i32) -> (i32, i32) {
    %c0_i32 = arith.constant 0 : i32
    %c0_i32_0 = arith.constant 0 : i32
    %c0_i32_1 = arith.constant 0 : i32
    return %c0_i32, %c0_i32_0 : i32, i32
  }
  func.func @transform_8(%arg0: i32) -> (i32, i32) {
    %c0_i32 = arith.constant 0 : i32
    %c0_i32_0 = arith.constant 0 : i32
    %c0_i32_1 = arith.constant 0 : i32
    return %c0_i32, %c0_i32_0 : i32, i32
  }
  func.func @transform_9(%arg0: i32) -> (i32, i32) {
    %c0_i32 = arith.constant 0 : i32
    %c0_i32_0 = arith.constant 0 : i32
    %c0_i32_1 = arith.constant 0 : i32
    return %c0_i32, %c0_i32_0 : i32, i32
  }
  func.func @transform_10(%arg0: i32) -> (i32, i32) {
    %c0_i32 = arith.constant 0 : i32
    %c0_i32_0 = arith.constant 0 : i32
    %c0_i32_1 = arith.constant 0 : i32
    return %c0_i32, %c0_i32_0 : i32, i32
  }
  func.func @transform_11(%arg0: i32) -> (i32, i32) {
    %c0_i32 = arith.constant 0 : i32
    %c0_i32_0 = arith.constant 0 : i32
    %c0_i32_1 = arith.constant 0 : i32
    return %c0_i32, %c0_i32_0 : i32, i32
  }
  func.func @transform_12(%arg0: i32) -> (i32, i32) {
    %c0_i32 = arith.constant 0 : i32
    %c0_i32_0 = arith.constant 0 : i32
    %c0_i32_1 = arith.constant 0 : i32
    return %c0_i32, %c0_i32_0 : i32, i32
  }
  func.func @transform_13(%arg0: i32) -> (i32, i32) {
    %c0_i32 = arith.constant 0 : i32
    %c0_i32_0 = arith.constant 0 : i32
    %c0_i32_1 = arith.constant 0 : i32
    return %c0_i32, %c0_i32_0 : i32, i32
  }
  func.func @transform_14(%arg0: i32) -> (i32, i32) {
    %c0_i32 = arith.constant 0 : i32
    %c0_i32_0 = arith.constant 0 : i32
    %c0_i32_1 = arith.constant 0 : i32
    return %c0_i32, %c0_i32_0 : i32, i32
  }
  func.func @transform_15(%arg0: i32) -> (i32, i32) {
    %c0_i32 = arith.constant 0 : i32
    %c0_i32_0 = arith.constant 0 : i32
    %c0_i32_1 = arith.constant 0 : i32
    return %c0_i32, %c0_i32_0 : i32, i32
  }
  func.func @transform_16(%arg0: i32) -> (i32, i32) {
    %c0_i32 = arith.constant 0 : i32
    %c0_i32_0 = arith.constant 0 : i32
    %c0_i32_1 = arith.constant 0 : i32
    return %c0_i32, %c0_i32_0 : i32, i32
  }
  func.func @transform_17(%arg0: i32) -> (i32, i32) {
    %c0_i32 = arith.constant 0 : i32
    %c0_i32_0 = arith.constant 0 : i32
    %c0_i32_1 = arith.constant 0 : i32
    return %c0_i32, %c0_i32_0 : i32, i32
  }
  func.func @transform_18(%arg0: i32) -> (i32, i32) {
    %c0_i32 = arith.constant 0 : i32
    %c0_i32_0 = arith.constant 0 : i32
    %c0_i32_1 = arith.constant 0 : i32
    return %c0_i32, %c0_i32_0 : i32, i32
  }
  func.func @transform_19(%arg0: i32) -> (i32, i32) {
    %c0_i32 = arith.constant 0 : i32
    %c0_i32_0 = arith.constant 0 : i32
    return %arg0, %c0_i32 : i32, i32
  }
}

</mosaic_0001>

<sc_bundles>
// kernel: kernel.6.cloned.1.call-start
scs
__scs_entry_jumppad:
0x0: {  	(pc) =	sbr.rel $0x88, $3  }
0x1: {  	(tag) =	ssettag $0x0;
	lr =	simm.s32 $0x1  }
0x2: {  	[smem:$0x3F94] =	sst lr;
	_ =	strace $0xD0000000  }
0x3: {  	_ = 	snop  }
0x4: {  	_ = 	snop  }
0x5: {  	_ = 	snop  }
0x6: {  	_ = 	snop  }
0x7: {  	_ = 	snop  }
__scs_overlays_trampoline_lowered:
0x8: {  	[smem:$0x3FA3] =	sst s0  }
0x9: {  	[smem:$0x3FA4] =	sst s1  }
0xa: {  	[smem:$0x3FA5] =	sst s2  }
0xb: {  	[smem:$0x3FA6] =	sst s3  }
0xc: {  	[smem:$0x3FA7] =	sst s4  }
0xd: {  	[smem:$0x3FA8] =	sst s5  }
0xe: {  	[smem:$0x3FA9] =	sst s6  }
0xf: {  	[smem:$0x3FAA] =	sst s7  }
0x10: {  	[smem:$0x3FAB] =	sst s8  }
0x11: {  	[smem:$0x3FAC] =	sst s9;
	s0 =	simm.s32 @!p0 $0x0  }
0x12: {  	s1 =	sld [smem:$0x3F92];
	s0 =	simm.s32 @p0 $0x1  }
0x13: {  	[smem:$0x3FAD] =	sst s0;
	s0 =	simm.s32 @!p1 $0x0  }
0x14: {  	s2 =	sld [smem:$0x3F91];
	s0 =	simm.s32 @p1 $0x1  }
0x15: {  	[smem:$0x3FAE] =	sst s0;
	s0 =	simm.s32 @!p2 $0x0  }
0x16: {  	s3 =	sld [smem:$0x3FDB];
	s0 =	simm.s32 @p2 $0x1  }
0x17: {  	s4 =	simm.s32 $0x1BF5;
	[smem:$0x3FB0] =	sst s0  }
0x18: {  	s0 =	sld [smem:$0x3F93];
	_ =	swait.ge [sflag:s4], $0x0  }
0x19: {  	s7 =	sld [smem:$0x3F94]  }
0x1a: {  	s8 =	sadd.s32 $0xFFFFE003, lr  }
0x1b: {  	s9 =	sadd.s32 $0xFFFFFEF7, lr;
	s5 =	simm.s32 $0xFFFFFFFF;
	p2 =	slt.u32 s8, $0xFFFFF086  }
0x1c: {  	p1 =	slt.u32 s9, $0xF7A;
	s5 =	simm.s32 @!p2 $0x0  }
0x1d: {  	s5 =	simm.s32 @p1 $0x1;
	p0 =	seq.s32 s7, s2  }
0x1e: {  	s7 =	smul.u32 @!p0 $0xF7A, s2;
	p2 =	seq.s32 @!p0 s5, $0x0  }
0x1f: {  	s9 =	smul.u32 $0xF7A, s1;
	s8 =	simm.s32 @!p0 $0x1BF5;
	p2 =	por !p2, p0  }
0x20: {  	[sflag:s8] =	ssyncset.s32 @!p0 $0xFFFFF086;
	s6 =	sadd.s32 @!p0 s3, s7;
	s7 =	simm.s32 @!p0 $0x108  }
0x21: {  	s3 =	sadd.s32 s3, s9;
	s6 =	sadd.s32 @!p0 $0x88, s6;
	s7 =	simm.s32 @p2 $0x1082  }
0x22: {  	[simem:s7], [sflag:s8] =	dma.local @!p0 [hbm:s6], $0xF7A  }
0x23: {  	s9 =	sor.u32 $0xD0000000, s2;
	s6 =	simm.s32 $0x108;
	_ =	swait.ge @!p0 [sflag:s8], $0x0  }
0x24: {  	s3 =	sadd.s32 $0x88, s3;
	s6 =	simm.s32 @!p1 $0x1082;
	[sflag:s4] =	ssyncset.s32 $0xFFFFF086  }
0x25: {  	[simem:s6], [sflag:s4] =	dma.local [hbm:s3], $0xF7A  }
0x26: {  	[smem:$0x3F94] =	sst s1;
	(tag) =	ssettag s2;
	_ =	strace s9  }
0x27: {  	s1 =	sld [smem:$0x3FA4]  }
0x28: {  	s2 =	sld [smem:$0x3FA5]  }
0x29: {  	s4 =	sld [smem:$0x3FA7]  }
0x2a: {  	p0 =	seq.s32 s5, $0x0;
	s5 =	sld [smem:$0x3FA8]  }
0x2b: {  	s6 =	sld [smem:$0x3FA9]  }
0x2c: {  	s7 =	sld [smem:$0x3FAA]  }
0x2d: {  	s3 =	simm.s32 $0x108;
	s8 =	sld [smem:$0x3FAB]  }
0x2e: {  	s3 =	simm.s32 @!p0 $0x1082;
	s9 =	sld [smem:$0x3FAC]  }
0x2f: {  	lr =	sadd.s32 s0, s3;
	s0 =	sld [smem:$0x3FA3]  }
0x30: {  	s3 =	sld [smem:$0x3FA6]  }
0x31: {  	[smem:$0x3FAF] =	sst s10  }
0x32: {  	s10 =	sld [smem:$0x3FAD];
	_ =	sdelay $0x3  }
0x33: {  	p0 =	seq.s32 s10, $0x1;
	s10 =	sld [smem:$0x3FAF];
	_ =	sdelay $0x3  }
0x34: {  	[smem:$0x3FAF] =	sst s10  }
0x35: {  	s10 =	sld [smem:$0x3FAE];
	_ =	sdelay $0x3  }
0x36: {  	p1 =	seq.s32 s10, $0x1;
	s10 =	sld [smem:$0x3FAF];
	_ =	sdelay $0x3  }
0x37: {  	[smem:$0x3FAF] =	sst s10  }
0x38: {  	s10 =	sld [smem:$0x3FB0]  }
0x39: {  	_ = 	snop;
	(pc) =	sbr.ind lr, $3  }
0x3a: {  	_ = 	snop  }
0x3b: {  	_ = 	snop  }
0x3c: {  	p2 =	seq.s32 s10, $0x1;
	s10 =	sld [smem:$0x3FAF]  }
0x3d: {  	_ =	shalt  }
0x3e: {  	_ =	shalt  }
0x3f: {  	_ =	shalt  }
0x40: {  	_ =	shalt  }
0x41: {  	_ =	shalt  }
0x42: {  	_ =	shalt  }
0x43: {  	_ =	shalt  }
0x44: {  	_ =	shalt  }
0x45: {  	_ =	shalt  }
0x46: {  	_ =	shalt  }
0x47: {  	_ =	shalt  }
0x48: {  	_ =	shalt  }
0x49: {  	_ =	shalt  }
0x4a: {  	_ =	shalt  }
0x4b: {  	_ =	shalt  }
0x4c: {  	_ =	shalt  }
0x4d: {  	_ =	shalt  }
0x4e: {  	_ =	shalt  }
0x4f: {  	_ =	shalt  }
0x50: {  	_ =	shalt  }
0x51: {  	_ =	shalt  }
0x52: {  	_ =	shalt  }
0x53: {  	_ =	shalt  }
0x54: {  	_ =	shalt  }
0x55: {  	_ =	shalt  }
0x56: {  	_ =	shalt  }
0x57: {  	_ =	shalt  }
0x58: {  	_ =	shalt  }
0x59: {  	_ =	shalt  }
0x5a: {  	_ =	shalt  }
0x5b: {  	_ =	shalt  }
0x5c: {  	_ =	shalt  }
0x5d: {  	_ =	shalt  }
0x5e: {  	_ =	shalt  }
0x5f: {  	_ =	shalt  }
0x60: {  	_ =	shalt  }
0x61: {  	_ =	shalt  }
0x62: {  	_ =	shalt  }
0x63: {  	_ =	shalt  }
0x64: {  	_ =	shalt  }
0x65: {  	_ =	shalt  }
0x66: {  	_ =	shalt  }
0x67: {  	_ =	shalt  }
0x68: {  	_ =	shalt  }
0x69: {  	_ =	shalt  }
0x6a: {  	_ =	shalt  }
0x6b: {  	_ =	shalt  }
0x6c: {  	_ =	shalt  }
0x6d: {  	_ =	shalt  }
0x6e: {  	_ =	shalt  }
0x6f: {  	_ =	shalt  }
0x70: {  	_ =	shalt  }
0x71: {  	_ =	shalt  }
0x72: {  	_ =	shalt  }
0x73: {  	_ =	shalt  }
0x74: {  	_ =	shalt  }
0x75: {  	_ =	shalt  }
0x76: {  	_ =	shalt  }
0x77: {  	_ =	shalt  }
0x78: {  	_ =	shalt  }
0x79: {  	_ =	shalt  }
0x7a: {  	_ =	shalt  }
0x7b: {  	_ =	shalt  }
0x7c: {  	_ =	shalt  }
0x7d: {  	_ =	shalt  }
0x7e: {  	_ =	shalt  }
0x7f: {  	_ =	shalt  }
0x80: {  	_ =	shalt  }
0x81: {  	_ =	shalt  }
0x82: {  	_ =	shalt  }
0x83: {  	_ =	shalt  }
0x84: {  	_ =	shalt  }
0x85: {  	_ =	shalt  }
0x86: {  	_ =	shalt  }
0x87: {  	_ =	shalt  }
.Lfunc_end0:
.L_simem_size_0:
called_computation_lowered:
.L_overlay_start_0:
0x88: {  	s2 =	sld [smem:$0x3FD9]  }
0x89: {  	s3 =	sld [smem:$0x3FFE];
	_ =	sdelay $0x1  }
0x8a: {  	s1 =	srdreg.scid  }
0x8b: {  	s0 =	sand.u32 $0x1, s1  }
0x8c: {  	s17 =	sshll.u32 s0, $0xA;
	s2 =	sadd.s32 s3, s2  }
0x8d: {  	s2 =	sadd.s32 s2, s17  }
0x8e: {  	[smem:$0x3FBB] =	sst s2  }
0x8f: {  	_ = 	snop  }
0x90: {  	s18 =	sld [smem:$0x3FC7];
	(tm) =	ssettm $0x1  }
0x91: {  	s19 =	sld [smem:$0x3FFB];
	_ =	sdelay $0x3  }
0x92: {  	_ =	strace s19  }
0x93: {  	s2 =	sld [smem:$0x3FFC];
	_ =	sdelay $0x3  }
0x94: {  	_ =	strace s2  }
0x95: {  	s2 =	sld [smem:$0x3FFD];
	_ =	sdelay $0x3  }
0x96: {  	_ =	strace s2  }
0x97: {  	_ =	strace $0x8FFFFFFF  }
0x98: {  	s20 =	sld [smem:$0x3FDB];
	_ =	sdelay $0x1  }
0x99: {  	s4 =	simm.s32 $_scs_section_size  }
0x9a: {  	s5 =	simm.s32 $_size__tile_overlayer_lowered;
	s6 =	simm.s32 $_tile_overlayer_lowered  }
0x9b: {  	s7 =	simm.s32 $0x1BFF;
	s21 =	sshll.u32 s6, $0x1;
	s4 =	sadd.s32 s4, s20  }
0x9c: {  	s22 =	simm.s32 $0x0;
	s5 =	sshll.u32 s5, $0x1;
	s6 =	sadd.s32 s21, s4  }
0x9d: {  	[timem:s22], [sflag:s7] =	dma.local [hbm:s6], s5  }
0x9e: {  	_ =	swait.ge [sflag:s7], s5  }
0x9f: {  	s5 =	ssub.s32 $0x0, s5;
	[sflag:s7] =	ssyncset.done $0x0  }
0xa0: {  	[sflag:s7] =	ssyncadd.s32 s5;
	_ =	sdelay $0x1  }
0xa1: {  	s23 =	simm.s32 $0x1B8B  }
0xa2: {  	_ =	swait.ge [sflag:s23], $0x1  }
0xa3: {  	[sflag:s23] =	ssyncset.done $0x0  }
0xa4: {  	[sflag:s23] =	ssyncadd.s32 $0xFFFFFFFF  }
0xa5: {  	s5 =	sld [smem:$0x0]  }
0xa6: {  	s6 =	sand.u32 $0xFFFFFFFE, s1  }
0xa7: {  	p0 =	sne.s32 s1, s6  }
0xa8: {  	s6 =	sshll.u32 @p0 s6, $0xE  }
0xa9: {  	s6 =	sadd.s32 @p0 $0x11B8D, s6;
	s7 =	sshll.u32 @p0 s5, $0x11  }
0xaa: {  	s6 =	sor.u32 @p0 s7, s6  }
0xab: {  	[sflag:s6] =	ssyncadd.remote.s32 @p0 $0x1;
	_ =	sdelay $0x1  }
0xac: {  	s6 =	simm.s32 @p0 $0x1B8D  }
0xad: {  	_ =	swait.eq @p0 [sflag:s6], $0x1  }
0xae: {  	[sflag:s6] =	ssyncadd.s32 @p0 $0xFFFFFFFF  }
0xaf: {  	s7 =	sshll.u32 @!p0 s1, $0xE  }
0xb0: {  	s7 =	sor.u32 @!p0 $0x4000, s7;
	s6 =	simm.s32 @!p0 $0x1B8D  }
0xb1: {  	s5 =	sshll.u32 @!p0 s5, $0x11;
	s7 =	sadd.s32 @!p0 $0x11B8D, s7;
	_ =	swait.eq @!p0 [sflag:s6], $0x1  }
0xb2: {  	s5 =	sor.u32 @!p0 s5, s7;
	[sflag:s6] =	ssyncadd.s32 @!p0 $0xFFFFFFFF  }
0xb3: {  	s25 =	simm.s32 $0x1B8E;
	s24 =	sld [smem:$0x3FFE];
	[sflag:s5] =	ssyncadd.remote.s32 @!p0 $0x1  }
0xb4: {  	s26 =	simm.s32 $execute0_lowered;
	[smem:$0x3FD2] =	sst s25  }
0xb5: {  	s6 =	sshll.u32 s26, $0x1;
	_ =	strace $0x80000049;
	[dreg:$0x1] =	wrdreg $0xFFFFFFFF  }
0xb6: {  	s28 =	simm.s32 $_size_execute0_lowered;
	s4 =	sadd.s32 s4, s6;
	[dreg:$0x0] =	wrdreg $0x0  }
0xb7: {  	s6 =	sshll.u32 s28, $0x1;
	[dreg:$0x2] =	wrdreg s4  }
0xb8: {  	[dreg:$0x3] =	wrdreg s6  }
0xb9: {  	[dreg:$0x4] =	wrdreg $0xC0  }
0xba: {  	_ =	task [dreg:s22], $0x5FFFF  }
0xbb: {  	[dreg:$0x1] =	wrdreg $0xFFFFFFFF  }
0xbc: {  	[dreg:$0x0] =	wrdreg $0x60  }
0xbd: {  	[dreg:$0x2] =	wrdreg s18  }
0xbe: {  	[dreg:$0x3] =	wrdreg s24  }
0xbf: {  	[dreg:$0x4] =	wrdreg $0x0  }
0xc0: {  	[dreg:$0x5] =	wrdreg $0x9  }
0xc1: {  	_ =	task.clear_ibuf [dreg:s22], $0x6FFFF;
	_ =	strace $0x90000049  }
0xc2: {  	s29 =	simm.s32 $0x9;
	_ =	strace $0x8000004B  }
0xc3: {  	_ =	swait.ge [sflag:s29], $0x1  }
0xc4: {  	[sflag:s29] =	ssyncadd.s32 $0xFFFFFFFF  }
0xc5: {  	_ =	strace $0x9000004B  }
0xc6: {  	_ =	sfence  }
0xc7: {  	s30 =	sld [smem:$0x0];
	_ =	sdelay $0x2  }
0xc8: {  	s31 =	sshll.u32 s1, $0xD;
	s1 =	sshrl.u32 s1, $0x2  }
0xc9: {  	s4 =	sand.u32 $0x4000, s31;
	s1 =	sadd.s32 s1, s30  }
0xca: {  	s0 =	sor.u32 s4, s0;
	s1 =	sshll.u32 s1, $0x11  }
0xcb: {  	s0 =	sor.u32 s1, s0  }
0xcc: {  	s0 =	sadd.s32 $0x8F2B, s0  }
0xcd: {  	[sflag:s0] =	ssyncadd.remote.s32 $0x1  }
0xce: {  	_ =	sfence.sel $0xFFFF  }
0xcf: {  	[dreg:$0x0] =	wrdreg $0xFFFFFFFF;
	(pc) =	sbr.abs _section_cstart, $3  }
0xd0: {  	[dreg:$0x1] =	wrdreg $0xFFFFFFFF  }
0xd1: {  	_ =	task.clear_ibuf [dreg:s22], $0x2FFFF;
	_ =	strace $0x9FFFFFFF  }
0xd2: {  	(tm) =	ssettm $0x7FFFFFFF  }
0xd3: {  	_ =	shalt  }
tec
execute0_lowered:
.L_overlay_start_1:
0x0: {  	(tag) =	ssettag $0x1  }
0x1: {  	s4 =	rddreg [dreg:$0x0]  }
0x2: {  	s2 =	rddreg [dreg:$0x1]  }
0x3: {  	s0 =	rddreg [dreg:$0x2];
	s1 =	simm.s32 $0x0;
	s3 =	srdreg.scid  }
0x4: {  	s19 =	stileid.u32;
	s28 =	simm.s32 $0x1BC80;
	s29 =	simm.s32 $0x17C00  }
0x5: {  	s30 =	simm.s32 $0x1;
	s31 =	simm.s32 $0x80;
	[smem:$0x7FF] =	sst s1  }
0x6: {  	s5 =	sand.u32 $0x1, s3;
	s16 =	sadd.s32 $0x3A00, s2;
	s8 =	smul.u32 $0x13C00, s19  }
0x7: {  	s10 =	sadd.s32 $0x5C800, s2;
	s13 =	sshll.u32 s19, $0x7;
	s3 =	ssub.s32 $0x2, s5  }
0x8: {  	s18 =	sshll.u32 s19, $0x4;
	s7 =	sshll.u32 s5, $0x4;
	s6 =	sshrl.u32 s3, $0x1  }
0x9: {  	s15 =	sor.u32 s19, s7;
	s20 =	sadd.s32 $0x8000, s8;
	s7 =	sand.u32 $0x380, s13  }
0xa: {  	s21 =	sadd.s32 $0xC000, s8;
	s22 =	sadd.s32 $0x10000, s8;
	s2 =	ssub.s32 s3, s6  }
0xb: {  	s3 =	sadd.s32 $0x4000, s8;
	s12 =	sshll.u32 s15, $0x7;
	s9 =	sshll.u32 s15, $0xB  }
0xc: {  	s11 =	sor.u32 $0x20, s15;
	s6 =	sand.u32 $0xC00, s12;
	s14 =	sadd.s32 s4, s9  }
0xd: {  	s17 =	sshll.u32 s11, $0x7;
	s12 =	smul.u32 $0x13C000, s5;
	s23 =	sshll.u32 s11, $0xB  }
0xe: {  	s5 =	sshll.u32 s5, $0xF;
	s6 =	sor.u32 s7, s6;
	[dreg:$0x5] =	wrdreg s14  }
0xf: {  	s6 =	sshrl.u32 s6, $0x3;
	s24 =	sadd.s32 s8, s12;
	s25 =	sadd.s32 s12, s3  }
0x10: {  	s26 =	sadd.s32 s12, s20;
	s20 =	sadd.s32 s20, s0;
	s6 =	sadd.s32 s16, s6  }
0x11: {  	s13 =	sshrl.u32 s25, $0x3;
	s14 =	sshrl.u32 s26, $0x3;
	s25 =	sor.u32 $0x9C0, s15  }
0x12: {  	s26 =	sshll.u32 s19, $0xB;
	[dreg:$0x4] =	wrdreg s6;
	s6 =	sand.u32 $0x1C00, s17  }
0x13: {  	s17 =	sand.u32 $0x70, s18;
	s8 =	sadd.s32 s10, s14;
	s18 =	sadd.s32 s12, s21  }
0x14: {  	s12 =	sadd.s32 s12, s22;
	s21 =	sadd.s32 s21, s0;
	s22 =	sadd.s32 s22, s0  }
0x15: {  	p1 =	sgt.u32 s25, $0x9C3;
	s6 =	sor.u32 s7, s6;
	s7 =	sadd.s32 s4, s23  }
0x16: {  	s11 =	sadd.s32 s16, s17;
	s9 =	sshrl.u32 s18, $0x3;
	s12 =	sshrl.u32 s12, $0x3  }
0x17: {  	s18 =	sshll.u32 s15, $0x4;
	[dreg:$0x6] =	wrdreg s7;
	s7 =	sshrl.u32 s24, $0x3  }
0x18: {  	s9 =	sadd.s32 s10, s9;
	s6 =	sshrl.u32 s6, $0x3;
	s7 =	sadd.s32 s10, s7  }
0x19: {  	s24 =	sshll.u32 s25, $0xB;
	s14 =	sadd.s32 s16, s6;
	[dreg:$0x7] =	wrdreg s7  }
0x1a: {  	s7 =	sadd.s32 s10, s13;
	s13 =	sshll.u32 s25, $0x4;
	s10 =	sadd.s32 s10, s12  }
0x1b: {  	s12 =	sadd.s32 s4, s24;
	s4 =	sadd.s32 s5, s4;
	s25 =	simm.s32 $0x3  }
0x1c: {  	[dreg:$0x8] =	wrdreg s7;
	s23 =	sand.u32 $0x9D80, s13;
	s13 =	sadd.s32 s26, s4  }
0x1d: {  	s7 =	sor.u32 $0x600, s18;
	s18 =	sor.u32 $0x400, s18;
	s26 =	sor.u32 $0x980, s15  }
0x1e: {  	s15 =	simm.s32 $0x2;
	s11 =	sadd.s32 s23, s11;
	s4 =	sand.u32 $0x780, s7  }
0x1f: {  	s5 =	sand.u32 $0x580, s18;
	s23 =	smul.u32 $0x4F000, s19;
	_ =	strace $0x8000004A  }
0x20: {  	s19 =	sadd.s32 s3, s0;
	p0 =	sgt.u32 s26, $0x983;
	s4 =	sadd.s32 s4, s16  }
0x21: {  	s26 =	simm.s32 $0x1BC00;
	s5 =	sadd.s32 s5, s16;
	s16 =	sadd.s32 s17, s4  }
0x22: {  	s17 =	sadd.s32 s17, s5;
	s24 =	sshrl.u32 s23, $0x2;
	s23 =	smax.u32 s2, $0x1  }
0x23: {  	v0 =	vimm.f32 $0.0e+00;
	s2 =	simm.s32 $0x0;
	s18 =	sadd.s32 s24, s0;
	s24 =	simm.s32 $0x13C00  }
.LBB2_1:
0x24: {  	s3 =	simm.s32 $0x0;
	s4 =	simm.s32 $0x200  }
.LBB2_2:
0x25: {  	p2 =	sne.s32 s4, $0xFE00;
	[tilespmem:s3+$0x13C70] =	vst v0  }
0x26: {  	[tilespmem:s3+$0x13C00] =	vst v0  }
0x27: {  	[tilespmem:s3+$0x13C10] =	vst v0  }
.Ltmp0:
0x28: {  	[tilespmem:s3+$0x13C20] =	vst v0;
	(pc) =	sbr.rel @p2 .LBB2_2-.Ltmp0, $4  }
0x29: {  	[tilespmem:s3+$0x13C30] =	vst v0  }
0x2a: {  	[tilespmem:s3+$0x13C40] =	vst v0  }
0x2b: {  	[tilespmem:s3+$0x13C50] =	vst v0  }
0x2c: {  	[tilespmem:s3+$0x13C60] =	vst v0;
	s3 =	sshra.s32 s4, $0x2;
	s4 =	sadd.s32 $0x200, s4  }
0x2d: {  	[tilespmem:s3+$0x13C70] =	vst v0  }
0x2e: {  	[tilespmem:s3+$0x13C00] =	vst v0  }
0x2f: {  	[tilespmem:s3+$0x13C10] =	vst v0  }
0x30: {  	[tilespmem:s3+$0x13C20] =	vst v0  }
0x31: {  	[tilespmem:s3+$0x13C30] =	vst v0  }
0x32: {  	[tilespmem:s3+$0x13C40] =	vst v0  }
0x33: {  	[tilespmem:s3+$0x13C50] =	vst v0  }
0x34: {  	[tilespmem:s3+$0x13C60] =	vst v0  }
0x35: {  	[spmem:s18] =	stream.linear.scatter [tilespmem:s24], [sflag:$0x3], $0x4000, $0x38;
	[tilespmem:$0x1BD00] =	vst v63  }
0x36: {  	_ =	swait.ge [sflag:s25], $0x4000  }
0x37: {  	[sflag:s25] =	ssyncset.done $0x0  }
0x38: {  	[sflag:s25] =	ssyncadd.s32 $0xFFFFC000  }
0x39: {  	[spmem:s19] =	stream.linear.scatter [tilespmem:s24], [sflag:$0x3], $0x4000, $0x38;
	[tilespmem:$0x1BD00] =	vst v63  }
0x3a: {  	_ =	swait.ge [sflag:s25], $0x4000  }
0x3b: {  	[sflag:s25] =	ssyncset.done $0x0  }
0x3c: {  	[sflag:s25] =	ssyncadd.s32 $0xFFFFC000  }
0x3d: {  	[spmem:s20] =	stream.linear.scatter [tilespmem:s24], [sflag:$0x3], $0x4000, $0x38;
	[tilespmem:$0x1BD00] =	vst v63  }
0x3e: {  	_ =	swait.ge [sflag:s25], $0x4000  }
0x3f: {  	[sflag:s25] =	ssyncset.done $0x0  }
0x40: {  	[sflag:s25] =	ssyncadd.s32 $0xFFFFC000  }
0x41: {  	[spmem:s21] =	stream.linear.scatter [tilespmem:s24], [sflag:$0x3], $0x4000, $0x38;
	[tilespmem:$0x1BD00] =	vst v63  }
0x42: {  	_ =	swait.ge [sflag:s25], $0x4000  }
0x43: {  	[sflag:s25] =	ssyncset.done $0x0  }
0x44: {  	[sflag:s25] =	ssyncadd.s32 $0xFFFFC000  }
0x45: {  	[spmem:s22] =	stream.linear.scatter [tilespmem:s24], [sflag:$0x3], $0x3C00, $0x38;
	[tilespmem:$0x1BD00] =	vst v63  }
0x46: {  	_ =	swait.ge [sflag:s25], $0x3C00  }
0x47: {  	[sflag:s25] =	ssyncset.done $0x0  }
0x48: {  	[sflag:s25] =	ssyncadd.s32 $0xFFFFC400  }
0x49: {  	[bflag:$0x0] =	sbarrier.arrive $0xFFFF  }
0x4a: {  	s6 =	simm.s32 $0x0;
	s4 =	rddreg [dreg:$0x4]  }
0x4b: {  	[tilespmem:s26], [sflag:$0x1] =	stream.linear.gather [hbm4b:s4+s6], $0x80, $0x38;
	[tilespmem:$0x1BD00] =	vst v63  }
0x4c: {  	s7 =	rddreg [dreg:$0x5]  }
0x4d: {  	[tilespmem:s24], [sflag:$0x1] =	stream.linear.gather [hbm4b:s7+s6], $0x4000, $0x38;
	[tilespmem:$0x1BD00] =	vst v63  }
0x4e: {  	_ = 	snop  }
0x4f: {  	[tilespmem:s28], [sflag:$0x2] =	stream.linear.gather [hbm4b:s14+s6], $0x80, $0x38;
	[tilespmem:$0x1BD00] =	vst v63  }
0x50: {  	s5 =	rddreg [dreg:$0x6]  }
0x51: {  	[tilespmem:s29], [sflag:$0x2] =	stream.linear.gather [hbm4b:s5+s6], $0x4000, $0x38;
	[tilespmem:$0x1BD00] =	vst v63  }
0x52: {  	_ =	swait.ge [sflag:s30], $0x80  }
0x53: {  	[sflag:s30] =	ssyncset.done $0x0  }
0x54: {  	[sflag:s30] =	ssyncadd.s32 $0xFFFFFF80  }
0x55: {  	_ =	swait.ge [sflag:s30], $0x4000  }
0x56: {  	[sflag:s30] =	ssyncset.done $0x0  }
0x57: {  	[sflag:s30] =	ssyncadd.s32 $0xFFFFC000  }
0x58: {  	[spmem:s0] =	stream.indirect.scatter.add.f32 [tilespmem:s24], [sflag:$0x3], $0x80, s26, s31, $0xb8;
	[tilespmem:$0x1BD00] =	vst v63  }
0x59: {  	_ =	swait.ge [sflag:s25], $0x4000  }
0x5a: {  	[sflag:s25] =	ssyncset.done $0x0  }
0x5b: {  	s6 =	sadd.s32 $0x0, s13;
	[sflag:s25] =	ssyncadd.s32 $0xFFFFC000  }
0x5c: {  	[tilespmem:s26], [sflag:$0x1] =	stream.linear.gather [hbm4b:s17+s1], $0x80, $0x38;
	[tilespmem:$0x1BD00] =	vst v63  }
0x5d: {  	s7 =	sadd.s32 $0x20000, s6  }
0x5e: {  	[tilespmem:s24], [sflag:$0x1] =	stream.linear.gather [hbm4b:s7+s1], $0x4000, $0x38;
	[tilespmem:$0x1BD00] =	vst v63  }
0x5f: {  	_ =	swait.ge [sflag:s15], $0x80  }
0x60: {  	[sflag:s15] =	ssyncset.done $0x0  }
0x61: {  	[sflag:s15] =	ssyncadd.s32 $0xFFFFFF80  }
0x62: {  	_ =	swait.ge [sflag:s15], $0x4000  }
0x63: {  	[sflag:s15] =	ssyncset.done $0x0  }
0x64: {  	[sflag:s15] =	ssyncadd.s32 $0xFFFFC000  }
0x65: {  	[spmem:s0] =	stream.indirect.scatter.add.f32 [tilespmem:s29], [sflag:$0x3], $0x80, s28, s31, $0xb8;
	[tilespmem:$0x1BD00] =	vst v63  }
0x66: {  	_ =	swait.ge [sflag:s25], $0x4000  }
0x67: {  	s3 =	simm.s32 $0x20000;
	s4 =	sadd.s32 $0x400, s16;
	[sflag:s25] =	ssyncset.done $0x0  }
0x68: {  	s5 =	sadd.s32 $0x400, s17;
	s6 =	sadd.s32 $0x30000, s6;
	[sflag:s25] =	ssyncadd.s32 $0xFFFFC000  }
0x69: {  	[tilespmem:s28], [sflag:$0x2] =	stream.linear.gather [hbm4b:s16+s1], $0x80, $0x38;
	[tilespmem:$0x1BD00] =	vst v63  }
.LBB2_4:
0x6a: {  	[tilespmem:s29], [sflag:$0x2] =	stream.linear.gather [hbm4b:s6+s1], $0x4000, $0x38;
	[tilespmem:$0x1BD00] =	vst v63  }
0x6b: {  	s6 =	smov.u32 s3  }
0x6c: {  	p2 =	sne.s32 s3, $0x4A0000;
	s3 =	sadd.s32 $0x20000, s3;
	_ =	swait.ge [sflag:s30], $0x80  }
0x6d: {  	[sflag:s30] =	ssyncset.done $0x0  }
0x6e: {  	[sflag:s30] =	ssyncadd.s32 $0xFFFFFF80  }
0x6f: {  	_ =	swait.ge [sflag:s30], $0x4000  }
0x70: {  	[sflag:s30] =	ssyncset.done $0x0  }
0x71: {  	[sflag:s30] =	ssyncadd.s32 $0xFFFFC000  }
0x72: {  	[spmem:s0] =	stream.indirect.scatter.add.f32 [tilespmem:s24], [sflag:$0x3], $0x80, s26, s31, $0xb8;
	[tilespmem:$0x1BD00] =	vst v63  }
0x73: {  	_ =	swait.ge [sflag:s25], $0x4000  }
0x74: {  	[sflag:s25] =	ssyncset.done $0x0  }
0x75: {  	s6 =	sadd.s32 s6, s13;
	[sflag:s25] =	ssyncadd.s32 $0xFFFFC000  }
0x76: {  	[tilespmem:s26], [sflag:$0x1] =	stream.linear.gather [hbm4b:s5+s1], $0x80, $0x38;
	[tilespmem:$0x1BD00] =	vst v63  }
0x77: {  	s7 =	sadd.s32 $0x20000, s6  }
0x78: {  	[tilespmem:s24], [sflag:$0x1] =	stream.linear.gather [hbm4b:s7+s1], $0x4000, $0x38;
	[tilespmem:$0x1BD00] =	vst v63  }
0x79: {  	_ =	swait.ge [sflag:s15], $0x80  }
0x7a: {  	[sflag:s15] =	ssyncset.done $0x0  }
0x7b: {  	[sflag:s15] =	ssyncadd.s32 $0xFFFFFF80  }
0x7c: {  	_ =	swait.ge [sflag:s15], $0x4000  }
0x7d: {  	[sflag:s15] =	ssyncset.done $0x0  }
0x7e: {  	[sflag:s15] =	ssyncadd.s32 $0xFFFFC000  }
0x7f: {  	[spmem:s0] =	stream.indirect.scatter.add.f32 [tilespmem:s29], [sflag:$0x3], $0x80, s28, s31, $0xb8;
	[tilespmem:$0x1BD00] =	vst v63  }
.Ltmp1:
0x80: {  	_ =	swait.ge [sflag:s25], $0x4000;
	(pc) =	sbr.rel @p2 .LBB2_4-.Ltmp1, $4  }
0x81: {  	[sflag:s25] =	ssyncset.done $0x0  }
0x82: {  	[sflag:s25] =	ssyncadd.s32 $0xFFFFC000  }
0x83: {  	[tilespmem:s28], [sflag:$0x2] =	stream.linear.gather [hbm4b:s4+s1], $0x80, $0x38;
	[tilespmem:$0x1BD00] =	vst v63  }
0x84: {  	s6 =	sadd.s32 $0x30000, s6;
	s5 =	sadd.s32 $0x400, s5;
	s4 =	sadd.s32 $0x400, s4  }
0x85: {  	[tilespmem:s29], [sflag:$0x2] =	stream.linear.gather [hbm4b:s6+s1], $0x4000, $0x38;
	[tilespmem:$0x1BD00] =	vst v63  }
0x86: {  	_ =	swait.ge [sflag:s30], $0x80  }
0x87: {  	[sflag:s30] =	ssyncset.done $0x0  }
0x88: {  	[sflag:s30] =	ssyncadd.s32 $0xFFFFFF80  }
0x89: {  	_ =	swait.ge [sflag:s30], $0x4000  }
0x8a: {  	[sflag:s30] =	ssyncset.done $0x0  }
0x8b: {  	[sflag:s30] =	ssyncadd.s32 $0xFFFFC000  }
0x8c: {  	[spmem:s0] =	stream.indirect.scatter.add.f32 [tilespmem:s24], [sflag:$0x3], $0x80, s26, s31, $0xb8;
	[tilespmem:$0x1BD00] =	vst v63  }
0x8d: {  	_ =	swait.ge [sflag:s25], $0x4000  }
0x8e: {  	[sflag:s25] =	ssyncset.done $0x0  }
0x8f: {  	s3 =	simm.s32 @!p0 $0x0;
	s4 =	simm.s32 @!p0 $0x1BC00;
	[sflag:s25] =	ssyncadd.s32 $0xFFFFC000  }
0x90: {  	[tilespmem:s4], [sflag:$0x1] =	stream.linear.gather @!p0 [hbm4b:s11+s3], $0x80, $0x38;
	[tilespmem:$0x1BD00] =	vst v63  }
0x91: {  	s4 =	simm.s32 @!p0 $0x13C00  }
0x92: {  	[tilespmem:s4], [sflag:$0x1] =	stream.linear.gather @!p0 [hbm4b:s12+s3], $0x4000, $0x38;
	[tilespmem:$0x1BD00] =	vst v63  }
0x93: {  	_ =	swait.ge [sflag:s15], $0x80  }
0x94: {  	[sflag:s15] =	ssyncset.done $0x0  }
0x95: {  	[sflag:s15] =	ssyncadd.s32 $0xFFFFFF80  }
0x96: {  	_ =	swait.ge [sflag:s15], $0x4000  }
0x97: {  	[sflag:s15] =	ssyncset.done $0x0  }
0x98: {  	[sflag:s15] =	ssyncadd.s32 $0xFFFFC000  }
0x99: {  	[spmem:s0] =	stream.indirect.scatter.add.f32 [tilespmem:s29], [sflag:$0x3], $0x80, s28, s31, $0xb8;
	[tilespmem:$0x1BD00] =	vst v63  }
0x9a: {  	_ =	swait.ge [sflag:s25], $0x4000  }
0x9b: {  	[sflag:s25] =	ssyncset.done $0x0  }
0x9c: {  	s3 =	simm.s32 @!p1 $0x1;
	[sflag:s25] =	ssyncadd.s32 $0xFFFFC000  }
0x9d: {  	_ =	swait.ge @!p1 [sflag:s3], $0x80  }
0x9e: {  	[sflag:s3] =	ssyncset.done @!p1 $0x0  }
0x9f: {  	[sflag:s3] =	ssyncadd.s32 @!p1 $0xFFFFFF80  }
0xa0: {  	_ =	swait.ge @!p1 [sflag:s3], $0x4000  }
0xa1: {  	s5 =	simm.s32 @!p1 $0x13C00;
	[sflag:s3] =	ssyncset.done @!p1 $0x0  }
0xa2: {  	s4 =	simm.s32 @!p1 $0x1BC00;
	[sflag:s3] =	ssyncadd.s32 @!p1 $0xFFFFC000;
	s3 =	simm.s32 @!p1 $0x80  }
0xa3: {  	[spmem:s0] =	stream.indirect.scatter.add.f32 @!p1 [tilespmem:s5], [sflag:$0x3], $0x80, s4, s3, $0xb8;
	[tilespmem:$0x1BD00] =	vst v63  }
0xa4: {  	s3 =	simm.s32 @!p1 $0x3  }
0xa5: {  	_ =	swait.ge @!p1 [sflag:s3], $0x4000  }
0xa6: {  	[sflag:s3] =	ssyncset.done @!p1 $0x0  }
0xa7: {  	[sflag:s3] =	ssyncadd.s32 @!p1 $0xFFFFC000  }
0xa8: {  	[bflag:$0x0] =	sbarrier.arrive $0xFFFF  }
0xa9: {  	[tilespmem:s24], [sflag:$0x3] =	stream.linear.gather [spmem:s18], $0x4000, $0x38;
	[tilespmem:$0x1BD00] =	vst v63  }
0xaa: {  	_ =	swait.ge [sflag:s25], $0x4000  }
0xab: {  	[sflag:s25] =	ssyncset.done $0x0  }
0xac: {  	s6 =	rddreg [dreg:$0x7];
	[sflag:s25] =	ssyncadd.s32 $0xFFFFC000  }
0xad: {  	[hbm4b:s6+s1] =	stream.linear.scatter [tilespmem:s24], [sflag:$0x3], $0x4000, $0x38;
	[tilespmem:$0x1BD00] =	vst v63  }
0xae: {  	_ =	swait.ge [sflag:s25], $0x4000  }
0xaf: {  	[sflag:s25] =	ssyncset.done $0x0  }
0xb0: {  	[sflag:s25] =	ssyncadd.s32 $0xFFFFC000  }
0xb1: {  	[tilespmem:s24], [sflag:$0x3] =	stream.linear.gather [spmem:s19], $0x4000, $0x38;
	[tilespmem:$0x1BD00] =	vst v63  }
0xb2: {  	_ =	swait.ge [sflag:s25], $0x4000  }
0xb3: {  	[sflag:s25] =	ssyncset.done $0x0  }
0xb4: {  	s7 =	rddreg [dreg:$0x8];
	[sflag:s25] =	ssyncadd.s32 $0xFFFFC000  }
0xb5: {  	[hbm4b:s7+s1] =	stream.linear.scatter [tilespmem:s24], [sflag:$0x3], $0x4000, $0x38;
	[tilespmem:$0x1BD00] =	vst v63  }
0xb6: {  	_ =	swait.ge [sflag:s25], $0x4000  }
0xb7: {  	[sflag:s25] =	ssyncset.done $0x0  }
0xb8: {  	[sflag:s25] =	ssyncadd.s32 $0xFFFFC000  }
0xb9: {  	[tilespmem:s24], [sflag:$0x3] =	stream.linear.gather [spmem:s20], $0x4000, $0x38;
	[tilespmem:$0x1BD00] =	vst v63  }
0xba: {  	_ =	swait.ge [sflag:s25], $0x4000  }
0xbb: {  	[sflag:s25] =	ssyncset.done $0x0  }
0xbc: {  	[sflag:s25] =	ssyncadd.s32 $0xFFFFC000  }
0xbd: {  	[hbm4b:s8+s1] =	stream.linear.scatter [tilespmem:s24], [sflag:$0x3], $0x4000, $0x38;
	[tilespmem:$0x1BD00] =	vst v63  }
0xbe: {  	_ =	swait.ge [sflag:s25], $0x4000  }
0xbf: {  	[sflag:s25] =	ssyncset.done $0x0  }
0xc0: {  	[sflag:s25] =	ssyncadd.s32 $0xFFFFC000  }
0xc1: {  	[tilespmem:s24], [sflag:$0x3] =	stream.linear.gather [spmem:s21], $0x4000, $0x38;
	[tilespmem:$0x1BD00] =	vst v63  }
0xc2: {  	_ =	swait.ge [sflag:s25], $0x4000  }
0xc3: {  	[sflag:s25] =	ssyncset.done $0x0  }
0xc4: {  	[sflag:s25] =	ssyncadd.s32 $0xFFFFC000  }
0xc5: {  	[hbm4b:s9+s1] =	stream.linear.scatter [tilespmem:s24], [sflag:$0x3], $0x4000, $0x38;
	[tilespmem:$0x1BD00] =	vst v63  }
0xc6: {  	_ =	swait.ge [sflag:s25], $0x4000  }
0xc7: {  	[sflag:s25] =	ssyncset.done $0x0  }
0xc8: {  	[sflag:s25] =	ssyncadd.s32 $0xFFFFC000  }
0xc9: {  	[tilespmem:s24], [sflag:$0x3] =	stream.linear.gather [spmem:s22], $0x3C00, $0x38;
	[tilespmem:$0x1BD00] =	vst v63  }
0xca: {  	s2 =	sadd.s32 $0x1, s2;
	_ =	swait.ge [sflag:s25], $0x3C00  }
0xcb: {  	p2 =	sne.s32 s2, s23;
	[sflag:s25] =	ssyncset.done $0x0  }
.Ltmp2:
0xcc: {  	[sflag:s25] =	ssyncadd.s32 $0xFFFFC400;
	(pc) =	sbr.rel @p2 .LBB2_1-.Ltmp2, $4  }
0xcd: {  	[hbm4b:s10+s1] =	stream.linear.scatter [tilespmem:s24], [sflag:$0x3], $0x3C00, $0x38;
	[tilespmem:$0x1BD00] =	vst v63  }
0xce: {  	_ =	swait.ge [sflag:s25], $0x3C00  }
0xcf: {  	[sflag:s25] =	ssyncset.done $0x0  }
0xd0: {  	[sflag:s25] =	ssyncadd.s32 $0xFFFFC400  }
0xd1: {  	_ =	sfence.sel $0x180000  }
0xd2: {  	[bflag:$0x0] =	sbarrier.arrive $0xFFFF  }
0xd3: {  	_ =	strace $0x9000004A  }
0xd4: {  	s0 =	stileid.u32;
	[bflag:$0x2] =	sbarrier.arrive $0xFFFF  }
0xd5: {  	p0 =	sne.s32 s0, $0x0;
	s0 =	rddreg [dreg:$0x3]  }
0xd6: {  	s0 =	sadd.s32 @!p0 $0x100000, s0  }
0xd7: {  	[sflag:s0] =	ssyncadd.tile.s32 @!p0 $0x1;
	_ =	shalt  }
.Lfunc_end2:
_tile_overlayer_lowered:
.L_overlay_start_2:
0xd8: {  	(tag) =	ssettag $0x2  }
0xd9: {  	s0 =	rddreg [dreg:$0x0];
	s2 =	stileid.u32  }
0xda: {  	s1 =	rddreg [dreg:$0x1];
	p0 =	sne.s32 s2, $0x0  }
0xdb: {  	s3 =	rddreg [dreg:$0x2];
	[bflag:$0x3] =	sbarrier.arrive $0xFFFF;
	s2 =	simm.s32 @!p0 $0x1C03  }
0xdc: {  	[timem:s3], [sflag:s2] =	dma.local @!p0 [hbm:s0], s1  }
0xdd: {  	s0 =	simm.s32 @!p0 $0x3  }
0xde: {  	_ =	swait.ge @!p0 [sflag:s0], s1  }
0xdf: {  	s1 =	ssub.s32 @!p0 $0x0, s1;
	[sflag:s0] =	ssyncset.done @!p0 $0x0  }
0xe0: {  	[sflag:s0] =	ssyncadd.s32 @!p0 s1  }
0xe1: {  	[bflag:$0x3] =	sbarrier.arrive $0xFFFF  }
0xe2: {  	_ =	shalt  }

// kernel: kernel.9.cloned.1.call-start
scs
__scs_entry_jumppad:
0x0: {  	(pc) =	sbr.rel $0x88, $3  }
0x1: {  	(tag) =	ssettag $0x0;
	lr =	simm.s32 $0x1  }
0x2: {  	[smem:$0x3F94] =	sst lr;
	_ =	strace $0xD0000000  }
0x3: {  	_ = 	snop  }
0x4: {  	_ = 	snop  }
0x5: {  	_ = 	snop  }
0x6: {  	_ = 	snop  }
0x7: {  	_ = 	snop  }
__scs_overlays_trampoline_lowered:
0x8: {  	[smem:$0x3FA3] =	sst s0  }
0x9: {  	[smem:$0x3FA4] =	sst s1  }
0xa: {  	[smem:$0x3FA5] =	sst s2  }
0xb: {  	[smem:$0x3FA6] =	sst s3  }
0xc: {  	[smem:$0x3FA7] =	sst s4  }
0xd: {  	[smem:$0x3FA8] =	sst s5  }
0xe: {  	[smem:$0x3FA9] =	sst s6  }
0xf: {  	[smem:$0x3FAA] =	sst s7  }
0x10: {  	[smem:$0x3FAB] =	sst s8  }
0x11: {  	[smem:$0x3FAC] =	sst s9;
	s0 =	simm.s32 @!p0 $0x0  }
0x12: {  	s1 =	sld [smem:$0x3F92];
	s0 =	simm.s32 @p0 $0x1  }
0x13: {  	[smem:$0x3FAD] =	sst s0;
	s0 =	simm.s32 @!p1 $0x0  }
0x14: {  	s2 =	sld [smem:$0x3F91];
	s0 =	simm.s32 @p1 $0x1  }
0x15: {  	[smem:$0x3FAE] =	sst s0;
	s0 =	simm.s32 @!p2 $0x0  }
0x16: {  	s3 =	sld [smem:$0x3FDB];
	s0 =	simm.s32 @p2 $0x1  }
0x17: {  	s4 =	simm.s32 $0x1BF5;
	[smem:$0x3FB0] =	sst s0  }
0x18: {  	s0 =	sld [smem:$0x3F93];
	_ =	swait.ge [sflag:s4], $0x0  }
0x19: {  	s7 =	sld [smem:$0x3F94]  }
0x1a: {  	s8 =	sadd.s32 $0xFFFFE003, lr  }
0x1b: {  	s9 =	sadd.s32 $0xFFFFFEF7, lr;
	s5 =	simm.s32 $0xFFFFFFFF;
	p2 =	slt.u32 s8, $0xFFFFF086  }
0x1c: {  	p1 =	slt.u32 s9, $0xF7A;
	s5 =	simm.s32 @!p2 $0x0  }
0x1d: {  	s5 =	simm.s32 @p1 $0x1;
	p0 =	seq.s32 s7, s2  }
0x1e: {  	s7 =	smul.u32 @!p0 $0xF7A, s2;
	p2 =	seq.s32 @!p0 s5, $0x0  }
0x1f: {  	s9 =	smul.u32 $0xF7A, s1;
	s8 =	simm.s32 @!p0 $0x1BF5;
	p2 =	por !p2, p0  }
0x20: {  	[sflag:s8] =	ssyncset.s32 @!p0 $0xFFFFF086;
	s6 =	sadd.s32 @!p0 s3, s7;
	s7 =	simm.s32 @!p0 $0x108  }
0x21: {  	s3 =	sadd.s32 s3, s9;
	s6 =	sadd.s32 @!p0 $0x88, s6;
	s7 =	simm.s32 @p2 $0x1082  }
0x22: {  	[simem:s7], [sflag:s8] =	dma.local @!p0 [hbm:s6], $0xF7A  }
0x23: {  	s9 =	sor.u32 $0xD0000000, s2;
	s6 =	simm.s32 $0x108;
	_ =	swait.ge @!p0 [sflag:s8], $0x0  }
0x24: {  	s3 =	sadd.s32 $0x88, s3;
	s6 =	simm.s32 @!p1 $0x1082;
	[sflag:s4] =	ssyncset.s32 $0xFFFFF086  }
0x25: {  	[simem:s6], [sflag:s4] =	dma.local [hbm:s3], $0xF7A  }
0x26: {  	[smem:$0x3F94] =	sst s1;
	(tag) =	ssettag s2;
	_ =	strace s9  }
0x27: {  	s1 =	sld [smem:$0x3FA4]  }
0x28: {  	s2 =	sld [smem:$0x3FA5]  }
0x29: {  	s4 =	sld [smem:$0x3FA7]  }
0x2a: {  	p0 =	seq.s32 s5, $0x0;
	s5 =	sld [smem:$0x3FA8]  }
0x2b: {  	s6 =	sld [smem:$0x3FA9]  }
0x2c: {  	s7 =	sld [smem:$0x3FAA]  }
0x2d: {  	s3 =	simm.s32 $0x108;
	s8 =	sld [smem:$0x3FAB]  }
0x2e: {  	s3 =	simm.s32 @!p0 $0x1082;
	s9 =	sld [smem:$0x3FAC]  }
0x2f: {  	lr =	sadd.s32 s0, s3;
	s0 =	sld [smem:$0x3FA3]  }
0x30: {  	s3 =	sld [smem:$0x3FA6]  }
0x31: {  	[smem:$0x3FAF] =	sst s10  }
0x32: {  	s10 =	sld [smem:$0x3FAD];
	_ =	sdelay $0x3  }
0x33: {  	p0 =	seq.s32 s10, $0x1;
	s10 =	sld [smem:$0x3FAF];
	_ =	sdelay $0x3  }
0x34: {  	[smem:$0x3FAF] =	sst s10  }
0x35: {  	s10 =	sld [smem:$0x3FAE];
	_ =	sdelay $0x3  }
0x36: {  	p1 =	seq.s32 s10, $0x1;
	s10 =	sld [smem:$0x3FAF];
	_ =	sdelay $0x3  }
0x37: {  	[smem:$0x3FAF] =	sst s10  }
0x38: {  	s10 =	sld [smem:$0x3FB0]  }
0x39: {  	_ = 	snop;
	(pc) =	sbr.ind lr, $3  }
0x3a: {  	_ = 	snop  }
0x3b: {  	_ = 	snop  }
0x3c: {  	p2 =	seq.s32 s10, $0x1;
	s10 =	sld [smem:$0x3FAF]  }
0x3d: {  	_ =	shalt  }
0x3e: {  	_ =	shalt  }
0x3f: {  	_ =	shalt  }
0x40: {  	_ =	shalt  }
0x41: {  	_ =	shalt  }
0x42: {  	_ =	shalt  }
0x43: {  	_ =	shalt  }
0x44: {  	_ =	shalt  }
0x45: {  	_ =	shalt  }
0x46: {  	_ =	shalt  }
0x47: {  	_ =	shalt  }
0x48: {  	_ =	shalt  }
0x49: {  	_ =	shalt  }
0x4a: {  	_ =	shalt  }
0x4b: {  	_ =	shalt  }
0x4c: {  	_ =	shalt  }
0x4d: {  	_ =	shalt  }
0x4e: {  	_ =	shalt  }
0x4f: {  	_ =	shalt  }
0x50: {  	_ =	shalt  }
0x51: {  	_ =	shalt  }
0x52: {  	_ =	shalt  }
0x53: {  	_ =	shalt  }
0x54: {  	_ =	shalt  }
0x55: {  	_ =	shalt  }
0x56: {  	_ =	shalt  }
0x57: {  	_ =	shalt  }
0x58: {  	_ =	shalt  }
0x59: {  	_ =	shalt  }
0x5a: {  	_ =	shalt  }
0x5b: {  	_ =	shalt  }
0x5c: {  	_ =	shalt  }
0x5d: {  	_ =	shalt  }
0x5e: {  	_ =	shalt  }
0x5f: {  	_ =	shalt  }
0x60: {  	_ =	shalt  }
0x61: {  	_ =	shalt  }
0x62: {  	_ =	shalt  }
0x63: {  	_ =	shalt  }
0x64: {  	_ =	shalt  }
0x65: {  	_ =	shalt  }
0x66: {  	_ =	shalt  }
0x67: {  	_ =	shalt  }
0x68: {  	_ =	shalt  }
0x69: {  	_ =	shalt  }
0x6a: {  	_ =	shalt  }
0x6b: {  	_ =	shalt  }
0x6c: {  	_ =	shalt  }
0x6d: {  	_ =	shalt  }
0x6e: {  	_ =	shalt  }
0x6f: {  	_ =	shalt  }
0x70: {  	_ =	shalt  }
0x71: {  	_ =	shalt  }
0x72: {  	_ =	shalt  }
0x73: {  	_ =	shalt  }
0x74: {  	_ =	shalt  }
0x75: {  	_ =	shalt  }
0x76: {  	_ =	shalt  }
0x77: {  	_ =	shalt  }
0x78: {  	_ =	shalt  }
0x79: {  	_ =	shalt  }
0x7a: {  	_ =	shalt  }
0x7b: {  	_ =	shalt  }
0x7c: {  	_ =	shalt  }
0x7d: {  	_ =	shalt  }
0x7e: {  	_ =	shalt  }
0x7f: {  	_ =	shalt  }
0x80: {  	_ =	shalt  }
0x81: {  	_ =	shalt  }
0x82: {  	_ =	shalt  }
0x83: {  	_ =	shalt  }
0x84: {  	_ =	shalt  }
0x85: {  	_ =	shalt  }
0x86: {  	_ =	shalt  }
0x87: {  	_ =	shalt  }
.Lfunc_end0:
.L_simem_size_0:
called_computation.1_lowered:
.L_overlay_start_0:
0x88: {  	s2 =	sld [smem:$0x3FD9]  }
0x89: {  	s3 =	sld [smem:$0x3FFE];
	_ =	sdelay $0x1  }
0x8a: {  	s1 =	srdreg.scid  }
0x8b: {  	s0 =	sand.u32 $0x1, s1  }
0x8c: {  	s17 =	sshll.u32 s0, $0xA;
	s2 =	sadd.s32 s3, s2  }
0x8d: {  	s2 =	sadd.s32 s2, s17  }
0x8e: {  	[smem:$0x3FBB] =	sst s2  }
0x8f: {  	_ = 	snop  }
0x90: {  	s2 =	sld [smem:$0x3FD0];
	(tm) =	ssettm $0x1  }
0x91: {  	s18 =	sld [smem:$0x3FFB];
	_ =	sdelay $0x3  }
0x92: {  	_ =	strace s18  }
0x93: {  	s3 =	sld [smem:$0x3FFC];
	_ =	sdelay $0x3  }
0x94: {  	_ =	strace s3  }
0x95: {  	s3 =	sld [smem:$0x3FFD];
	_ =	sdelay $0x3  }
0x96: {  	_ =	strace s3  }
0x97: {  	_ =	strace $0x8FFFFFFF  }
0x98: {  	s19 =	sld [smem:$0x3FDB];
	_ =	sdelay $0x1  }
0x99: {  	s4 =	simm.s32 $_scs_section_size  }
0x9a: {  	s5 =	simm.s32 $_size__tile_overlayer_lowered;
	s6 =	simm.s32 $_tile_overlayer_lowered  }
0x9b: {  	s22 =	simm.s32 $0x1BFF;
	s21 =	sshll.u32 s6, $0x1;
	s3 =	sadd.s32 s4, s19  }
0x9c: {  	s7 =	simm.s32 $0x0;
	s20 =	sshll.u32 s5, $0x1;
	s5 =	sadd.s32 s21, s3  }
0x9d: {  	[timem:s7], [sflag:s22] =	dma.local [hbm:s5], s20  }
0x9e: {  	_ =	swait.ge [sflag:s22], s20  }
0x9f: {  	s4 =	ssub.s32 $0x0, s20;
	[sflag:s22] =	ssyncset.done $0x0  }
0xa0: {  	[sflag:s22] =	ssyncadd.s32 s4;
	_ =	sdelay $0x1  }
0xa1: {  	s23 =	simm.s32 $0x1B8B  }
0xa2: {  	_ =	swait.ge [sflag:s23], $0x1  }
0xa3: {  	[sflag:s23] =	ssyncset.done $0x0  }
0xa4: {  	s25 =	simm.s32 $0x1B8E;
	s24 =	sld [smem:$0x3FFE];
	[sflag:s23] =	ssyncadd.s32 $0xFFFFFFFF  }
0xa5: {  	s26 =	simm.s32 $execute0_lowered;
	[smem:$0x3FD2] =	sst s25  }
0xa6: {  	s5 =	sshll.u32 s26, $0x1;
	_ =	strace $0x80000046;
	[dreg:$0x1] =	wrdreg $0xFFFFFFFF  }
0xa7: {  	s28 =	simm.s32 $_size_execute0_lowered;
	s3 =	sadd.s32 s3, s5;
	[dreg:$0x0] =	wrdreg $0x0  }
0xa8: {  	s5 =	sshll.u32 s28, $0x1;
	[dreg:$0x2] =	wrdreg s3  }
0xa9: {  	[dreg:$0x3] =	wrdreg s5  }
0xaa: {  	[dreg:$0x4] =	wrdreg $0xC0  }
0xab: {  	_ =	task [dreg:s7], $0x5FFFF  }
0xac: {  	[dreg:$0x1] =	wrdreg $0xFFFFFFFF  }
0xad: {  	[dreg:$0x0] =	wrdreg $0x60  }
0xae: {  	[dreg:$0x2] =	wrdreg s24  }
0xaf: {  	[dreg:$0x3] =	wrdreg s2  }
0xb0: {  	[dreg:$0x4] =	wrdreg $0x0  }
0xb1: {  	[dreg:$0x5] =	wrdreg $0xA  }
0xb2: {  	_ =	task.clear_ibuf [dreg:s7], $0x6FFFF;
	_ =	strace $0x90000046  }
0xb3: {  	s29 =	simm.s32 $0xA;
	_ =	strace $0x80000048  }
0xb4: {  	_ =	swait.ge [sflag:s29], $0x1  }
0xb5: {  	[sflag:s29] =	ssyncadd.s32 $0xFFFFFFFF  }
0xb6: {  	_ =	strace $0x90000048  }
0xb7: {  	_ =	sfence  }
0xb8: {  	s30 =	sld [smem:$0x0];
	_ =	sdelay $0x2  }
0xb9: {  	s31 =	sshll.u32 s1, $0xD;
	s1 =	sshrl.u32 s1, $0x2  }
0xba: {  	s3 =	sand.u32 $0x4000, s31;
	s1 =	sadd.s32 s1, s30  }
0xbb: {  	s0 =	sor.u32 s3, s0;
	s1 =	sshll.u32 s1, $0x11  }
0xbc: {  	s0 =	sor.u32 s1, s0  }
0xbd: {  	s0 =	sadd.s32 $0x8F2B, s0  }
0xbe: {  	[sflag:s0] =	ssyncadd.remote.s32 $0x1  }
0xbf: {  	_ =	sfence.sel $0xFFFF  }
0xc0: {  	[dreg:$0x0] =	wrdreg $0xFFFFFFFF;
	(pc) =	sbr.abs _section_cstart, $3  }
0xc1: {  	[dreg:$0x1] =	wrdreg $0xFFFFFFFF  }
0xc2: {  	_ =	task.clear_ibuf [dreg:s7], $0x2FFFF;
	_ =	strace $0x9FFFFFFF  }
0xc3: {  	(tm) =	ssettm $0x7FFFFFFF  }
tec
execute0_lowered:
.L_overlay_start_1:
0x0: {  	(tag) =	ssettag $0x1  }
0x1: {  	s0 =	rddreg [dreg:$0x0]  }
0x2: {  	s1 =	rddreg [dreg:$0x1]  }
0x3: {  	s2 =	rddreg [dreg:$0x2]  }
0x4: {  	s3 =	simm.s32 $0x0;
	s4 =	srdreg.scid;
	s21 =	stileid.u32  }
0x5: {  	[smem:$0x7FF] =	sst s3;
	s5 =	sadd.s32 $0x4E5A00, s0;
	s4 =	sand.u32 $0x1, s4  }
0x6: {  	s6 =	sadd.s32 $0xD800, s0;
	s10 =	smul.u32 $0x13C00, s21;
	s15 =	sshll.u32 s21, $0x7  }
0x7: {  	s7 =	ssub.s32 $0x2, s4;
	s9 =	sshll.u32 s4, $0x4;
	s16 =	sand.u32 $0x380, s15  }
0x8: {  	s18 =	smul.u32 $0x13C000, s4;
	s4 =	sshll.u32 s4, $0xB;
	s8 =	sshrl.u32 s7, $0x1  }
0x9: {  	s22 =	sor.u32 s21, s9;
	s9 =	sadd.s32 $0x4000, s10;
	s11 =	sadd.s32 $0x8000, s10  }
0xa: {  	s14 =	sadd.s32 $0xC000, s10;
	s19 =	sadd.s32 $0x10000, s10;
	s4 =	sadd.s32 s4, s5  }
0xb: {  	s7 =	ssub.s32 s7, s8;
	s8 =	smul.u32 $0x4F000, s21;
	s12 =	sshll.u32 s22, $0x7  }
0xc: {  	s10 =	sadd.s32 s10, s18;
	s30 =	sadd.s32 s18, s9;
	s24 =	sadd.s32 s18, s14  }
0xd: {  	[dreg:$0x4] =	wrdreg s22;
	s13 =	sand.u32 $0xC00, s12;
	s17 =	sor.u32 $0x1000, s12  }
0xe: {  	s23 =	sadd.s32 s5, s12;
	s10 =	sshrl.u32 s10, $0x3;
	s25 =	sshrl.u32 s24, $0x3  }
0xf: {  	s20 =	sor.u32 s16, s13;
	s26 =	sand.u32 $0x1C00, s17;
	s28 =	sadd.s32 s5, s17  }
0x10: {  	s10 =	sadd.s32 s6, s10;
	s13 =	sshrl.u32 s30, $0x3;
	[dreg:$0x6] =	wrdreg s28  }
0x11: {  	s30 =	sshll.u32 s22, $0x4;
	s12 =	sor.u32 s16, s26;
	[dreg:$0x7] =	wrdreg s10  }
0x12: {  	s16 =	sadd.s32 s18, s11;
	s10 =	sadd.s32 s6, s13;
	s26 =	sadd.s32 s18, s19  }
0x13: {  	s13 =	sadd.s32 s15, s4;
	[dreg:$0x8] =	wrdreg s10;
	s17 =	sshrl.u32 s16, $0x3  }
0x14: {  	s28 =	sshrl.u32 s26, $0x3;
	s16 =	sor.u32 $0x600, s30;
	s10 =	sadd.s32 s6, s17  }
0x15: {  	s4 =	sand.u32 $0x780, s16;
	[dreg:$0x9] =	wrdreg s10;
	s10 =	sadd.s32 s6, s25  }
0x16: {  	s16 =	sadd.s32 $0x3A00, s0;
	s6 =	sadd.s32 s6, s28;
	[dreg:$0xa] =	wrdreg s10  }
0x17: {  	[dreg:$0xb] =	wrdreg s6;
	s10 =	sshll.u32 s21, $0x4;
	s21 =	sadd.s32 $0x2C00, s0  }
0x18: {  	s0 =	sadd.s32 $0x2600, s0;
	_ =	strace $0x80000047;
	[dreg:$0xe] =	wrdreg s21  }
0x19: {  	s22 =	sadd.s32 s9, s2;
	[dreg:$0xf] =	wrdreg s0  }
0x1a: {  	s24 =	sadd.s32 s11, s2;
	[dreg:$0x11] =	wrdreg s22  }
0x1b: {  	s5 =	sor.u32 $0x400, s30;
	s25 =	sadd.s32 s14, s2;
	[dreg:$0x12] =	wrdreg s24  }
0x1c: {  	s26 =	sadd.s32 s19, s2;
	s30 =	sshrl.u32 s12, $0x3;
	[dreg:$0x13] =	wrdreg s25  }
0x1d: {  	s18 =	sshrl.u32 s8, $0x2;
	s8 =	sadd.s32 s1, s30;
	[dreg:$0x14] =	wrdreg s26  }
0x1e: {  	s9 =	sadd.s32 s16, s30;
	[dreg:$0x17] =	wrdreg s8  }
0x1f: {  	s11 =	sadd.s32 $0x10, s23;
	[dreg:$0x18] =	wrdreg s9  }
0x20: {  	s12 =	sadd.s32 $0x20, s23;
	[dreg:$0x1a] =	wrdreg s11  }
0x21: {  	s29 =	simm.s32 $0xFF80;
	s14 =	sadd.s32 $0x30, s23;
	[dreg:$0x1b] =	wrdreg s12  }
0x22: {  	s31 =	simm.s32 $0x7700;
	s15 =	sadd.s32 $0x40, s23;
	[dreg:$0x1c] =	wrdreg s14  }
0x23: {  	s19 =	sadd.s32 $0x70, s23;
	s17 =	sand.u32 $0x580, s5;
	[dreg:$0x1d] =	wrdreg s15  }
0x24: {  	s28 =	sshrl.u32 s20, $0x3;
	s20 =	sadd.s32 $0x1010, s23;
	[smem:$0x7F6] =	sst s19  }
0x25: {  	s5 =	simm.s32 $0x4F00;
	s30 =	sadd.s32 $0x1070, s23;
	[smem:$0x7F7] =	sst s20  }
0x26: {  	s6 =	sand.u32 $0x70, s10;
	s21 =	sadd.s32 s18, s2;
	[dreg:$0x5] =	wrdreg s23  }
0x27: {  	v0 =	vlaneseq.u32;
	s0 =	sadd.s32 s16, s28;
	s10 =	smax.u32 s7, $0x1;
	[smem:$0x7FD] =	sst s30  }
0x28: {  	v0 =	vmul.u32 $0x80, v0;
	s18 =	sadd.s32 $0x60, s23;
	s22 =	sadd.s32 $0x1020, s23;
	[dreg:$0x16] =	wrdreg s0  }
0x29: {  	v1 =	vimm.f32 $0.0e+00;
	vm0 =	vcmask $0x1310;
	s24 =	sadd.s32 $0x1030, s23;
	s25 =	sadd.s32 $0x1040, s23;
	[dreg:$0x19] =	wrdreg s10  }
0x2a: {  	v2 =	vsel vm0, $0x3F800000, v1;
	v3 =	vor.u32 $0x1, v0;
	s26 =	sadd.s32 $0x1050, s23;
	s7 =	simm.s32 $0x7880;
	[dreg:$0x1f] =	wrdreg s18  }
0x2b: {  	v4 =	vor.u32 $0x2, v0;
	v5 =	vor.u32 $0x3, v0;
	v6 =	vor.u32 $0x800, v0;
	s8 =	simm.s32 $0x7900;
	s9 =	simm.s32 $0x7980;
	[smem:$0x7F8] =	sst s22  }
0x2c: {  	v7 =	vor.u32 $0x801, v0;
	v8 =	vor.u32 $0x802, v0;
	v9 =	vor.u32 $0x803, v0;
	s11 =	simm.s32 $0x10000;
	s12 =	simm.s32 $0x1;
	[smem:$0x7F9] =	sst s24  }
0x2d: {  	v10 =	vor.u32 $0x1000, v0;
	v11 =	vor.u32 $0x1001, v0;
	v12 =	vor.u32 $0x1002, v0;
	s14 =	simm.s32 $0xBE80;
	s15 =	simm.s32 $0x0;
	[smem:$0x7FA] =	sst s25  }
0x2e: {  	v13 =	vor.u32 $0x1003, v0;
	v14 =	vor.u32 $0x1800, v0;
	v15 =	vor.u32 $0x1801, v0;
	s4 =	sor.u32 s6, s4;
	[smem:$0x7FB] =	sst s26;
	s24 =	simm.s32 $0x7E80  }
0x2f: {  	v16 =	vor.u32 $0x1802, v0;
	v17 =	vor.u32 $0x1803, v0;
	v18 =	vor.u32 $0x2000, v0;
	s25 =	simm.s32 $0x3;
	s26 =	simm.s32 $0x2780;
	[dreg:$0x10] =	wrdreg s21  }
.Ltmp0:
0x30: {  	v19 =	vor.u32 $0x2001, v0;
	v20 =	vor.u32 $0x2002, v0;
	v21 =	vor.u32 $0x2003, v0;
	[dreg:$0xc] =	wrdreg s4;
	s4 =	sor.u32 s6, s17;
	(pc) =	sbr.rel .LBB2_1-.Ltmp0, $4  }
0x31: {  	v22 =	vor.u32 $0x2800, v0;
	v23 =	vor.u32 $0x2801, v0;
	v24 =	vor.u32 $0x2802, v0;
	s0 =	simm.s32 $0x7780;
	s6 =	sadd.s32 s1, s28;
	[dreg:$0xd] =	wrdreg s4  }
0x32: {  	v25 =	vor.u32 $0x2803, v0;
	v26 =	vor.u32 $0x3000, v0;
	v27 =	vor.u32 $0x3001, v0;
	s10 =	simm.s32 $0x7A00;
	s17 =	sadd.s32 $0x50, s23;
	[dreg:$0x15] =	wrdreg s6  }
0x33: {  	v28 =	vor.u32 $0x3002, v0;
	v29 =	vor.u32 $0x3003, v0;
	v30 =	vor.u32 $0x3800, v0;
	s18 =	simm.s32 $0x2;
	s28 =	sadd.s32 $0x1060, s23;
	[dreg:$0x1e] =	wrdreg s17  }
0x34: {  	v31 =	vor.u32 $0x3801, v0;
	v32 =	vor.u32 $0x3802, v0;
	v33 =	vor.u32 $0x3803, v0;
	[smem:$0x7FC] =	sst s28;
	s4 =	simm.s32 $0x7800;
	s17 =	simm.s32 $0x80  }
.LBB2_12:
0x35: {  	[bflag:$0x0] =	sbarrier.arrive $0xFFFF  }
0x36: {  	s21 =	rddreg [dreg:$0x10]  }
0x37: {  	[tilespmem:s24], [sflag:$0x3] =	stream.linear.gather [spmem:s21], $0x4000, $0x38;
	[tilespmem:$0x10080] =	vst v63  }
0x38: {  	_ =	swait.ge [sflag:s25], $0x4000  }
0x39: {  	[sflag:s25] =	ssyncset.done $0x0  }
0x3a: {  	s6 =	rddreg [dreg:$0x7];
	[sflag:s25] =	ssyncadd.s32 $0xFFFFC000  }
0x3b: {  	[hbm4b:s6+s3] =	stream.linear.scatter [tilespmem:s24], [sflag:$0x3], $0x4000, $0x38;
	[tilespmem:$0x10080] =	vst v63  }
0x3c: {  	_ =	swait.ge [sflag:s25], $0x4000  }
0x3d: {  	[sflag:s25] =	ssyncset.done $0x0  }
0x3e: {  	s23 =	rddreg [dreg:$0x11];
	[sflag:s25] =	ssyncadd.s32 $0xFFFFC000  }
0x3f: {  	[tilespmem:s24], [sflag:$0x3] =	stream.linear.gather [spmem:s23], $0x4000, $0x38;
	[tilespmem:$0x10080] =	vst v63  }
0x40: {  	_ =	swait.ge [sflag:s25], $0x4000  }
0x41: {  	[sflag:s25] =	ssyncset.done $0x0  }
0x42: {  	s28 =	rddreg [dreg:$0x8];
	[sflag:s25] =	ssyncadd.s32 $0xFFFFC000  }
0x43: {  	[hbm4b:s28+s3] =	stream.linear.scatter [tilespmem:s24], [sflag:$0x3], $0x4000, $0x38;
	[tilespmem:$0x10080] =	vst v63  }
0x44: {  	_ =	swait.ge [sflag:s25], $0x4000  }
0x45: {  	[sflag:s25] =	ssyncset.done $0x0  }
0x46: {  	s30 =	rddreg [dreg:$0x12];
	[sflag:s25] =	ssyncadd.s32 $0xFFFFC000  }
0x47: {  	[tilespmem:s24], [sflag:$0x3] =	stream.linear.gather [spmem:s30], $0x4000, $0x38;
	[tilespmem:$0x10080] =	vst v63  }
0x48: {  	_ =	swait.ge [sflag:s25], $0x4000  }
0x49: {  	[sflag:s25] =	ssyncset.done $0x0  }
0x4a: {  	s19 =	rddreg [dreg:$0x9];
	[sflag:s25] =	ssyncadd.s32 $0xFFFFC000  }
0x4b: {  	[hbm4b:s19+s3] =	stream.linear.scatter [tilespmem:s24], [sflag:$0x3], $0x4000, $0x38;
	[tilespmem:$0x10080] =	vst v63  }
0x4c: {  	_ =	swait.ge [sflag:s25], $0x4000  }
0x4d: {  	[sflag:s25] =	ssyncset.done $0x0  }
0x4e: {  	s20 =	rddreg [dreg:$0x13];
	[sflag:s25] =	ssyncadd.s32 $0xFFFFC000  }
0x4f: {  	[tilespmem:s24], [sflag:$0x3] =	stream.linear.gather [spmem:s20], $0x4000, $0x38;
	[tilespmem:$0x10080] =	vst v63  }
0x50: {  	_ =	swait.ge [sflag:s25], $0x4000  }
0x51: {  	[sflag:s25] =	ssyncset.done $0x0  }
0x52: {  	s22 =	rddreg [dreg:$0xa];
	[sflag:s25] =	ssyncadd.s32 $0xFFFFC000  }
0x53: {  	[hbm4b:s22+s3] =	stream.linear.scatter [tilespmem:s24], [sflag:$0x3], $0x4000, $0x38;
	[tilespmem:$0x10080] =	vst v63  }
0x54: {  	_ =	swait.ge [sflag:s25], $0x4000  }
0x55: {  	[sflag:s25] =	ssyncset.done $0x0  }
0x56: {  	s23 =	rddreg [dreg:$0x14];
	[sflag:s25] =	ssyncadd.s32 $0xFFFFC000  }
0x57: {  	[tilespmem:s24], [sflag:$0x3] =	stream.linear.gather [spmem:s23], $0x3C00, $0x38;
	[tilespmem:$0x10080] =	vst v63  }
0x58: {  	_ =	swait.ge [sflag:s25], $0x3C00  }
0x59: {  	[sflag:s25] =	ssyncset.done $0x0  }
0x5a: {  	s28 =	rddreg [dreg:$0xb];
	[sflag:s25] =	ssyncadd.s32 $0xFFFFC400  }
0x5b: {  	[hbm4b:s28+s3] =	stream.linear.scatter [tilespmem:s24], [sflag:$0x3], $0x3C00, $0x38;
	[tilespmem:$0x10080] =	vst v63  }
0x5c: {  	_ =	swait.ge [sflag:s25], $0x3C00  }
0x5d: {  	s15 =	sadd.s32 $0x1, s15;
	s30 =	rddreg [dreg:$0x19]  }
0x5e: {  	p0 =	sne.s32 s15, s30  }
.Ltmp1:
0x5f: {  	_ = 	snop;
	(pc) =	sbr.rel @!p0 .LBB2_13-.Ltmp1, $3  }
0x60: {  	_ =	sdelay $0x1  }
0x61: {  	[sflag:s25] =	ssyncset.done $0x0  }
0x62: {  	[sflag:s25] =	ssyncadd.s32 $0xFFFFC400  }
.LBB2_1:
0x63: {  	s6 =	simm.s32 $0x200;
	s19 =	simm.s32 $0x0  }
.LBB2_2:
0x64: {  	p0 =	sne.s32 s6, $0xFE00;
	[tilespmem:s19+$0x7E80] =	vst v1;
	s19 =	smov.u32 s6;
	s6 =	sadd.s32 $0x200, s6  }
.Ltmp2:
0x65: {  	(pc) =	sbr.rel @p0 .LBB2_2-.Ltmp2, $2  }
0x66: {  	_ =	sdelay $0x2  }
0x67: {  	s19 =	sshra.s32 s19, $0x2  }
0x68: {  	[tilespmem:s19+$0x7E80] =	vst v1  }
0x69: {  	[spmem:s21] =	stream.linear.scatter [tilespmem:s24], [sflag:$0x3], $0x4000, $0x38;
	[tilespmem:$0x10080] =	vst v63  }
0x6a: {  	_ =	swait.ge [sflag:s25], $0x4000  }
0x6b: {  	[sflag:s25] =	ssyncset.done $0x0  }
0x6c: {  	s6 =	rddreg [dreg:$0x11];
	[sflag:s25] =	ssyncadd.s32 $0xFFFFC000  }
0x6d: {  	[spmem:s6] =	stream.linear.scatter [tilespmem:s24], [sflag:$0x3], $0x4000, $0x38;
	[tilespmem:$0x10080] =	vst v63  }
0x6e: {  	_ =	swait.ge [sflag:s25], $0x4000  }
0x6f: {  	[sflag:s25] =	ssyncset.done $0x0  }
0x70: {  	s20 =	rddreg [dreg:$0x12];
	[sflag:s25] =	ssyncadd.s32 $0xFFFFC000  }
0x71: {  	[spmem:s20] =	stream.linear.scatter [tilespmem:s24], [sflag:$0x3], $0x4000, $0x38;
	[tilespmem:$0x10080] =	vst v63  }
0x72: {  	_ =	swait.ge [sflag:s25], $0x4000  }
0x73: {  	[sflag:s25] =	ssyncset.done $0x0  }
0x74: {  	s21 =	rddreg [dreg:$0x13];
	[sflag:s25] =	ssyncadd.s32 $0xFFFFC000  }
0x75: {  	[spmem:s21] =	stream.linear.scatter [tilespmem:s24], [sflag:$0x3], $0x4000, $0x38;
	[tilespmem:$0x10080] =	vst v63  }
0x76: {  	_ =	swait.ge [sflag:s25], $0x4000  }
0x77: {  	[sflag:s25] =	ssyncset.done $0x0  }
0x78: {  	s22 =	rddreg [dreg:$0x14];
	[sflag:s25] =	ssyncadd.s32 $0xFFFFC000  }
0x79: {  	[spmem:s22] =	stream.linear.scatter [tilespmem:s24], [sflag:$0x3], $0x3C00, $0x38;
	[tilespmem:$0x10080] =	vst v63  }
0x7a: {  	_ =	swait.ge [sflag:s25], $0x3C00  }
0x7b: {  	[sflag:s25] =	ssyncset.done $0x0  }
0x7c: {  	s23 =	simm.s32 $0x0;
	s28 =	rddreg [dreg:$0xe];
	[sflag:s25] =	ssyncadd.s32 $0xFFFFC400  }
0x7d: {  	[tilespmem:s26], [sflag:$0x3] =	stream.linear.gather [hbm4b:s28+s23], $0x2780, $0x38;
	[tilespmem:$0x10080] =	vst v63  }
0x7e: {  	_ =	swait.ge [sflag:s25], $0x2780  }
0x7f: {  	[sflag:s25] =	ssyncset.done $0x0  }
0x80: {  	s30 =	rddreg [dreg:$0xf];
	[sflag:s25] =	ssyncadd.s32 $0xFFFFD880  }
0x81: {  	[tilespmem:s5], [sflag:$0x3] =	stream.linear.gather [hbm4b:s30+s23], $0x2780, $0x38;
	[tilespmem:$0x10080] =	vst v63  }
0x82: {  	_ =	swait.ge [sflag:s25], $0x2780  }
0x83: {  	[sflag:s25] =	ssyncset.done $0x0  }
0x84: {  	s19 =	simm.s32 $0x0;
	s6 =	simm.s32 $0x200;
	[sflag:s25] =	ssyncadd.s32 $0xFFFFD880  }
.LBB2_4:
0x85: {  	p0 =	sne.s32 s6, $0xFE00;
	[tilespmem:s19+$0x7E80] =	vst v2;
	s20 =	smov.u32 s6;
	s6 =	sadd.s32 $0x200, s6  }
.Ltmp3:
0x86: {  	[tilespmem:s19+$0xBE80] =	vst v2;
	(pc) =	sbr.rel @p0 .LBB2_4-.Ltmp3, $2  }
0x87: {  	_ =	sdelay $0x2  }
0x88: {  	s19 =	sshra.s32 s20, $0x2  }
0x89: {  	[tilespmem:s19+$0x7E80] =	vst v2  }
0x8a: {  	[tilespmem:s19+$0xBE80] =	vst v2  }
0x8b: {  	[bflag:$0x0] =	sbarrier.arrive $0xFFFF  }
0x8c: {  	s30 =	rddreg [dreg:$0x15]  }
0x8d: {  	s21 =	rddreg [dreg:$0x5]  }
0x8e: {  	s6 =	simm.s32 $0x0;
	s20 =	simm.s32 $0xFE80;
	s23 =	rddreg [dreg:$0x1a]  }
0x8f: {  	[tilespmem:s20], [sflag:$0x1] =	stream.linear.gather [hbm4b:s30+s6], $0x80, $0x38;
	[tilespmem:$0x10080] =	vst v63  }
0x90: {  	s20 =	rddreg [dreg:$0x16]  }
0x91: {  	[tilespmem:s29], [sflag:$0x1] =	stream.linear.gather [hbm4b:s20+s6], $0x80, $0x38;
	[tilespmem:$0x10080] =	vst v63  }
0x92: {  	s22 =	simm.s32 $0x7680;
	s28 =	rddreg [dreg:$0x1b]  }
0x93: {  	[tilespmem:s22], [sflag:$0x1] =	stream.linear.gather [hbm4b:s21+s6], $0x80, $0x38;
	[tilespmem:$0x10080] =	vst v63  }
0x94: {  	s19 =	rddreg [dreg:$0xd]  }
0x95: {  	[tilespmem:s31], [sflag:$0x1] =	stream.linear.gather [hbm4b:s23+s6], $0x80, $0x38;
	[tilespmem:$0x10080] =	vst v63  }
0x96: {  	s30 =	rddreg [dreg:$0x1c]  }
0x97: {  	[tilespmem:s0], [sflag:$0x1] =	stream.linear.gather [hbm4b:s28+s6], $0x80, $0x38;
	[tilespmem:$0x10080] =	vst v63  }
0x98: {  	s20 =	rddreg [dreg:$0x1d]  }
0x99: {  	[tilespmem:s4], [sflag:$0x1] =	stream.linear.gather [hbm4b:s30+s6], $0x80, $0x38;
	[tilespmem:$0x10080] =	vst v63  }
0x9a: {  	s21 =	rddreg [dreg:$0x1e]  }
0x9b: {  	[tilespmem:s7], [sflag:$0x1] =	stream.linear.gather [hbm4b:s20+s6], $0x80, $0x38;
	[tilespmem:$0x10080] =	vst v63  }
0x9c: {  	s22 =	rddreg [dreg:$0x1f]  }
0x9d: {  	[tilespmem:s8], [sflag:$0x1] =	stream.linear.gather [hbm4b:s21+s6], $0x80, $0x38;
	[tilespmem:$0x10080] =	vst v63  }
0x9e: {  	s23 =	sld [smem:$0x7F6]  }
0x9f: {  	[tilespmem:s9], [sflag:$0x1] =	stream.linear.gather [hbm4b:s22+s6], $0x80, $0x38;
	[tilespmem:$0x10080] =	vst v63  }
0xa0: {  	s28 =	rddreg [dreg:$0x17]  }
0xa1: {  	[tilespmem:s10], [sflag:$0x1] =	stream.linear.gather [hbm4b:s23+s6], $0x80, $0x38;
	[tilespmem:$0x10080] =	vst v63  }
0xa2: {  	s30 =	simm.s32 $0xFF00;
	s21 =	rddreg [dreg:$0x18]  }
0xa3: {  	[tilespmem:s30], [sflag:$0x2] =	stream.linear.gather [hbm4b:s28+s6], $0x80, $0x38;
	[tilespmem:$0x10080] =	vst v63  }
0xa4: {  	s22 =	rddreg [dreg:$0x6]  }
0xa5: {  	[tilespmem:s11], [sflag:$0x2] =	stream.linear.gather [hbm4b:s21+s6], $0x80, $0x38;
	[tilespmem:$0x10080] =	vst v63  }
0xa6: {  	s23 =	simm.s32 $0x7A80;
	s28 =	sld [smem:$0x7F7]  }
0xa7: {  	[tilespmem:s23], [sflag:$0x2] =	stream.linear.gather [hbm4b:s22+s6], $0x80, $0x38;
	[tilespmem:$0x10080] =	vst v63  }
0xa8: {  	s20 =	sld [smem:$0x7F8];
	s30 =	simm.s32 $0x7B00  }
0xa9: {  	[tilespmem:s30], [sflag:$0x2] =	stream.linear.gather [hbm4b:s28+s6], $0x80, $0x38;
	[tilespmem:$0x10080] =	vst v63  }
0xaa: {  	s21 =	simm.s32 $0x7B80;
	s22 =	sld [smem:$0x7F9]  }
0xab: {  	[tilespmem:s21], [sflag:$0x2] =	stream.linear.gather [hbm4b:s20+s6], $0x80, $0x38;
	[tilespmem:$0x10080] =	vst v63  }
0xac: {  	s23 =	simm.s32 $0x7C00;
	s28 =	sld [smem:$0x7FA]  }
0xad: {  	[tilespmem:s23], [sflag:$0x2] =	stream.linear.gather [hbm4b:s22+s6], $0x80, $0x38;
	[tilespmem:$0x10080] =	vst v63  }
0xae: {  	s30 =	simm.s32 $0x7C80;
	s20 =	sld [smem:$0x7FB]  }
0xaf: {  	[tilespmem:s30], [sflag:$0x2] =	stream.linear.gather [hbm4b:s28+s6], $0x80, $0x38;
	[tilespmem:$0x10080] =	vst v63  }
0xb0: {  	s21 =	simm.s32 $0x7D00;
	s22 =	sld [smem:$0x7FC]  }
0xb1: {  	[tilespmem:s21], [sflag:$0x2] =	stream.linear.gather [hbm4b:s20+s6], $0x80, $0x38;
	[tilespmem:$0x10080] =	vst v63  }
.Ltmp4:
0xb2: {  	s28 =	sld [smem:$0x7FD];
	(pc) =	sbr.rel .LBB2_6-.Ltmp4, $4  }
0xb3: {  	s23 =	simm.s32 $0x7D80;
	s20 =	rddreg [dreg:$0x4]  }
0xb4: {  	[tilespmem:s23], [sflag:$0x2] =	stream.linear.gather [hbm4b:s22+s6], $0x80, $0x38;
	[tilespmem:$0x10080] =	vst v63  }
0xb5: {  	s30 =	simm.s32 $0x7E00;
	s21 =	rddreg [dreg:$0xc]  }
0xb6: {  	[tilespmem:s30], [sflag:$0x2] =	stream.linear.gather [hbm4b:s28+s6], $0x80, $0x38;
	[tilespmem:$0x10080] =	vst v63  }
.LBB2_8:
0xb7: {  	s22 =	sadd.s32 s19, s1;
	s23 =	simm.s32 $0xFE80  }
0xb8: {  	[tilespmem:s23], [sflag:$0x1] =	stream.linear.gather [hbm4b:s22+s3], $0x80, $0x38;
	[tilespmem:$0x10080] =	vst v63  }
0xb9: {  	s28 =	sadd.s32 s19, s16;
	s22 =	sadd.s32 s6, s13  }
0xba: {  	[tilespmem:s29], [sflag:$0x1] =	stream.linear.gather [hbm4b:s28+s3], $0x80, $0x38;
	[tilespmem:$0x10080] =	vst v63  }
0xbb: {  	s30 =	sadd.s32 $0x2000, s22;
	s28 =	simm.s32 $0x7680  }
0xbc: {  	[tilespmem:s28], [sflag:$0x1] =	stream.linear.gather [hbm4b:s30+s3], $0x80, $0x38;
	[tilespmem:$0x10080] =	vst v63  }
0xbd: {  	s28 =	sadd.s32 $0x2010, s22  }
0xbe: {  	[tilespmem:s31], [sflag:$0x1] =	stream.linear.gather [hbm4b:s28+s3], $0x80, $0x38;
	[tilespmem:$0x10080] =	vst v63  }
0xbf: {  	s30 =	sadd.s32 $0x2020, s22  }
0xc0: {  	[tilespmem:s0], [sflag:$0x1] =	stream.linear.gather [hbm4b:s30+s3], $0x80, $0x38;
	[tilespmem:$0x10080] =	vst v63  }
0xc1: {  	s28 =	sadd.s32 $0x2030, s22  }
0xc2: {  	[tilespmem:s4], [sflag:$0x1] =	stream.linear.gather [hbm4b:s28+s3], $0x80, $0x38;
	[tilespmem:$0x10080] =	vst v63  }
0xc3: {  	s30 =	sadd.s32 $0x2040, s22  }
0xc4: {  	[tilespmem:s7], [sflag:$0x1] =	stream.linear.gather [hbm4b:s30+s3], $0x80, $0x38;
	[tilespmem:$0x10080] =	vst v63  }
0xc5: {  	s28 =	sadd.s32 $0x2050, s22  }
0xc6: {  	[tilespmem:s8], [sflag:$0x1] =	stream.linear.gather [hbm4b:s28+s3], $0x80, $0x38;
	[tilespmem:$0x10080] =	vst v63  }
0xc7: {  	s30 =	sadd.s32 $0x2060, s22  }
0xc8: {  	[tilespmem:s9], [sflag:$0x1] =	stream.linear.gather [hbm4b:s30+s3], $0x80, $0x38;
	[tilespmem:$0x10080] =	vst v63  }
0xc9: {  	s22 =	sadd.s32 $0x2070, s22  }
0xca: {  	[tilespmem:s10], [sflag:$0x1] =	stream.linear.gather [hbm4b:s22+s3], $0x80, $0x38;
	[tilespmem:$0x10080] =	vst v63  }
.LBB2_10:
0xcb: {  	_ =	swait.ge [sflag:s18], $0x80  }
0xcc: {  	[sflag:s18] =	ssyncset.done $0x0  }
0xcd: {  	[sflag:s18] =	ssyncadd.s32 $0xFFFFFF80  }
0xce: {  	_ =	swait.ge [sflag:s18], $0x80  }
0xcf: {  	[sflag:s18] =	ssyncset.done $0x0  }
0xd0: {  	[sflag:s18] =	ssyncadd.s32 $0xFFFFFF80  }
0xd1: {  	_ =	swait.ge [sflag:s18], $0x80  }
0xd2: {  	[sflag:s18] =	ssyncset.done $0x0  }
0xd3: {  	[sflag:s18] =	ssyncadd.s32 $0xFFFFFF80  }
0xd4: {  	_ =	swait.ge [sflag:s18], $0x80  }
0xd5: {  	[sflag:s18] =	ssyncset.done $0x0  }
0xd6: {  	[sflag:s18] =	ssyncadd.s32 $0xFFFFFF80  }
0xd7: {  	_ =	swait.ge [sflag:s18], $0x80  }
0xd8: {  	[sflag:s18] =	ssyncset.done $0x0  }
0xd9: {  	[sflag:s18] =	ssyncadd.s32 $0xFFFFFF80  }
0xda: {  	_ =	swait.ge [sflag:s18], $0x80  }
0xdb: {  	[sflag:s18] =	ssyncset.done $0x0  }
0xdc: {  	[sflag:s18] =	ssyncadd.s32 $0xFFFFFF80  }
0xdd: {  	_ =	swait.ge [sflag:s18], $0x80  }
0xde: {  	[sflag:s18] =	ssyncset.done $0x0  }
0xdf: {  	[sflag:s18] =	ssyncadd.s32 $0xFFFFFF80  }
0xe0: {  	_ =	swait.ge [sflag:s18], $0x80  }
0xe1: {  	[sflag:s18] =	ssyncset.done $0x0  }
0xe2: {  	[sflag:s18] =	ssyncadd.s32 $0xFFFFFF80  }
0xe3: {  	_ =	swait.ge [sflag:s18], $0x80  }
0xe4: {  	[sflag:s18] =	ssyncset.done $0x0  }
0xe5: {  	[sflag:s18] =	ssyncadd.s32 $0xFFFFFF80  }
0xe6: {  	_ =	swait.ge [sflag:s18], $0x80  }
0xe7: {  	[sflag:s18] =	ssyncset.done $0x0  }
0xe8: {  	[sflag:s18] =	ssyncadd.s32 $0xFFFFFF80  }
0xe9: {  	v34 =	vld [tilespmem:$0xFF00];
	_ =	sdelay $0x5  }
0xea: {  	v36 =	vld [tilespmem:$0x7A80]  }
0xeb: {  	v37 =	vld [tilespmem:$0x7B00]  }
0xec: {  	v35 =	vld.idx.msk [tilespmem:v34+s26+$0x0], $0xffff  }
0xed: {  	v34 =	vld.idx.msk [tilespmem:v34+s5+$0x0], $0xffff;
	_ =	sdelay $0x4  }
0xee: {  	v36 =	vmul.f32 v36, v34;
	v37 =	vmul.f32 v37, v35;
	_ =	sdelay $0x1  }
0xef: {  	v36 =	vsub.f32 v36, v37;
	_ =	sdelay $0x1  }
0xf0: {  	[tilespmem:v0+s14+$0x0] =	vst.idx.msk $0xffff, v36  }
0xf1: {  	v36 =	vld [tilespmem:$0x7B80]  }
0xf2: {  	v43 =	vld [tilespmem:$0x7C00];
	_ =	sdelay $0x4  }
0xf3: {  	v36 =	vmul.f32 v36, v34;
	v37 =	vmul.f32 v43, v35;
	_ =	sdelay $0x1  }
0xf4: {  	v36 =	vsub.f32 v36, v37;
	_ =	sdelay $0x1  }
0xf5: {  	[tilespmem:v3+s14+$0x0] =	vst.idx.msk $0xffff, v36  }
0xf6: {  	v36 =	vld [tilespmem:$0x7C80]  }
0xf7: {  	v44 =	vld [tilespmem:$0x7D00];
	_ =	sdelay $0x4  }
0xf8: {  	v36 =	vmul.f32 v36, v34;
	v37 =	vmul.f32 v44, v35;
	_ =	sdelay $0x1  }
0xf9: {  	v36 =	vsub.f32 v36, v37;
	_ =	sdelay $0x1  }
0xfa: {  	[tilespmem:v4+s14+$0x0] =	vst.idx.msk $0xffff, v36  }
0xfb: {  	v36 =	vld [tilespmem:$0x7D80]  }
0xfc: {  	v45 =	vld [tilespmem:$0x7E00];
	_ =	sdelay $0x4  }
0xfd: {  	v34 =	vmul.f32 v36, v34;
	v35 =	vmul.f32 v45, v35;
	_ =	sdelay $0x1  }
0xfe: {  	v34 =	vsub.f32 v34, v35;
	_ =	sdelay $0x1  }
0xff: {  	[tilespmem:v5+s14+$0x0] =	vst.idx.msk $0xffff, v34  }
0x100: {  	v34 =	vld [tilespmem:$0xFF10];
	_ =	sdelay $0x5  }
0x101: {  	v47 =	vld [tilespmem:$0x7A90]  }
0x102: {  	v48 =	vld [tilespmem:$0x7B10]  }
0x103: {  	v46 =	vld.idx.msk [tilespmem:v34+s26+$0x0], $0xffff  }
0x104: {  	v34 =	vld.idx.msk [tilespmem:v34+s5+$0x0], $0xffff;
	_ =	sdelay $0x4  }
0x105: {  	v36 =	vmul.f32 v47, v34;
	v37 =	vmul.f32 v48, v46;
	_ =	sdelay $0x1  }
0x106: {  	v36 =	vsub.f32 v36, v37;
	_ =	sdelay $0x1  }
0x107: {  	[tilespmem:v6+s14+$0x0] =	vst.idx.msk $0xffff, v36  }
0x108: {  	v36 =	vld [tilespmem:$0x7B90]  }
0x109: {  	v49 =	vld [tilespmem:$0x7C10];
	_ =	sdelay $0x4  }
0x10a: {  	v36 =	vmul.f32 v36, v34;
	v37 =	vmul.f32 v49, v46;
	_ =	sdelay $0x1  }
0x10b: {  	v36 =	vsub.f32 v36, v37;
	_ =	sdelay $0x1  }
0x10c: {  	[tilespmem:v7+s14+$0x0] =	vst.idx.msk $0xffff, v36  }
0x10d: {  	v36 =	vld [tilespmem:$0x7C90]  }
0x10e: {  	v50 =	vld [tilespmem:$0x7D10];
	_ =	sdelay $0x4  }
0x10f: {  	v36 =	vmul.f32 v36, v34;
	v37 =	vmul.f32 v50, v46;
	_ =	sdelay $0x1  }
0x110: {  	v36 =	vsub.f32 v36, v37;
	_ =	sdelay $0x1  }
0x111: {  	[tilespmem:v8+s14+$0x0] =	vst.idx.msk $0xffff, v36  }
0x112: {  	v36 =	vld [tilespmem:$0x7D90]  }
0x113: {  	v51 =	vld [tilespmem:$0x7E10];
	_ =	sdelay $0x4  }
0x114: {  	v34 =	vmul.f32 v36, v34;
	v35 =	vmul.f32 v51, v46;
	_ =	sdelay $0x1  }
0x115: {  	v34 =	vsub.f32 v34, v35;
	_ =	sdelay $0x1  }
0x116: {  	[tilespmem:v9+s14+$0x0] =	vst.idx.msk $0xffff, v34  }
0x117: {  	v34 =	vld [tilespmem:$0xFF20];
	_ =	sdelay $0x5  }
0x118: {  	v53 =	vld [tilespmem:$0x7AA0]  }
0x119: {  	v54 =	vld [tilespmem:$0x7B20]  }
0x11a: {  	v52 =	vld.idx.msk [tilespmem:v34+s26+$0x0], $0xffff  }
0x11b: {  	v34 =	vld.idx.msk [tilespmem:v34+s5+$0x0], $0xffff;
	_ =	sdelay $0x4  }
0x11c: {  	v36 =	vmul.f32 v53, v34;
	v37 =	vmul.f32 v54, v52;
	_ =	sdelay $0x1  }
0x11d: {  	v36 =	vsub.f32 v36, v37;
	_ =	sdelay $0x1  }
0x11e: {  	[tilespmem:v10+s14+$0x0] =	vst.idx.msk $0xffff, v36  }
0x11f: {  	v36 =	vld [tilespmem:$0x7BA0]  }
0x120: {  	v55 =	vld [tilespmem:$0x7C20];
	_ =	sdelay $0x4  }
0x121: {  	v36 =	vmul.f32 v36, v34;
	v37 =	vmul.f32 v55, v52;
	_ =	sdelay $0x1  }
0x122: {  	v36 =	vsub.f32 v36, v37;
	_ =	sdelay $0x1  }
0x123: {  	[tilespmem:v11+s14+$0x0] =	vst.idx.msk $0xffff, v36  }
0x124: {  	v36 =	vld [tilespmem:$0x7CA0]  }
0x125: {  	v56 =	vld [tilespmem:$0x7D20];
	_ =	sdelay $0x4  }
0x126: {  	v36 =	vmul.f32 v36, v34;
	v37 =	vmul.f32 v56, v52;
	_ =	sdelay $0x1  }
0x127: {  	v36 =	vsub.f32 v36, v37;
	_ =	sdelay $0x1  }
0x128: {  	[tilespmem:v12+s14+$0x0] =	vst.idx.msk $0xffff, v36  }
0x129: {  	v36 =	vld [tilespmem:$0x7DA0]  }
0x12a: {  	v57 =	vld [tilespmem:$0x7E20];
	_ =	sdelay $0x4  }
0x12b: {  	v34 =	vmul.f32 v36, v34;
	v35 =	vmul.f32 v57, v52;
	_ =	sdelay $0x1  }
0x12c: {  	v34 =	vsub.f32 v34, v35;
	_ =	sdelay $0x1  }
0x12d: {  	[tilespmem:v13+s14+$0x0] =	vst.idx.msk $0xffff, v34  }
0x12e: {  	v34 =	vld [tilespmem:$0xFF30];
	_ =	sdelay $0x5  }
0x12f: {  	v59 =	vld [tilespmem:$0x7AB0]  }
0x130: {  	v60 =	vld [tilespmem:$0x7B30]  }
0x131: {  	v58 =	vld.idx.msk [tilespmem:v34+s26+$0x0], $0xffff  }
0x132: {  	v34 =	vld.idx.msk [tilespmem:v34+s5+$0x0], $0xffff;
	_ =	sdelay $0x4  }
0x133: {  	v36 =	vmul.f32 v59, v34;
	v37 =	vmul.f32 v60, v58;
	_ =	sdelay $0x1  }
0x134: {  	v36 =	vsub.f32 v36, v37;
	_ =	sdelay $0x1  }
0x135: {  	[tilespmem:v14+s14+$0x0] =	vst.idx.msk $0xffff, v36  }
0x136: {  	v36 =	vld [tilespmem:$0x7BB0]  }
0x137: {  	v61 =	vld [tilespmem:$0x7C30];
	_ =	sdelay $0x4  }
0x138: {  	v36 =	vmul.f32 v36, v34;
	v37 =	vmul.f32 v61, v58;
	_ =	sdelay $0x1  }
0x139: {  	v36 =	vsub.f32 v36, v37;
	_ =	sdelay $0x1  }
0x13a: {  	[tilespmem:v15+s14+$0x0] =	vst.idx.msk $0xffff, v36  }
0x13b: {  	v36 =	vld [tilespmem:$0x7CB0]  }
0x13c: {  	v62 =	vld [tilespmem:$0x7D30];
	_ =	sdelay $0x4  }
0x13d: {  	v36 =	vmul.f32 v36, v34;
	v37 =	vmul.f32 v62, v58;
	_ =	sdelay $0x1  }
0x13e: {  	v36 =	vsub.f32 v36, v37;
	_ =	sdelay $0x1  }
0x13f: {  	[tilespmem:v16+s14+$0x0] =	vst.idx.msk $0xffff, v36  }
0x140: {  	v36 =	vld [tilespmem:$0x7DB0]  }
0x141: {  	v63 =	vld [tilespmem:$0x7E30];
	_ =	sdelay $0x4  }
0x142: {  	v34 =	vmul.f32 v36, v34;
	v35 =	vmul.f32 v63, v58;
	_ =	sdelay $0x1  }
0x143: {  	v34 =	vsub.f32 v34, v35;
	_ =	sdelay $0x1  }
0x144: {  	[tilespmem:v17+s14+$0x0] =	vst.idx.msk $0xffff, v34  }
0x145: {  	v34 =	vld [tilespmem:$0xFF40];
	_ =	sdelay $0x5  }
0x146: {  	v41 =	vld [tilespmem:$0x7AC0]  }
0x147: {  	v42 =	vld [tilespmem:$0x7B40]  }
0x148: {  	v40 =	vld.idx.msk [tilespmem:v34+s26+$0x0], $0xffff  }
0x149: {  	v34 =	vld.idx.msk [tilespmem:v34+s5+$0x0], $0xffff;
	_ =	sdelay $0x4  }
0x14a: {  	v36 =	vmul.f32 v41, v34;
	v37 =	vmul.f32 v42, v40;
	_ =	sdelay $0x1  }
0x14b: {  	v36 =	vsub.f32 v36, v37;
	_ =	sdelay $0x1  }
0x14c: {  	[tilespmem:v18+s14+$0x0] =	vst.idx.msk $0xffff, v36  }
0x14d: {  	v36 =	vld [tilespmem:$0x7BC0]  }
0x14e: {  	v43 =	vld [tilespmem:$0x7C40];
	_ =	sdelay $0x4  }
0x14f: {  	v36 =	vmul.f32 v36, v34;
	v37 =	vmul.f32 v43, v40;
	_ =	sdelay $0x1  }
0x150: {  	v36 =	vsub.f32 v36, v37;
	_ =	sdelay $0x1  }
0x151: {  	[tilespmem:v19+s14+$0x0] =	vst.idx.msk $0xffff, v36  }
0x152: {  	v36 =	vld [tilespmem:$0x7CC0]  }
0x153: {  	v44 =	vld [tilespmem:$0x7D40];
	_ =	sdelay $0x4  }
0x154: {  	v36 =	vmul.f32 v36, v34;
	v37 =	vmul.f32 v44, v40;
	_ =	sdelay $0x1  }
0x155: {  	v36 =	vsub.f32 v36, v37;
	_ =	sdelay $0x1  }
0x156: {  	[tilespmem:v20+s14+$0x0] =	vst.idx.msk $0xffff, v36  }
0x157: {  	v36 =	vld [tilespmem:$0x7DC0]  }
0x158: {  	v45 =	vld [tilespmem:$0x7E40];
	_ =	sdelay $0x4  }
0x159: {  	v34 =	vmul.f32 v36, v34;
	v35 =	vmul.f32 v45, v40;
	_ =	sdelay $0x1  }
0x15a: {  	v34 =	vsub.f32 v34, v35;
	_ =	sdelay $0x1  }
0x15b: {  	[tilespmem:v21+s14+$0x0] =	vst.idx.msk $0xffff, v34  }
0x15c: {  	v34 =	vld [tilespmem:$0xFF50];
	_ =	sdelay $0x5  }
0x15d: {  	v47 =	vld [tilespmem:$0x7AD0]  }
0x15e: {  	v48 =	vld [tilespmem:$0x7B50]  }
0x15f: {  	v46 =	vld.idx.msk [tilespmem:v34+s26+$0x0], $0xffff  }
0x160: {  	v34 =	vld.idx.msk [tilespmem:v34+s5+$0x0], $0xffff;
	_ =	sdelay $0x4  }
0x161: {  	v36 =	vmul.f32 v47, v34;
	v37 =	vmul.f32 v48, v46;
	_ =	sdelay $0x1  }
0x162: {  	v36 =	vsub.f32 v36, v37;
	_ =	sdelay $0x1  }
0x163: {  	[tilespmem:v22+s14+$0x0] =	vst.idx.msk $0xffff, v36  }
0x164: {  	v36 =	vld [tilespmem:$0x7BD0]  }
0x165: {  	v49 =	vld [tilespmem:$0x7C50];
	_ =	sdelay $0x4  }
0x166: {  	v36 =	vmul.f32 v36, v34;
	v37 =	vmul.f32 v49, v46;
	_ =	sdelay $0x1  }
0x167: {  	v36 =	vsub.f32 v36, v37;
	_ =	sdelay $0x1  }
0x168: {  	[tilespmem:v23+s14+$0x0] =	vst.idx.msk $0xffff, v36  }
0x169: {  	v36 =	vld [tilespmem:$0x7CD0]  }
0x16a: {  	v50 =	vld [tilespmem:$0x7D50];
	_ =	sdelay $0x4  }
0x16b: {  	v36 =	vmul.f32 v36, v34;
	v37 =	vmul.f32 v50, v46;
	_ =	sdelay $0x1  }
0x16c: {  	v36 =	vsub.f32 v36, v37;
	_ =	sdelay $0x1  }
0x16d: {  	[tilespmem:v24+s14+$0x0] =	vst.idx.msk $0xffff, v36  }
0x16e: {  	v36 =	vld [tilespmem:$0x7DD0]  }
0x16f: {  	v51 =	vld [tilespmem:$0x7E50];
	_ =	sdelay $0x4  }
0x170: {  	v34 =	vmul.f32 v36, v34;
	v35 =	vmul.f32 v51, v46;
	_ =	sdelay $0x1  }
0x171: {  	v34 =	vsub.f32 v34, v35;
	_ =	sdelay $0x1  }
0x172: {  	[tilespmem:v25+s14+$0x0] =	vst.idx.msk $0xffff, v34  }
0x173: {  	v34 =	vld [tilespmem:$0xFF60];
	_ =	sdelay $0x5  }
0x174: {  	v53 =	vld [tilespmem:$0x7AE0]  }
0x175: {  	v54 =	vld [tilespmem:$0x7B60]  }
0x176: {  	v52 =	vld.idx.msk [tilespmem:v34+s26+$0x0], $0xffff  }
0x177: {  	v34 =	vld.idx.msk [tilespmem:v34+s5+$0x0], $0xffff;
	_ =	sdelay $0x4  }
0x178: {  	v36 =	vmul.f32 v53, v34;
	v37 =	vmul.f32 v54, v52;
	_ =	sdelay $0x1  }
0x179: {  	v36 =	vsub.f32 v36, v37;
	_ =	sdelay $0x1  }
0x17a: {  	[tilespmem:v26+s14+$0x0] =	vst.idx.msk $0xffff, v36  }
0x17b: {  	v36 =	vld [tilespmem:$0x7BE0]  }
0x17c: {  	v55 =	vld [tilespmem:$0x7C60];
	_ =	sdelay $0x4  }
0x17d: {  	v36 =	vmul.f32 v36, v34;
	v37 =	vmul.f32 v55, v52;
	_ =	sdelay $0x1  }
0x17e: {  	v36 =	vsub.f32 v36, v37;
	_ =	sdelay $0x1  }
0x17f: {  	[tilespmem:v27+s14+$0x0] =	vst.idx.msk $0xffff, v36  }
0x180: {  	v36 =	vld [tilespmem:$0x7CE0]  }
0x181: {  	v56 =	vld [tilespmem:$0x7D60];
	_ =	sdelay $0x4  }
0x182: {  	v36 =	vmul.f32 v36, v34;
	v37 =	vmul.f32 v56, v52;
	_ =	sdelay $0x1  }
0x183: {  	v36 =	vsub.f32 v36, v37;
	_ =	sdelay $0x1  }
0x184: {  	[tilespmem:v28+s14+$0x0] =	vst.idx.msk $0xffff, v36  }
0x185: {  	v36 =	vld [tilespmem:$0x7DE0]  }
0x186: {  	v57 =	vld [tilespmem:$0x7E60];
	_ =	sdelay $0x4  }
0x187: {  	v34 =	vmul.f32 v36, v34;
	v35 =	vmul.f32 v57, v52;
	_ =	sdelay $0x1  }
0x188: {  	v34 =	vsub.f32 v34, v35;
	_ =	sdelay $0x1  }
0x189: {  	[tilespmem:v29+s14+$0x0] =	vst.idx.msk $0xffff, v34  }
0x18a: {  	v34 =	vld [tilespmem:$0xFF70];
	_ =	sdelay $0x5  }
0x18b: {  	v59 =	vld [tilespmem:$0x7AF0]  }
0x18c: {  	v60 =	vld [tilespmem:$0x7B70]  }
0x18d: {  	v58 =	vld.idx.msk [tilespmem:v34+s26+$0x0], $0xffff  }
0x18e: {  	v34 =	vld.idx.msk [tilespmem:v34+s5+$0x0], $0xffff;
	_ =	sdelay $0x4  }
0x18f: {  	v36 =	vmul.f32 v59, v34;
	v37 =	vmul.f32 v60, v58;
	_ =	sdelay $0x1  }
0x190: {  	v36 =	vsub.f32 v36, v37;
	_ =	sdelay $0x1  }
0x191: {  	[tilespmem:v30+s14+$0x0] =	vst.idx.msk $0xffff, v36  }
0x192: {  	v36 =	vld [tilespmem:$0x7BF0]  }
0x193: {  	v61 =	vld [tilespmem:$0x7C70];
	_ =	sdelay $0x4  }
0x194: {  	v36 =	vmul.f32 v36, v34;
	v37 =	vmul.f32 v61, v58;
	_ =	sdelay $0x1  }
0x195: {  	v36 =	vsub.f32 v36, v37;
	_ =	sdelay $0x1  }
0x196: {  	[tilespmem:v31+s14+$0x0] =	vst.idx.msk $0xffff, v36  }
0x197: {  	v36 =	vld [tilespmem:$0x7CF0]  }
0x198: {  	v62 =	vld [tilespmem:$0x7D70];
	_ =	sdelay $0x4  }
0x199: {  	v36 =	vmul.f32 v36, v34;
	v37 =	vmul.f32 v62, v58;
	_ =	sdelay $0x1  }
0x19a: {  	v36 =	vsub.f32 v36, v37;
	_ =	sdelay $0x1  }
0x19b: {  	[tilespmem:v32+s14+$0x0] =	vst.idx.msk $0xffff, v36  }
0x19c: {  	v36 =	vld [tilespmem:$0x7DF0]  }
0x19d: {  	v63 =	vld [tilespmem:$0x7E70];
	_ =	sdelay $0x4  }
0x19e: {  	v34 =	vmul.f32 v36, v34;
	v35 =	vmul.f32 v63, v58;
	_ =	sdelay $0x1  }
0x19f: {  	v34 =	vsub.f32 v34, v35;
	_ =	sdelay $0x1  }
0x1a0: {  	[tilespmem:v33+s14+$0x0] =	vst.idx.msk $0xffff, v34  }
0x1a1: {  	[spmem:s2] =	stream.indirect.scatter.add.f32 [tilespmem:s14], [sflag:$0x3], $0x10, s11, s17, $0xb8;
	[tilespmem:$0x10080] =	vst v63  }
0x1a2: {  	p0 =	sgt.u32 s20, $0x963;
	_ =	swait.ge [sflag:s25], $0x800  }
0x1a3: {  	s22 =	sadd.s32 @!p0 s21, s1;
	[sflag:s25] =	ssyncset.done $0x0  }
0x1a4: {  	s23 =	simm.s32 @!p0 $0x0;
	s28 =	simm.s32 @!p0 $0xFF00;
	[sflag:s25] =	ssyncadd.s32 $0xFFFFF800  }
0x1a5: {  	[tilespmem:s28], [sflag:$0x2] =	stream.linear.gather @!p0 [hbm4b:s22+s23], $0x80, $0x38;
	[tilespmem:$0x10080] =	vst v63  }
0x1a6: {  	s22 =	sadd.s32 @!p0 s21, s16;
	s28 =	simm.s32 @!p0 $0x10000  }
0x1a7: {  	[tilespmem:s28], [sflag:$0x2] =	stream.linear.gather @!p0 [hbm4b:s22+s23], $0x80, $0x38;
	[tilespmem:$0x10080] =	vst v63  }
0x1a8: {  	s22 =	sadd.s32 @!p0 s6, s13  }
0x1a9: {  	s30 =	simm.s32 @!p0 $0x7A80;
	s28 =	sadd.s32 @!p0 $0x3000, s22  }
0x1aa: {  	[tilespmem:s30], [sflag:$0x2] =	stream.linear.gather @!p0 [hbm4b:s28+s23], $0x80, $0x38;
	[tilespmem:$0x10080] =	vst v63  }
0x1ab: {  	s28 =	sadd.s32 @!p0 $0x3010, s22;
	s30 =	simm.s32 @!p0 $0x7B00  }
0x1ac: {  	[tilespmem:s30], [sflag:$0x2] =	stream.linear.gather @!p0 [hbm4b:s28+s23], $0x80, $0x38;
	[tilespmem:$0x10080] =	vst v63  }
0x1ad: {  	s28 =	sadd.s32 @!p0 $0x3020, s22;
	s30 =	simm.s32 @!p0 $0x7B80  }
0x1ae: {  	[tilespmem:s30], [sflag:$0x2] =	stream.linear.gather @!p0 [hbm4b:s28+s23], $0x80, $0x38;
	[tilespmem:$0x10080] =	vst v63  }
0x1af: {  	s28 =	sadd.s32 @!p0 $0x3030, s22;
	s30 =	simm.s32 @!p0 $0x7C00  }
0x1b0: {  	[tilespmem:s30], [sflag:$0x2] =	stream.linear.gather @!p0 [hbm4b:s28+s23], $0x80, $0x38;
	[tilespmem:$0x10080] =	vst v63  }
0x1b1: {  	s28 =	sadd.s32 @!p0 $0x3040, s22;
	s30 =	simm.s32 @!p0 $0x7C80  }
0x1b2: {  	[tilespmem:s30], [sflag:$0x2] =	stream.linear.gather @!p0 [hbm4b:s28+s23], $0x80, $0x38;
	[tilespmem:$0x10080] =	vst v63  }
0x1b3: {  	s28 =	sadd.s32 @!p0 $0x3050, s22;
	s30 =	simm.s32 @!p0 $0x7D00  }
0x1b4: {  	[tilespmem:s30], [sflag:$0x2] =	stream.linear.gather @!p0 [hbm4b:s28+s23], $0x80, $0x38;
	[tilespmem:$0x10080] =	vst v63  }
0x1b5: {  	s28 =	sadd.s32 @!p0 $0x3060, s22;
	s30 =	simm.s32 @!p0 $0x7D80  }
0x1b6: {  	[tilespmem:s30], [sflag:$0x2] =	stream.linear.gather @!p0 [hbm4b:s28+s23], $0x80, $0x38;
	[tilespmem:$0x10080] =	vst v63  }
0x1b7: {  	s22 =	sadd.s32 @!p0 $0x3070, s22;
	s28 =	simm.s32 @!p0 $0x7E00  }
0x1b8: {  	[tilespmem:s28], [sflag:$0x2] =	stream.linear.gather @!p0 [hbm4b:s22+s23], $0x80, $0x38;
	[tilespmem:$0x10080] =	vst v63  }
.LBB2_11:
0x1b9: {  	s6 =	sadd.s32 $0x2000, s6  }
0x1ba: {  	p0 =	sne.s32 s6, $0x50000  }
.Ltmp5:
0x1bb: {  	_ = 	snop;
	(pc) =	sbr.rel @!p0 .LBB2_12-.Ltmp5, $2  }
0x1bc: {  	_ =	sdelay $0x2  }
0x1bd: {  	s21 =	sadd.s32 $0x400, s21;
	s20 =	sadd.s32 $0x40, s20;
	s19 =	sadd.s32 $0x400, s19  }
.LBB2_6:
0x1be: {  	p0 =	sgt.u32 s20, $0x9C3  }
.Ltmp6:
0x1bf: {  	_ = 	snop;
	(pc) =	sbr.rel @p0 .LBB2_11-.Ltmp6, $1  }
0x1c0: {  	_ =	sdelay $0x3  }
0x1c1: {  	_ =	swait.ge [sflag:s12], $0x80  }
0x1c2: {  	[sflag:s12] =	ssyncset.done $0x0  }
0x1c3: {  	[sflag:s12] =	ssyncadd.s32 $0xFFFFFF80  }
0x1c4: {  	_ =	swait.ge [sflag:s12], $0x80  }
0x1c5: {  	[sflag:s12] =	ssyncset.done $0x0  }
0x1c6: {  	[sflag:s12] =	ssyncadd.s32 $0xFFFFFF80  }
0x1c7: {  	_ =	swait.ge [sflag:s12], $0x80  }
0x1c8: {  	[sflag:s12] =	ssyncset.done $0x0  }
0x1c9: {  	[sflag:s12] =	ssyncadd.s32 $0xFFFFFF80  }
0x1ca: {  	_ =	swait.ge [sflag:s12], $0x80  }
0x1cb: {  	[sflag:s12] =	ssyncset.done $0x0  }
0x1cc: {  	[sflag:s12] =	ssyncadd.s32 $0xFFFFFF80  }
0x1cd: {  	_ =	swait.ge [sflag:s12], $0x80  }
0x1ce: {  	[sflag:s12] =	ssyncset.done $0x0  }
0x1cf: {  	[sflag:s12] =	ssyncadd.s32 $0xFFFFFF80  }
0x1d0: {  	_ =	swait.ge [sflag:s12], $0x80  }
0x1d1: {  	[sflag:s12] =	ssyncset.done $0x0  }
0x1d2: {  	[sflag:s12] =	ssyncadd.s32 $0xFFFFFF80  }
0x1d3: {  	_ =	swait.ge [sflag:s12], $0x80  }
0x1d4: {  	[sflag:s12] =	ssyncset.done $0x0  }
0x1d5: {  	[sflag:s12] =	ssyncadd.s32 $0xFFFFFF80  }
0x1d6: {  	_ =	swait.ge [sflag:s12], $0x80  }
0x1d7: {  	[sflag:s12] =	ssyncset.done $0x0  }
0x1d8: {  	[sflag:s12] =	ssyncadd.s32 $0xFFFFFF80  }
0x1d9: {  	_ =	swait.ge [sflag:s12], $0x80  }
0x1da: {  	[sflag:s12] =	ssyncset.done $0x0  }
0x1db: {  	[sflag:s12] =	ssyncadd.s32 $0xFFFFFF80  }
0x1dc: {  	_ =	swait.ge [sflag:s12], $0x80  }
0x1dd: {  	[sflag:s12] =	ssyncset.done $0x0  }
0x1de: {  	[sflag:s12] =	ssyncadd.s32 $0xFFFFFF80  }
0x1df: {  	v34 =	vld [tilespmem:$0xFE80];
	_ =	sdelay $0x5  }
0x1e0: {  	v36 =	vld [tilespmem:$0x7680]  }
0x1e1: {  	v37 =	vld [tilespmem:$0x7700]  }
0x1e2: {  	v35 =	vld.idx.msk [tilespmem:v34+s26+$0x0], $0xffff  }
0x1e3: {  	v34 =	vld.idx.msk [tilespmem:v34+s5+$0x0], $0xffff;
	_ =	sdelay $0x4  }
0x1e4: {  	v36 =	vmul.f32 v36, v34;
	v37 =	vmul.f32 v37, v35;
	_ =	sdelay $0x1  }
0x1e5: {  	v36 =	vsub.f32 v36, v37;
	_ =	sdelay $0x1  }
0x1e6: {  	[tilespmem:v0+s24+$0x0] =	vst.idx.msk $0xffff, v36  }
0x1e7: {  	v36 =	vld [tilespmem:$0x7780]  }
0x1e8: {  	v43 =	vld [tilespmem:$0x7800];
	_ =	sdelay $0x4  }
0x1e9: {  	v36 =	vmul.f32 v36, v34;
	v37 =	vmul.f32 v43, v35;
	_ =	sdelay $0x1  }
0x1ea: {  	v36 =	vsub.f32 v36, v37;
	_ =	sdelay $0x1  }
0x1eb: {  	[tilespmem:v3+s24+$0x0] =	vst.idx.msk $0xffff, v36  }
0x1ec: {  	v36 =	vld [tilespmem:$0x7880]  }
0x1ed: {  	v44 =	vld [tilespmem:$0x7900];
	_ =	sdelay $0x4  }
0x1ee: {  	v36 =	vmul.f32 v36, v34;
	v37 =	vmul.f32 v44, v35;
	_ =	sdelay $0x1  }
0x1ef: {  	v36 =	vsub.f32 v36, v37;
	_ =	sdelay $0x1  }
0x1f0: {  	[tilespmem:v4+s24+$0x0] =	vst.idx.msk $0xffff, v36  }
0x1f1: {  	v36 =	vld [tilespmem:$0x7980]  }
0x1f2: {  	v45 =	vld [tilespmem:$0x7A00];
	_ =	sdelay $0x4  }
0x1f3: {  	v34 =	vmul.f32 v36, v34;
	v35 =	vmul.f32 v45, v35;
	_ =	sdelay $0x1  }
0x1f4: {  	v34 =	vsub.f32 v34, v35;
	_ =	sdelay $0x1  }
0x1f5: {  	[tilespmem:v5+s24+$0x0] =	vst.idx.msk $0xffff, v34  }
0x1f6: {  	v34 =	vld [tilespmem:$0xFE90];
	_ =	sdelay $0x5  }
0x1f7: {  	v47 =	vld [tilespmem:$0x7690]  }
0x1f8: {  	v48 =	vld [tilespmem:$0x7710]  }
0x1f9: {  	v46 =	vld.idx.msk [tilespmem:v34+s26+$0x0], $0xffff  }
0x1fa: {  	v34 =	vld.idx.msk [tilespmem:v34+s5+$0x0], $0xffff;
	_ =	sdelay $0x4  }
0x1fb: {  	v36 =	vmul.f32 v47, v34;
	v37 =	vmul.f32 v48, v46;
	_ =	sdelay $0x1  }
0x1fc: {  	v36 =	vsub.f32 v36, v37;
	_ =	sdelay $0x1  }
0x1fd: {  	[tilespmem:v6+s24+$0x0] =	vst.idx.msk $0xffff, v36  }
0x1fe: {  	v36 =	vld [tilespmem:$0x7790]  }
0x1ff: {  	v49 =	vld [tilespmem:$0x7810];
	_ =	sdelay $0x4  }
0x200: {  	v36 =	vmul.f32 v36, v34;
	v37 =	vmul.f32 v49, v46;
	_ =	sdelay $0x1  }
0x201: {  	v36 =	vsub.f32 v36, v37;
	_ =	sdelay $0x1  }
0x202: {  	[tilespmem:v7+s24+$0x0] =	vst.idx.msk $0xffff, v36  }
0x203: {  	v36 =	vld [tilespmem:$0x7890]  }
0x204: {  	v50 =	vld [tilespmem:$0x7910];
	_ =	sdelay $0x4  }
0x205: {  	v36 =	vmul.f32 v36, v34;
	v37 =	vmul.f32 v50, v46;
	_ =	sdelay $0x1  }
0x206: {  	v36 =	vsub.f32 v36, v37;
	_ =	sdelay $0x1  }
0x207: {  	[tilespmem:v8+s24+$0x0] =	vst.idx.msk $0xffff, v36  }
0x208: {  	v36 =	vld [tilespmem:$0x7990]  }
0x209: {  	v51 =	vld [tilespmem:$0x7A10];
	_ =	sdelay $0x4  }
0x20a: {  	v34 =	vmul.f32 v36, v34;
	v35 =	vmul.f32 v51, v46;
	_ =	sdelay $0x1  }
0x20b: {  	v34 =	vsub.f32 v34, v35;
	_ =	sdelay $0x1  }
0x20c: {  	[tilespmem:v9+s24+$0x0] =	vst.idx.msk $0xffff, v34  }
0x20d: {  	v34 =	vld [tilespmem:$0xFEA0];
	_ =	sdelay $0x5  }
0x20e: {  	v53 =	vld [tilespmem:$0x76A0]  }
0x20f: {  	v54 =	vld [tilespmem:$0x7720]  }
0x210: {  	v52 =	vld.idx.msk [tilespmem:v34+s26+$0x0], $0xffff  }
0x211: {  	v34 =	vld.idx.msk [tilespmem:v34+s5+$0x0], $0xffff;
	_ =	sdelay $0x4  }
0x212: {  	v36 =	vmul.f32 v53, v34;
	v37 =	vmul.f32 v54, v52;
	_ =	sdelay $0x1  }
0x213: {  	v36 =	vsub.f32 v36, v37;
	_ =	sdelay $0x1  }
0x214: {  	[tilespmem:v10+s24+$0x0] =	vst.idx.msk $0xffff, v36  }
0x215: {  	v36 =	vld [tilespmem:$0x77A0]  }
0x216: {  	v55 =	vld [tilespmem:$0x7820];
	_ =	sdelay $0x4  }
0x217: {  	v36 =	vmul.f32 v36, v34;
	v37 =	vmul.f32 v55, v52;
	_ =	sdelay $0x1  }
0x218: {  	v36 =	vsub.f32 v36, v37;
	_ =	sdelay $0x1  }
0x219: {  	[tilespmem:v11+s24+$0x0] =	vst.idx.msk $0xffff, v36  }
0x21a: {  	v36 =	vld [tilespmem:$0x78A0]  }
0x21b: {  	v56 =	vld [tilespmem:$0x7920];
	_ =	sdelay $0x4  }
0x21c: {  	v36 =	vmul.f32 v36, v34;
	v37 =	vmul.f32 v56, v52;
	_ =	sdelay $0x1  }
0x21d: {  	v36 =	vsub.f32 v36, v37;
	_ =	sdelay $0x1  }
0x21e: {  	[tilespmem:v12+s24+$0x0] =	vst.idx.msk $0xffff, v36  }
0x21f: {  	v36 =	vld [tilespmem:$0x79A0]  }
0x220: {  	v57 =	vld [tilespmem:$0x7A20];
	_ =	sdelay $0x4  }
0x221: {  	v34 =	vmul.f32 v36, v34;
	v35 =	vmul.f32 v57, v52;
	_ =	sdelay $0x1  }
0x222: {  	v34 =	vsub.f32 v34, v35;
	_ =	sdelay $0x1  }
0x223: {  	[tilespmem:v13+s24+$0x0] =	vst.idx.msk $0xffff, v34  }
0x224: {  	v34 =	vld [tilespmem:$0xFEB0];
	_ =	sdelay $0x5  }
0x225: {  	v59 =	vld [tilespmem:$0x76B0]  }
0x226: {  	v60 =	vld [tilespmem:$0x7730]  }
0x227: {  	v58 =	vld.idx.msk [tilespmem:v34+s26+$0x0], $0xffff  }
0x228: {  	v34 =	vld.idx.msk [tilespmem:v34+s5+$0x0], $0xffff;
	_ =	sdelay $0x4  }
0x229: {  	v36 =	vmul.f32 v59, v34;
	v37 =	vmul.f32 v60, v58;
	_ =	sdelay $0x1  }
0x22a: {  	v36 =	vsub.f32 v36, v37;
	_ =	sdelay $0x1  }
0x22b: {  	[tilespmem:v14+s24+$0x0] =	vst.idx.msk $0xffff, v36  }
0x22c: {  	v36 =	vld [tilespmem:$0x77B0]  }
0x22d: {  	v61 =	vld [tilespmem:$0x7830];
	_ =	sdelay $0x4  }
0x22e: {  	v36 =	vmul.f32 v36, v34;
	v37 =	vmul.f32 v61, v58;
	_ =	sdelay $0x1  }
0x22f: {  	v36 =	vsub.f32 v36, v37;
	_ =	sdelay $0x1  }
0x230: {  	[tilespmem:v15+s24+$0x0] =	vst.idx.msk $0xffff, v36  }
0x231: {  	v36 =	vld [tilespmem:$0x78B0]  }
0x232: {  	v62 =	vld [tilespmem:$0x7930];
	_ =	sdelay $0x4  }
0x233: {  	v36 =	vmul.f32 v36, v34;
	v37 =	vmul.f32 v62, v58;
	_ =	sdelay $0x1  }
0x234: {  	v36 =	vsub.f32 v36, v37;
	_ =	sdelay $0x1  }
0x235: {  	[tilespmem:v16+s24+$0x0] =	vst.idx.msk $0xffff, v36  }
0x236: {  	v36 =	vld [tilespmem:$0x79B0]  }
0x237: {  	v63 =	vld [tilespmem:$0x7A30];
	_ =	sdelay $0x4  }
0x238: {  	v34 =	vmul.f32 v36, v34;
	v35 =	vmul.f32 v63, v58;
	_ =	sdelay $0x1  }
0x239: {  	v34 =	vsub.f32 v34, v35;
	_ =	sdelay $0x1  }
0x23a: {  	[tilespmem:v17+s24+$0x0] =	vst.idx.msk $0xffff, v34  }
0x23b: {  	v34 =	vld [tilespmem:$0xFEC0];
	_ =	sdelay $0x5  }
0x23c: {  	v41 =	vld [tilespmem:$0x76C0]  }
0x23d: {  	v42 =	vld [tilespmem:$0x7740]  }
0x23e: {  	v40 =	vld.idx.msk [tilespmem:v34+s26+$0x0], $0xffff  }
0x23f: {  	v34 =	vld.idx.msk [tilespmem:v34+s5+$0x0], $0xffff;
	_ =	sdelay $0x4  }
0x240: {  	v36 =	vmul.f32 v41, v34;
	v37 =	vmul.f32 v42, v40;
	_ =	sdelay $0x1  }
0x241: {  	v36 =	vsub.f32 v36, v37;
	_ =	sdelay $0x1  }
0x242: {  	[tilespmem:v18+s24+$0x0] =	vst.idx.msk $0xffff, v36  }
0x243: {  	v36 =	vld [tilespmem:$0x77C0]  }
0x244: {  	v43 =	vld [tilespmem:$0x7840];
	_ =	sdelay $0x4  }
0x245: {  	v36 =	vmul.f32 v36, v34;
	v37 =	vmul.f32 v43, v40;
	_ =	sdelay $0x1  }
0x246: {  	v36 =	vsub.f32 v36, v37;
	_ =	sdelay $0x1  }
0x247: {  	[tilespmem:v19+s24+$0x0] =	vst.idx.msk $0xffff, v36  }
0x248: {  	v36 =	vld [tilespmem:$0x78C0]  }
0x249: {  	v44 =	vld [tilespmem:$0x7940];
	_ =	sdelay $0x4  }
0x24a: {  	v36 =	vmul.f32 v36, v34;
	v37 =	vmul.f32 v44, v40;
	_ =	sdelay $0x1  }
0x24b: {  	v36 =	vsub.f32 v36, v37;
	_ =	sdelay $0x1  }
0x24c: {  	[tilespmem:v20+s24+$0x0] =	vst.idx.msk $0xffff, v36  }
0x24d: {  	v36 =	vld [tilespmem:$0x79C0]  }
0x24e: {  	v45 =	vld [tilespmem:$0x7A40];
	_ =	sdelay $0x4  }
0x24f: {  	v34 =	vmul.f32 v36, v34;
	v35 =	vmul.f32 v45, v40;
	_ =	sdelay $0x1  }
0x250: {  	v34 =	vsub.f32 v34, v35;
	_ =	sdelay $0x1  }
0x251: {  	[tilespmem:v21+s24+$0x0] =	vst.idx.msk $0xffff, v34  }
0x252: {  	v34 =	vld [tilespmem:$0xFED0];
	_ =	sdelay $0x5  }
0x253: {  	v47 =	vld [tilespmem:$0x76D0]  }
0x254: {  	v48 =	vld [tilespmem:$0x7750]  }
0x255: {  	v46 =	vld.idx.msk [tilespmem:v34+s26+$0x0], $0xffff  }
0x256: {  	v34 =	vld.idx.msk [tilespmem:v34+s5+$0x0], $0xffff;
	_ =	sdelay $0x4  }
0x257: {  	v36 =	vmul.f32 v47, v34;
	v37 =	vmul.f32 v48, v46;
	_ =	sdelay $0x1  }
0x258: {  	v36 =	vsub.f32 v36, v37;
	_ =	sdelay $0x1  }
0x259: {  	[tilespmem:v22+s24+$0x0] =	vst.idx.msk $0xffff, v36  }
0x25a: {  	v36 =	vld [tilespmem:$0x77D0]  }
0x25b: {  	v49 =	vld [tilespmem:$0x7850];
	_ =	sdelay $0x4  }
0x25c: {  	v36 =	vmul.f32 v36, v34;
	v37 =	vmul.f32 v49, v46;
	_ =	sdelay $0x1  }
0x25d: {  	v36 =	vsub.f32 v36, v37;
	_ =	sdelay $0x1  }
0x25e: {  	[tilespmem:v23+s24+$0x0] =	vst.idx.msk $0xffff, v36  }
0x25f: {  	v36 =	vld [tilespmem:$0x78D0]  }
0x260: {  	v50 =	vld [tilespmem:$0x7950];
	_ =	sdelay $0x4  }
0x261: {  	v36 =	vmul.f32 v36, v34;
	v37 =	vmul.f32 v50, v46;
	_ =	sdelay $0x1  }
0x262: {  	v36 =	vsub.f32 v36, v37;
	_ =	sdelay $0x1  }
0x263: {  	[tilespmem:v24+s24+$0x0] =	vst.idx.msk $0xffff, v36  }
0x264: {  	v36 =	vld [tilespmem:$0x79D0]  }
0x265: {  	v51 =	vld [tilespmem:$0x7A50];
	_ =	sdelay $0x4  }
0x266: {  	v34 =	vmul.f32 v36, v34;
	v35 =	vmul.f32 v51, v46;
	_ =	sdelay $0x1  }
0x267: {  	v34 =	vsub.f32 v34, v35;
	_ =	sdelay $0x1  }
0x268: {  	[tilespmem:v25+s24+$0x0] =	vst.idx.msk $0xffff, v34  }
0x269: {  	v34 =	vld [tilespmem:$0xFEE0];
	_ =	sdelay $0x5  }
0x26a: {  	v53 =	vld [tilespmem:$0x76E0]  }
0x26b: {  	v54 =	vld [tilespmem:$0x7760]  }
0x26c: {  	v52 =	vld.idx.msk [tilespmem:v34+s26+$0x0], $0xffff  }
0x26d: {  	v34 =	vld.idx.msk [tilespmem:v34+s5+$0x0], $0xffff;
	_ =	sdelay $0x4  }
0x26e: {  	v36 =	vmul.f32 v53, v34;
	v37 =	vmul.f32 v54, v52;
	_ =	sdelay $0x1  }
0x26f: {  	v36 =	vsub.f32 v36, v37;
	_ =	sdelay $0x1  }
0x270: {  	[tilespmem:v26+s24+$0x0] =	vst.idx.msk $0xffff, v36  }
0x271: {  	v36 =	vld [tilespmem:$0x77E0]  }
0x272: {  	v55 =	vld [tilespmem:$0x7860];
	_ =	sdelay $0x4  }
0x273: {  	v36 =	vmul.f32 v36, v34;
	v37 =	vmul.f32 v55, v52;
	_ =	sdelay $0x1  }
0x274: {  	v36 =	vsub.f32 v36, v37;
	_ =	sdelay $0x1  }
0x275: {  	[tilespmem:v27+s24+$0x0] =	vst.idx.msk $0xffff, v36  }
0x276: {  	v36 =	vld [tilespmem:$0x78E0]  }
0x277: {  	v56 =	vld [tilespmem:$0x7960];
	_ =	sdelay $0x4  }
0x278: {  	v36 =	vmul.f32 v36, v34;
	v37 =	vmul.f32 v56, v52;
	_ =	sdelay $0x1  }
0x279: {  	v36 =	vsub.f32 v36, v37;
	_ =	sdelay $0x1  }
0x27a: {  	[tilespmem:v28+s24+$0x0] =	vst.idx.msk $0xffff, v36  }
0x27b: {  	v36 =	vld [tilespmem:$0x79E0]  }
0x27c: {  	v57 =	vld [tilespmem:$0x7A60];
	_ =	sdelay $0x4  }
0x27d: {  	v34 =	vmul.f32 v36, v34;
	v35 =	vmul.f32 v57, v52;
	_ =	sdelay $0x1  }
0x27e: {  	v34 =	vsub.f32 v34, v35;
	_ =	sdelay $0x1  }
0x27f: {  	[tilespmem:v29+s24+$0x0] =	vst.idx.msk $0xffff, v34  }
0x280: {  	v34 =	vld [tilespmem:$0xFEF0];
	_ =	sdelay $0x5  }
0x281: {  	v59 =	vld [tilespmem:$0x76F0]  }
0x282: {  	v60 =	vld [tilespmem:$0x7770]  }
0x283: {  	v58 =	vld.idx.msk [tilespmem:v34+s26+$0x0], $0xffff  }
0x284: {  	v34 =	vld.idx.msk [tilespmem:v34+s5+$0x0], $0xffff;
	_ =	sdelay $0x4  }
0x285: {  	v36 =	vmul.f32 v59, v34;
	v37 =	vmul.f32 v60, v58;
	_ =	sdelay $0x1  }
0x286: {  	v36 =	vsub.f32 v36, v37;
	_ =	sdelay $0x1  }
0x287: {  	[tilespmem:v30+s24+$0x0] =	vst.idx.msk $0xffff, v36  }
0x288: {  	v36 =	vld [tilespmem:$0x77F0]  }
0x289: {  	v61 =	vld [tilespmem:$0x7870];
	_ =	sdelay $0x4  }
0x28a: {  	v36 =	vmul.f32 v36, v34;
	v37 =	vmul.f32 v61, v58;
	_ =	sdelay $0x1  }
0x28b: {  	v36 =	vsub.f32 v36, v37;
	_ =	sdelay $0x1  }
0x28c: {  	[tilespmem:v31+s24+$0x0] =	vst.idx.msk $0xffff, v36  }
0x28d: {  	v36 =	vld [tilespmem:$0x78F0]  }
0x28e: {  	v62 =	vld [tilespmem:$0x7970];
	_ =	sdelay $0x4  }
0x28f: {  	v36 =	vmul.f32 v36, v34;
	v37 =	vmul.f32 v62, v58;
	_ =	sdelay $0x1  }
0x290: {  	v36 =	vsub.f32 v36, v37;
	_ =	sdelay $0x1  }
0x291: {  	[tilespmem:v32+s24+$0x0] =	vst.idx.msk $0xffff, v36  }
0x292: {  	v36 =	vld [tilespmem:$0x79F0]  }
0x293: {  	v63 =	vld [tilespmem:$0x7A70];
	_ =	sdelay $0x4  }
0x294: {  	v34 =	vmul.f32 v36, v34;
	v35 =	vmul.f32 v63, v58;
	_ =	sdelay $0x1  }
0x295: {  	v34 =	vsub.f32 v34, v35  }
0x296: {  	p0 =	sgt.u32 s20, $0x983  }
.Ltmp7:
0x297: {  	[tilespmem:v33+s24+$0x0] =	vst.idx.msk $0xffff, v34;
	(pc) =	sbr.rel @!p0 .LBB2_8-.Ltmp7, $4  }
0x298: {  	[spmem:s2] =	stream.indirect.scatter.add.f32 [tilespmem:s24], [sflag:$0x3], $0x10, s29, s17, $0xb8;
	[tilespmem:$0x10080] =	vst v63  }
0x299: {  	_ =	swait.ge [sflag:s25], $0x800  }
0x29a: {  	[sflag:s25] =	ssyncset.done $0x0  }
0x29b: {  	[sflag:s25] =	ssyncadd.s32 $0xFFFFF800  }
0x29c: {  	p0 =	sgt.u32 s20, $0x9A3  }
.Ltmp8:
0x29d: {  	_ = 	snop;
	(pc) =	sbr.rel @p0 .LBB2_11-.Ltmp8, $4  }
.Ltmp9:
0x29e: {  	_ = 	snop;
	(pc) =	sbr.rel @!p0 .LBB2_10-.Ltmp9, $4  }
0x29f: {  	_ = 	snop  }
0x2a0: {  	_ = 	snop  }
0x2a1: {  	_ = 	snop  }
0x2a2: {  	_ = 	snop  }
.LBB2_13:
0x2a3: {  	_ =	sfence.sel $0x180000  }
0x2a4: {  	[bflag:$0x0] =	sbarrier.arrive $0xFFFF  }
0x2a5: {  	_ =	strace $0x90000047  }
0x2a6: {  	s0 =	stileid.u32;
	[bflag:$0x2] =	sbarrier.arrive $0xFFFF  }
0x2a7: {  	p0 =	sne.s32 s0, $0x0;
	s0 =	rddreg [dreg:$0x3]  }
0x2a8: {  	s0 =	sadd.s32 @!p0 $0x100000, s0  }
0x2a9: {  	[sflag:s0] =	ssyncadd.tile.s32 @!p0 $0x1;
	_ =	shalt  }
.Lfunc_end2:
_tile_overlayer_lowered:
.L_overlay_start_2:
0x2aa: {  	(tag) =	ssettag $0x2  }
0x2ab: {  	s0 =	rddreg [dreg:$0x0];
	s2 =	stileid.u32  }
0x2ac: {  	s1 =	rddreg [dreg:$0x1];
	p0 =	sne.s32 s2, $0x0  }
0x2ad: {  	s3 =	rddreg [dreg:$0x2];
	[bflag:$0x3] =	sbarrier.arrive $0xFFFF;
	s2 =	simm.s32 @!p0 $0x1C03  }
0x2ae: {  	[timem:s3], [sflag:s2] =	dma.local @!p0 [hbm:s0], s1  }
0x2af: {  	s0 =	simm.s32 @!p0 $0x3  }
0x2b0: {  	_ =	swait.ge @!p0 [sflag:s0], s1  }
0x2b1: {  	s1 =	ssub.s32 @!p0 $0x0, s1;
	[sflag:s0] =	ssyncset.done @!p0 $0x0  }
0x2b2: {  	[sflag:s0] =	ssyncadd.s32 @!p0 s1  }
0x2b3: {  	[bflag:$0x3] =	sbarrier.arrive $0xFFFF  }
0x2b4: {  	_ =	shalt  }

</sc_bundles>
